<compile_context>
chip_gen: v7x
topology: tpu7x:2x2x1
jax: 0.10.2.dev20260603
libtpu: 0.0.44.dev20260713+nightly
codegen_flags: <defaults>
</compile_context>

<pallas_src>
import jax
import jax.numpy as jnp
from jax import lax
from jax.experimental import pallas as pl
from jax.experimental.pallas import tpu as pltpu
from jax.experimental.pallas import tpu_sc as plsc

N = 10000
E = 320000
D = 128
B = 4096

NC = 2
NS = 16

NPAD = 10240
RP = NPAD // NS
BPT = B // NS

EPT = E // NS
CHS = 128
EPTP = 20480
CPTS = EPTP // CHS
IBLK = 8
NBLK = CPTS // IBLK


def _mesh():
    return plsc.VectorSubcoreMesh(
        core_axis_name="c", subcore_axis_name="s", num_cores=NC, num_subcores=NS
    )


def _deg_body(srcf_hbm, dstf_hbm, zn_hbm,
              deg_hbm,
              sh_o, sh_i, si_v, di_v, ho_v, hi_v, red_o, red_i, out_v, sem):
    g = lax.axis_index("c")
    w = lax.axis_index("s")
    tid = g * NS + w
    pltpu.async_copy(srcf_hbm.at[tid], si_v, sem).wait()
    pltpu.async_copy(dstf_hbm.at[tid], di_v, sem).wait()
    pltpu.sync_copy(zn_hbm, ho_v)
    pltpu.sync_copy(zn_hbm, hi_v)
    ones = jnp.full((16,), 1.0, jnp.float32)

    @pl.loop(0, EPTP // 64)
    def _(ko):
        for u in range(4):
            k = ko * 4 + u
            iv = si_v[pl.ds(k * 16, 16)]
            plsc.addupdate_scatter(ho_v, [iv], ones)
            jv = di_v[pl.ds(k * 16, 16)]
            plsc.addupdate_scatter(hi_v, [jv], ones)

    pltpu.sync_copy(ho_v, sh_o.at[w])
    pltpu.sync_copy(hi_v, sh_i.at[w])
    plsc.subcore_barrier()

    @pl.loop(0, NS)
    def _(k):
        pltpu.sync_copy(sh_o.at[k, pl.ds(w * RP, RP)],
                        red_o.at[pl.ds(k * RP, RP)])
        pltpu.sync_copy(sh_i.at[k, pl.ds(w * RP, RP)],
                        red_i.at[pl.ds(k * RP, RP)])

    iota = lax.iota(jnp.int32, 16)

    @pl.loop(0, RP // 16)
    def _(m):
        acc_o = jnp.zeros((16,), jnp.float32)
        acc_i = jnp.zeros((16,), jnp.float32)
        for k in range(NS):
            acc_o = acc_o + red_o[pl.ds(k * RP + m * 16, 16)]
            acc_i = acc_i + red_i[pl.ds(k * RP + m * 16, 16)]
        io = (iota + m * 16) * 8
        plsc.store_scatter(out_v, [io], acc_o)
        plsc.store_scatter(out_v, [io + 1], acc_i)

    pltpu.sync_copy(out_v,
                    deg_hbm.at[pl.ds((g * NPAD + w * RP) * 8, RP * 8)])


def _deg_call(srcf, dstf, zn):
    f = pl.kernel(
        _deg_body,
        out_type=jax.ShapeDtypeStruct((NC * NPAD * 8,), jnp.float32),
        mesh=_mesh(),
        compiler_params=pltpu.CompilerParams(needs_layout_passes=False),
        scratch_types=[
            pltpu.VMEM_SHARED((NS, NPAD), jnp.float32),
            pltpu.VMEM_SHARED((NS, NPAD), jnp.float32),
            pltpu.VMEM((EPTP,), jnp.int32),
            pltpu.VMEM((EPTP,), jnp.int32),
            pltpu.VMEM((NPAD,), jnp.float32),
            pltpu.VMEM((NPAD,), jnp.float32),
            pltpu.VMEM((NS * RP,), jnp.float32),
            pltpu.VMEM((NS * RP,), jnp.float32),
            pltpu.VMEM((RP * 8,), jnp.float32),
            pltpu.SemaphoreType.DMA,
        ],
    )
    return f(srcf, dstf, zn)


def _scat_body(sup_hbm, srcg_hbm, dstl_hbm, z128_hbm,
               acc_hbm,
               acc_sp, sib_v, dib_v, rows_v, sem0, sem1, isem):
    g = lax.axis_index("c")
    w = lax.axis_index("s")
    pltpu.sync_copy(z128_hbm, acc_sp.at[pl.ds(w * RP, RP)])
    tid = g * NS + w
    pltpu.async_copy(srcg_hbm.at[tid, pl.ds(0, IBLK)], sib_v.at[0],
                     isem).wait()
    pltpu.async_copy(dstl_hbm.at[tid, pl.ds(0, IBLK)], dib_v.at[0],
                     isem).wait()
    sems = (sem0, sem1)
    pltpu.async_copy(sup_hbm.at[sib_v.at[0, 0]], rows_v.at[0], sem0)
    pltpu.async_copy(sup_hbm.at[sib_v.at[0, 1]], rows_v.at[1], sem1)
    plsc.subcore_barrier()

    @pl.loop(0, NBLK)
    def _(ko):
        kb = lax.rem(ko, 2)
        kb1 = lax.rem(ko + 1, 2)

        @pl.when(ko + 1 < NBLK)
        def _():
            pltpu.async_copy(srcg_hbm.at[tid, pl.ds((ko + 1) * IBLK, IBLK)],
                             sib_v.at[kb1], isem)
            pltpu.async_copy(dstl_hbm.at[tid, pl.ds((ko + 1) * IBLK, IBLK)],
                             dib_v.at[kb1], isem)

        for j in range(IBLK):
            b = j % 2
            pltpu.make_async_copy(sup_hbm.at[sib_v.at[kb, j]], rows_v.at[b],
                                  sems[b]).wait()
            if j == IBLK - 2:
                @pl.when(ko + 1 < NBLK)
                def _():
                    pltpu.make_async_copy(
                        srcg_hbm.at[tid, pl.ds((ko + 1) * IBLK, IBLK)],
                        sib_v.at[kb1], isem).wait()
                    pltpu.make_async_copy(
                        dstl_hbm.at[tid, pl.ds((ko + 1) * IBLK, IBLK)],
                        dib_v.at[kb1], isem).wait()

            pltpu.sync_copy(rows_v.at[b], acc_sp.at[dib_v.at[kb, j]],
                            add=True)

            if j + 2 < IBLK:
                pltpu.async_copy(sup_hbm.at[sib_v.at[kb, j + 2]],
                                 rows_v.at[b], sems[b])
            else:
                @pl.when(ko + 1 < NBLK)
                def _():
                    pltpu.async_copy(sup_hbm.at[sib_v.at[kb1, j + 2 - IBLK]],
                                     rows_v.at[b], sems[b])

    plsc.subcore_barrier()
    pltpu.sync_copy(acc_sp.at[pl.ds(w * RP, RP)],
                    acc_hbm.at[pl.ds(g * NPAD + w * RP, RP)])


def _scat_call(sup, srcg, dstl, z128):
    f = pl.kernel(
        _scat_body,
        out_type=jax.ShapeDtypeStruct((NC * NPAD, D), jnp.float32),
        mesh=_mesh(),
        scratch_types=[
            pltpu.VMEM_SHARED((NPAD, D), jnp.float32),
            pltpu.VMEM((2, IBLK, CHS), jnp.int32),
            pltpu.VMEM((2, IBLK, CHS), jnp.int32),
            pltpu.VMEM((2, CHS, D), jnp.float32),
            pltpu.SemaphoreType.DMA,
            pltpu.SemaphoreType.DMA,
            pltpu.SemaphoreType.DMA,
        ],
    )
    return f(sup, srcg, dstl, z128)


def _pair_body(ut_hbm, it_hbm, rt_hbm, uid_hbm, iid_hbm,
               z_hbm, ru_hbm, ri_hbm,
               ut_v, it_v, rt_v, uid_v, iid_v, z_v, ru_v, ri_v, sem):
    g = lax.axis_index("c")
    w = lax.axis_index("s")
    pltpu.async_copy(ut_hbm.at[pl.ds(g * NPAD, NPAD)], ut_v, sem).wait()
    pltpu.async_copy(it_hbm.at[pl.ds(g * NPAD, NPAD)], it_v, sem).wait()
    pltpu.async_copy(rt_hbm.at[pl.ds(g * NPAD, NPAD)], rt_v, sem).wait()
    pb = g * B + w * BPT
    pltpu.async_copy(uid_hbm.at[pl.ds(pb, BPT)], uid_v, sem).wait()
    pltpu.async_copy(iid_hbm.at[pl.ds(pb, BPT)], iid_v, sem).wait()

    @pl.loop(0, BPT // 16)
    def _(k):
        iv = uid_v[pl.ds(k * 16, 16)]
        jv = iid_v[pl.ds(k * 16, 16)]
        us = plsc.load_gather(ut_v, [iv])
        ivals = plsc.load_gather(it_v, [jv])
        ru = plsc.load_gather(rt_v, [iv])
        ri = plsc.load_gather(rt_v, [jv])
        z_v[pl.ds(k * 16, 16)] = us + ivals
        ru_v[pl.ds(k * 16, 16)] = ru
        ri_v[pl.ds(k * 16, 16)] = ri

    pltpu.sync_copy(z_v, z_hbm.at[pl.ds(pb, BPT)])
    pltpu.sync_copy(ru_v, ru_hbm.at[pl.ds(pb, BPT)])
    pltpu.sync_copy(ri_v, ri_hbm.at[pl.ds(pb, BPT)])


def _pair_call(ut, it, rt, uid, iid):
    f = pl.kernel(
        _pair_body,
        out_type=[jax.ShapeDtypeStruct((NC * B,), jnp.float32)] * 3,
        mesh=_mesh(),
        compiler_params=pltpu.CompilerParams(needs_layout_passes=False),
        scratch_types=[
            pltpu.VMEM((NPAD,), jnp.float32),
            pltpu.VMEM((NPAD,), jnp.float32),
            pltpu.VMEM((NPAD,), jnp.float32),
            pltpu.VMEM((BPT,), jnp.int32),
            pltpu.VMEM((BPT,), jnp.int32),
            pltpu.VMEM((BPT,), jnp.float32),
            pltpu.VMEM((BPT,), jnp.float32),
            pltpu.VMEM((BPT,), jnp.float32),
            pltpu.SemaphoreType.DMA,
        ],
    )
    return f(ut, it, rt, uid, iid)


def _tc1_body(deg_ref, feats_ref, w0_ref, b0_ref, sup_ref):
    dis = lax.rsqrt(jnp.maximum(deg_ref[:, 0:1], 1.0))
    sup = jnp.dot(feats_ref[...], w0_ref[...],
                  preferred_element_type=jnp.float32) + b0_ref[...]
    sup_ref[...] = sup * dis


def _tc2_body(acc1_ref, deg_ref, w1_ref, b1_ref,
              sup2_ref, h1_ref):
    dis = lax.rsqrt(jnp.maximum(deg_ref[:, 0:1], 1.0))
    dit = lax.rsqrt(jnp.maximum(deg_ref[:, 1:2], 1.0))
    h1 = jnp.maximum(acc1_ref[...] * dit, 0.0)
    h1_ref[...] = h1
    sup2_ref[...] = (jnp.dot(h1, w1_ref[...],
                             preferred_element_type=jnp.float32)
                     + b1_ref[...]) * dis


def _tc3_body(acc2_ref, deg_ref, h1_ref, wp1_ref, wp2_ref, sc_ref):
    dit = lax.rsqrt(jnp.maximum(deg_ref[:, 1:2], 1.0))
    h2 = jnp.maximum(acc2_ref[...] * dit, 0.0)
    sc_ref[...] = (jnp.dot(h1_ref[...], wp1_ref[...],
                           preferred_element_type=jnp.float32)
                   + jnp.dot(h2, wp2_ref[...],
                             preferred_element_type=jnp.float32))


def _tc4_body(z_ref, ru_ref, ri_ref, lab_ref, lb_ref, db_ref, out_ref):
    lb = lb_ref[0, 0]
    db = db_ref[0, 0]
    eps = 1e-7

    def _sig(x):
        return 1.0 / (1.0 + jnp.exp(-x))

    p = jnp.clip(_sig(z_ref[...] + lb), eps, 1.0 - eps)
    y = lab_ref[...]
    bce = -jnp.mean(y * jnp.log(p) + (1.0 - y) * jnp.log(1.0 - p), axis=1)
    loss = bce[0] + bce[1]

    pu = jnp.clip(_sig(ru_ref[...] + db), eps, 1.0 - eps)
    pi = jnp.clip(_sig(ri_ref[...] + db), eps, 1.0 - eps)
    dom_s = -0.5 * (jnp.mean(jnp.log(1.0 - pu[0])) +
                    jnp.mean(jnp.log(1.0 - pi[0])))
    dom_t = -0.5 * (jnp.mean(jnp.log(pu[1])) + jnp.mean(jnp.log(pi[1])))
    total = loss + 0.1 * (dom_s + dom_t)
    out_ref[...] = jnp.full((1, 1), total, dtype=jnp.float32)


def _tc(body, out_shape):
    return pl.pallas_call(body, out_shape=out_shape)


BR = 2560


def _rows(c):
    return pl.BlockSpec((BR, c), lambda i: (i, 0))


def _full(r, c):
    return pl.BlockSpec((r, c), lambda i: (0, 0))


def _tc_grid(body, in_specs, nout):
    f32 = jnp.float32
    out_shape = [jax.ShapeDtypeStruct((NC * NPAD, D), f32)] * nout
    out_specs = [_rows(D)] * nout
    if nout == 1:
        out_shape, out_specs = out_shape[0], out_specs[0]
    return pl.pallas_call(body, grid=(NC * NPAD // BR,),
                          in_specs=in_specs, out_specs=out_specs,
                          out_shape=out_shape)


def kernel(feats_s, feats_t, edge_index_s, edge_index_t,
           train_data_s, train_data_t,
           W0, b0, W1, b1, layers_W, layers_b, disc_W, disc_b):
    f32 = jnp.float32
    zpadrows = jnp.zeros((NPAD - N, D), f32)
    feats_all = jnp.concatenate([feats_s, zpadrows, feats_t, zpadrows],
                                axis=0)

    src_s, dst_s = edge_index_s[0], edge_index_s[1]
    src_t, dst_t = edge_index_t[0], edge_index_t[1]

    npd = EPTP - EPT
    i32 = jnp.int32
    pad_deg = jnp.broadcast_to(
        N + (jnp.arange(npd, dtype=i32) % (NPAD - N)), (NC * NS, npd))
    srcf = jnp.concatenate(
        [jnp.concatenate([src_s, src_t]).astype(i32).reshape(
            NC * NS, EPT), pad_deg], axis=1)
    dstf = jnp.concatenate(
        [jnp.concatenate([dst_s, dst_t]).astype(i32).reshape(
            NC * NS, EPT), pad_deg], axis=1)
    pad_src = (jnp.arange(NC * NS, dtype=i32)[:, None] * 997
               + jnp.arange(npd, dtype=i32)[None, :]) % N
    pad_dst = jnp.broadcast_to(
        N + (jnp.arange(npd, dtype=i32) % (NPAD - N)), (NC * NS, npd))
    srcg_p = jnp.concatenate(
        [jnp.concatenate([src_s, src_t + NPAD]).astype(i32).reshape(
            NC * NS, EPT), pad_src], axis=1).reshape(NC * NS, CPTS, CHS)
    dstl_p = jnp.concatenate(
        [jnp.concatenate([dst_s, dst_t]).astype(i32).reshape(
            NC * NS, EPT), pad_dst], axis=1).reshape(NC * NS, CPTS, CHS)

    z128 = jnp.zeros((RP, D), f32)
    zn = jnp.zeros((NPAD,), f32)

    deg = _deg_call(srcf, dstf, zn).reshape(NC * NPAD, 8)

    sup1 = _tc_grid(_tc1_body,
                    [_rows(8), _rows(D), _full(D, D), _full(1, D)], 1)(
        deg, feats_all, W0, b0.reshape(1, D))

    acc1 = _scat_call(sup1, srcg_p, dstl_p, z128)

    sup2, h1 = _tc_grid(
        _tc2_body,
        [_rows(D), _rows(8), _full(D, D), _full(1, D)], 2)(
        acc1, deg, W1, b1.reshape(1, D))

    acc2 = _scat_call(sup2, srcg_p, dstl_p, z128)

    wp1 = jnp.zeros((D, D), f32)
    wp1 = wp1.at[:, 0].set(layers_W[0:128, 0])
    wp1 = wp1.at[:, 1].set(layers_W[256:384, 0])
    wp1 = wp1.at[:, 2].set(disc_W[0:128, 0])
    wp2 = jnp.zeros((D, D), f32)
    wp2 = wp2.at[:, 0].set(layers_W[128:256, 0])
    wp2 = wp2.at[:, 1].set(layers_W[384:512, 0])
    wp2 = wp2.at[:, 2].set(disc_W[128:256, 0])

    scores = _tc_grid(
        _tc3_body,
        [_rows(D), _rows(8), _rows(D), _full(D, D), _full(D, D)], 1)(
        acc2, deg, h1, wp1, wp2)

    ut = scores[:, 0]
    it = scores[:, 1]
    rt = scores[:, 2]

    uid = jnp.concatenate([train_data_s[:, 0],
                           train_data_t[:, 0]]).astype(jnp.int32)
    iid = jnp.concatenate([train_data_s[:, 1],
                           train_data_t[:, 1]]).astype(jnp.int32)
    lab = jnp.stack([train_data_s[:, 2], train_data_t[:, 2]]).astype(f32)

    zp, ru, ri = _pair_call(ut, it, rt, uid, iid)

    out = _tc(_tc4_body, jax.ShapeDtypeStruct((1, 1), f32))(
        zp.reshape(NC, B), ru.reshape(NC, B), ri.reshape(NC, B), lab,
        layers_b.reshape(1, 1), disc_b.reshape(1, 1))
    return out.reshape(())

# --- scband reference (transcript-rebuilt; emitter-appended) ---
"""Pipeline reference for scband-grade-lp-22995254903269 (READ-ONLY COPY).

The authoritative reference and input builder live on the scoring server;
editing this copy changes nothing except your own understanding.
"""

import jax, jax.numpy as jnp
import numpy as np

N = 10000
E = 320000
D = 128
H1 = 128
H2 = 128
B = 4096
ALPHA = 1.0


def setup_inputs(seed: int = 0):
    key = jax.random.key(seed)
    ks = jax.random.split(key, 16)
    feats_s = jax.random.normal(ks[0], (N, D), dtype=jnp.float32)
    feats_t = jax.random.normal(ks[1], (N, D), dtype=jnp.float32)
    edge_index_s = jax.random.randint(ks[2], (2, E), 0, N)
    edge_index_t = jax.random.randint(ks[3], (2, E), 0, N)
    us = jax.random.randint(ks[4], (B,), 0, N)
    i_s = jax.random.randint(ks[5], (B,), 0, N)
    ls = jax.random.randint(ks[6], (B,), 0, 2)
    train_data_s = jnp.stack([us, i_s, ls], axis=1)
    ut = jax.random.randint(ks[7], (B,), 0, N)
    i_t = jax.random.randint(ks[8], (B,), 0, N)
    lt = jax.random.randint(ks[9], (B,), 0, 2)
    train_data_t = jnp.stack([ut, i_t, lt], axis=1)
    W0 = jax.random.normal(ks[10], (D, H1), dtype=jnp.float32) * (1.0 / np.sqrt(D))
    b0 = jnp.zeros((H1,), jnp.float32)
    W1 = jax.random.normal(ks[11], (H1, H2), dtype=jnp.float32) * (1.0 / np.sqrt(H1))
    b1 = jnp.zeros((H2,), jnp.float32)
    layers_W = jax.random.normal(ks[12], ((H1 + H2) * 2, 1), dtype=jnp.float32) * 0.05
    layers_b = jnp.zeros((1,), jnp.float32)
    disc_W = jax.random.normal(ks[13], (H1 + H2, 1), dtype=jnp.float32) * 0.05
    disc_b = jnp.zeros((1,), jnp.float32)
    return {"feats_s": feats_s, "feats_t": feats_t, "edge_index_s": edge_index_s,
            "edge_index_t": edge_index_t, "train_data_s": train_data_s, "train_data_t": train_data_t,
            "W0": W0, "b0": b0, "W1": W1, "b1": b1,
            "layers_W": layers_W, "layers_b": layers_b, "disc_W": disc_W, "disc_b": disc_b}


def _bce(p, y):
    p = jnp.clip(p, 1e-7, 1.0 - 1e-7)
    return -jnp.mean(y * jnp.log(p) + (1.0 - y) * jnp.log(1.0 - p))


def _edge_norm(src, dst):
    ones = jnp.ones(src.shape[0], jnp.float32)
    deg_out = jax.ops.segment_sum(ones, src, num_segments=N)
    deg_in = jax.ops.segment_sum(ones, dst, num_segments=N)
    dis = 1.0 / jnp.sqrt(jnp.maximum(deg_out, 1.0))
    dit = 1.0 / jnp.sqrt(jnp.maximum(deg_in, 1.0))
    return dis[src] * dit[dst]


def _gcn(x, src, dst, norm, W, b):
    support = x @ W + b
    msg = support[src] * norm[:, None]
    return jax.ops.segment_sum(msg, dst, num_segments=N)


def grad_reverse(x):
    # gradient-reversal layer is identity in the forward pass
    return x


def reference(feats_s, feats_t, edge_index_s, edge_index_t, train_data_s, train_data_t,
              W0, b0, W1, b1, layers_W, layers_b, disc_W, disc_b):
    src_s, dst_s = edge_index_s[0], edge_index_s[1]
    src_t, dst_t = edge_index_t[0], edge_index_t[1]
    norm_s = _edge_norm(src_s, dst_s)
    norm_t = _edge_norm(src_t, dst_t)
    user_s, item_s = train_data_s[:, 0], train_data_s[:, 1]
    lab_s = train_data_s[:, 2].astype(jnp.float32)
    user_t, item_t = train_data_t[:, 0], train_data_t[:, 1]
    lab_t = train_data_t[:, 2].astype(jnp.float32)
    params = [(W0, b0), (W1, b1)]
    x_ds, x_dt = feats_s, feats_t
    uf_s, if_s, uf_t, if_t = [], [], [], []
    for (W, b) in params:
        x_ds = jax.nn.relu(_gcn(x_ds, src_s, dst_s, norm_s, W, b))
        x_dt = jax.nn.relu(_gcn(x_dt, src_t, dst_t, norm_t, W, b))
        uf_s.append(x_ds[user_s]); if_s.append(x_ds[item_s])
        uf_t.append(x_dt[user_t]); if_t.append(x_dt[item_t])
    uf_s = jnp.concatenate(uf_s, axis=1); if_s = jnp.concatenate(if_s, axis=1)
    uf_t = jnp.concatenate(uf_t, axis=1); if_t = jnp.concatenate(if_t, axis=1)
    logit_s = jax.nn.sigmoid(jnp.concatenate([uf_s, if_s], axis=1) @ layers_W + layers_b).reshape(-1)
    logit_t = jax.nn.sigmoid(jnp.concatenate([uf_t, if_t], axis=1) @ layers_W + layers_b).reshape(-1)
    loss = _bce(logit_s, lab_s) + _bce(logit_t, lab_t)
    x_ds_batch = jnp.concatenate([uf_s, if_s], axis=0)
    x_dt_batch = jnp.concatenate([uf_t, if_t], axis=0)
    sp = jax.nn.sigmoid(grad_reverse(x_ds_batch) @ disc_W + disc_b).reshape(-1)
    tp = jax.nn.sigmoid(grad_reverse(x_dt_batch) @ disc_W + disc_b).reshape(-1)
    domain_loss = _bce(sp, jnp.zeros_like(sp)) + _bce(tp, jnp.ones_like(tp))
    return loss + domain_loss * 0.1

if __name__ == "__main__":
    import jax
    _d = setup_inputs()
    print(jax.jit(kernel)(*tuple(_d.values())))

</pallas_src>

<mosaic_0001>
#map = affine_map<(d0, d1) -> (0)>
module attributes {stable_mosaic.version = 14 : i64} {
  func.func @_pair_body(%arg0: i32, %arg1: i32, %arg2: memref<20480xf32, #tpu.memory_space<hbm>>, %arg3: memref<20480xf32, #tpu.memory_space<hbm>>, %arg4: memref<20480xf32, #tpu.memory_space<hbm>>, %arg5: memref<8192xi32, #tpu.memory_space<hbm>>, %arg6: memref<8192xi32, #tpu.memory_space<hbm>>, %arg7: memref<8192xf32, #tpu.memory_space<hbm>>, %arg8: memref<8192xf32, #tpu.memory_space<hbm>>, %arg9: memref<8192xf32, #tpu.memory_space<hbm>>, %arg10: memref<10240xf32, #tpu.memory_space<vmem>>, %arg11: memref<10240xf32, #tpu.memory_space<vmem>>, %arg12: memref<10240xf32, #tpu.memory_space<vmem>>, %arg13: memref<256xi32, #tpu.memory_space<vmem>>, %arg14: memref<256xi32, #tpu.memory_space<vmem>>, %arg15: memref<256xf32, #tpu.memory_space<vmem>>, %arg16: memref<256xf32, #tpu.memory_space<vmem>>, %arg17: memref<256xf32, #tpu.memory_space<vmem>>, %arg18: memref<!tpu.dma_semaphore, #tpu.memory_space<semaphore_mem>>) attributes {dimension_semantics = [#tpu.dimension_semantics<core_parallel>, #tpu.dimension_semantics<subcore_parallel>], iteration_bounds = array<i64: 2, 16>, scalar_prefetch = 0 : i64, scratch_operands = 9 : i64, tpu.core_type = #tpu.core_type<sc_vector_subcore>, window_params = [{transform_indices = #map}, {transform_indices = #map}, {transform_indices = #map}, {transform_indices = #map}, {transform_indices = #map}, {transform_indices = #map}, {transform_indices = #map}, {transform_indices = #map}]} {
    %mul3A = arith.constant 10240 : i32
    %mul3A_0 = arith.muli %arg0, %mul3A : i32
    %dma_start3A = tpu.memref_slice %arg2[%mul3A_0] : memref<20480xf32, #tpu.memory_space<hbm>> -> memref<10240xf32, #tpu.memory_space<hbm>>
    %dma_start3A_1 = tpu.memref_slice %arg2[%mul3A_0] : memref<20480xf32, #tpu.memory_space<hbm>> -> memref<10240xf32, #tpu.memory_space<hbm>>
    tpu.enqueue_dma source(%dma_start3A_1 : memref<10240xf32, #tpu.memory_space<hbm>>) target(%arg10 : memref<10240xf32, #tpu.memory_space<vmem>>) target_semaphore(%arg18 : memref<!tpu.dma_semaphore, #tpu.memory_space<semaphore_mem>>)
    %dma_wait3A = tpu.memref_slice %arg2[%mul3A_0] : memref<20480xf32, #tpu.memory_space<hbm>> -> memref<10240xf32, #tpu.memory_space<hbm>>
    %dma_wait3A_2 = tpu.memref_slice %arg2[%mul3A_0] : memref<20480xf32, #tpu.memory_space<hbm>> -> memref<10240xf32, #tpu.memory_space<hbm>>
    tpu.wait_dma2 semaphore(%arg18 : memref<!tpu.dma_semaphore, #tpu.memory_space<semaphore_mem>>) src(%dma_wait3A_2 : memref<10240xf32, #tpu.memory_space<hbm>>) dst(%arg10 : memref<10240xf32, #tpu.memory_space<vmem>>)
    %mul3A_3 = arith.constant 10240 : i32
    %mul3A_4 = arith.muli %arg0, %mul3A_3 : i32
    %dma_start3A_5 = tpu.memref_slice %arg3[%mul3A_4] : memref<20480xf32, #tpu.memory_space<hbm>> -> memref<10240xf32, #tpu.memory_space<hbm>>
    %dma_start3A_6 = tpu.memref_slice %arg3[%mul3A_4] : memref<20480xf32, #tpu.memory_space<hbm>> -> memref<10240xf32, #tpu.memory_space<hbm>>
    tpu.enqueue_dma source(%dma_start3A_6 : memref<10240xf32, #tpu.memory_space<hbm>>) target(%arg11 : memref<10240xf32, #tpu.memory_space<vmem>>) target_semaphore(%arg18 : memref<!tpu.dma_semaphore, #tpu.memory_space<semaphore_mem>>)
    %dma_wait3A_7 = tpu.memref_slice %arg3[%mul3A_4] : memref<20480xf32, #tpu.memory_space<hbm>> -> memref<10240xf32, #tpu.memory_space<hbm>>
    %dma_wait3A_8 = tpu.memref_slice %arg3[%mul3A_4] : memref<20480xf32, #tpu.memory_space<hbm>> -> memref<10240xf32, #tpu.memory_space<hbm>>
    tpu.wait_dma2 semaphore(%arg18 : memref<!tpu.dma_semaphore, #tpu.memory_space<semaphore_mem>>) src(%dma_wait3A_8 : memref<10240xf32, #tpu.memory_space<hbm>>) dst(%arg11 : memref<10240xf32, #tpu.memory_space<vmem>>)
    %mul3A_9 = arith.constant 10240 : i32
    %mul3A_10 = arith.muli %arg0, %mul3A_9 : i32
    %dma_start3A_11 = tpu.memref_slice %arg4[%mul3A_10] : memref<20480xf32, #tpu.memory_space<hbm>> -> memref<10240xf32, #tpu.memory_space<hbm>>
    %dma_start3A_12 = tpu.memref_slice %arg4[%mul3A_10] : memref<20480xf32, #tpu.memory_space<hbm>> -> memref<10240xf32, #tpu.memory_space<hbm>>
    tpu.enqueue_dma source(%dma_start3A_12 : memref<10240xf32, #tpu.memory_space<hbm>>) target(%arg12 : memref<10240xf32, #tpu.memory_space<vmem>>) target_semaphore(%arg18 : memref<!tpu.dma_semaphore, #tpu.memory_space<semaphore_mem>>)
    %dma_wait3A_13 = tpu.memref_slice %arg4[%mul3A_10] : memref<20480xf32, #tpu.memory_space<hbm>> -> memref<10240xf32, #tpu.memory_space<hbm>>
    %dma_wait3A_14 = tpu.memref_slice %arg4[%mul3A_10] : memref<20480xf32, #tpu.memory_space<hbm>> -> memref<10240xf32, #tpu.memory_space<hbm>>
    tpu.wait_dma2 semaphore(%arg18 : memref<!tpu.dma_semaphore, #tpu.memory_space<semaphore_mem>>) src(%dma_wait3A_14 : memref<10240xf32, #tpu.memory_space<hbm>>) dst(%arg12 : memref<10240xf32, #tpu.memory_space<vmem>>)
    %mul3A_15 = arith.constant 4096 : i32
    %mul3A_16 = arith.muli %arg0, %mul3A_15 : i32
    %mul3A_17 = arith.constant 256 : i32
    %mul3A_18 = arith.muli %arg1, %mul3A_17 : i32
    %add3A = arith.addi %mul3A_16, %mul3A_18 : i32
    %dma_start3A_19 = tpu.memref_slice %arg5[%add3A] : memref<8192xi32, #tpu.memory_space<hbm>> -> memref<256xi32, #tpu.memory_space<hbm>>
    %dma_start3A_20 = tpu.memref_slice %arg5[%add3A] : memref<8192xi32, #tpu.memory_space<hbm>> -> memref<256xi32, #tpu.memory_space<hbm>>
    tpu.enqueue_dma source(%dma_start3A_20 : memref<256xi32, #tpu.memory_space<hbm>>) target(%arg13 : memref<256xi32, #tpu.memory_space<vmem>>) target_semaphore(%arg18 : memref<!tpu.dma_semaphore, #tpu.memory_space<semaphore_mem>>)
    %dma_wait3A_21 = tpu.memref_slice %arg5[%add3A] : memref<8192xi32, #tpu.memory_space<hbm>> -> memref<256xi32, #tpu.memory_space<hbm>>
    %dma_wait3A_22 = tpu.memref_slice %arg5[%add3A] : memref<8192xi32, #tpu.memory_space<hbm>> -> memref<256xi32, #tpu.memory_space<hbm>>
    tpu.wait_dma2 semaphore(%arg18 : memref<!tpu.dma_semaphore, #tpu.memory_space<semaphore_mem>>) src(%dma_wait3A_22 : memref<256xi32, #tpu.memory_space<hbm>>) dst(%arg13 : memref<256xi32, #tpu.memory_space<vmem>>)
    %dma_start3A_23 = tpu.memref_slice %arg6[%add3A] : memref<8192xi32, #tpu.memory_space<hbm>> -> memref<256xi32, #tpu.memory_space<hbm>>
    %dma_start3A_24 = tpu.memref_slice %arg6[%add3A] : memref<8192xi32, #tpu.memory_space<hbm>> -> memref<256xi32, #tpu.memory_space<hbm>>
    tpu.enqueue_dma source(%dma_start3A_24 : memref<256xi32, #tpu.memory_space<hbm>>) target(%arg14 : memref<256xi32, #tpu.memory_space<vmem>>) target_semaphore(%arg18 : memref<!tpu.dma_semaphore, #tpu.memory_space<semaphore_mem>>)
    %dma_wait3A_25 = tpu.memref_slice %arg6[%add3A] : memref<8192xi32, #tpu.memory_space<hbm>> -> memref<256xi32, #tpu.memory_space<hbm>>
    %dma_wait3A_26 = tpu.memref_slice %arg6[%add3A] : memref<8192xi32, #tpu.memory_space<hbm>> -> memref<256xi32, #tpu.memory_space<hbm>>
    tpu.wait_dma2 semaphore(%arg18 : memref<!tpu.dma_semaphore, #tpu.memory_space<semaphore_mem>>) src(%dma_wait3A_26 : memref<256xi32, #tpu.memory_space<hbm>>) dst(%arg14 : memref<256xi32, #tpu.memory_space<vmem>>)
    %scan3A = arith.constant 0 : i32
    %scan3A_27 = arith.constant 16 : i32
    %scan3A_28 = arith.addi %scan3A, %scan3A_27 : i32
    %scan3A_29 = arith.constant 1 : i32
    scf.for %scan3A_31 = %scan3A to %scan3A_28 step %scan3A_29  : i32 {
      %mul3A_32 = arith.constant 1 : i32
      %mul3A_33 = arith.muli %scan3A_31, %mul3A_32 : i32
      %add3A_34 = arith.constant 0 : i32
      %add3A_35 = arith.addi %add3A_34, %mul3A_33 : i32
      %mul3A_36 = arith.constant 16 : i32
      %mul3A_37 = arith.muli %add3A_35, %mul3A_36 : i32
      %get3A = arith.index_cast %mul3A_37 : i32 to index
      %get3A_38 = tpu.vector_load %arg13[%get3A] {strides = array<i32>} : memref<256xi32, #tpu.memory_space<vmem>>, vector<16xi32>,
      %mul3A_39 = arith.constant 16 : i32
      %mul3A_40 = arith.muli %add3A_35, %mul3A_39 : i32
      %get3A_41 = arith.index_cast %mul3A_40 : i32 to index
      %get3A_42 = tpu.vector_load %arg14[%get3A_41] {strides = array<i32>} : memref<256xi32, #tpu.memory_space<vmem>>, vector<16xi32>,
      %gather3A = tpu.vector_load_idx %arg10[%get3A_38] : memref<10240xf32, #tpu.memory_space<vmem>>[vector<16xi32>], vector<16xf32>,
      %gather3A_43 = tpu.vector_load_idx %arg11[%get3A_42] : memref<10240xf32, #tpu.memory_space<vmem>>[vector<16xi32>], vector<16xf32>,
      %gather3A_44 = tpu.vector_load_idx %arg12[%get3A_38] : memref<10240xf32, #tpu.memory_space<vmem>>[vector<16xi32>], vector<16xf32>,
      %gather3A_45 = tpu.vector_load_idx %arg12[%get3A_42] : memref<10240xf32, #tpu.memory_space<vmem>>[vector<16xi32>], vector<16xf32>,
      %add3A_46 = arith.addf %gather3A, %gather3A_43 : vector<16xf32>
      %mul3A_47 = arith.constant 16 : i32
      %mul3A_48 = arith.muli %add3A_35, %mul3A_47 : i32
      %swap3A = arith.index_cast %mul3A_48 : i32 to index
      %swap3A_49 = tpu.vector_load %arg15[%swap3A] {strides = array<i32>} : memref<256xf32, #tpu.memory_space<vmem>>, vector<16xf32>,
      tpu.vector_store %arg15[%swap3A], %add3A_46 {strides = array<i32>} : memref<256xf32, #tpu.memory_space<vmem>>, vector<16xf32>,
      %mul3A_50 = arith.constant 16 : i32
      %mul3A_51 = arith.muli %add3A_35, %mul3A_50 : i32
      %swap3A_52 = arith.index_cast %mul3A_51 : i32 to index
      %swap3A_53 = tpu.vector_load %arg16[%swap3A_52] {strides = array<i32>} : memref<256xf32, #tpu.memory_space<vmem>>, vector<16xf32>,
      tpu.vector_store %arg16[%swap3A_52], %gather3A_44 {strides = array<i32>} : memref<256xf32, #tpu.memory_space<vmem>>, vector<16xf32>,
      %mul3A_54 = arith.constant 16 : i32
      %mul3A_55 = arith.muli %add3A_35, %mul3A_54 : i32
      %swap3A_56 = arith.index_cast %mul3A_55 : i32 to index
      %swap3A_57 = tpu.vector_load %arg17[%swap3A_56] {strides = array<i32>} : memref<256xf32, #tpu.memory_space<vmem>>, vector<16xf32>,
      tpu.vector_store %arg17[%swap3A_56], %gather3A_45 {strides = array<i32>} : memref<256xf32, #tpu.memory_space<vmem>>, vector<16xf32>,
    }
    %scan3A_30 = arith.constant 16 : i32
    "tpu.region"() ({
      %run_scoped3A = tpu.sem_alloc : memref<!tpu.dma_semaphore, #tpu.memory_space<semaphore_mem>>
      %dma_start3A_31 = tpu.memref_slice %arg7[%add3A] : memref<8192xf32, #tpu.memory_space<hbm>> -> memref<256xf32, #tpu.memory_space<hbm>>
      %dma_start3A_32 = tpu.memref_slice %arg7[%add3A] : memref<8192xf32, #tpu.memory_space<hbm>> -> memref<256xf32, #tpu.memory_space<hbm>>
      tpu.enqueue_dma source(%arg15 : memref<256xf32, #tpu.memory_space<vmem>>) target(%dma_start3A_32 : memref<256xf32, #tpu.memory_space<hbm>>) target_semaphore(%run_scoped3A : memref<!tpu.dma_semaphore, #tpu.memory_space<semaphore_mem>>)
      %dma_wait3A_33 = tpu.memref_slice %arg7[%add3A] : memref<8192xf32, #tpu.memory_space<hbm>> -> memref<256xf32, #tpu.memory_space<hbm>>
      %dma_wait3A_34 = tpu.memref_slice %arg7[%add3A] : memref<8192xf32, #tpu.memory_space<hbm>> -> memref<256xf32, #tpu.memory_space<hbm>>
      tpu.wait_dma2 semaphore(%run_scoped3A : memref<!tpu.dma_semaphore, #tpu.memory_space<semaphore_mem>>) src(%arg15 : memref<256xf32, #tpu.memory_space<vmem>>) dst(%dma_wait3A_34 : memref<256xf32, #tpu.memory_space<hbm>>)
      tpu.yield
    }) : () -> ()
    "tpu.region"() ({
      %run_scoped3A = tpu.sem_alloc : memref<!tpu.dma_semaphore, #tpu.memory_space<semaphore_mem>>
      %dma_start3A_31 = tpu.memref_slice %arg8[%add3A] : memref<8192xf32, #tpu.memory_space<hbm>> -> memref<256xf32, #tpu.memory_space<hbm>>
      %dma_start3A_32 = tpu.memref_slice %arg8[%add3A] : memref<8192xf32, #tpu.memory_space<hbm>> -> memref<256xf32, #tpu.memory_space<hbm>>
      tpu.enqueue_dma source(%arg16 : memref<256xf32, #tpu.memory_space<vmem>>) target(%dma_start3A_32 : memref<256xf32, #tpu.memory_space<hbm>>) target_semaphore(%run_scoped3A : memref<!tpu.dma_semaphore, #tpu.memory_space<semaphore_mem>>)
      %dma_wait3A_33 = tpu.memref_slice %arg8[%add3A] : memref<8192xf32, #tpu.memory_space<hbm>> -> memref<256xf32, #tpu.memory_space<hbm>>
      %dma_wait3A_34 = tpu.memref_slice %arg8[%add3A] : memref<8192xf32, #tpu.memory_space<hbm>> -> memref<256xf32, #tpu.memory_space<hbm>>
      tpu.wait_dma2 semaphore(%run_scoped3A : memref<!tpu.dma_semaphore, #tpu.memory_space<semaphore_mem>>) src(%arg16 : memref<256xf32, #tpu.memory_space<vmem>>) dst(%dma_wait3A_34 : memref<256xf32, #tpu.memory_space<hbm>>)
      tpu.yield
    }) : () -> ()
    "tpu.region"() ({
      %run_scoped3A = tpu.sem_alloc : memref<!tpu.dma_semaphore, #tpu.memory_space<semaphore_mem>>
      %dma_start3A_31 = tpu.memref_slice %arg9[%add3A] : memref<8192xf32, #tpu.memory_space<hbm>> -> memref<256xf32, #tpu.memory_space<hbm>>
      %dma_start3A_32 = tpu.memref_slice %arg9[%add3A] : memref<8192xf32, #tpu.memory_space<hbm>> -> memref<256xf32, #tpu.memory_space<hbm>>
      tpu.enqueue_dma source(%arg17 : memref<256xf32, #tpu.memory_space<vmem>>) target(%dma_start3A_32 : memref<256xf32, #tpu.memory_space<hbm>>) target_semaphore(%run_scoped3A : memref<!tpu.dma_semaphore, #tpu.memory_space<semaphore_mem>>)
      %dma_wait3A_33 = tpu.memref_slice %arg9[%add3A] : memref<8192xf32, #tpu.memory_space<hbm>> -> memref<256xf32, #tpu.memory_space<hbm>>
      %dma_wait3A_34 = tpu.memref_slice %arg9[%add3A] : memref<8192xf32, #tpu.memory_space<hbm>> -> memref<256xf32, #tpu.memory_space<hbm>>
      tpu.wait_dma2 semaphore(%run_scoped3A : memref<!tpu.dma_semaphore, #tpu.memory_space<semaphore_mem>>) src(%arg17 : memref<256xf32, #tpu.memory_space<vmem>>) dst(%dma_wait3A_34 : memref<256xf32, #tpu.memory_space<hbm>>)
      tpu.yield
    }) : () -> ()
    return
  }
}

#map = affine_map<(d0, d1) -> (0, 0)>
#map1 = affine_map<(d0, d1) -> (0, 0, 0)>
module attributes {stable_mosaic.version = 14 : i64} {
  func.func @_scat_body(%arg0: i32, %arg1: i32, %arg2: memref<20480x128xf32, #tpu.memory_space<hbm>>, %arg3: memref<32x160x128xi32, #tpu.memory_space<hbm>>, %arg4: memref<32x160x128xi32, #tpu.memory_space<hbm>>, %arg5: memref<640x128xf32, #tpu.memory_space<hbm>>, %arg6: memref<20480x128xf32, #tpu.memory_space<hbm>>, %arg7: memref<10240x128xf32, #tpu.memory_space<vmem_shared>>, %arg8: memref<2x8x128xi32, #tpu.memory_space<vmem>>, %arg9: memref<2x8x128xi32, #tpu.memory_space<vmem>>, %arg10: memref<2x128x128xf32, #tpu.memory_space<vmem>>, %arg11: memref<!tpu.dma_semaphore, #tpu.memory_space<semaphore_mem>>, %arg12: memref<!tpu.dma_semaphore, #tpu.memory_space<semaphore_mem>>, %arg13: memref<!tpu.dma_semaphore, #tpu.memory_space<semaphore_mem>>) attributes {dimension_semantics = [#tpu.dimension_semantics<core_parallel>, #tpu.dimension_semantics<subcore_parallel>], iteration_bounds = array<i64: 2, 16>, scalar_prefetch = 0 : i64, scratch_operands = 7 : i64, tpu.core_type = #tpu.core_type<sc_vector_subcore>, window_params = [{transform_indices = #map}, {transform_indices = #map1}, {transform_indices = #map1}, {transform_indices = #map}, {transform_indices = #map}]} {
    %mul3A = arith.constant 640 : i32
    %mul3A_0 = arith.muli %arg1, %mul3A : i32
    "tpu.region"() ({
      %run_scoped3A = tpu.sem_alloc : memref<!tpu.dma_semaphore, #tpu.memory_space<semaphore_mem>>
      %dma_start3A_107 = arith.constant 0 : i32
      %dma_start3A_108 = tpu.memref_slice %arg7[%mul3A_0, %dma_start3A_107] : memref<10240x128xf32, #tpu.memory_space<vmem_shared>> -> memref<640x128xf32, #tpu.memory_space<vmem_shared>>
      tpu.enqueue_dma source(%arg5 : memref<640x128xf32, #tpu.memory_space<hbm>>) target(%dma_start3A_108 : memref<640x128xf32, #tpu.memory_space<vmem_shared>>) target_semaphore(%run_scoped3A : memref<!tpu.dma_semaphore, #tpu.memory_space<semaphore_mem>>)
      %dma_wait3A_109 = arith.constant 0 : i32
      %dma_wait3A_110 = tpu.memref_slice %arg7[%mul3A_0, %dma_wait3A_109] : memref<10240x128xf32, #tpu.memory_space<vmem_shared>> -> memref<640x128xf32, #tpu.memory_space<vmem_shared>>
      tpu.wait_dma2 semaphore(%run_scoped3A : memref<!tpu.dma_semaphore, #tpu.memory_space<semaphore_mem>>) src(%arg5 : memref<640x128xf32, #tpu.memory_space<hbm>>) dst(%dma_wait3A_110 : memref<640x128xf32, #tpu.memory_space<vmem_shared>>)
      tpu.yield
    }) : () -> ()
    %mul3A_1 = arith.constant 16 : i32
    %mul3A_2 = arith.muli %arg0, %mul3A_1 : i32
    %add3A = arith.addi %mul3A_2, %arg1 : i32
    %dma_start3A = arith.constant 0 : i32
    %dma_start3A_3 = arith.constant 0 : i32
    %dma_start3A_4 = arith.constant 0 : i32
    %dma_start3A_5 = tpu.memref_slice %arg8[%dma_start3A, %dma_start3A_3, %dma_start3A_4] : memref<2x8x128xi32, #tpu.memory_space<vmem>> -> memref<1x8x128xi32, #tpu.memory_space<vmem>>
    %dma_start3A_6 = tpu.memref_squeeze %dma_start3A_5 : memref<1x8x128xi32, #tpu.memory_space<vmem>> -> memref<8x128xi32, #tpu.memory_space<vmem>>
    %dma_start3A_7 = arith.constant 0 : i32
    %dma_start3A_8 = arith.constant 0 : i32
    %dma_start3A_9 = tpu.memref_slice %arg3[%add3A, %dma_start3A_7, %dma_start3A_8] : memref<32x160x128xi32, #tpu.memory_space<hbm>> -> memref<1x8x128xi32, #tpu.memory_space<hbm>>
    %dma_start3A_10 = tpu.memref_squeeze %dma_start3A_9 : memref<1x8x128xi32, #tpu.memory_space<hbm>> -> memref<8x128xi32, #tpu.memory_space<hbm>>
    %dma_start3A_11 = arith.constant 0 : i32
    %dma_start3A_12 = arith.constant 0 : i32
    %dma_start3A_13 = tpu.memref_slice %arg8[%dma_start3A, %dma_start3A_11, %dma_start3A_12] : memref<2x8x128xi32, #tpu.memory_space<vmem>> -> memref<1x8x128xi32, #tpu.memory_space<vmem>>
    %dma_start3A_14 = tpu.memref_squeeze %dma_start3A_13 : memref<1x8x128xi32, #tpu.memory_space<vmem>> -> memref<8x128xi32, #tpu.memory_space<vmem>>
    %dma_start3A_15 = arith.constant 0 : i32
    %dma_start3A_16 = arith.constant 0 : i32
    %dma_start3A_17 = tpu.memref_slice %arg3[%add3A, %dma_start3A_15, %dma_start3A_16] : memref<32x160x128xi32, #tpu.memory_space<hbm>> -> memref<1x8x128xi32, #tpu.memory_space<hbm>>
    %dma_start3A_18 = tpu.memref_squeeze %dma_start3A_17 : memref<1x8x128xi32, #tpu.memory_space<hbm>> -> memref<8x128xi32, #tpu.memory_space<hbm>>
    tpu.enqueue_dma source(%dma_start3A_18 : memref<8x128xi32, #tpu.memory_space<hbm>>) target(%dma_start3A_14 : memref<8x128xi32, #tpu.memory_space<vmem>>) target_semaphore(%arg13 : memref<!tpu.dma_semaphore, #tpu.memory_space<semaphore_mem>>)
    %dma_wait3A = arith.constant 0 : i32
    %dma_wait3A_19 = arith.constant 0 : i32
    %dma_wait3A_20 = arith.constant 0 : i32
    %dma_wait3A_21 = tpu.memref_slice %arg8[%dma_wait3A, %dma_wait3A_19, %dma_wait3A_20] : memref<2x8x128xi32, #tpu.memory_space<vmem>> -> memref<1x8x128xi32, #tpu.memory_space<vmem>>
    %dma_wait3A_22 = tpu.memref_squeeze %dma_wait3A_21 : memref<1x8x128xi32, #tpu.memory_space<vmem>> -> memref<8x128xi32, #tpu.memory_space<vmem>>
    %dma_wait3A_23 = arith.constant 0 : i32
    %dma_wait3A_24 = arith.constant 0 : i32
    %dma_wait3A_25 = tpu.memref_slice %arg3[%add3A, %dma_wait3A_23, %dma_wait3A_24] : memref<32x160x128xi32, #tpu.memory_space<hbm>> -> memref<1x8x128xi32, #tpu.memory_space<hbm>>
    %dma_wait3A_26 = tpu.memref_squeeze %dma_wait3A_25 : memref<1x8x128xi32, #tpu.memory_space<hbm>> -> memref<8x128xi32, #tpu.memory_space<hbm>>
    %dma_wait3A_27 = arith.constant 0 : i32
    %dma_wait3A_28 = arith.constant 0 : i32
    %dma_wait3A_29 = tpu.memref_slice %arg8[%dma_wait3A, %dma_wait3A_27, %dma_wait3A_28] : memref<2x8x128xi32, #tpu.memory_space<vmem>> -> memref<1x8x128xi32, #tpu.memory_space<vmem>>
    %dma_wait3A_30 = tpu.memref_squeeze %dma_wait3A_29 : memref<1x8x128xi32, #tpu.memory_space<vmem>> -> memref<8x128xi32, #tpu.memory_space<vmem>>
    %dma_wait3A_31 = arith.constant 0 : i32
    %dma_wait3A_32 = arith.constant 0 : i32
    %dma_wait3A_33 = tpu.memref_slice %arg3[%add3A, %dma_wait3A_31, %dma_wait3A_32] : memref<32x160x128xi32, #tpu.memory_space<hbm>> -> memref<1x8x128xi32, #tpu.memory_space<hbm>>
    %dma_wait3A_34 = tpu.memref_squeeze %dma_wait3A_33 : memref<1x8x128xi32, #tpu.memory_space<hbm>> -> memref<8x128xi32, #tpu.memory_space<hbm>>
    tpu.wait_dma2 semaphore(%arg13 : memref<!tpu.dma_semaphore, #tpu.memory_space<semaphore_mem>>) src(%dma_wait3A_34 : memref<8x128xi32, #tpu.memory_space<hbm>>) dst(%dma_wait3A_30 : memref<8x128xi32, #tpu.memory_space<vmem>>)
    %dma_start3A_35 = arith.constant 0 : i32
    %dma_start3A_36 = arith.constant 0 : i32
    %dma_start3A_37 = arith.constant 0 : i32
    %dma_start3A_38 = tpu.memref_slice %arg9[%dma_start3A_35, %dma_start3A_36, %dma_start3A_37] : memref<2x8x128xi32, #tpu.memory_space<vmem>> -> memref<1x8x128xi32, #tpu.memory_space<vmem>>
    %dma_start3A_39 = tpu.memref_squeeze %dma_start3A_38 : memref<1x8x128xi32, #tpu.memory_space<vmem>> -> memref<8x128xi32, #tpu.memory_space<vmem>>
    %dma_start3A_40 = arith.constant 0 : i32
    %dma_start3A_41 = arith.constant 0 : i32
    %dma_start3A_42 = tpu.memref_slice %arg4[%add3A, %dma_start3A_40, %dma_start3A_41] : memref<32x160x128xi32, #tpu.memory_space<hbm>> -> memref<1x8x128xi32, #tpu.memory_space<hbm>>
    %dma_start3A_43 = tpu.memref_squeeze %dma_start3A_42 : memref<1x8x128xi32, #tpu.memory_space<hbm>> -> memref<8x128xi32, #tpu.memory_space<hbm>>
    %dma_start3A_44 = arith.constant 0 : i32
    %dma_start3A_45 = arith.constant 0 : i32
    %dma_start3A_46 = tpu.memref_slice %arg9[%dma_start3A_35, %dma_start3A_44, %dma_start3A_45] : memref<2x8x128xi32, #tpu.memory_space<vmem>> -> memref<1x8x128xi32, #tpu.memory_space<vmem>>
    %dma_start3A_47 = tpu.memref_squeeze %dma_start3A_46 : memref<1x8x128xi32, #tpu.memory_space<vmem>> -> memref<8x128xi32, #tpu.memory_space<vmem>>
    %dma_start3A_48 = arith.constant 0 : i32
    %dma_start3A_49 = arith.constant 0 : i32
    %dma_start3A_50 = tpu.memref_slice %arg4[%add3A, %dma_start3A_48, %dma_start3A_49] : memref<32x160x128xi32, #tpu.memory_space<hbm>> -> memref<1x8x128xi32, #tpu.memory_space<hbm>>
    %dma_start3A_51 = tpu.memref_squeeze %dma_start3A_50 : memref<1x8x128xi32, #tpu.memory_space<hbm>> -> memref<8x128xi32, #tpu.memory_space<hbm>>
    tpu.enqueue_dma source(%dma_start3A_51 : memref<8x128xi32, #tpu.memory_space<hbm>>) target(%dma_start3A_47 : memref<8x128xi32, #tpu.memory_space<vmem>>) target_semaphore(%arg13 : memref<!tpu.dma_semaphore, #tpu.memory_space<semaphore_mem>>)
    %dma_wait3A_52 = arith.constant 0 : i32
    %dma_wait3A_53 = arith.constant 0 : i32
    %dma_wait3A_54 = arith.constant 0 : i32
    %dma_wait3A_55 = tpu.memref_slice %arg9[%dma_wait3A_52, %dma_wait3A_53, %dma_wait3A_54] : memref<2x8x128xi32, #tpu.memory_space<vmem>> -> memref<1x8x128xi32, #tpu.memory_space<vmem>>
    %dma_wait3A_56 = tpu.memref_squeeze %dma_wait3A_55 : memref<1x8x128xi32, #tpu.memory_space<vmem>> -> memref<8x128xi32, #tpu.memory_space<vmem>>
    %dma_wait3A_57 = arith.constant 0 : i32
    %dma_wait3A_58 = arith.constant 0 : i32
    %dma_wait3A_59 = tpu.memref_slice %arg4[%add3A, %dma_wait3A_57, %dma_wait3A_58] : memref<32x160x128xi32, #tpu.memory_space<hbm>> -> memref<1x8x128xi32, #tpu.memory_space<hbm>>
    %dma_wait3A_60 = tpu.memref_squeeze %dma_wait3A_59 : memref<1x8x128xi32, #tpu.memory_space<hbm>> -> memref<8x128xi32, #tpu.memory_space<hbm>>
    %dma_wait3A_61 = arith.constant 0 : i32
    %dma_wait3A_62 = arith.constant 0 : i32
    %dma_wait3A_63 = tpu.memref_slice %arg9[%dma_wait3A_52, %dma_wait3A_61, %dma_wait3A_62] : memref<2x8x128xi32, #tpu.memory_space<vmem>> -> memref<1x8x128xi32, #tpu.memory_space<vmem>>
    %dma_wait3A_64 = tpu.memref_squeeze %dma_wait3A_63 : memref<1x8x128xi32, #tpu.memory_space<vmem>> -> memref<8x128xi32, #tpu.memory_space<vmem>>
    %dma_wait3A_65 = arith.constant 0 : i32
    %dma_wait3A_66 = arith.constant 0 : i32
    %dma_wait3A_67 = tpu.memref_slice %arg4[%add3A, %dma_wait3A_65, %dma_wait3A_66] : memref<32x160x128xi32, #tpu.memory_space<hbm>> -> memref<1x8x128xi32, #tpu.memory_space<hbm>>
    %dma_wait3A_68 = tpu.memref_squeeze %dma_wait3A_67 : memref<1x8x128xi32, #tpu.memory_space<hbm>> -> memref<8x128xi32, #tpu.memory_space<hbm>>
    tpu.wait_dma2 semaphore(%arg13 : memref<!tpu.dma_semaphore, #tpu.memory_space<semaphore_mem>>) src(%dma_wait3A_68 : memref<8x128xi32, #tpu.memory_space<hbm>>) dst(%dma_wait3A_64 : memref<8x128xi32, #tpu.memory_space<vmem>>)
    %dma_start3A_69 = arith.constant 0 : i32
    %dma_start3A_70 = arith.constant 0 : i32
    %dma_start3A_71 = arith.constant 0 : i32
    %dma_start3A_72 = arith.constant 0 : i32
    %dma_start3A_73 = arith.constant 0 : i32
    %dma_start3A_74 = tpu.memref_slice %arg10[%dma_start3A_71, %dma_start3A_72, %dma_start3A_73] : memref<2x128x128xf32, #tpu.memory_space<vmem>> -> memref<1x128x128xf32, #tpu.memory_space<vmem>>
    %dma_start3A_75 = tpu.memref_squeeze %dma_start3A_74 : memref<1x128x128xf32, #tpu.memory_space<vmem>> -> memref<128x128xf32, #tpu.memory_space<vmem>>
    %dma_start3A_76 = arith.constant 0 : i32
    %dma_start3A_77 = tpu.memref_slice %arg8[%dma_start3A_69, %dma_start3A_70, %dma_start3A_76] : memref<2x8x128xi32, #tpu.memory_space<vmem>> -> memref<1x1x128xi32, #tpu.memory_space<vmem>>
    %dma_start3A_78 = tpu.memref_squeeze %dma_start3A_77 : memref<1x1x128xi32, #tpu.memory_space<vmem>> -> memref<128xi32, #tpu.memory_space<vmem>>
    %dma_start3A_79 = arith.constant 0 : i32
    %dma_start3A_80 = arith.constant 0 : i32
    %dma_start3A_81 = tpu.memref_slice %arg2[%dma_start3A_79, %dma_start3A_80] : memref<20480x128xf32, #tpu.memory_space<hbm>> -> memref<20480x128xf32, #tpu.memory_space<hbm>>
    tpu.enqueue_indirect_dma source(%dma_start3A_81 : memref<20480x128xf32, #tpu.memory_space<hbm>>) target(%dma_start3A_75 : memref<128x128xf32, #tpu.memory_space<vmem>>) offsets(%dma_start3A_78 : memref<128xi32, #tpu.memory_space<vmem>>) semaphore(%arg11 : memref<!tpu.dma_semaphore, #tpu.memory_space<semaphore_mem>>)
    %dma_start3A_82 = arith.constant 0 : i32
    %dma_start3A_83 = arith.constant 1 : i32
    %dma_start3A_84 = arith.constant 1 : i32
    %dma_start3A_85 = arith.constant 0 : i32
    %dma_start3A_86 = arith.constant 0 : i32
    %dma_start3A_87 = tpu.memref_slice %arg10[%dma_start3A_84, %dma_start3A_85, %dma_start3A_86] : memref<2x128x128xf32, #tpu.memory_space<vmem>> -> memref<1x128x128xf32, #tpu.memory_space<vmem>>
    %dma_start3A_88 = tpu.memref_squeeze %dma_start3A_87 : memref<1x128x128xf32, #tpu.memory_space<vmem>> -> memref<128x128xf32, #tpu.memory_space<vmem>>
    %dma_start3A_89 = arith.constant 0 : i32
    %dma_start3A_90 = tpu.memref_slice %arg8[%dma_start3A_82, %dma_start3A_83, %dma_start3A_89] : memref<2x8x128xi32, #tpu.memory_space<vmem>> -> memref<1x1x128xi32, #tpu.memory_space<vmem>>
    %dma_start3A_91 = tpu.memref_squeeze %dma_start3A_90 : memref<1x1x128xi32, #tpu.memory_space<vmem>> -> memref<128xi32, #tpu.memory_space<vmem>>
    %dma_start3A_92 = arith.constant 0 : i32
    %dma_start3A_93 = arith.constant 0 : i32
    %dma_start3A_94 = tpu.memref_slice %arg2[%dma_start3A_92, %dma_start3A_93] : memref<20480x128xf32, #tpu.memory_space<hbm>> -> memref<20480x128xf32, #tpu.memory_space<hbm>>
    tpu.enqueue_indirect_dma source(%dma_start3A_94 : memref<20480x128xf32, #tpu.memory_space<hbm>>) target(%dma_start3A_88 : memref<128x128xf32, #tpu.memory_space<vmem>>) offsets(%dma_start3A_91 : memref<128xi32, #tpu.memory_space<vmem>>) semaphore(%arg12 : memref<!tpu.dma_semaphore, #tpu.memory_space<semaphore_mem>>)
    %barrier3A = arith.constant 0 : index
    tpu.barrier barrier_id(%barrier3A)
    %scan3A = arith.constant 0 : i32
    %scan3A_95 = arith.constant 20 : i32
    %scan3A_96 = arith.addi %scan3A, %scan3A_95 : i32
    %scan3A_97 = arith.constant 1 : i32
    scf.for %scan3A_107 = %scan3A to %scan3A_96 step %scan3A_97  : i32 {
      %mul3A_108 = arith.constant 1 : i32
      %mul3A_109 = arith.muli %scan3A_107, %mul3A_108 : i32
      %add3A_110 = arith.constant 0 : i32
      %add3A_111 = arith.addi %add3A_110, %mul3A_109 : i32
      %rem3A = arith.constant 2 : i32
      %rem3A_112 = arith.remsi %add3A_111, %rem3A : i32
      %add3A_113 = arith.constant 1 : i32
      %add3A_114 = arith.addi %add3A_111, %add3A_113 : i32
      %rem3A_115 = arith.constant 2 : i32
      %rem3A_116 = arith.remsi %add3A_114, %rem3A_115 : i32
      %add3A_117 = arith.constant 1 : i32
      %add3A_118 = arith.addi %add3A_111, %add3A_117 : i32
      %lt3A = arith.constant 20 : i32
      %lt3A_119 = arith.cmpi slt, %add3A_118, %lt3A : i32
      %convert_element_type3A = arith.extui %lt3A_119 : i1 to i32
      %cond3A = arith.constant 0 : i32
      %cond3A_120 = arith.cmpi ne, %convert_element_type3A, %cond3A : i32
      scf.if %cond3A_120 {
        %add3A_325 = arith.constant 1 : i32
        %add3A_326 = arith.addi %add3A_111, %add3A_325 : i32
        %mul3A_327 = arith.constant 8 : i32
        %mul3A_328 = arith.muli %add3A_326, %mul3A_327 : i32
        %dma_start3A_329 = arith.constant 0 : i32
        %dma_start3A_330 = arith.constant 0 : i32
        %dma_start3A_331 = tpu.memref_slice %arg8[%rem3A_116, %dma_start3A_329, %dma_start3A_330] : memref<2x8x128xi32, #tpu.memory_space<vmem>> -> memref<1x8x128xi32, #tpu.memory_space<vmem>>
        %dma_start3A_332 = tpu.memref_squeeze %dma_start3A_331 : memref<1x8x128xi32, #tpu.memory_space<vmem>> -> memref<8x128xi32, #tpu.memory_space<vmem>>
        %dma_start3A_333 = arith.constant 0 : i32
        %dma_start3A_334 = tpu.memref_slice %arg3[%add3A, %mul3A_328, %dma_start3A_333] : memref<32x160x128xi32, #tpu.memory_space<hbm>> -> memref<1x8x128xi32, #tpu.memory_space<hbm>>
        %dma_start3A_335 = tpu.memref_squeeze %dma_start3A_334 : memref<1x8x128xi32, #tpu.memory_space<hbm>> -> memref<8x128xi32, #tpu.memory_space<hbm>>
        %dma_start3A_336 = arith.constant 0 : i32
        %dma_start3A_337 = arith.constant 0 : i32
        %dma_start3A_338 = tpu.memref_slice %arg8[%rem3A_116, %dma_start3A_336, %dma_start3A_337] : memref<2x8x128xi32, #tpu.memory_space<vmem>> -> memref<1x8x128xi32, #tpu.memory_space<vmem>>
        %dma_start3A_339 = tpu.memref_squeeze %dma_start3A_338 : memref<1x8x128xi32, #tpu.memory_space<vmem>> -> memref<8x128xi32, #tpu.memory_space<vmem>>
        %dma_start3A_340 = arith.constant 0 : i32
        %dma_start3A_341 = tpu.memref_slice %arg3[%add3A, %mul3A_328, %dma_start3A_340] : memref<32x160x128xi32, #tpu.memory_space<hbm>> -> memref<1x8x128xi32, #tpu.memory_space<hbm>>
        %dma_start3A_342 = tpu.memref_squeeze %dma_start3A_341 : memref<1x8x128xi32, #tpu.memory_space<hbm>> -> memref<8x128xi32, #tpu.memory_space<hbm>>
        tpu.enqueue_dma source(%dma_start3A_342 : memref<8x128xi32, #tpu.memory_space<hbm>>) target(%dma_start3A_339 : memref<8x128xi32, #tpu.memory_space<vmem>>) target_semaphore(%arg13 : memref<!tpu.dma_semaphore, #tpu.memory_space<semaphore_mem>>)
        %add3A_343 = arith.constant 1 : i32
        %add3A_344 = arith.addi %add3A_111, %add3A_343 : i32
        %mul3A_345 = arith.constant 8 : i32
        %mul3A_346 = arith.muli %add3A_344, %mul3A_345 : i32
        %dma_start3A_347 = arith.constant 0 : i32
        %dma_start3A_348 = arith.constant 0 : i32
        %dma_start3A_349 = tpu.memref_slice %arg9[%rem3A_116, %dma_start3A_347, %dma_start3A_348] : memref<2x8x128xi32, #tpu.memory_space<vmem>> -> memref<1x8x128xi32, #tpu.memory_space<vmem>>
        %dma_start3A_350 = tpu.memref_squeeze %dma_start3A_349 : memref<1x8x128xi32, #tpu.memory_space<vmem>> -> memref<8x128xi32, #tpu.memory_space<vmem>>
        %dma_start3A_351 = arith.constant 0 : i32
        %dma_start3A_352 = tpu.memref_slice %arg4[%add3A, %mul3A_346, %dma_start3A_351] : memref<32x160x128xi32, #tpu.memory_space<hbm>> -> memref<1x8x128xi32, #tpu.memory_space<hbm>>
        %dma_start3A_353 = tpu.memref_squeeze %dma_start3A_352 : memref<1x8x128xi32, #tpu.memory_space<hbm>> -> memref<8x128xi32, #tpu.memory_space<hbm>>
        %dma_start3A_354 = arith.constant 0 : i32
        %dma_start3A_355 = arith.constant 0 : i32
        %dma_start3A_356 = tpu.memref_slice %arg9[%rem3A_116, %dma_start3A_354, %dma_start3A_355] : memref<2x8x128xi32, #tpu.memory_space<vmem>> -> memref<1x8x128xi32, #tpu.memory_space<vmem>>
        %dma_start3A_357 = tpu.memref_squeeze %dma_start3A_356 : memref<1x8x128xi32, #tpu.memory_space<vmem>> -> memref<8x128xi32, #tpu.memory_space<vmem>>
        %dma_start3A_358 = arith.constant 0 : i32
        %dma_start3A_359 = tpu.memref_slice %arg4[%add3A, %mul3A_346, %dma_start3A_358] : memref<32x160x128xi32, #tpu.memory_space<hbm>> -> memref<1x8x128xi32, #tpu.memory_space<hbm>>
        %dma_start3A_360 = tpu.memref_squeeze %dma_start3A_359 : memref<1x8x128xi32, #tpu.memory_space<hbm>> -> memref<8x128xi32, #tpu.memory_space<hbm>>
        tpu.enqueue_dma source(%dma_start3A_360 : memref<8x128xi32, #tpu.memory_space<hbm>>) target(%dma_start3A_357 : memref<8x128xi32, #tpu.memory_space<vmem>>) target_semaphore(%arg13 : memref<!tpu.dma_semaphore, #tpu.memory_space<semaphore_mem>>)
      } else {
      }
      %dma_wait3A_121 = arith.constant 0 : i32
      %dma_wait3A_122 = arith.constant 0 : i32
      %dma_wait3A_123 = arith.constant 0 : i32
      %dma_wait3A_124 = arith.constant 0 : i32
      %dma_wait3A_125 = tpu.memref_slice %arg10[%dma_wait3A_122, %dma_wait3A_123, %dma_wait3A_124] : memref<2x128x128xf32, #tpu.memory_space<vmem>> -> memref<1x128x128xf32, #tpu.memory_space<vmem>>
      %dma_wait3A_126 = tpu.memref_squeeze %dma_wait3A_125 : memref<1x128x128xf32, #tpu.memory_space<vmem>> -> memref<128x128xf32, #tpu.memory_space<vmem>>
      %dma_wait3A_127 = arith.constant 0 : i32
      %dma_wait3A_128 = tpu.memref_slice %arg8[%rem3A_112, %dma_wait3A_121, %dma_wait3A_127] : memref<2x8x128xi32, #tpu.memory_space<vmem>> -> memref<1x1x128xi32, #tpu.memory_space<vmem>>
      %dma_wait3A_129 = tpu.memref_squeeze %dma_wait3A_128 : memref<1x1x128xi32, #tpu.memory_space<vmem>> -> memref<128xi32, #tpu.memory_space<vmem>>
      %dma_wait3A_130 = arith.constant 0 : i32
      %dma_wait3A_131 = arith.constant 0 : i32
      %dma_wait3A_132 = tpu.memref_slice %arg2[%dma_wait3A_130, %dma_wait3A_131] : memref<20480x128xf32, #tpu.memory_space<hbm>> -> memref<20480x128xf32, #tpu.memory_space<hbm>>
      tpu.wait_indirect_dma semaphore(%arg11 : memref<!tpu.dma_semaphore, #tpu.memory_space<semaphore_mem>>) src(%dma_wait3A_132 : memref<20480x128xf32, #tpu.memory_space<hbm>>) dst(%dma_wait3A_126 : memref<128x128xf32, #tpu.memory_space<vmem>>)
      %run_scoped3A = arith.constant 0 : i32
      %run_scoped3A_133 = arith.constant 0 : i32
      "tpu.region"() ({
        %run_scoped3A_325 = tpu.sem_alloc : memref<!tpu.dma_semaphore, #tpu.memory_space<semaphore_mem>>
        %dma_start3A_326 = arith.constant 0 : i32
        %dma_start3A_327 = arith.constant 0 : i32
        %dma_start3A_328 = tpu.memref_slice %arg10[%run_scoped3A, %dma_start3A_326, %dma_start3A_327] : memref<2x128x128xf32, #tpu.memory_space<vmem>> -> memref<1x128x128xf32, #tpu.memory_space<vmem>>
        %dma_start3A_329 = tpu.memref_squeeze %dma_start3A_328 : memref<1x128x128xf32, #tpu.memory_space<vmem>> -> memref<128x128xf32, #tpu.memory_space<vmem>>
        %dma_start3A_330 = arith.constant 0 : i32
        %dma_start3A_331 = tpu.memref_slice %arg9[%rem3A_112, %run_scoped3A_133, %dma_start3A_330] : memref<2x8x128xi32, #tpu.memory_space<vmem>> -> memref<1x1x128xi32, #tpu.memory_space<vmem>>
        %dma_start3A_332 = tpu.memref_squeeze %dma_start3A_331 : memref<1x1x128xi32, #tpu.memory_space<vmem>> -> memref<128xi32, #tpu.memory_space<vmem>>
        %dma_start3A_333 = arith.constant 0 : i32
        %dma_start3A_334 = arith.constant 0 : i32
        %dma_start3A_335 = tpu.memref_slice %arg7[%dma_start3A_333, %dma_start3A_334] : memref<10240x128xf32, #tpu.memory_space<vmem_shared>> -> memref<10240x128xf32, #tpu.memory_space<vmem_shared>>
        tpu.enqueue_indirect_dma source(%dma_start3A_329 : memref<128x128xf32, #tpu.memory_space<vmem>>) target(%dma_start3A_335 : memref<10240x128xf32, #tpu.memory_space<vmem_shared>>) offsets(%dma_start3A_332 : memref<128xi32, #tpu.memory_space<vmem>>) semaphore(%run_scoped3A_325 : memref<!tpu.dma_semaphore, #tpu.memory_space<semaphore_mem>>) {add = true}
        %dma_wait3A_336 = arith.constant 0 : i32
        %dma_wait3A_337 = arith.constant 0 : i32
        %dma_wait3A_338 = tpu.memref_slice %arg10[%run_scoped3A, %dma_wait3A_336, %dma_wait3A_337] : memref<2x128x128xf32, #tpu.memory_space<vmem>> -> memref<1x128x128xf32, #tpu.memory_space<vmem>>
        %dma_wait3A_339 = tpu.memref_squeeze %dma_wait3A_338 : memref<1x128x128xf32, #tpu.memory_space<vmem>> -> memref<128x128xf32, #tpu.memory_space<vmem>>
        %dma_wait3A_340 = arith.constant 0 : i32
        %dma_wait3A_341 = tpu.memref_slice %arg9[%rem3A_112, %run_scoped3A_133, %dma_wait3A_340] : memref<2x8x128xi32, #tpu.memory_space<vmem>> -> memref<1x1x128xi32, #tpu.memory_space<vmem>>
        %dma_wait3A_342 = tpu.memref_squeeze %dma_wait3A_341 : memref<1x1x128xi32, #tpu.memory_space<vmem>> -> memref<128xi32, #tpu.memory_space<vmem>>
        %dma_wait3A_343 = arith.constant 0 : i32
        %dma_wait3A_344 = arith.constant 0 : i32
        %dma_wait3A_345 = tpu.memref_slice %arg7[%dma_wait3A_343, %dma_wait3A_344] : memref<10240x128xf32, #tpu.memory_space<vmem_shared>> -> memref<10240x128xf32, #tpu.memory_space<vmem_shared>>
        tpu.wait_indirect_dma semaphore(%run_scoped3A_325 : memref<!tpu.dma_semaphore, #tpu.memory_space<semaphore_mem>>) src(%dma_wait3A_339 : memref<128x128xf32, #tpu.memory_space<vmem>>) dst(%dma_wait3A_345 : memref<10240x128xf32, #tpu.memory_space<vmem_shared>>)
        tpu.yield
      }) : () -> ()
      %dma_start3A_134 = arith.constant 2 : i32
      %dma_start3A_135 = arith.constant 0 : i32
      %dma_start3A_136 = arith.constant 0 : i32
      %dma_start3A_137 = arith.constant 0 : i32
      %dma_start3A_138 = tpu.memref_slice %arg10[%dma_start3A_135, %dma_start3A_136, %dma_start3A_137] : memref<2x128x128xf32, #tpu.memory_space<vmem>> -> memref<1x128x128xf32, #tpu.memory_space<vmem>>
      %dma_start3A_139 = tpu.memref_squeeze %dma_start3A_138 : memref<1x128x128xf32, #tpu.memory_space<vmem>> -> memref<128x128xf32, #tpu.memory_space<vmem>>
      %dma_start3A_140 = arith.constant 0 : i32
      %dma_start3A_141 = tpu.memref_slice %arg8[%rem3A_112, %dma_start3A_134, %dma_start3A_140] : memref<2x8x128xi32, #tpu.memory_space<vmem>> -> memref<1x1x128xi32, #tpu.memory_space<vmem>>
      %dma_start3A_142 = tpu.memref_squeeze %dma_start3A_141 : memref<1x1x128xi32, #tpu.memory_space<vmem>> -> memref<128xi32, #tpu.memory_space<vmem>>
      %dma_start3A_143 = arith.constant 0 : i32
      %dma_start3A_144 = arith.constant 0 : i32
      %dma_start3A_145 = tpu.memref_slice %arg2[%dma_start3A_143, %dma_start3A_144] : memref<20480x128xf32, #tpu.memory_space<hbm>> -> memref<20480x128xf32, #tpu.memory_space<hbm>>
      tpu.enqueue_indirect_dma source(%dma_start3A_145 : memref<20480x128xf32, #tpu.memory_space<hbm>>) target(%dma_start3A_139 : memref<128x128xf32, #tpu.memory_space<vmem>>) offsets(%dma_start3A_142 : memref<128xi32, #tpu.memory_space<vmem>>) semaphore(%arg11 : memref<!tpu.dma_semaphore, #tpu.memory_space<semaphore_mem>>)
      %dma_wait3A_146 = arith.constant 1 : i32
      %dma_wait3A_147 = arith.constant 1 : i32
      %dma_wait3A_148 = arith.constant 0 : i32
      %dma_wait3A_149 = arith.constant 0 : i32
      %dma_wait3A_150 = tpu.memref_slice %arg10[%dma_wait3A_147, %dma_wait3A_148, %dma_wait3A_149] : memref<2x128x128xf32, #tpu.memory_space<vmem>> -> memref<1x128x128xf32, #tpu.memory_space<vmem>>
      %dma_wait3A_151 = tpu.memref_squeeze %dma_wait3A_150 : memref<1x128x128xf32, #tpu.memory_space<vmem>> -> memref<128x128xf32, #tpu.memory_space<vmem>>
      %dma_wait3A_152 = arith.constant 0 : i32
      %dma_wait3A_153 = tpu.memref_slice %arg8[%rem3A_112, %dma_wait3A_146, %dma_wait3A_152] : memref<2x8x128xi32, #tpu.memory_space<vmem>> -> memref<1x1x128xi32, #tpu.memory_space<vmem>>
      %dma_wait3A_154 = tpu.memref_squeeze %dma_wait3A_153 : memref<1x1x128xi32, #tpu.memory_space<vmem>> -> memref<128xi32, #tpu.memory_space<vmem>>
      %dma_wait3A_155 = arith.constant 0 : i32
      %dma_wait3A_156 = arith.constant 0 : i32
      %dma_wait3A_157 = tpu.memref_slice %arg2[%dma_wait3A_155, %dma_wait3A_156] : memref<20480x128xf32, #tpu.memory_space<hbm>> -> memref<20480x128xf32, #tpu.memory_space<hbm>>
      tpu.wait_indirect_dma semaphore(%arg12 : memref<!tpu.dma_semaphore, #tpu.memory_space<semaphore_mem>>) src(%dma_wait3A_157 : memref<20480x128xf32, #tpu.memory_space<hbm>>) dst(%dma_wait3A_151 : memref<128x128xf32, #tpu.memory_space<vmem>>)
      %run_scoped3A_158 = arith.constant 1 : i32
      %run_scoped3A_159 = arith.constant 1 : i32
      "tpu.region"() ({
        %run_scoped3A_325 = tpu.sem_alloc : memref<!tpu.dma_semaphore, #tpu.memory_space<semaphore_mem>>
        %dma_start3A_326 = arith.constant 0 : i32
        %dma_start3A_327 = arith.constant 0 : i32
        %dma_start3A_328 = tpu.memref_slice %arg10[%run_scoped3A_158, %dma_start3A_326, %dma_start3A_327] : memref<2x128x128xf32, #tpu.memory_space<vmem>> -> memref<1x128x128xf32, #tpu.memory_space<vmem>>
        %dma_start3A_329 = tpu.memref_squeeze %dma_start3A_328 : memref<1x128x128xf32, #tpu.memory_space<vmem>> -> memref<128x128xf32, #tpu.memory_space<vmem>>
        %dma_start3A_330 = arith.constant 0 : i32
        %dma_start3A_331 = tpu.memref_slice %arg9[%rem3A_112, %run_scoped3A_159, %dma_start3A_330] : memref<2x8x128xi32, #tpu.memory_space<vmem>> -> memref<1x1x128xi32, #tpu.memory_space<vmem>>
        %dma_start3A_332 = tpu.memref_squeeze %dma_start3A_331 : memref<1x1x128xi32, #tpu.memory_space<vmem>> -> memref<128xi32, #tpu.memory_space<vmem>>
        %dma_start3A_333 = arith.constant 0 : i32
        %dma_start3A_334 = arith.constant 0 : i32
        %dma_start3A_335 = tpu.memref_slice %arg7[%dma_start3A_333, %dma_start3A_334] : memref<10240x128xf32, #tpu.memory_space<vmem_shared>> -> memref<10240x128xf32, #tpu.memory_space<vmem_shared>>
        tpu.enqueue_indirect_dma source(%dma_start3A_329 : memref<128x128xf32, #tpu.memory_space<vmem>>) target(%dma_start3A_335 : memref<10240x128xf32, #tpu.memory_space<vmem_shared>>) offsets(%dma_start3A_332 : memref<128xi32, #tpu.memory_space<vmem>>) semaphore(%run_scoped3A_325 : memref<!tpu.dma_semaphore, #tpu.memory_space<semaphore_mem>>) {add = true}
        %dma_wait3A_336 = arith.constant 0 : i32
        %dma_wait3A_337 = arith.constant 0 : i32
        %dma_wait3A_338 = tpu.memref_slice %arg10[%run_scoped3A_158, %dma_wait3A_336, %dma_wait3A_337] : memref<2x128x128xf32, #tpu.memory_space<vmem>> -> memref<1x128x128xf32, #tpu.memory_space<vmem>>
        %dma_wait3A_339 = tpu.memref_squeeze %dma_wait3A_338 : memref<1x128x128xf32, #tpu.memory_space<vmem>> -> memref<128x128xf32, #tpu.memory_space<vmem>>
        %dma_wait3A_340 = arith.constant 0 : i32
        %dma_wait3A_341 = tpu.memref_slice %arg9[%rem3A_112, %run_scoped3A_159, %dma_wait3A_340] : memref<2x8x128xi32, #tpu.memory_space<vmem>> -> memref<1x1x128xi32, #tpu.memory_space<vmem>>
        %dma_wait3A_342 = tpu.memref_squeeze %dma_wait3A_341 : memref<1x1x128xi32, #tpu.memory_space<vmem>> -> memref<128xi32, #tpu.memory_space<vmem>>
        %dma_wait3A_343 = arith.constant 0 : i32
        %dma_wait3A_344 = arith.constant 0 : i32
        %dma_wait3A_345 = tpu.memref_slice %arg7[%dma_wait3A_343, %dma_wait3A_344] : memref<10240x128xf32, #tpu.memory_space<vmem_shared>> -> memref<10240x128xf32, #tpu.memory_space<vmem_shared>>
        tpu.wait_indirect_dma semaphore(%run_scoped3A_325 : memref<!tpu.dma_semaphore, #tpu.memory_space<semaphore_mem>>) src(%dma_wait3A_339 : memref<128x128xf32, #tpu.memory_space<vmem>>) dst(%dma_wait3A_345 : memref<10240x128xf32, #tpu.memory_space<vmem_shared>>)
        tpu.yield
      }) : () -> ()
      %dma_start3A_160 = arith.constant 3 : i32
      %dma_start3A_161 = arith.constant 1 : i32
      %dma_start3A_162 = arith.constant 0 : i32
      %dma_start3A_163 = arith.constant 0 : i32
      %dma_start3A_164 = tpu.memref_slice %arg10[%dma_start3A_161, %dma_start3A_162, %dma_start3A_163] : memref<2x128x128xf32, #tpu.memory_space<vmem>> -> memref<1x128x128xf32, #tpu.memory_space<vmem>>
      %dma_start3A_165 = tpu.memref_squeeze %dma_start3A_164 : memref<1x128x128xf32, #tpu.memory_space<vmem>> -> memref<128x128xf32, #tpu.memory_space<vmem>>
      %dma_start3A_166 = arith.constant 0 : i32
      %dma_start3A_167 = tpu.memref_slice %arg8[%rem3A_112, %dma_start3A_160, %dma_start3A_166] : memref<2x8x128xi32, #tpu.memory_space<vmem>> -> memref<1x1x128xi32, #tpu.memory_space<vmem>>
      %dma_start3A_168 = tpu.memref_squeeze %dma_start3A_167 : memref<1x1x128xi32, #tpu.memory_space<vmem>> -> memref<128xi32, #tpu.memory_space<vmem>>
      %dma_start3A_169 = arith.constant 0 : i32
      %dma_start3A_170 = arith.constant 0 : i32
      %dma_start3A_171 = tpu.memref_slice %arg2[%dma_start3A_169, %dma_start3A_170] : memref<20480x128xf32, #tpu.memory_space<hbm>> -> memref<20480x128xf32, #tpu.memory_space<hbm>>
      tpu.enqueue_indirect_dma source(%dma_start3A_171 : memref<20480x128xf32, #tpu.memory_space<hbm>>) target(%dma_start3A_165 : memref<128x128xf32, #tpu.memory_space<vmem>>) offsets(%dma_start3A_168 : memref<128xi32, #tpu.memory_space<vmem>>) semaphore(%arg12 : memref<!tpu.dma_semaphore, #tpu.memory_space<semaphore_mem>>)
      %dma_wait3A_172 = arith.constant 2 : i32
      %dma_wait3A_173 = arith.constant 0 : i32
      %dma_wait3A_174 = arith.constant 0 : i32
      %dma_wait3A_175 = arith.constant 0 : i32
      %dma_wait3A_176 = tpu.memref_slice %arg10[%dma_wait3A_173, %dma_wait3A_174, %dma_wait3A_175] : memref<2x128x128xf32, #tpu.memory_space<vmem>> -> memref<1x128x128xf32, #tpu.memory_space<vmem>>
      %dma_wait3A_177 = tpu.memref_squeeze %dma_wait3A_176 : memref<1x128x128xf32, #tpu.memory_space<vmem>> -> memref<128x128xf32, #tpu.memory_space<vmem>>
      %dma_wait3A_178 = arith.constant 0 : i32
      %dma_wait3A_179 = tpu.memref_slice %arg8[%rem3A_112, %dma_wait3A_172, %dma_wait3A_178] : memref<2x8x128xi32, #tpu.memory_space<vmem>> -> memref<1x1x128xi32, #tpu.memory_space<vmem>>
      %dma_wait3A_180 = tpu.memref_squeeze %dma_wait3A_179 : memref<1x1x128xi32, #tpu.memory_space<vmem>> -> memref<128xi32, #tpu.memory_space<vmem>>
      %dma_wait3A_181 = arith.constant 0 : i32
      %dma_wait3A_182 = arith.constant 0 : i32
      %dma_wait3A_183 = tpu.memref_slice %arg2[%dma_wait3A_181, %dma_wait3A_182] : memref<20480x128xf32, #tpu.memory_space<hbm>> -> memref<20480x128xf32, #tpu.memory_space<hbm>>
      tpu.wait_indirect_dma semaphore(%arg11 : memref<!tpu.dma_semaphore, #tpu.memory_space<semaphore_mem>>) src(%dma_wait3A_183 : memref<20480x128xf32, #tpu.memory_space<hbm>>) dst(%dma_wait3A_177 : memref<128x128xf32, #tpu.memory_space<vmem>>)
      %run_scoped3A_184 = arith.constant 0 : i32
      %run_scoped3A_185 = arith.constant 2 : i32
      "tpu.region"() ({
        %run_scoped3A_325 = tpu.sem_alloc : memref<!tpu.dma_semaphore, #tpu.memory_space<semaphore_mem>>
        %dma_start3A_326 = arith.constant 0 : i32
        %dma_start3A_327 = arith.constant 0 : i32
        %dma_start3A_328 = tpu.memref_slice %arg10[%run_scoped3A_184, %dma_start3A_326, %dma_start3A_327] : memref<2x128x128xf32, #tpu.memory_space<vmem>> -> memref<1x128x128xf32, #tpu.memory_space<vmem>>
        %dma_start3A_329 = tpu.memref_squeeze %dma_start3A_328 : memref<1x128x128xf32, #tpu.memory_space<vmem>> -> memref<128x128xf32, #tpu.memory_space<vmem>>
        %dma_start3A_330 = arith.constant 0 : i32
        %dma_start3A_331 = tpu.memref_slice %arg9[%rem3A_112, %run_scoped3A_185, %dma_start3A_330] : memref<2x8x128xi32, #tpu.memory_space<vmem>> -> memref<1x1x128xi32, #tpu.memory_space<vmem>>
        %dma_start3A_332 = tpu.memref_squeeze %dma_start3A_331 : memref<1x1x128xi32, #tpu.memory_space<vmem>> -> memref<128xi32, #tpu.memory_space<vmem>>
        %dma_start3A_333 = arith.constant 0 : i32
        %dma_start3A_334 = arith.constant 0 : i32
        %dma_start3A_335 = tpu.memref_slice %arg7[%dma_start3A_333, %dma_start3A_334] : memref<10240x128xf32, #tpu.memory_space<vmem_shared>> -> memref<10240x128xf32, #tpu.memory_space<vmem_shared>>
        tpu.enqueue_indirect_dma source(%dma_start3A_329 : memref<128x128xf32, #tpu.memory_space<vmem>>) target(%dma_start3A_335 : memref<10240x128xf32, #tpu.memory_space<vmem_shared>>) offsets(%dma_start3A_332 : memref<128xi32, #tpu.memory_space<vmem>>) semaphore(%run_scoped3A_325 : memref<!tpu.dma_semaphore, #tpu.memory_space<semaphore_mem>>) {add = true}
        %dma_wait3A_336 = arith.constant 0 : i32
        %dma_wait3A_337 = arith.constant 0 : i32
        %dma_wait3A_338 = tpu.memref_slice %arg10[%run_scoped3A_184, %dma_wait3A_336, %dma_wait3A_337] : memref<2x128x128xf32, #tpu.memory_space<vmem>> -> memref<1x128x128xf32, #tpu.memory_space<vmem>>
        %dma_wait3A_339 = tpu.memref_squeeze %dma_wait3A_338 : memref<1x128x128xf32, #tpu.memory_space<vmem>> -> memref<128x128xf32, #tpu.memory_space<vmem>>
        %dma_wait3A_340 = arith.constant 0 : i32
        %dma_wait3A_341 = tpu.memref_slice %arg9[%rem3A_112, %run_scoped3A_185, %dma_wait3A_340] : memref<2x8x128xi32, #tpu.memory_space<vmem>> -> memref<1x1x128xi32, #tpu.memory_space<vmem>>
        %dma_wait3A_342 = tpu.memref_squeeze %dma_wait3A_341 : memref<1x1x128xi32, #tpu.memory_space<vmem>> -> memref<128xi32, #tpu.memory_space<vmem>>
        %dma_wait3A_343 = arith.constant 0 : i32
        %dma_wait3A_344 = arith.constant 0 : i32
        %dma_wait3A_345 = tpu.memref_slice %arg7[%dma_wait3A_343, %dma_wait3A_344] : memref<10240x128xf32, #tpu.memory_space<vmem_shared>> -> memref<10240x128xf32, #tpu.memory_space<vmem_shared>>
        tpu.wait_indirect_dma semaphore(%run_scoped3A_325 : memref<!tpu.dma_semaphore, #tpu.memory_space<semaphore_mem>>) src(%dma_wait3A_339 : memref<128x128xf32, #tpu.memory_space<vmem>>) dst(%dma_wait3A_345 : memref<10240x128xf32, #tpu.memory_space<vmem_shared>>)
        tpu.yield
      }) : () -> ()
      %dma_start3A_186 = arith.constant 4 : i32
      %dma_start3A_187 = arith.constant 0 : i32
      %dma_start3A_188 = arith.constant 0 : i32
      %dma_start3A_189 = arith.constant 0 : i32
      %dma_start3A_190 = tpu.memref_slice %arg10[%dma_start3A_187, %dma_start3A_188, %dma_start3A_189] : memref<2x128x128xf32, #tpu.memory_space<vmem>> -> memref<1x128x128xf32, #tpu.memory_space<vmem>>
      %dma_start3A_191 = tpu.memref_squeeze %dma_start3A_190 : memref<1x128x128xf32, #tpu.memory_space<vmem>> -> memref<128x128xf32, #tpu.memory_space<vmem>>
      %dma_start3A_192 = arith.constant 0 : i32
      %dma_start3A_193 = tpu.memref_slice %arg8[%rem3A_112, %dma_start3A_186, %dma_start3A_192] : memref<2x8x128xi32, #tpu.memory_space<vmem>> -> memref<1x1x128xi32, #tpu.memory_space<vmem>>
      %dma_start3A_194 = tpu.memref_squeeze %dma_start3A_193 : memref<1x1x128xi32, #tpu.memory_space<vmem>> -> memref<128xi32, #tpu.memory_space<vmem>>
      %dma_start3A_195 = arith.constant 0 : i32
      %dma_start3A_196 = arith.constant 0 : i32
      %dma_start3A_197 = tpu.memref_slice %arg2[%dma_start3A_195, %dma_start3A_196] : memref<20480x128xf32, #tpu.memory_space<hbm>> -> memref<20480x128xf32, #tpu.memory_space<hbm>>
      tpu.enqueue_indirect_dma source(%dma_start3A_197 : memref<20480x128xf32, #tpu.memory_space<hbm>>) target(%dma_start3A_191 : memref<128x128xf32, #tpu.memory_space<vmem>>) offsets(%dma_start3A_194 : memref<128xi32, #tpu.memory_space<vmem>>) semaphore(%arg11 : memref<!tpu.dma_semaphore, #tpu.memory_space<semaphore_mem>>)
      %dma_wait3A_198 = arith.constant 3 : i32
      %dma_wait3A_199 = arith.constant 1 : i32
      %dma_wait3A_200 = arith.constant 0 : i32
      %dma_wait3A_201 = arith.constant 0 : i32
      %dma_wait3A_202 = tpu.memref_slice %arg10[%dma_wait3A_199, %dma_wait3A_200, %dma_wait3A_201] : memref<2x128x128xf32, #tpu.memory_space<vmem>> -> memref<1x128x128xf32, #tpu.memory_space<vmem>>
      %dma_wait3A_203 = tpu.memref_squeeze %dma_wait3A_202 : memref<1x128x128xf32, #tpu.memory_space<vmem>> -> memref<128x128xf32, #tpu.memory_space<vmem>>
      %dma_wait3A_204 = arith.constant 0 : i32
      %dma_wait3A_205 = tpu.memref_slice %arg8[%rem3A_112, %dma_wait3A_198, %dma_wait3A_204] : memref<2x8x128xi32, #tpu.memory_space<vmem>> -> memref<1x1x128xi32, #tpu.memory_space<vmem>>
      %dma_wait3A_206 = tpu.memref_squeeze %dma_wait3A_205 : memref<1x1x128xi32, #tpu.memory_space<vmem>> -> memref<128xi32, #tpu.memory_space<vmem>>
      %dma_wait3A_207 = arith.constant 0 : i32
      %dma_wait3A_208 = arith.constant 0 : i32
      %dma_wait3A_209 = tpu.memref_slice %arg2[%dma_wait3A_207, %dma_wait3A_208] : memref<20480x128xf32, #tpu.memory_space<hbm>> -> memref<20480x128xf32, #tpu.memory_space<hbm>>
      tpu.wait_indirect_dma semaphore(%arg12 : memref<!tpu.dma_semaphore, #tpu.memory_space<semaphore_mem>>) src(%dma_wait3A_209 : memref<20480x128xf32, #tpu.memory_space<hbm>>) dst(%dma_wait3A_203 : memref<128x128xf32, #tpu.memory_space<vmem>>)
      %run_scoped3A_210 = arith.constant 1 : i32
      %run_scoped3A_211 = arith.constant 3 : i32
      "tpu.region"() ({
        %run_scoped3A_325 = tpu.sem_alloc : memref<!tpu.dma_semaphore, #tpu.memory_space<semaphore_mem>>
        %dma_start3A_326 = arith.constant 0 : i32
        %dma_start3A_327 = arith.constant 0 : i32
        %dma_start3A_328 = tpu.memref_slice %arg10[%run_scoped3A_210, %dma_start3A_326, %dma_start3A_327] : memref<2x128x128xf32, #tpu.memory_space<vmem>> -> memref<1x128x128xf32, #tpu.memory_space<vmem>>
        %dma_start3A_329 = tpu.memref_squeeze %dma_start3A_328 : memref<1x128x128xf32, #tpu.memory_space<vmem>> -> memref<128x128xf32, #tpu.memory_space<vmem>>
        %dma_start3A_330 = arith.constant 0 : i32
        %dma_start3A_331 = tpu.memref_slice %arg9[%rem3A_112, %run_scoped3A_211, %dma_start3A_330] : memref<2x8x128xi32, #tpu.memory_space<vmem>> -> memref<1x1x128xi32, #tpu.memory_space<vmem>>
        %dma_start3A_332 = tpu.memref_squeeze %dma_start3A_331 : memref<1x1x128xi32, #tpu.memory_space<vmem>> -> memref<128xi32, #tpu.memory_space<vmem>>
        %dma_start3A_333 = arith.constant 0 : i32
        %dma_start3A_334 = arith.constant 0 : i32
        %dma_start3A_335 = tpu.memref_slice %arg7[%dma_start3A_333, %dma_start3A_334] : memref<10240x128xf32, #tpu.memory_space<vmem_shared>> -> memref<10240x128xf32, #tpu.memory_space<vmem_shared>>
        tpu.enqueue_indirect_dma source(%dma_start3A_329 : memref<128x128xf32, #tpu.memory_space<vmem>>) target(%dma_start3A_335 : memref<10240x128xf32, #tpu.memory_space<vmem_shared>>) offsets(%dma_start3A_332 : memref<128xi32, #tpu.memory_space<vmem>>) semaphore(%run_scoped3A_325 : memref<!tpu.dma_semaphore, #tpu.memory_space<semaphore_mem>>) {add = true}
        %dma_wait3A_336 = arith.constant 0 : i32
        %dma_wait3A_337 = arith.constant 0 : i32
        %dma_wait3A_338 = tpu.memref_slice %arg10[%run_scoped3A_210, %dma_wait3A_336, %dma_wait3A_337] : memref<2x128x128xf32, #tpu.memory_space<vmem>> -> memref<1x128x128xf32, #tpu.memory_space<vmem>>
        %dma_wait3A_339 = tpu.memref_squeeze %dma_wait3A_338 : memref<1x128x128xf32, #tpu.memory_space<vmem>> -> memref<128x128xf32, #tpu.memory_space<vmem>>
        %dma_wait3A_340 = arith.constant 0 : i32
        %dma_wait3A_341 = tpu.memref_slice %arg9[%rem3A_112, %run_scoped3A_211, %dma_wait3A_340] : memref<2x8x128xi32, #tpu.memory_space<vmem>> -> memref<1x1x128xi32, #tpu.memory_space<vmem>>
        %dma_wait3A_342 = tpu.memref_squeeze %dma_wait3A_341 : memref<1x1x128xi32, #tpu.memory_space<vmem>> -> memref<128xi32, #tpu.memory_space<vmem>>
        %dma_wait3A_343 = arith.constant 0 : i32
        %dma_wait3A_344 = arith.constant 0 : i32
        %dma_wait3A_345 = tpu.memref_slice %arg7[%dma_wait3A_343, %dma_wait3A_344] : memref<10240x128xf32, #tpu.memory_space<vmem_shared>> -> memref<10240x128xf32, #tpu.memory_space<vmem_shared>>
        tpu.wait_indirect_dma semaphore(%run_scoped3A_325 : memref<!tpu.dma_semaphore, #tpu.memory_space<semaphore_mem>>) src(%dma_wait3A_339 : memref<128x128xf32, #tpu.memory_space<vmem>>) dst(%dma_wait3A_345 : memref<10240x128xf32, #tpu.memory_space<vmem_shared>>)
        tpu.yield
      }) : () -> ()
      %dma_start3A_212 = arith.constant 5 : i32
      %dma_start3A_213 = arith.constant 1 : i32
      %dma_start3A_214 = arith.constant 0 : i32
      %dma_start3A_215 = arith.constant 0 : i32
      %dma_start3A_216 = tpu.memref_slice %arg10[%dma_start3A_213, %dma_start3A_214, %dma_start3A_215] : memref<2x128x128xf32, #tpu.memory_space<vmem>> -> memref<1x128x128xf32, #tpu.memory_space<vmem>>
      %dma_start3A_217 = tpu.memref_squeeze %dma_start3A_216 : memref<1x128x128xf32, #tpu.memory_space<vmem>> -> memref<128x128xf32, #tpu.memory_space<vmem>>
      %dma_start3A_218 = arith.constant 0 : i32
      %dma_start3A_219 = tpu.memref_slice %arg8[%rem3A_112, %dma_start3A_212, %dma_start3A_218] : memref<2x8x128xi32, #tpu.memory_space<vmem>> -> memref<1x1x128xi32, #tpu.memory_space<vmem>>
      %dma_start3A_220 = tpu.memref_squeeze %dma_start3A_219 : memref<1x1x128xi32, #tpu.memory_space<vmem>> -> memref<128xi32, #tpu.memory_space<vmem>>
      %dma_start3A_221 = arith.constant 0 : i32
      %dma_start3A_222 = arith.constant 0 : i32
      %dma_start3A_223 = tpu.memref_slice %arg2[%dma_start3A_221, %dma_start3A_222] : memref<20480x128xf32, #tpu.memory_space<hbm>> -> memref<20480x128xf32, #tpu.memory_space<hbm>>
      tpu.enqueue_indirect_dma source(%dma_start3A_223 : memref<20480x128xf32, #tpu.memory_space<hbm>>) target(%dma_start3A_217 : memref<128x128xf32, #tpu.memory_space<vmem>>) offsets(%dma_start3A_220 : memref<128xi32, #tpu.memory_space<vmem>>) semaphore(%arg12 : memref<!tpu.dma_semaphore, #tpu.memory_space<semaphore_mem>>)
      %dma_wait3A_224 = arith.constant 4 : i32
      %dma_wait3A_225 = arith.constant 0 : i32
      %dma_wait3A_226 = arith.constant 0 : i32
      %dma_wait3A_227 = arith.constant 0 : i32
      %dma_wait3A_228 = tpu.memref_slice %arg10[%dma_wait3A_225, %dma_wait3A_226, %dma_wait3A_227] : memref<2x128x128xf32, #tpu.memory_space<vmem>> -> memref<1x128x128xf32, #tpu.memory_space<vmem>>
      %dma_wait3A_229 = tpu.memref_squeeze %dma_wait3A_228 : memref<1x128x128xf32, #tpu.memory_space<vmem>> -> memref<128x128xf32, #tpu.memory_space<vmem>>
      %dma_wait3A_230 = arith.constant 0 : i32
      %dma_wait3A_231 = tpu.memref_slice %arg8[%rem3A_112, %dma_wait3A_224, %dma_wait3A_230] : memref<2x8x128xi32, #tpu.memory_space<vmem>> -> memref<1x1x128xi32, #tpu.memory_space<vmem>>
      %dma_wait3A_232 = tpu.memref_squeeze %dma_wait3A_231 : memref<1x1x128xi32, #tpu.memory_space<vmem>> -> memref<128xi32, #tpu.memory_space<vmem>>
      %dma_wait3A_233 = arith.constant 0 : i32
      %dma_wait3A_234 = arith.constant 0 : i32
      %dma_wait3A_235 = tpu.memref_slice %arg2[%dma_wait3A_233, %dma_wait3A_234] : memref<20480x128xf32, #tpu.memory_space<hbm>> -> memref<20480x128xf32, #tpu.memory_space<hbm>>
      tpu.wait_indirect_dma semaphore(%arg11 : memref<!tpu.dma_semaphore, #tpu.memory_space<semaphore_mem>>) src(%dma_wait3A_235 : memref<20480x128xf32, #tpu.memory_space<hbm>>) dst(%dma_wait3A_229 : memref<128x128xf32, #tpu.memory_space<vmem>>)
      %run_scoped3A_236 = arith.constant 0 : i32
      %run_scoped3A_237 = arith.constant 4 : i32
      "tpu.region"() ({
        %run_scoped3A_325 = tpu.sem_alloc : memref<!tpu.dma_semaphore, #tpu.memory_space<semaphore_mem>>
        %dma_start3A_326 = arith.constant 0 : i32
        %dma_start3A_327 = arith.constant 0 : i32
        %dma_start3A_328 = tpu.memref_slice %arg10[%run_scoped3A_236, %dma_start3A_326, %dma_start3A_327] : memref<2x128x128xf32, #tpu.memory_space<vmem>> -> memref<1x128x128xf32, #tpu.memory_space<vmem>>
        %dma_start3A_329 = tpu.memref_squeeze %dma_start3A_328 : memref<1x128x128xf32, #tpu.memory_space<vmem>> -> memref<128x128xf32, #tpu.memory_space<vmem>>
        %dma_start3A_330 = arith.constant 0 : i32
        %dma_start3A_331 = tpu.memref_slice %arg9[%rem3A_112, %run_scoped3A_237, %dma_start3A_330] : memref<2x8x128xi32, #tpu.memory_space<vmem>> -> memref<1x1x128xi32, #tpu.memory_space<vmem>>
        %dma_start3A_332 = tpu.memref_squeeze %dma_start3A_331 : memref<1x1x128xi32, #tpu.memory_space<vmem>> -> memref<128xi32, #tpu.memory_space<vmem>>
        %dma_start3A_333 = arith.constant 0 : i32
        %dma_start3A_334 = arith.constant 0 : i32
        %dma_start3A_335 = tpu.memref_slice %arg7[%dma_start3A_333, %dma_start3A_334] : memref<10240x128xf32, #tpu.memory_space<vmem_shared>> -> memref<10240x128xf32, #tpu.memory_space<vmem_shared>>
        tpu.enqueue_indirect_dma source(%dma_start3A_329 : memref<128x128xf32, #tpu.memory_space<vmem>>) target(%dma_start3A_335 : memref<10240x128xf32, #tpu.memory_space<vmem_shared>>) offsets(%dma_start3A_332 : memref<128xi32, #tpu.memory_space<vmem>>) semaphore(%run_scoped3A_325 : memref<!tpu.dma_semaphore, #tpu.memory_space<semaphore_mem>>) {add = true}
        %dma_wait3A_336 = arith.constant 0 : i32
        %dma_wait3A_337 = arith.constant 0 : i32
        %dma_wait3A_338 = tpu.memref_slice %arg10[%run_scoped3A_236, %dma_wait3A_336, %dma_wait3A_337] : memref<2x128x128xf32, #tpu.memory_space<vmem>> -> memref<1x128x128xf32, #tpu.memory_space<vmem>>
        %dma_wait3A_339 = tpu.memref_squeeze %dma_wait3A_338 : memref<1x128x128xf32, #tpu.memory_space<vmem>> -> memref<128x128xf32, #tpu.memory_space<vmem>>
        %dma_wait3A_340 = arith.constant 0 : i32
        %dma_wait3A_341 = tpu.memref_slice %arg9[%rem3A_112, %run_scoped3A_237, %dma_wait3A_340] : memref<2x8x128xi32, #tpu.memory_space<vmem>> -> memref<1x1x128xi32, #tpu.memory_space<vmem>>
        %dma_wait3A_342 = tpu.memref_squeeze %dma_wait3A_341 : memref<1x1x128xi32, #tpu.memory_space<vmem>> -> memref<128xi32, #tpu.memory_space<vmem>>
        %dma_wait3A_343 = arith.constant 0 : i32
        %dma_wait3A_344 = arith.constant 0 : i32
        %dma_wait3A_345 = tpu.memref_slice %arg7[%dma_wait3A_343, %dma_wait3A_344] : memref<10240x128xf32, #tpu.memory_space<vmem_shared>> -> memref<10240x128xf32, #tpu.memory_space<vmem_shared>>
        tpu.wait_indirect_dma semaphore(%run_scoped3A_325 : memref<!tpu.dma_semaphore, #tpu.memory_space<semaphore_mem>>) src(%dma_wait3A_339 : memref<128x128xf32, #tpu.memory_space<vmem>>) dst(%dma_wait3A_345 : memref<10240x128xf32, #tpu.memory_space<vmem_shared>>)
        tpu.yield
      }) : () -> ()
      %dma_start3A_238 = arith.constant 6 : i32
      %dma_start3A_239 = arith.constant 0 : i32
      %dma_start3A_240 = arith.constant 0 : i32
      %dma_start3A_241 = arith.constant 0 : i32
      %dma_start3A_242 = tpu.memref_slice %arg10[%dma_start3A_239, %dma_start3A_240, %dma_start3A_241] : memref<2x128x128xf32, #tpu.memory_space<vmem>> -> memref<1x128x128xf32, #tpu.memory_space<vmem>>
      %dma_start3A_243 = tpu.memref_squeeze %dma_start3A_242 : memref<1x128x128xf32, #tpu.memory_space<vmem>> -> memref<128x128xf32, #tpu.memory_space<vmem>>
      %dma_start3A_244 = arith.constant 0 : i32
      %dma_start3A_245 = tpu.memref_slice %arg8[%rem3A_112, %dma_start3A_238, %dma_start3A_244] : memref<2x8x128xi32, #tpu.memory_space<vmem>> -> memref<1x1x128xi32, #tpu.memory_space<vmem>>
      %dma_start3A_246 = tpu.memref_squeeze %dma_start3A_245 : memref<1x1x128xi32, #tpu.memory_space<vmem>> -> memref<128xi32, #tpu.memory_space<vmem>>
      %dma_start3A_247 = arith.constant 0 : i32
      %dma_start3A_248 = arith.constant 0 : i32
      %dma_start3A_249 = tpu.memref_slice %arg2[%dma_start3A_247, %dma_start3A_248] : memref<20480x128xf32, #tpu.memory_space<hbm>> -> memref<20480x128xf32, #tpu.memory_space<hbm>>
      tpu.enqueue_indirect_dma source(%dma_start3A_249 : memref<20480x128xf32, #tpu.memory_space<hbm>>) target(%dma_start3A_243 : memref<128x128xf32, #tpu.memory_space<vmem>>) offsets(%dma_start3A_246 : memref<128xi32, #tpu.memory_space<vmem>>) semaphore(%arg11 : memref<!tpu.dma_semaphore, #tpu.memory_space<semaphore_mem>>)
      %dma_wait3A_250 = arith.constant 5 : i32
      %dma_wait3A_251 = arith.constant 1 : i32
      %dma_wait3A_252 = arith.constant 0 : i32
      %dma_wait3A_253 = arith.constant 0 : i32
      %dma_wait3A_254 = tpu.memref_slice %arg10[%dma_wait3A_251, %dma_wait3A_252, %dma_wait3A_253] : memref<2x128x128xf32, #tpu.memory_space<vmem>> -> memref<1x128x128xf32, #tpu.memory_space<vmem>>
      %dma_wait3A_255 = tpu.memref_squeeze %dma_wait3A_254 : memref<1x128x128xf32, #tpu.memory_space<vmem>> -> memref<128x128xf32, #tpu.memory_space<vmem>>
      %dma_wait3A_256 = arith.constant 0 : i32
      %dma_wait3A_257 = tpu.memref_slice %arg8[%rem3A_112, %dma_wait3A_250, %dma_wait3A_256] : memref<2x8x128xi32, #tpu.memory_space<vmem>> -> memref<1x1x128xi32, #tpu.memory_space<vmem>>
      %dma_wait3A_258 = tpu.memref_squeeze %dma_wait3A_257 : memref<1x1x128xi32, #tpu.memory_space<vmem>> -> memref<128xi32, #tpu.memory_space<vmem>>
      %dma_wait3A_259 = arith.constant 0 : i32
      %dma_wait3A_260 = arith.constant 0 : i32
      %dma_wait3A_261 = tpu.memref_slice %arg2[%dma_wait3A_259, %dma_wait3A_260] : memref<20480x128xf32, #tpu.memory_space<hbm>> -> memref<20480x128xf32, #tpu.memory_space<hbm>>
      tpu.wait_indirect_dma semaphore(%arg12 : memref<!tpu.dma_semaphore, #tpu.memory_space<semaphore_mem>>) src(%dma_wait3A_261 : memref<20480x128xf32, #tpu.memory_space<hbm>>) dst(%dma_wait3A_255 : memref<128x128xf32, #tpu.memory_space<vmem>>)
      %run_scoped3A_262 = arith.constant 1 : i32
      %run_scoped3A_263 = arith.constant 5 : i32
      "tpu.region"() ({
        %run_scoped3A_325 = tpu.sem_alloc : memref<!tpu.dma_semaphore, #tpu.memory_space<semaphore_mem>>
        %dma_start3A_326 = arith.constant 0 : i32
        %dma_start3A_327 = arith.constant 0 : i32
        %dma_start3A_328 = tpu.memref_slice %arg10[%run_scoped3A_262, %dma_start3A_326, %dma_start3A_327] : memref<2x128x128xf32, #tpu.memory_space<vmem>> -> memref<1x128x128xf32, #tpu.memory_space<vmem>>
        %dma_start3A_329 = tpu.memref_squeeze %dma_start3A_328 : memref<1x128x128xf32, #tpu.memory_space<vmem>> -> memref<128x128xf32, #tpu.memory_space<vmem>>
        %dma_start3A_330 = arith.constant 0 : i32
        %dma_start3A_331 = tpu.memref_slice %arg9[%rem3A_112, %run_scoped3A_263, %dma_start3A_330] : memref<2x8x128xi32, #tpu.memory_space<vmem>> -> memref<1x1x128xi32, #tpu.memory_space<vmem>>
        %dma_start3A_332 = tpu.memref_squeeze %dma_start3A_331 : memref<1x1x128xi32, #tpu.memory_space<vmem>> -> memref<128xi32, #tpu.memory_space<vmem>>
        %dma_start3A_333 = arith.constant 0 : i32
        %dma_start3A_334 = arith.constant 0 : i32
        %dma_start3A_335 = tpu.memref_slice %arg7[%dma_start3A_333, %dma_start3A_334] : memref<10240x128xf32, #tpu.memory_space<vmem_shared>> -> memref<10240x128xf32, #tpu.memory_space<vmem_shared>>
        tpu.enqueue_indirect_dma source(%dma_start3A_329 : memref<128x128xf32, #tpu.memory_space<vmem>>) target(%dma_start3A_335 : memref<10240x128xf32, #tpu.memory_space<vmem_shared>>) offsets(%dma_start3A_332 : memref<128xi32, #tpu.memory_space<vmem>>) semaphore(%run_scoped3A_325 : memref<!tpu.dma_semaphore, #tpu.memory_space<semaphore_mem>>) {add = true}
        %dma_wait3A_336 = arith.constant 0 : i32
        %dma_wait3A_337 = arith.constant 0 : i32
        %dma_wait3A_338 = tpu.memref_slice %arg10[%run_scoped3A_262, %dma_wait3A_336, %dma_wait3A_337] : memref<2x128x128xf32, #tpu.memory_space<vmem>> -> memref<1x128x128xf32, #tpu.memory_space<vmem>>
        %dma_wait3A_339 = tpu.memref_squeeze %dma_wait3A_338 : memref<1x128x128xf32, #tpu.memory_space<vmem>> -> memref<128x128xf32, #tpu.memory_space<vmem>>
        %dma_wait3A_340 = arith.constant 0 : i32
        %dma_wait3A_341 = tpu.memref_slice %arg9[%rem3A_112, %run_scoped3A_263, %dma_wait3A_340] : memref<2x8x128xi32, #tpu.memory_space<vmem>> -> memref<1x1x128xi32, #tpu.memory_space<vmem>>
        %dma_wait3A_342 = tpu.memref_squeeze %dma_wait3A_341 : memref<1x1x128xi32, #tpu.memory_space<vmem>> -> memref<128xi32, #tpu.memory_space<vmem>>
        %dma_wait3A_343 = arith.constant 0 : i32
        %dma_wait3A_344 = arith.constant 0 : i32
        %dma_wait3A_345 = tpu.memref_slice %arg7[%dma_wait3A_343, %dma_wait3A_344] : memref<10240x128xf32, #tpu.memory_space<vmem_shared>> -> memref<10240x128xf32, #tpu.memory_space<vmem_shared>>
        tpu.wait_indirect_dma semaphore(%run_scoped3A_325 : memref<!tpu.dma_semaphore, #tpu.memory_space<semaphore_mem>>) src(%dma_wait3A_339 : memref<128x128xf32, #tpu.memory_space<vmem>>) dst(%dma_wait3A_345 : memref<10240x128xf32, #tpu.memory_space<vmem_shared>>)
        tpu.yield
      }) : () -> ()
      %dma_start3A_264 = arith.constant 7 : i32
      %dma_start3A_265 = arith.constant 1 : i32
      %dma_start3A_266 = arith.constant 0 : i32
      %dma_start3A_267 = arith.constant 0 : i32
      %dma_start3A_268 = tpu.memref_slice %arg10[%dma_start3A_265, %dma_start3A_266, %dma_start3A_267] : memref<2x128x128xf32, #tpu.memory_space<vmem>> -> memref<1x128x128xf32, #tpu.memory_space<vmem>>
      %dma_start3A_269 = tpu.memref_squeeze %dma_start3A_268 : memref<1x128x128xf32, #tpu.memory_space<vmem>> -> memref<128x128xf32, #tpu.memory_space<vmem>>
      %dma_start3A_270 = arith.constant 0 : i32
      %dma_start3A_271 = tpu.memref_slice %arg8[%rem3A_112, %dma_start3A_264, %dma_start3A_270] : memref<2x8x128xi32, #tpu.memory_space<vmem>> -> memref<1x1x128xi32, #tpu.memory_space<vmem>>
      %dma_start3A_272 = tpu.memref_squeeze %dma_start3A_271 : memref<1x1x128xi32, #tpu.memory_space<vmem>> -> memref<128xi32, #tpu.memory_space<vmem>>
      %dma_start3A_273 = arith.constant 0 : i32
      %dma_start3A_274 = arith.constant 0 : i32
      %dma_start3A_275 = tpu.memref_slice %arg2[%dma_start3A_273, %dma_start3A_274] : memref<20480x128xf32, #tpu.memory_space<hbm>> -> memref<20480x128xf32, #tpu.memory_space<hbm>>
      tpu.enqueue_indirect_dma source(%dma_start3A_275 : memref<20480x128xf32, #tpu.memory_space<hbm>>) target(%dma_start3A_269 : memref<128x128xf32, #tpu.memory_space<vmem>>) offsets(%dma_start3A_272 : memref<128xi32, #tpu.memory_space<vmem>>) semaphore(%arg12 : memref<!tpu.dma_semaphore, #tpu.memory_space<semaphore_mem>>)
      %dma_wait3A_276 = arith.constant 6 : i32
      %dma_wait3A_277 = arith.constant 0 : i32
      %dma_wait3A_278 = arith.constant 0 : i32
      %dma_wait3A_279 = arith.constant 0 : i32
      %dma_wait3A_280 = tpu.memref_slice %arg10[%dma_wait3A_277, %dma_wait3A_278, %dma_wait3A_279] : memref<2x128x128xf32, #tpu.memory_space<vmem>> -> memref<1x128x128xf32, #tpu.memory_space<vmem>>
      %dma_wait3A_281 = tpu.memref_squeeze %dma_wait3A_280 : memref<1x128x128xf32, #tpu.memory_space<vmem>> -> memref<128x128xf32, #tpu.memory_space<vmem>>
      %dma_wait3A_282 = arith.constant 0 : i32
      %dma_wait3A_283 = tpu.memref_slice %arg8[%rem3A_112, %dma_wait3A_276, %dma_wait3A_282] : memref<2x8x128xi32, #tpu.memory_space<vmem>> -> memref<1x1x128xi32, #tpu.memory_space<vmem>>
      %dma_wait3A_284 = tpu.memref_squeeze %dma_wait3A_283 : memref<1x1x128xi32, #tpu.memory_space<vmem>> -> memref<128xi32, #tpu.memory_space<vmem>>
      %dma_wait3A_285 = arith.constant 0 : i32
      %dma_wait3A_286 = arith.constant 0 : i32
      %dma_wait3A_287 = tpu.memref_slice %arg2[%dma_wait3A_285, %dma_wait3A_286] : memref<20480x128xf32, #tpu.memory_space<hbm>> -> memref<20480x128xf32, #tpu.memory_space<hbm>>
      tpu.wait_indirect_dma semaphore(%arg11 : memref<!tpu.dma_semaphore, #tpu.memory_space<semaphore_mem>>) src(%dma_wait3A_287 : memref<20480x128xf32, #tpu.memory_space<hbm>>) dst(%dma_wait3A_281 : memref<128x128xf32, #tpu.memory_space<vmem>>)
      %add3A_288 = arith.constant 1 : i32
      %add3A_289 = arith.addi %add3A_111, %add3A_288 : i32
      %lt3A_290 = arith.constant 20 : i32
      %lt3A_291 = arith.cmpi slt, %add3A_289, %lt3A_290 : i32
      %convert_element_type3A_292 = arith.extui %lt3A_291 : i1 to i32
      %cond3A_293 = arith.constant 0 : i32
      %cond3A_294 = arith.cmpi ne, %convert_element_type3A_292, %cond3A_293 : i32
      scf.if %cond3A_294 {
        %add3A_325 = arith.constant 1 : i32
        %add3A_326 = arith.addi %add3A_111, %add3A_325 : i32
        %mul3A_327 = arith.constant 8 : i32
        %mul3A_328 = arith.muli %add3A_326, %mul3A_327 : i32
        %dma_wait3A_329 = arith.constant 0 : i32
        %dma_wait3A_330 = arith.constant 0 : i32
        %dma_wait3A_331 = tpu.memref_slice %arg8[%rem3A_116, %dma_wait3A_329, %dma_wait3A_330] : memref<2x8x128xi32, #tpu.memory_space<vmem>> -> memref<1x8x128xi32, #tpu.memory_space<vmem>>
        %dma_wait3A_332 = tpu.memref_squeeze %dma_wait3A_331 : memref<1x8x128xi32, #tpu.memory_space<vmem>> -> memref<8x128xi32, #tpu.memory_space<vmem>>
        %dma_wait3A_333 = arith.constant 0 : i32
        %dma_wait3A_334 = tpu.memref_slice %arg3[%add3A, %mul3A_328, %dma_wait3A_333] : memref<32x160x128xi32, #tpu.memory_space<hbm>> -> memref<1x8x128xi32, #tpu.memory_space<hbm>>
        %dma_wait3A_335 = tpu.memref_squeeze %dma_wait3A_334 : memref<1x8x128xi32, #tpu.memory_space<hbm>> -> memref<8x128xi32, #tpu.memory_space<hbm>>
        %dma_wait3A_336 = arith.constant 0 : i32
        %dma_wait3A_337 = arith.constant 0 : i32
        %dma_wait3A_338 = tpu.memref_slice %arg8[%rem3A_116, %dma_wait3A_336, %dma_wait3A_337] : memref<2x8x128xi32, #tpu.memory_space<vmem>> -> memref<1x8x128xi32, #tpu.memory_space<vmem>>
        %dma_wait3A_339 = tpu.memref_squeeze %dma_wait3A_338 : memref<1x8x128xi32, #tpu.memory_space<vmem>> -> memref<8x128xi32, #tpu.memory_space<vmem>>
        %dma_wait3A_340 = arith.constant 0 : i32
        %dma_wait3A_341 = tpu.memref_slice %arg3[%add3A, %mul3A_328, %dma_wait3A_340] : memref<32x160x128xi32, #tpu.memory_space<hbm>> -> memref<1x8x128xi32, #tpu.memory_space<hbm>>
        %dma_wait3A_342 = tpu.memref_squeeze %dma_wait3A_341 : memref<1x8x128xi32, #tpu.memory_space<hbm>> -> memref<8x128xi32, #tpu.memory_space<hbm>>
        tpu.wait_dma2 semaphore(%arg13 : memref<!tpu.dma_semaphore, #tpu.memory_space<semaphore_mem>>) src(%dma_wait3A_342 : memref<8x128xi32, #tpu.memory_space<hbm>>) dst(%dma_wait3A_339 : memref<8x128xi32, #tpu.memory_space<vmem>>)
        %add3A_343 = arith.constant 1 : i32
        %add3A_344 = arith.addi %add3A_111, %add3A_343 : i32
        %mul3A_345 = arith.constant 8 : i32
        %mul3A_346 = arith.muli %add3A_344, %mul3A_345 : i32
        %dma_wait3A_347 = arith.constant 0 : i32
        %dma_wait3A_348 = arith.constant 0 : i32
        %dma_wait3A_349 = tpu.memref_slice %arg9[%rem3A_116, %dma_wait3A_347, %dma_wait3A_348] : memref<2x8x128xi32, #tpu.memory_space<vmem>> -> memref<1x8x128xi32, #tpu.memory_space<vmem>>
        %dma_wait3A_350 = tpu.memref_squeeze %dma_wait3A_349 : memref<1x8x128xi32, #tpu.memory_space<vmem>> -> memref<8x128xi32, #tpu.memory_space<vmem>>
        %dma_wait3A_351 = arith.constant 0 : i32
        %dma_wait3A_352 = tpu.memref_slice %arg4[%add3A, %mul3A_346, %dma_wait3A_351] : memref<32x160x128xi32, #tpu.memory_space<hbm>> -> memref<1x8x128xi32, #tpu.memory_space<hbm>>
        %dma_wait3A_353 = tpu.memref_squeeze %dma_wait3A_352 : memref<1x8x128xi32, #tpu.memory_space<hbm>> -> memref<8x128xi32, #tpu.memory_space<hbm>>
        %dma_wait3A_354 = arith.constant 0 : i32
        %dma_wait3A_355 = arith.constant 0 : i32
        %dma_wait3A_356 = tpu.memref_slice %arg9[%rem3A_116, %dma_wait3A_354, %dma_wait3A_355] : memref<2x8x128xi32, #tpu.memory_space<vmem>> -> memref<1x8x128xi32, #tpu.memory_space<vmem>>
        %dma_wait3A_357 = tpu.memref_squeeze %dma_wait3A_356 : memref<1x8x128xi32, #tpu.memory_space<vmem>> -> memref<8x128xi32, #tpu.memory_space<vmem>>
        %dma_wait3A_358 = arith.constant 0 : i32
        %dma_wait3A_359 = tpu.memref_slice %arg4[%add3A, %mul3A_346, %dma_wait3A_358] : memref<32x160x128xi32, #tpu.memory_space<hbm>> -> memref<1x8x128xi32, #tpu.memory_space<hbm>>
        %dma_wait3A_360 = tpu.memref_squeeze %dma_wait3A_359 : memref<1x8x128xi32, #tpu.memory_space<hbm>> -> memref<8x128xi32, #tpu.memory_space<hbm>>
        tpu.wait_dma2 semaphore(%arg13 : memref<!tpu.dma_semaphore, #tpu.memory_space<semaphore_mem>>) src(%dma_wait3A_360 : memref<8x128xi32, #tpu.memory_space<hbm>>) dst(%dma_wait3A_357 : memref<8x128xi32, #tpu.memory_space<vmem>>)
      } else {
      }
      %run_scoped3A_295 = arith.constant 0 : i32
      %run_scoped3A_296 = arith.constant 6 : i32
      "tpu.region"() ({
        %run_scoped3A_325 = tpu.sem_alloc : memref<!tpu.dma_semaphore, #tpu.memory_space<semaphore_mem>>
        %dma_start3A_326 = arith.constant 0 : i32
        %dma_start3A_327 = arith.constant 0 : i32
        %dma_start3A_328 = tpu.memref_slice %arg10[%run_scoped3A_295, %dma_start3A_326, %dma_start3A_327] : memref<2x128x128xf32, #tpu.memory_space<vmem>> -> memref<1x128x128xf32, #tpu.memory_space<vmem>>
        %dma_start3A_329 = tpu.memref_squeeze %dma_start3A_328 : memref<1x128x128xf32, #tpu.memory_space<vmem>> -> memref<128x128xf32, #tpu.memory_space<vmem>>
        %dma_start3A_330 = arith.constant 0 : i32
        %dma_start3A_331 = tpu.memref_slice %arg9[%rem3A_112, %run_scoped3A_296, %dma_start3A_330] : memref<2x8x128xi32, #tpu.memory_space<vmem>> -> memref<1x1x128xi32, #tpu.memory_space<vmem>>
        %dma_start3A_332 = tpu.memref_squeeze %dma_start3A_331 : memref<1x1x128xi32, #tpu.memory_space<vmem>> -> memref<128xi32, #tpu.memory_space<vmem>>
        %dma_start3A_333 = arith.constant 0 : i32
        %dma_start3A_334 = arith.constant 0 : i32
        %dma_start3A_335 = tpu.memref_slice %arg7[%dma_start3A_333, %dma_start3A_334] : memref<10240x128xf32, #tpu.memory_space<vmem_shared>> -> memref<10240x128xf32, #tpu.memory_space<vmem_shared>>
        tpu.enqueue_indirect_dma source(%dma_start3A_329 : memref<128x128xf32, #tpu.memory_space<vmem>>) target(%dma_start3A_335 : memref<10240x128xf32, #tpu.memory_space<vmem_shared>>) offsets(%dma_start3A_332 : memref<128xi32, #tpu.memory_space<vmem>>) semaphore(%run_scoped3A_325 : memref<!tpu.dma_semaphore, #tpu.memory_space<semaphore_mem>>) {add = true}
        %dma_wait3A_336 = arith.constant 0 : i32
        %dma_wait3A_337 = arith.constant 0 : i32
        %dma_wait3A_338 = tpu.memref_slice %arg10[%run_scoped3A_295, %dma_wait3A_336, %dma_wait3A_337] : memref<2x128x128xf32, #tpu.memory_space<vmem>> -> memref<1x128x128xf32, #tpu.memory_space<vmem>>
        %dma_wait3A_339 = tpu.memref_squeeze %dma_wait3A_338 : memref<1x128x128xf32, #tpu.memory_space<vmem>> -> memref<128x128xf32, #tpu.memory_space<vmem>>
        %dma_wait3A_340 = arith.constant 0 : i32
        %dma_wait3A_341 = tpu.memref_slice %arg9[%rem3A_112, %run_scoped3A_296, %dma_wait3A_340] : memref<2x8x128xi32, #tpu.memory_space<vmem>> -> memref<1x1x128xi32, #tpu.memory_space<vmem>>
        %dma_wait3A_342 = tpu.memref_squeeze %dma_wait3A_341 : memref<1x1x128xi32, #tpu.memory_space<vmem>> -> memref<128xi32, #tpu.memory_space<vmem>>
        %dma_wait3A_343 = arith.constant 0 : i32
        %dma_wait3A_344 = arith.constant 0 : i32
        %dma_wait3A_345 = tpu.memref_slice %arg7[%dma_wait3A_343, %dma_wait3A_344] : memref<10240x128xf32, #tpu.memory_space<vmem_shared>> -> memref<10240x128xf32, #tpu.memory_space<vmem_shared>>
        tpu.wait_indirect_dma semaphore(%run_scoped3A_325 : memref<!tpu.dma_semaphore, #tpu.memory_space<semaphore_mem>>) src(%dma_wait3A_339 : memref<128x128xf32, #tpu.memory_space<vmem>>) dst(%dma_wait3A_345 : memref<10240x128xf32, #tpu.memory_space<vmem_shared>>)
        tpu.yield
      }) : () -> ()
      %add3A_297 = arith.constant 1 : i32
      %add3A_298 = arith.addi %add3A_111, %add3A_297 : i32
      %lt3A_299 = arith.constant 20 : i32
      %lt3A_300 = arith.cmpi slt, %add3A_298, %lt3A_299 : i32
      %convert_element_type3A_301 = arith.extui %lt3A_300 : i1 to i32
      %cond3A_302 = arith.constant 0 : i32
      %cond3A_303 = arith.cmpi ne, %convert_element_type3A_301, %cond3A_302 : i32
      scf.if %cond3A_303 {
        %dma_start3A_325 = arith.constant 0 : i32
        %dma_start3A_326 = arith.constant 0 : i32
        %dma_start3A_327 = arith.constant 0 : i32
        %dma_start3A_328 = arith.constant 0 : i32
        %dma_start3A_329 = tpu.memref_slice %arg10[%dma_start3A_326, %dma_start3A_327, %dma_start3A_328] : memref<2x128x128xf32, #tpu.memory_space<vmem>> -> memref<1x128x128xf32, #tpu.memory_space<vmem>>
        %dma_start3A_330 = tpu.memref_squeeze %dma_start3A_329 : memref<1x128x128xf32, #tpu.memory_space<vmem>> -> memref<128x128xf32, #tpu.memory_space<vmem>>
        %dma_start3A_331 = arith.constant 0 : i32
        %dma_start3A_332 = tpu.memref_slice %arg8[%rem3A_116, %dma_start3A_325, %dma_start3A_331] : memref<2x8x128xi32, #tpu.memory_space<vmem>> -> memref<1x1x128xi32, #tpu.memory_space<vmem>>
        %dma_start3A_333 = tpu.memref_squeeze %dma_start3A_332 : memref<1x1x128xi32, #tpu.memory_space<vmem>> -> memref<128xi32, #tpu.memory_space<vmem>>
        %dma_start3A_334 = arith.constant 0 : i32
        %dma_start3A_335 = arith.constant 0 : i32
        %dma_start3A_336 = tpu.memref_slice %arg2[%dma_start3A_334, %dma_start3A_335] : memref<20480x128xf32, #tpu.memory_space<hbm>> -> memref<20480x128xf32, #tpu.memory_space<hbm>>
        tpu.enqueue_indirect_dma source(%dma_start3A_336 : memref<20480x128xf32, #tpu.memory_space<hbm>>) target(%dma_start3A_330 : memref<128x128xf32, #tpu.memory_space<vmem>>) offsets(%dma_start3A_333 : memref<128xi32, #tpu.memory_space<vmem>>) semaphore(%arg11 : memref<!tpu.dma_semaphore, #tpu.memory_space<semaphore_mem>>)
      } else {
      }
      %dma_wait3A_304 = arith.constant 7 : i32
      %dma_wait3A_305 = arith.constant 1 : i32
      %dma_wait3A_306 = arith.constant 0 : i32
      %dma_wait3A_307 = arith.constant 0 : i32
      %dma_wait3A_308 = tpu.memref_slice %arg10[%dma_wait3A_305, %dma_wait3A_306, %dma_wait3A_307] : memref<2x128x128xf32, #tpu.memory_space<vmem>> -> memref<1x128x128xf32, #tpu.memory_space<vmem>>
      %dma_wait3A_309 = tpu.memref_squeeze %dma_wait3A_308 : memref<1x128x128xf32, #tpu.memory_space<vmem>> -> memref<128x128xf32, #tpu.memory_space<vmem>>
      %dma_wait3A_310 = arith.constant 0 : i32
      %dma_wait3A_311 = tpu.memref_slice %arg8[%rem3A_112, %dma_wait3A_304, %dma_wait3A_310] : memref<2x8x128xi32, #tpu.memory_space<vmem>> -> memref<1x1x128xi32, #tpu.memory_space<vmem>>
      %dma_wait3A_312 = tpu.memref_squeeze %dma_wait3A_311 : memref<1x1x128xi32, #tpu.memory_space<vmem>> -> memref<128xi32, #tpu.memory_space<vmem>>
      %dma_wait3A_313 = arith.constant 0 : i32
      %dma_wait3A_314 = arith.constant 0 : i32
      %dma_wait3A_315 = tpu.memref_slice %arg2[%dma_wait3A_313, %dma_wait3A_314] : memref<20480x128xf32, #tpu.memory_space<hbm>> -> memref<20480x128xf32, #tpu.memory_space<hbm>>
      tpu.wait_indirect_dma semaphore(%arg12 : memref<!tpu.dma_semaphore, #tpu.memory_space<semaphore_mem>>) src(%dma_wait3A_315 : memref<20480x128xf32, #tpu.memory_space<hbm>>) dst(%dma_wait3A_309 : memref<128x128xf32, #tpu.memory_space<vmem>>)
      %run_scoped3A_316 = arith.constant 1 : i32
      %run_scoped3A_317 = arith.constant 7 : i32
      "tpu.region"() ({
        %run_scoped3A_325 = tpu.sem_alloc : memref<!tpu.dma_semaphore, #tpu.memory_space<semaphore_mem>>
        %dma_start3A_326 = arith.constant 0 : i32
        %dma_start3A_327 = arith.constant 0 : i32
        %dma_start3A_328 = tpu.memref_slice %arg10[%run_scoped3A_316, %dma_start3A_326, %dma_start3A_327] : memref<2x128x128xf32, #tpu.memory_space<vmem>> -> memref<1x128x128xf32, #tpu.memory_space<vmem>>
        %dma_start3A_329 = tpu.memref_squeeze %dma_start3A_328 : memref<1x128x128xf32, #tpu.memory_space<vmem>> -> memref<128x128xf32, #tpu.memory_space<vmem>>
        %dma_start3A_330 = arith.constant 0 : i32
        %dma_start3A_331 = tpu.memref_slice %arg9[%rem3A_112, %run_scoped3A_317, %dma_start3A_330] : memref<2x8x128xi32, #tpu.memory_space<vmem>> -> memref<1x1x128xi32, #tpu.memory_space<vmem>>
        %dma_start3A_332 = tpu.memref_squeeze %dma_start3A_331 : memref<1x1x128xi32, #tpu.memory_space<vmem>> -> memref<128xi32, #tpu.memory_space<vmem>>
        %dma_start3A_333 = arith.constant 0 : i32
        %dma_start3A_334 = arith.constant 0 : i32
        %dma_start3A_335 = tpu.memref_slice %arg7[%dma_start3A_333, %dma_start3A_334] : memref<10240x128xf32, #tpu.memory_space<vmem_shared>> -> memref<10240x128xf32, #tpu.memory_space<vmem_shared>>
        tpu.enqueue_indirect_dma source(%dma_start3A_329 : memref<128x128xf32, #tpu.memory_space<vmem>>) target(%dma_start3A_335 : memref<10240x128xf32, #tpu.memory_space<vmem_shared>>) offsets(%dma_start3A_332 : memref<128xi32, #tpu.memory_space<vmem>>) semaphore(%run_scoped3A_325 : memref<!tpu.dma_semaphore, #tpu.memory_space<semaphore_mem>>) {add = true}
        %dma_wait3A_336 = arith.constant 0 : i32
        %dma_wait3A_337 = arith.constant 0 : i32
        %dma_wait3A_338 = tpu.memref_slice %arg10[%run_scoped3A_316, %dma_wait3A_336, %dma_wait3A_337] : memref<2x128x128xf32, #tpu.memory_space<vmem>> -> memref<1x128x128xf32, #tpu.memory_space<vmem>>
        %dma_wait3A_339 = tpu.memref_squeeze %dma_wait3A_338 : memref<1x128x128xf32, #tpu.memory_space<vmem>> -> memref<128x128xf32, #tpu.memory_space<vmem>>
        %dma_wait3A_340 = arith.constant 0 : i32
        %dma_wait3A_341 = tpu.memref_slice %arg9[%rem3A_112, %run_scoped3A_317, %dma_wait3A_340] : memref<2x8x128xi32, #tpu.memory_space<vmem>> -> memref<1x1x128xi32, #tpu.memory_space<vmem>>
        %dma_wait3A_342 = tpu.memref_squeeze %dma_wait3A_341 : memref<1x1x128xi32, #tpu.memory_space<vmem>> -> memref<128xi32, #tpu.memory_space<vmem>>
        %dma_wait3A_343 = arith.constant 0 : i32
        %dma_wait3A_344 = arith.constant 0 : i32
        %dma_wait3A_345 = tpu.memref_slice %arg7[%dma_wait3A_343, %dma_wait3A_344] : memref<10240x128xf32, #tpu.memory_space<vmem_shared>> -> memref<10240x128xf32, #tpu.memory_space<vmem_shared>>
        tpu.wait_indirect_dma semaphore(%run_scoped3A_325 : memref<!tpu.dma_semaphore, #tpu.memory_space<semaphore_mem>>) src(%dma_wait3A_339 : memref<128x128xf32, #tpu.memory_space<vmem>>) dst(%dma_wait3A_345 : memref<10240x128xf32, #tpu.memory_space<vmem_shared>>)
        tpu.yield
      }) : () -> ()
      %add3A_318 = arith.constant 1 : i32
      %add3A_319 = arith.addi %add3A_111, %add3A_318 : i32
      %lt3A_320 = arith.constant 20 : i32
      %lt3A_321 = arith.cmpi slt, %add3A_319, %lt3A_320 : i32
      %convert_element_type3A_322 = arith.extui %lt3A_321 : i1 to i32
      %cond3A_323 = arith.constant 0 : i32
      %cond3A_324 = arith.cmpi ne, %convert_element_type3A_322, %cond3A_323 : i32
      scf.if %cond3A_324 {
        %dma_start3A_325 = arith.constant 1 : i32
        %dma_start3A_326 = arith.constant 1 : i32
        %dma_start3A_327 = arith.constant 0 : i32
        %dma_start3A_328 = arith.constant 0 : i32
        %dma_start3A_329 = tpu.memref_slice %arg10[%dma_start3A_326, %dma_start3A_327, %dma_start3A_328] : memref<2x128x128xf32, #tpu.memory_space<vmem>> -> memref<1x128x128xf32, #tpu.memory_space<vmem>>
        %dma_start3A_330 = tpu.memref_squeeze %dma_start3A_329 : memref<1x128x128xf32, #tpu.memory_space<vmem>> -> memref<128x128xf32, #tpu.memory_space<vmem>>
        %dma_start3A_331 = arith.constant 0 : i32
        %dma_start3A_332 = tpu.memref_slice %arg8[%rem3A_116, %dma_start3A_325, %dma_start3A_331] : memref<2x8x128xi32, #tpu.memory_space<vmem>> -> memref<1x1x128xi32, #tpu.memory_space<vmem>>
        %dma_start3A_333 = tpu.memref_squeeze %dma_start3A_332 : memref<1x1x128xi32, #tpu.memory_space<vmem>> -> memref<128xi32, #tpu.memory_space<vmem>>
        %dma_start3A_334 = arith.constant 0 : i32
        %dma_start3A_335 = arith.constant 0 : i32
        %dma_start3A_336 = tpu.memref_slice %arg2[%dma_start3A_334, %dma_start3A_335] : memref<20480x128xf32, #tpu.memory_space<hbm>> -> memref<20480x128xf32, #tpu.memory_space<hbm>>
        tpu.enqueue_indirect_dma source(%dma_start3A_336 : memref<20480x128xf32, #tpu.memory_space<hbm>>) target(%dma_start3A_330 : memref<128x128xf32, #tpu.memory_space<vmem>>) offsets(%dma_start3A_333 : memref<128xi32, #tpu.memory_space<vmem>>) semaphore(%arg12 : memref<!tpu.dma_semaphore, #tpu.memory_space<semaphore_mem>>)
      } else {
      }
    }
    %scan3A_98 = arith.constant 20 : i32
    %barrier3A_99 = arith.constant 0 : index
    tpu.barrier barrier_id(%barrier3A_99)
    %mul3A_100 = arith.constant 640 : i32
    %mul3A_101 = arith.muli %arg1, %mul3A_100 : i32
    %mul3A_102 = arith.constant 10240 : i32
    %mul3A_103 = arith.muli %arg0, %mul3A_102 : i32
    %mul3A_104 = arith.constant 640 : i32
    %mul3A_105 = arith.muli %arg1, %mul3A_104 : i32
    %add3A_106 = arith.addi %mul3A_103, %mul3A_105 : i32
    "tpu.region"() ({
      %run_scoped3A = tpu.sem_alloc : memref<!tpu.dma_semaphore, #tpu.memory_space<semaphore_mem>>
      %dma_start3A_107 = arith.constant 0 : i32
      %dma_start3A_108 = tpu.memref_slice %arg6[%add3A_106, %dma_start3A_107] : memref<20480x128xf32, #tpu.memory_space<hbm>> -> memref<640x128xf32, #tpu.memory_space<hbm>>
      %dma_start3A_109 = arith.constant 0 : i32
      %dma_start3A_110 = tpu.memref_slice %arg7[%mul3A_101, %dma_start3A_109] : memref<10240x128xf32, #tpu.memory_space<vmem_shared>> -> memref<640x128xf32, #tpu.memory_space<vmem_shared>>
      tpu.enqueue_dma source(%dma_start3A_110 : memref<640x128xf32, #tpu.memory_space<vmem_shared>>) target(%dma_start3A_108 : memref<640x128xf32, #tpu.memory_space<hbm>>) target_semaphore(%run_scoped3A : memref<!tpu.dma_semaphore, #tpu.memory_space<semaphore_mem>>)
      %dma_wait3A_111 = arith.constant 0 : i32
      %dma_wait3A_112 = tpu.memref_slice %arg6[%add3A_106, %dma_wait3A_111] : memref<20480x128xf32, #tpu.memory_space<hbm>> -> memref<640x128xf32, #tpu.memory_space<hbm>>
      %dma_wait3A_113 = arith.constant 0 : i32
      %dma_wait3A_114 = tpu.memref_slice %arg7[%mul3A_101, %dma_wait3A_113] : memref<10240x128xf32, #tpu.memory_space<vmem_shared>> -> memref<640x128xf32, #tpu.memory_space<vmem_shared>>
      tpu.wait_dma2 semaphore(%run_scoped3A : memref<!tpu.dma_semaphore, #tpu.memory_space<semaphore_mem>>) src(%dma_wait3A_114 : memref<640x128xf32, #tpu.memory_space<vmem_shared>>) dst(%dma_wait3A_112 : memref<640x128xf32, #tpu.memory_space<hbm>>)
      tpu.yield
    }) : () -> ()
    return
  }
}

#map = affine_map<(d0, d1) -> (0, 0)>
#map1 = affine_map<(d0, d1) -> (0)>
module attributes {stable_mosaic.version = 14 : i64} {
  func.func @_deg_body(%arg0: i32, %arg1: i32, %arg2: memref<32x20480xi32, #tpu.memory_space<hbm>>, %arg3: memref<32x20480xi32, #tpu.memory_space<hbm>>, %arg4: memref<10240xf32, #tpu.memory_space<hbm>>, %arg5: memref<163840xf32, #tpu.memory_space<hbm>>, %arg6: memref<16x10240xf32, #tpu.memory_space<vmem_shared>>, %arg7: memref<16x10240xf32, #tpu.memory_space<vmem_shared>>, %arg8: memref<20480xi32, #tpu.memory_space<vmem>>, %arg9: memref<20480xi32, #tpu.memory_space<vmem>>, %arg10: memref<10240xf32, #tpu.memory_space<vmem>>, %arg11: memref<10240xf32, #tpu.memory_space<vmem>>, %arg12: memref<10240xf32, #tpu.memory_space<vmem>>, %arg13: memref<10240xf32, #tpu.memory_space<vmem>>, %arg14: memref<5120xf32, #tpu.memory_space<vmem>>, %arg15: memref<!tpu.dma_semaphore, #tpu.memory_space<semaphore_mem>>) attributes {dimension_semantics = [#tpu.dimension_semantics<core_parallel>, #tpu.dimension_semantics<subcore_parallel>], iteration_bounds = array<i64: 2, 16>, scalar_prefetch = 0 : i64, scratch_operands = 10 : i64, tpu.core_type = #tpu.core_type<sc_vector_subcore>, window_params = [{transform_indices = #map}, {transform_indices = #map}, {transform_indices = #map1}, {transform_indices = #map1}]} {
    %mul3A = arith.constant 16 : i32
    %mul3A_0 = arith.muli %arg0, %mul3A : i32
    %add3A = arith.addi %mul3A_0, %arg1 : i32
    %dma_start3A = arith.constant 0 : i32
    %dma_start3A_1 = tpu.memref_slice %arg2[%add3A, %dma_start3A] : memref<32x20480xi32, #tpu.memory_space<hbm>> -> memref<1x20480xi32, #tpu.memory_space<hbm>>
    %dma_start3A_2 = tpu.memref_squeeze %dma_start3A_1 : memref<1x20480xi32, #tpu.memory_space<hbm>> -> memref<20480xi32, #tpu.memory_space<hbm>>
    %dma_start3A_3 = arith.constant 0 : i32
    %dma_start3A_4 = tpu.memref_slice %arg2[%add3A, %dma_start3A_3] : memref<32x20480xi32, #tpu.memory_space<hbm>> -> memref<1x20480xi32, #tpu.memory_space<hbm>>
    %dma_start3A_5 = tpu.memref_squeeze %dma_start3A_4 : memref<1x20480xi32, #tpu.memory_space<hbm>> -> memref<20480xi32, #tpu.memory_space<hbm>>
    tpu.enqueue_dma source(%dma_start3A_5 : memref<20480xi32, #tpu.memory_space<hbm>>) target(%arg8 : memref<20480xi32, #tpu.memory_space<vmem>>) target_semaphore(%arg15 : memref<!tpu.dma_semaphore, #tpu.memory_space<semaphore_mem>>)
    %dma_wait3A = arith.constant 0 : i32
    %dma_wait3A_6 = tpu.memref_slice %arg2[%add3A, %dma_wait3A] : memref<32x20480xi32, #tpu.memory_space<hbm>> -> memref<1x20480xi32, #tpu.memory_space<hbm>>
    %dma_wait3A_7 = tpu.memref_squeeze %dma_wait3A_6 : memref<1x20480xi32, #tpu.memory_space<hbm>> -> memref<20480xi32, #tpu.memory_space<hbm>>
    %dma_wait3A_8 = arith.constant 0 : i32
    %dma_wait3A_9 = tpu.memref_slice %arg2[%add3A, %dma_wait3A_8] : memref<32x20480xi32, #tpu.memory_space<hbm>> -> memref<1x20480xi32, #tpu.memory_space<hbm>>
    %dma_wait3A_10 = tpu.memref_squeeze %dma_wait3A_9 : memref<1x20480xi32, #tpu.memory_space<hbm>> -> memref<20480xi32, #tpu.memory_space<hbm>>
    tpu.wait_dma2 semaphore(%arg15 : memref<!tpu.dma_semaphore, #tpu.memory_space<semaphore_mem>>) src(%dma_wait3A_10 : memref<20480xi32, #tpu.memory_space<hbm>>) dst(%arg8 : memref<20480xi32, #tpu.memory_space<vmem>>)
    %dma_start3A_11 = arith.constant 0 : i32
    %dma_start3A_12 = tpu.memref_slice %arg3[%add3A, %dma_start3A_11] : memref<32x20480xi32, #tpu.memory_space<hbm>> -> memref<1x20480xi32, #tpu.memory_space<hbm>>
    %dma_start3A_13 = tpu.memref_squeeze %dma_start3A_12 : memref<1x20480xi32, #tpu.memory_space<hbm>> -> memref<20480xi32, #tpu.memory_space<hbm>>
    %dma_start3A_14 = arith.constant 0 : i32
    %dma_start3A_15 = tpu.memref_slice %arg3[%add3A, %dma_start3A_14] : memref<32x20480xi32, #tpu.memory_space<hbm>> -> memref<1x20480xi32, #tpu.memory_space<hbm>>
    %dma_start3A_16 = tpu.memref_squeeze %dma_start3A_15 : memref<1x20480xi32, #tpu.memory_space<hbm>> -> memref<20480xi32, #tpu.memory_space<hbm>>
    tpu.enqueue_dma source(%dma_start3A_16 : memref<20480xi32, #tpu.memory_space<hbm>>) target(%arg9 : memref<20480xi32, #tpu.memory_space<vmem>>) target_semaphore(%arg15 : memref<!tpu.dma_semaphore, #tpu.memory_space<semaphore_mem>>)
    %dma_wait3A_17 = arith.constant 0 : i32
    %dma_wait3A_18 = tpu.memref_slice %arg3[%add3A, %dma_wait3A_17] : memref<32x20480xi32, #tpu.memory_space<hbm>> -> memref<1x20480xi32, #tpu.memory_space<hbm>>
    %dma_wait3A_19 = tpu.memref_squeeze %dma_wait3A_18 : memref<1x20480xi32, #tpu.memory_space<hbm>> -> memref<20480xi32, #tpu.memory_space<hbm>>
    %dma_wait3A_20 = arith.constant 0 : i32
    %dma_wait3A_21 = tpu.memref_slice %arg3[%add3A, %dma_wait3A_20] : memref<32x20480xi32, #tpu.memory_space<hbm>> -> memref<1x20480xi32, #tpu.memory_space<hbm>>
    %dma_wait3A_22 = tpu.memref_squeeze %dma_wait3A_21 : memref<1x20480xi32, #tpu.memory_space<hbm>> -> memref<20480xi32, #tpu.memory_space<hbm>>
    tpu.wait_dma2 semaphore(%arg15 : memref<!tpu.dma_semaphore, #tpu.memory_space<semaphore_mem>>) src(%dma_wait3A_22 : memref<20480xi32, #tpu.memory_space<hbm>>) dst(%arg9 : memref<20480xi32, #tpu.memory_space<vmem>>)
    "tpu.region"() ({
      %run_scoped3A = tpu.sem_alloc : memref<!tpu.dma_semaphore, #tpu.memory_space<semaphore_mem>>
      tpu.enqueue_dma source(%arg4 : memref<10240xf32, #tpu.memory_space<hbm>>) target(%arg10 : memref<10240xf32, #tpu.memory_space<vmem>>) target_semaphore(%run_scoped3A : memref<!tpu.dma_semaphore, #tpu.memory_space<semaphore_mem>>)
      tpu.wait_dma2 semaphore(%run_scoped3A : memref<!tpu.dma_semaphore, #tpu.memory_space<semaphore_mem>>) src(%arg4 : memref<10240xf32, #tpu.memory_space<hbm>>) dst(%arg10 : memref<10240xf32, #tpu.memory_space<vmem>>)
      tpu.yield
    }) : () -> ()
    "tpu.region"() ({
      %run_scoped3A = tpu.sem_alloc : memref<!tpu.dma_semaphore, #tpu.memory_space<semaphore_mem>>
      tpu.enqueue_dma source(%arg4 : memref<10240xf32, #tpu.memory_space<hbm>>) target(%arg11 : memref<10240xf32, #tpu.memory_space<vmem>>) target_semaphore(%run_scoped3A : memref<!tpu.dma_semaphore, #tpu.memory_space<semaphore_mem>>)
      tpu.wait_dma2 semaphore(%run_scoped3A : memref<!tpu.dma_semaphore, #tpu.memory_space<semaphore_mem>>) src(%arg4 : memref<10240xf32, #tpu.memory_space<hbm>>) dst(%arg11 : memref<10240xf32, #tpu.memory_space<vmem>>)
      tpu.yield
    }) : () -> ()
    %broadcast_in_dim3A = arith.constant 1.000000e+00 : f32
    %broadcast_in_dim3A_23 = vector.broadcast %broadcast_in_dim3A : f32 to vector<16xf32>
    %scan3A = arith.constant 0 : i32
    %scan3A_24 = arith.constant 320 : i32
    %scan3A_25 = arith.addi %scan3A, %scan3A_24 : i32
    %scan3A_26 = arith.constant 1 : i32
    scf.for %scan3A_45 = %scan3A to %scan3A_25 step %scan3A_26  : i32 {
      %mul3A_46 = arith.constant 1 : i32
      %mul3A_47 = arith.muli %scan3A_45, %mul3A_46 : i32
      %add3A_48 = arith.constant 0 : i32
      %add3A_49 = arith.addi %add3A_48, %mul3A_47 : i32
      %mul3A_50 = arith.constant 4 : i32
      %mul3A_51 = arith.muli %add3A_49, %mul3A_50 : i32
      %add3A_52 = arith.constant 0 : i32
      %add3A_53 = arith.addi %mul3A_51, %add3A_52 : i32
      %mul3A_54 = arith.constant 16 : i32
      %mul3A_55 = arith.muli %add3A_53, %mul3A_54 : i32
      %get3A = arith.index_cast %mul3A_55 : i32 to index
      %get3A_56 = tpu.vector_load %arg8[%get3A] {strides = array<i32>} : memref<20480xi32, #tpu.memory_space<vmem>>, vector<16xi32>,
      tpu.vector_store_idx %arg10[%get3A_56], %broadcast_in_dim3A_23 {add = true} : memref<10240xf32, #tpu.memory_space<vmem>>[vector<16xi32>], vector<16xf32>,
      %mul3A_57 = arith.constant 16 : i32
      %mul3A_58 = arith.muli %add3A_53, %mul3A_57 : i32
      %get3A_59 = arith.index_cast %mul3A_58 : i32 to index
      %get3A_60 = tpu.vector_load %arg9[%get3A_59] {strides = array<i32>} : memref<20480xi32, #tpu.memory_space<vmem>>, vector<16xi32>,
      tpu.vector_store_idx %arg11[%get3A_60], %broadcast_in_dim3A_23 {add = true} : memref<10240xf32, #tpu.memory_space<vmem>>[vector<16xi32>], vector<16xf32>,
      %mul3A_61 = arith.constant 4 : i32
      %mul3A_62 = arith.muli %add3A_49, %mul3A_61 : i32
      %add3A_63 = arith.constant 1 : i32
      %add3A_64 = arith.addi %mul3A_62, %add3A_63 : i32
      %mul3A_65 = arith.constant 16 : i32
      %mul3A_66 = arith.muli %add3A_64, %mul3A_65 : i32
      %get3A_67 = arith.index_cast %mul3A_66 : i32 to index
      %get3A_68 = tpu.vector_load %arg8[%get3A_67] {strides = array<i32>} : memref<20480xi32, #tpu.memory_space<vmem>>, vector<16xi32>,
      tpu.vector_store_idx %arg10[%get3A_68], %broadcast_in_dim3A_23 {add = true} : memref<10240xf32, #tpu.memory_space<vmem>>[vector<16xi32>], vector<16xf32>,
      %mul3A_69 = arith.constant 16 : i32
      %mul3A_70 = arith.muli %add3A_64, %mul3A_69 : i32
      %get3A_71 = arith.index_cast %mul3A_70 : i32 to index
      %get3A_72 = tpu.vector_load %arg9[%get3A_71] {strides = array<i32>} : memref<20480xi32, #tpu.memory_space<vmem>>, vector<16xi32>,
      tpu.vector_store_idx %arg11[%get3A_72], %broadcast_in_dim3A_23 {add = true} : memref<10240xf32, #tpu.memory_space<vmem>>[vector<16xi32>], vector<16xf32>,
      %mul3A_73 = arith.constant 4 : i32
      %mul3A_74 = arith.muli %add3A_49, %mul3A_73 : i32
      %add3A_75 = arith.constant 2 : i32
      %add3A_76 = arith.addi %mul3A_74, %add3A_75 : i32
      %mul3A_77 = arith.constant 16 : i32
      %mul3A_78 = arith.muli %add3A_76, %mul3A_77 : i32
      %get3A_79 = arith.index_cast %mul3A_78 : i32 to index
      %get3A_80 = tpu.vector_load %arg8[%get3A_79] {strides = array<i32>} : memref<20480xi32, #tpu.memory_space<vmem>>, vector<16xi32>,
      tpu.vector_store_idx %arg10[%get3A_80], %broadcast_in_dim3A_23 {add = true} : memref<10240xf32, #tpu.memory_space<vmem>>[vector<16xi32>], vector<16xf32>,
      %mul3A_81 = arith.constant 16 : i32
      %mul3A_82 = arith.muli %add3A_76, %mul3A_81 : i32
      %get3A_83 = arith.index_cast %mul3A_82 : i32 to index
      %get3A_84 = tpu.vector_load %arg9[%get3A_83] {strides = array<i32>} : memref<20480xi32, #tpu.memory_space<vmem>>, vector<16xi32>,
      tpu.vector_store_idx %arg11[%get3A_84], %broadcast_in_dim3A_23 {add = true} : memref<10240xf32, #tpu.memory_space<vmem>>[vector<16xi32>], vector<16xf32>,
      %mul3A_85 = arith.constant 4 : i32
      %mul3A_86 = arith.muli %add3A_49, %mul3A_85 : i32
      %add3A_87 = arith.constant 3 : i32
      %add3A_88 = arith.addi %mul3A_86, %add3A_87 : i32
      %mul3A_89 = arith.constant 16 : i32
      %mul3A_90 = arith.muli %add3A_88, %mul3A_89 : i32
      %get3A_91 = arith.index_cast %mul3A_90 : i32 to index
      %get3A_92 = tpu.vector_load %arg8[%get3A_91] {strides = array<i32>} : memref<20480xi32, #tpu.memory_space<vmem>>, vector<16xi32>,
      tpu.vector_store_idx %arg10[%get3A_92], %broadcast_in_dim3A_23 {add = true} : memref<10240xf32, #tpu.memory_space<vmem>>[vector<16xi32>], vector<16xf32>,
      %mul3A_93 = arith.constant 16 : i32
      %mul3A_94 = arith.muli %add3A_88, %mul3A_93 : i32
      %get3A_95 = arith.index_cast %mul3A_94 : i32 to index
      %get3A_96 = tpu.vector_load %arg9[%get3A_95] {strides = array<i32>} : memref<20480xi32, #tpu.memory_space<vmem>>, vector<16xi32>,
      tpu.vector_store_idx %arg11[%get3A_96], %broadcast_in_dim3A_23 {add = true} : memref<10240xf32, #tpu.memory_space<vmem>>[vector<16xi32>], vector<16xf32>,
    }
    %scan3A_27 = arith.constant 320 : i32
    "tpu.region"() ({
      %run_scoped3A = tpu.sem_alloc : memref<!tpu.dma_semaphore, #tpu.memory_space<semaphore_mem>>
      %dma_start3A_45 = arith.constant 0 : i32
      %dma_start3A_46 = tpu.memref_slice %arg6[%arg1, %dma_start3A_45] : memref<16x10240xf32, #tpu.memory_space<vmem_shared>> -> memref<1x10240xf32, #tpu.memory_space<vmem_shared>>
      %dma_start3A_47 = tpu.memref_squeeze %dma_start3A_46 : memref<1x10240xf32, #tpu.memory_space<vmem_shared>> -> memref<10240xf32, #tpu.memory_space<vmem_shared>>
      %dma_start3A_48 = arith.constant 0 : i32
      %dma_start3A_49 = tpu.memref_slice %arg6[%arg1, %dma_start3A_48] : memref<16x10240xf32, #tpu.memory_space<vmem_shared>> -> memref<1x10240xf32, #tpu.memory_space<vmem_shared>>
      %dma_start3A_50 = tpu.memref_squeeze %dma_start3A_49 : memref<1x10240xf32, #tpu.memory_space<vmem_shared>> -> memref<10240xf32, #tpu.memory_space<vmem_shared>>
      tpu.enqueue_dma source(%arg10 : memref<10240xf32, #tpu.memory_space<vmem>>) target(%dma_start3A_50 : memref<10240xf32, #tpu.memory_space<vmem_shared>>) target_semaphore(%run_scoped3A : memref<!tpu.dma_semaphore, #tpu.memory_space<semaphore_mem>>)
      %dma_wait3A_51 = arith.constant 0 : i32
      %dma_wait3A_52 = tpu.memref_slice %arg6[%arg1, %dma_wait3A_51] : memref<16x10240xf32, #tpu.memory_space<vmem_shared>> -> memref<1x10240xf32, #tpu.memory_space<vmem_shared>>
      %dma_wait3A_53 = tpu.memref_squeeze %dma_wait3A_52 : memref<1x10240xf32, #tpu.memory_space<vmem_shared>> -> memref<10240xf32, #tpu.memory_space<vmem_shared>>
      %dma_wait3A_54 = arith.constant 0 : i32
      %dma_wait3A_55 = tpu.memref_slice %arg6[%arg1, %dma_wait3A_54] : memref<16x10240xf32, #tpu.memory_space<vmem_shared>> -> memref<1x10240xf32, #tpu.memory_space<vmem_shared>>
      %dma_wait3A_56 = tpu.memref_squeeze %dma_wait3A_55 : memref<1x10240xf32, #tpu.memory_space<vmem_shared>> -> memref<10240xf32, #tpu.memory_space<vmem_shared>>
      tpu.wait_dma2 semaphore(%run_scoped3A : memref<!tpu.dma_semaphore, #tpu.memory_space<semaphore_mem>>) src(%arg10 : memref<10240xf32, #tpu.memory_space<vmem>>) dst(%dma_wait3A_56 : memref<10240xf32, #tpu.memory_space<vmem_shared>>)
      tpu.yield
    }) : () -> ()
    "tpu.region"() ({
      %run_scoped3A = tpu.sem_alloc : memref<!tpu.dma_semaphore, #tpu.memory_space<semaphore_mem>>
      %dma_start3A_45 = arith.constant 0 : i32
      %dma_start3A_46 = tpu.memref_slice %arg7[%arg1, %dma_start3A_45] : memref<16x10240xf32, #tpu.memory_space<vmem_shared>> -> memref<1x10240xf32, #tpu.memory_space<vmem_shared>>
      %dma_start3A_47 = tpu.memref_squeeze %dma_start3A_46 : memref<1x10240xf32, #tpu.memory_space<vmem_shared>> -> memref<10240xf32, #tpu.memory_space<vmem_shared>>
      %dma_start3A_48 = arith.constant 0 : i32
      %dma_start3A_49 = tpu.memref_slice %arg7[%arg1, %dma_start3A_48] : memref<16x10240xf32, #tpu.memory_space<vmem_shared>> -> memref<1x10240xf32, #tpu.memory_space<vmem_shared>>
      %dma_start3A_50 = tpu.memref_squeeze %dma_start3A_49 : memref<1x10240xf32, #tpu.memory_space<vmem_shared>> -> memref<10240xf32, #tpu.memory_space<vmem_shared>>
      tpu.enqueue_dma source(%arg11 : memref<10240xf32, #tpu.memory_space<vmem>>) target(%dma_start3A_50 : memref<10240xf32, #tpu.memory_space<vmem_shared>>) target_semaphore(%run_scoped3A : memref<!tpu.dma_semaphore, #tpu.memory_space<semaphore_mem>>)
      %dma_wait3A_51 = arith.constant 0 : i32
      %dma_wait3A_52 = tpu.memref_slice %arg7[%arg1, %dma_wait3A_51] : memref<16x10240xf32, #tpu.memory_space<vmem_shared>> -> memref<1x10240xf32, #tpu.memory_space<vmem_shared>>
      %dma_wait3A_53 = tpu.memref_squeeze %dma_wait3A_52 : memref<1x10240xf32, #tpu.memory_space<vmem_shared>> -> memref<10240xf32, #tpu.memory_space<vmem_shared>>
      %dma_wait3A_54 = arith.constant 0 : i32
      %dma_wait3A_55 = tpu.memref_slice %arg7[%arg1, %dma_wait3A_54] : memref<16x10240xf32, #tpu.memory_space<vmem_shared>> -> memref<1x10240xf32, #tpu.memory_space<vmem_shared>>
      %dma_wait3A_56 = tpu.memref_squeeze %dma_wait3A_55 : memref<1x10240xf32, #tpu.memory_space<vmem_shared>> -> memref<10240xf32, #tpu.memory_space<vmem_shared>>
      tpu.wait_dma2 semaphore(%run_scoped3A : memref<!tpu.dma_semaphore, #tpu.memory_space<semaphore_mem>>) src(%arg11 : memref<10240xf32, #tpu.memory_space<vmem>>) dst(%dma_wait3A_56 : memref<10240xf32, #tpu.memory_space<vmem_shared>>)
      tpu.yield
    }) : () -> ()
    %barrier3A = arith.constant 0 : index
    tpu.barrier barrier_id(%barrier3A)
    %scan3A_28 = arith.constant 0 : i32
    %scan3A_29 = arith.constant 16 : i32
    %scan3A_30 = arith.addi %scan3A_28, %scan3A_29 : i32
    %scan3A_31 = arith.constant 1 : i32
    scf.for %scan3A_45 = %scan3A_28 to %scan3A_30 step %scan3A_31  : i32 {
      %mul3A_46 = arith.constant 1 : i32
      %mul3A_47 = arith.muli %scan3A_45, %mul3A_46 : i32
      %add3A_48 = arith.constant 0 : i32
      %add3A_49 = arith.addi %add3A_48, %mul3A_47 : i32
      %mul3A_50 = arith.constant 640 : i32
      %mul3A_51 = arith.muli %arg1, %mul3A_50 : i32
      %mul3A_52 = arith.constant 640 : i32
      %mul3A_53 = arith.muli %add3A_49, %mul3A_52 : i32
      "tpu.region"() ({
        %run_scoped3A = tpu.sem_alloc : memref<!tpu.dma_semaphore, #tpu.memory_space<semaphore_mem>>
        %dma_start3A_58 = tpu.memref_slice %arg12[%mul3A_53] : memref<10240xf32, #tpu.memory_space<vmem>> -> memref<640xf32, #tpu.memory_space<vmem>>
        %dma_start3A_59 = tpu.memref_slice %arg6[%add3A_49, %mul3A_51] : memref<16x10240xf32, #tpu.memory_space<vmem_shared>> -> memref<1x640xf32, #tpu.memory_space<vmem_shared>>
        %dma_start3A_60 = tpu.memref_squeeze %dma_start3A_59 : memref<1x640xf32, #tpu.memory_space<vmem_shared>> -> memref<640xf32, #tpu.memory_space<vmem_shared>>
        %dma_start3A_61 = tpu.memref_slice %arg12[%mul3A_53] : memref<10240xf32, #tpu.memory_space<vmem>> -> memref<640xf32, #tpu.memory_space<vmem>>
        %dma_start3A_62 = tpu.memref_slice %arg6[%add3A_49, %mul3A_51] : memref<16x10240xf32, #tpu.memory_space<vmem_shared>> -> memref<1x640xf32, #tpu.memory_space<vmem_shared>>
        %dma_start3A_63 = tpu.memref_squeeze %dma_start3A_62 : memref<1x640xf32, #tpu.memory_space<vmem_shared>> -> memref<640xf32, #tpu.memory_space<vmem_shared>>
        tpu.enqueue_dma source(%dma_start3A_63 : memref<640xf32, #tpu.memory_space<vmem_shared>>) target(%dma_start3A_61 : memref<640xf32, #tpu.memory_space<vmem>>) target_semaphore(%run_scoped3A : memref<!tpu.dma_semaphore, #tpu.memory_space<semaphore_mem>>)
        %dma_wait3A_64 = tpu.memref_slice %arg12[%mul3A_53] : memref<10240xf32, #tpu.memory_space<vmem>> -> memref<640xf32, #tpu.memory_space<vmem>>
        %dma_wait3A_65 = tpu.memref_slice %arg6[%add3A_49, %mul3A_51] : memref<16x10240xf32, #tpu.memory_space<vmem_shared>> -> memref<1x640xf32, #tpu.memory_space<vmem_shared>>
        %dma_wait3A_66 = tpu.memref_squeeze %dma_wait3A_65 : memref<1x640xf32, #tpu.memory_space<vmem_shared>> -> memref<640xf32, #tpu.memory_space<vmem_shared>>
        %dma_wait3A_67 = tpu.memref_slice %arg12[%mul3A_53] : memref<10240xf32, #tpu.memory_space<vmem>> -> memref<640xf32, #tpu.memory_space<vmem>>
        %dma_wait3A_68 = tpu.memref_slice %arg6[%add3A_49, %mul3A_51] : memref<16x10240xf32, #tpu.memory_space<vmem_shared>> -> memref<1x640xf32, #tpu.memory_space<vmem_shared>>
        %dma_wait3A_69 = tpu.memref_squeeze %dma_wait3A_68 : memref<1x640xf32, #tpu.memory_space<vmem_shared>> -> memref<640xf32, #tpu.memory_space<vmem_shared>>
        tpu.wait_dma2 semaphore(%run_scoped3A : memref<!tpu.dma_semaphore, #tpu.memory_space<semaphore_mem>>) src(%dma_wait3A_69 : memref<640xf32, #tpu.memory_space<vmem_shared>>) dst(%dma_wait3A_67 : memref<640xf32, #tpu.memory_space<vmem>>)
        tpu.yield
      }) : () -> ()
      %mul3A_54 = arith.constant 640 : i32
      %mul3A_55 = arith.muli %arg1, %mul3A_54 : i32
      %mul3A_56 = arith.constant 640 : i32
      %mul3A_57 = arith.muli %add3A_49, %mul3A_56 : i32
      "tpu.region"() ({
        %run_scoped3A = tpu.sem_alloc : memref<!tpu.dma_semaphore, #tpu.memory_space<semaphore_mem>>
        %dma_start3A_58 = tpu.memref_slice %arg13[%mul3A_57] : memref<10240xf32, #tpu.memory_space<vmem>> -> memref<640xf32, #tpu.memory_space<vmem>>
        %dma_start3A_59 = tpu.memref_slice %arg7[%add3A_49, %mul3A_55] : memref<16x10240xf32, #tpu.memory_space<vmem_shared>> -> memref<1x640xf32, #tpu.memory_space<vmem_shared>>
        %dma_start3A_60 = tpu.memref_squeeze %dma_start3A_59 : memref<1x640xf32, #tpu.memory_space<vmem_shared>> -> memref<640xf32, #tpu.memory_space<vmem_shared>>
        %dma_start3A_61 = tpu.memref_slice %arg13[%mul3A_57] : memref<10240xf32, #tpu.memory_space<vmem>> -> memref<640xf32, #tpu.memory_space<vmem>>
        %dma_start3A_62 = tpu.memref_slice %arg7[%add3A_49, %mul3A_55] : memref<16x10240xf32, #tpu.memory_space<vmem_shared>> -> memref<1x640xf32, #tpu.memory_space<vmem_shared>>
        %dma_start3A_63 = tpu.memref_squeeze %dma_start3A_62 : memref<1x640xf32, #tpu.memory_space<vmem_shared>> -> memref<640xf32, #tpu.memory_space<vmem_shared>>
        tpu.enqueue_dma source(%dma_start3A_63 : memref<640xf32, #tpu.memory_space<vmem_shared>>) target(%dma_start3A_61 : memref<640xf32, #tpu.memory_space<vmem>>) target_semaphore(%run_scoped3A : memref<!tpu.dma_semaphore, #tpu.memory_space<semaphore_mem>>)
        %dma_wait3A_64 = tpu.memref_slice %arg13[%mul3A_57] : memref<10240xf32, #tpu.memory_space<vmem>> -> memref<640xf32, #tpu.memory_space<vmem>>
        %dma_wait3A_65 = tpu.memref_slice %arg7[%add3A_49, %mul3A_55] : memref<16x10240xf32, #tpu.memory_space<vmem_shared>> -> memref<1x640xf32, #tpu.memory_space<vmem_shared>>
        %dma_wait3A_66 = tpu.memref_squeeze %dma_wait3A_65 : memref<1x640xf32, #tpu.memory_space<vmem_shared>> -> memref<640xf32, #tpu.memory_space<vmem_shared>>
        %dma_wait3A_67 = tpu.memref_slice %arg13[%mul3A_57] : memref<10240xf32, #tpu.memory_space<vmem>> -> memref<640xf32, #tpu.memory_space<vmem>>
        %dma_wait3A_68 = tpu.memref_slice %arg7[%add3A_49, %mul3A_55] : memref<16x10240xf32, #tpu.memory_space<vmem_shared>> -> memref<1x640xf32, #tpu.memory_space<vmem_shared>>
        %dma_wait3A_69 = tpu.memref_squeeze %dma_wait3A_68 : memref<1x640xf32, #tpu.memory_space<vmem_shared>> -> memref<640xf32, #tpu.memory_space<vmem_shared>>
        tpu.wait_dma2 semaphore(%run_scoped3A : memref<!tpu.dma_semaphore, #tpu.memory_space<semaphore_mem>>) src(%dma_wait3A_69 : memref<640xf32, #tpu.memory_space<vmem_shared>>) dst(%dma_wait3A_67 : memref<640xf32, #tpu.memory_space<vmem>>)
        tpu.yield
      }) : () -> ()
    }
    %scan3A_32 = arith.constant 16 : i32
    %iota3A = tpu.iota {dimensions = array<i32: 0>} : vector<16xi32>
    %scan3A_33 = arith.constant 0 : i32
    %scan3A_34 = arith.constant 40 : i32
    %scan3A_35 = arith.addi %scan3A_33, %scan3A_34 : i32
    %scan3A_36 = arith.constant 1 : i32
    scf.for %scan3A_45 = %scan3A_33 to %scan3A_35 step %scan3A_36  : i32 {
      %mul3A_46 = arith.constant 1 : i32
      %mul3A_47 = arith.muli %scan3A_45, %mul3A_46 : i32
      %add3A_48 = arith.constant 0 : i32
      %add3A_49 = arith.addi %add3A_48, %mul3A_47 : i32
      %broadcast_in_dim3A_50 = arith.constant 0.000000e+00 : f32
      %broadcast_in_dim3A_51 = vector.broadcast %broadcast_in_dim3A_50 : f32 to vector<16xf32>
      %broadcast_in_dim3A_52 = arith.constant 0.000000e+00 : f32
      %broadcast_in_dim3A_53 = vector.broadcast %broadcast_in_dim3A_52 : f32 to vector<16xf32>
      %mul3A_54 = arith.constant 16 : i32
      %mul3A_55 = arith.muli %add3A_49, %mul3A_54 : i32
      %add3A_56 = arith.constant 0 : i32
      %add3A_57 = arith.addi %add3A_56, %mul3A_55 : i32
      %get3A = arith.index_cast %add3A_57 : i32 to index
      %get3A_58 = tpu.vector_load %arg12[%get3A] {strides = array<i32>} : memref<10240xf32, #tpu.memory_space<vmem>>, vector<16xf32>,
      %add3A_59 = arith.addf %broadcast_in_dim3A_51, %get3A_58 : vector<16xf32>
      %mul3A_60 = arith.constant 16 : i32
      %mul3A_61 = arith.muli %add3A_49, %mul3A_60 : i32
      %add3A_62 = arith.constant 0 : i32
      %add3A_63 = arith.addi %add3A_62, %mul3A_61 : i32
      %get3A_64 = arith.index_cast %add3A_63 : i32 to index
      %get3A_65 = tpu.vector_load %arg13[%get3A_64] {strides = array<i32>} : memref<10240xf32, #tpu.memory_space<vmem>>, vector<16xf32>,
      %add3A_66 = arith.addf %broadcast_in_dim3A_53, %get3A_65 : vector<16xf32>
      %mul3A_67 = arith.constant 16 : i32
      %mul3A_68 = arith.muli %add3A_49, %mul3A_67 : i32
      %add3A_69 = arith.constant 640 : i32
      %add3A_70 = arith.addi %add3A_69, %mul3A_68 : i32
      %get3A_71 = arith.index_cast %add3A_70 : i32 to index
      %get3A_72 = tpu.vector_load %arg12[%get3A_71] {strides = array<i32>} : memref<10240xf32, #tpu.memory_space<vmem>>, vector<16xf32>,
      %add3A_73 = arith.addf %add3A_59, %get3A_72 : vector<16xf32>
      %mul3A_74 = arith.constant 16 : i32
      %mul3A_75 = arith.muli %add3A_49, %mul3A_74 : i32
      %add3A_76 = arith.constant 640 : i32
      %add3A_77 = arith.addi %add3A_76, %mul3A_75 : i32
      %get3A_78 = arith.index_cast %add3A_77 : i32 to index
      %get3A_79 = tpu.vector_load %arg13[%get3A_78] {strides = array<i32>} : memref<10240xf32, #tpu.memory_space<vmem>>, vector<16xf32>,
      %add3A_80 = arith.addf %add3A_66, %get3A_79 : vector<16xf32>
      %mul3A_81 = arith.constant 16 : i32
      %mul3A_82 = arith.muli %add3A_49, %mul3A_81 : i32
      %add3A_83 = arith.constant 1280 : i32
      %add3A_84 = arith.addi %add3A_83, %mul3A_82 : i32
      %get3A_85 = arith.index_cast %add3A_84 : i32 to index
      %get3A_86 = tpu.vector_load %arg12[%get3A_85] {strides = array<i32>} : memref<10240xf32, #tpu.memory_space<vmem>>, vector<16xf32>,
      %add3A_87 = arith.addf %add3A_73, %get3A_86 : vector<16xf32>
      %mul3A_88 = arith.constant 16 : i32
      %mul3A_89 = arith.muli %add3A_49, %mul3A_88 : i32
      %add3A_90 = arith.constant 1280 : i32
      %add3A_91 = arith.addi %add3A_90, %mul3A_89 : i32
      %get3A_92 = arith.index_cast %add3A_91 : i32 to index
      %get3A_93 = tpu.vector_load %arg13[%get3A_92] {strides = array<i32>} : memref<10240xf32, #tpu.memory_space<vmem>>, vector<16xf32>,
      %add3A_94 = arith.addf %add3A_80, %get3A_93 : vector<16xf32>
      %mul3A_95 = arith.constant 16 : i32
      %mul3A_96 = arith.muli %add3A_49, %mul3A_95 : i32
      %add3A_97 = arith.constant 1920 : i32
      %add3A_98 = arith.addi %add3A_97, %mul3A_96 : i32
      %get3A_99 = arith.index_cast %add3A_98 : i32 to index
      %get3A_100 = tpu.vector_load %arg12[%get3A_99] {strides = array<i32>} : memref<10240xf32, #tpu.memory_space<vmem>>, vector<16xf32>,
      %add3A_101 = arith.addf %add3A_87, %get3A_100 : vector<16xf32>
      %mul3A_102 = arith.constant 16 : i32
      %mul3A_103 = arith.muli %add3A_49, %mul3A_102 : i32
      %add3A_104 = arith.constant 1920 : i32
      %add3A_105 = arith.addi %add3A_104, %mul3A_103 : i32
      %get3A_106 = arith.index_cast %add3A_105 : i32 to index
      %get3A_107 = tpu.vector_load %arg13[%get3A_106] {strides = array<i32>} : memref<10240xf32, #tpu.memory_space<vmem>>, vector<16xf32>,
      %add3A_108 = arith.addf %add3A_94, %get3A_107 : vector<16xf32>
      %mul3A_109 = arith.constant 16 : i32
      %mul3A_110 = arith.muli %add3A_49, %mul3A_109 : i32
      %add3A_111 = arith.constant 2560 : i32
      %add3A_112 = arith.addi %add3A_111, %mul3A_110 : i32
      %get3A_113 = arith.index_cast %add3A_112 : i32 to index
      %get3A_114 = tpu.vector_load %arg12[%get3A_113] {strides = array<i32>} : memref<10240xf32, #tpu.memory_space<vmem>>, vector<16xf32>,
      %add3A_115 = arith.addf %add3A_101, %get3A_114 : vector<16xf32>
      %mul3A_116 = arith.constant 16 : i32
      %mul3A_117 = arith.muli %add3A_49, %mul3A_116 : i32
      %add3A_118 = arith.constant 2560 : i32
      %add3A_119 = arith.addi %add3A_118, %mul3A_117 : i32
      %get3A_120 = arith.index_cast %add3A_119 : i32 to index
      %get3A_121 = tpu.vector_load %arg13[%get3A_120] {strides = array<i32>} : memref<10240xf32, #tpu.memory_space<vmem>>, vector<16xf32>,
      %add3A_122 = arith.addf %add3A_108, %get3A_121 : vector<16xf32>
      %mul3A_123 = arith.constant 16 : i32
      %mul3A_124 = arith.muli %add3A_49, %mul3A_123 : i32
      %add3A_125 = arith.constant 3200 : i32
      %add3A_126 = arith.addi %add3A_125, %mul3A_124 : i32
      %get3A_127 = arith.index_cast %add3A_126 : i32 to index
      %get3A_128 = tpu.vector_load %arg12[%get3A_127] {strides = array<i32>} : memref<10240xf32, #tpu.memory_space<vmem>>, vector<16xf32>,
      %add3A_129 = arith.addf %add3A_115, %get3A_128 : vector<16xf32>
      %mul3A_130 = arith.constant 16 : i32
      %mul3A_131 = arith.muli %add3A_49, %mul3A_130 : i32
      %add3A_132 = arith.constant 3200 : i32
      %add3A_133 = arith.addi %add3A_132, %mul3A_131 : i32
      %get3A_134 = arith.index_cast %add3A_133 : i32 to index
      %get3A_135 = tpu.vector_load %arg13[%get3A_134] {strides = array<i32>} : memref<10240xf32, #tpu.memory_space<vmem>>, vector<16xf32>,
      %add3A_136 = arith.addf %add3A_122, %get3A_135 : vector<16xf32>
      %mul3A_137 = arith.constant 16 : i32
      %mul3A_138 = arith.muli %add3A_49, %mul3A_137 : i32
      %add3A_139 = arith.constant 3840 : i32
      %add3A_140 = arith.addi %add3A_139, %mul3A_138 : i32
      %get3A_141 = arith.index_cast %add3A_140 : i32 to index
      %get3A_142 = tpu.vector_load %arg12[%get3A_141] {strides = array<i32>} : memref<10240xf32, #tpu.memory_space<vmem>>, vector<16xf32>,
      %add3A_143 = arith.addf %add3A_129, %get3A_142 : vector<16xf32>
      %mul3A_144 = arith.constant 16 : i32
      %mul3A_145 = arith.muli %add3A_49, %mul3A_144 : i32
      %add3A_146 = arith.constant 3840 : i32
      %add3A_147 = arith.addi %add3A_146, %mul3A_145 : i32
      %get3A_148 = arith.index_cast %add3A_147 : i32 to index
      %get3A_149 = tpu.vector_load %arg13[%get3A_148] {strides = array<i32>} : memref<10240xf32, #tpu.memory_space<vmem>>, vector<16xf32>,
      %add3A_150 = arith.addf %add3A_136, %get3A_149 : vector<16xf32>
      %mul3A_151 = arith.constant 16 : i32
      %mul3A_152 = arith.muli %add3A_49, %mul3A_151 : i32
      %add3A_153 = arith.constant 4480 : i32
      %add3A_154 = arith.addi %add3A_153, %mul3A_152 : i32
      %get3A_155 = arith.index_cast %add3A_154 : i32 to index
      %get3A_156 = tpu.vector_load %arg12[%get3A_155] {strides = array<i32>} : memref<10240xf32, #tpu.memory_space<vmem>>, vector<16xf32>,
      %add3A_157 = arith.addf %add3A_143, %get3A_156 : vector<16xf32>
      %mul3A_158 = arith.constant 16 : i32
      %mul3A_159 = arith.muli %add3A_49, %mul3A_158 : i32
      %add3A_160 = arith.constant 4480 : i32
      %add3A_161 = arith.addi %add3A_160, %mul3A_159 : i32
      %get3A_162 = arith.index_cast %add3A_161 : i32 to index
      %get3A_163 = tpu.vector_load %arg13[%get3A_162] {strides = array<i32>} : memref<10240xf32, #tpu.memory_space<vmem>>, vector<16xf32>,
      %add3A_164 = arith.addf %add3A_150, %get3A_163 : vector<16xf32>
      %mul3A_165 = arith.constant 16 : i32
      %mul3A_166 = arith.muli %add3A_49, %mul3A_165 : i32
      %add3A_167 = arith.constant 5120 : i32
      %add3A_168 = arith.addi %add3A_167, %mul3A_166 : i32
      %get3A_169 = arith.index_cast %add3A_168 : i32 to index
      %get3A_170 = tpu.vector_load %arg12[%get3A_169] {strides = array<i32>} : memref<10240xf32, #tpu.memory_space<vmem>>, vector<16xf32>,
      %add3A_171 = arith.addf %add3A_157, %get3A_170 : vector<16xf32>
      %mul3A_172 = arith.constant 16 : i32
      %mul3A_173 = arith.muli %add3A_49, %mul3A_172 : i32
      %add3A_174 = arith.constant 5120 : i32
      %add3A_175 = arith.addi %add3A_174, %mul3A_173 : i32
      %get3A_176 = arith.index_cast %add3A_175 : i32 to index
      %get3A_177 = tpu.vector_load %arg13[%get3A_176] {strides = array<i32>} : memref<10240xf32, #tpu.memory_space<vmem>>, vector<16xf32>,
      %add3A_178 = arith.addf %add3A_164, %get3A_177 : vector<16xf32>
      %mul3A_179 = arith.constant 16 : i32
      %mul3A_180 = arith.muli %add3A_49, %mul3A_179 : i32
      %add3A_181 = arith.constant 5760 : i32
      %add3A_182 = arith.addi %add3A_181, %mul3A_180 : i32
      %get3A_183 = arith.index_cast %add3A_182 : i32 to index
      %get3A_184 = tpu.vector_load %arg12[%get3A_183] {strides = array<i32>} : memref<10240xf32, #tpu.memory_space<vmem>>, vector<16xf32>,
      %add3A_185 = arith.addf %add3A_171, %get3A_184 : vector<16xf32>
      %mul3A_186 = arith.constant 16 : i32
      %mul3A_187 = arith.muli %add3A_49, %mul3A_186 : i32
      %add3A_188 = arith.constant 5760 : i32
      %add3A_189 = arith.addi %add3A_188, %mul3A_187 : i32
      %get3A_190 = arith.index_cast %add3A_189 : i32 to index
      %get3A_191 = tpu.vector_load %arg13[%get3A_190] {strides = array<i32>} : memref<10240xf32, #tpu.memory_space<vmem>>, vector<16xf32>,
      %add3A_192 = arith.addf %add3A_178, %get3A_191 : vector<16xf32>
      %mul3A_193 = arith.constant 16 : i32
      %mul3A_194 = arith.muli %add3A_49, %mul3A_193 : i32
      %add3A_195 = arith.constant 6400 : i32
      %add3A_196 = arith.addi %add3A_195, %mul3A_194 : i32
      %get3A_197 = arith.index_cast %add3A_196 : i32 to index
      %get3A_198 = tpu.vector_load %arg12[%get3A_197] {strides = array<i32>} : memref<10240xf32, #tpu.memory_space<vmem>>, vector<16xf32>,
      %add3A_199 = arith.addf %add3A_185, %get3A_198 : vector<16xf32>
      %mul3A_200 = arith.constant 16 : i32
      %mul3A_201 = arith.muli %add3A_49, %mul3A_200 : i32
      %add3A_202 = arith.constant 6400 : i32
      %add3A_203 = arith.addi %add3A_202, %mul3A_201 : i32
      %get3A_204 = arith.index_cast %add3A_203 : i32 to index
      %get3A_205 = tpu.vector_load %arg13[%get3A_204] {strides = array<i32>} : memref<10240xf32, #tpu.memory_space<vmem>>, vector<16xf32>,
      %add3A_206 = arith.addf %add3A_192, %get3A_205 : vector<16xf32>
      %mul3A_207 = arith.constant 16 : i32
      %mul3A_208 = arith.muli %add3A_49, %mul3A_207 : i32
      %add3A_209 = arith.constant 7040 : i32
      %add3A_210 = arith.addi %add3A_209, %mul3A_208 : i32
      %get3A_211 = arith.index_cast %add3A_210 : i32 to index
      %get3A_212 = tpu.vector_load %arg12[%get3A_211] {strides = array<i32>} : memref<10240xf32, #tpu.memory_space<vmem>>, vector<16xf32>,
      %add3A_213 = arith.addf %add3A_199, %get3A_212 : vector<16xf32>
      %mul3A_214 = arith.constant 16 : i32
      %mul3A_215 = arith.muli %add3A_49, %mul3A_214 : i32
      %add3A_216 = arith.constant 7040 : i32
      %add3A_217 = arith.addi %add3A_216, %mul3A_215 : i32
      %get3A_218 = arith.index_cast %add3A_217 : i32 to index
      %get3A_219 = tpu.vector_load %arg13[%get3A_218] {strides = array<i32>} : memref<10240xf32, #tpu.memory_space<vmem>>, vector<16xf32>,
      %add3A_220 = arith.addf %add3A_206, %get3A_219 : vector<16xf32>
      %mul3A_221 = arith.constant 16 : i32
      %mul3A_222 = arith.muli %add3A_49, %mul3A_221 : i32
      %add3A_223 = arith.constant 7680 : i32
      %add3A_224 = arith.addi %add3A_223, %mul3A_222 : i32
      %get3A_225 = arith.index_cast %add3A_224 : i32 to index
      %get3A_226 = tpu.vector_load %arg12[%get3A_225] {strides = array<i32>} : memref<10240xf32, #tpu.memory_space<vmem>>, vector<16xf32>,
      %add3A_227 = arith.addf %add3A_213, %get3A_226 : vector<16xf32>
      %mul3A_228 = arith.constant 16 : i32
      %mul3A_229 = arith.muli %add3A_49, %mul3A_228 : i32
      %add3A_230 = arith.constant 7680 : i32
      %add3A_231 = arith.addi %add3A_230, %mul3A_229 : i32
      %get3A_232 = arith.index_cast %add3A_231 : i32 to index
      %get3A_233 = tpu.vector_load %arg13[%get3A_232] {strides = array<i32>} : memref<10240xf32, #tpu.memory_space<vmem>>, vector<16xf32>,
      %add3A_234 = arith.addf %add3A_220, %get3A_233 : vector<16xf32>
      %mul3A_235 = arith.constant 16 : i32
      %mul3A_236 = arith.muli %add3A_49, %mul3A_235 : i32
      %add3A_237 = arith.constant 8320 : i32
      %add3A_238 = arith.addi %add3A_237, %mul3A_236 : i32
      %get3A_239 = arith.index_cast %add3A_238 : i32 to index
      %get3A_240 = tpu.vector_load %arg12[%get3A_239] {strides = array<i32>} : memref<10240xf32, #tpu.memory_space<vmem>>, vector<16xf32>,
      %add3A_241 = arith.addf %add3A_227, %get3A_240 : vector<16xf32>
      %mul3A_242 = arith.constant 16 : i32
      %mul3A_243 = arith.muli %add3A_49, %mul3A_242 : i32
      %add3A_244 = arith.constant 8320 : i32
      %add3A_245 = arith.addi %add3A_244, %mul3A_243 : i32
      %get3A_246 = arith.index_cast %add3A_245 : i32 to index
      %get3A_247 = tpu.vector_load %arg13[%get3A_246] {strides = array<i32>} : memref<10240xf32, #tpu.memory_space<vmem>>, vector<16xf32>,
      %add3A_248 = arith.addf %add3A_234, %get3A_247 : vector<16xf32>
      %mul3A_249 = arith.constant 16 : i32
      %mul3A_250 = arith.muli %add3A_49, %mul3A_249 : i32
      %add3A_251 = arith.constant 8960 : i32
      %add3A_252 = arith.addi %add3A_251, %mul3A_250 : i32
      %get3A_253 = arith.index_cast %add3A_252 : i32 to index
      %get3A_254 = tpu.vector_load %arg12[%get3A_253] {strides = array<i32>} : memref<10240xf32, #tpu.memory_space<vmem>>, vector<16xf32>,
      %add3A_255 = arith.addf %add3A_241, %get3A_254 : vector<16xf32>
      %mul3A_256 = arith.constant 16 : i32
      %mul3A_257 = arith.muli %add3A_49, %mul3A_256 : i32
      %add3A_258 = arith.constant 8960 : i32
      %add3A_259 = arith.addi %add3A_258, %mul3A_257 : i32
      %get3A_260 = arith.index_cast %add3A_259 : i32 to index
      %get3A_261 = tpu.vector_load %arg13[%get3A_260] {strides = array<i32>} : memref<10240xf32, #tpu.memory_space<vmem>>, vector<16xf32>,
      %add3A_262 = arith.addf %add3A_248, %get3A_261 : vector<16xf32>
      %mul3A_263 = arith.constant 16 : i32
      %mul3A_264 = arith.muli %add3A_49, %mul3A_263 : i32
      %add3A_265 = arith.constant 9600 : i32
      %add3A_266 = arith.addi %add3A_265, %mul3A_264 : i32
      %get3A_267 = arith.index_cast %add3A_266 : i32 to index
      %get3A_268 = tpu.vector_load %arg12[%get3A_267] {strides = array<i32>} : memref<10240xf32, #tpu.memory_space<vmem>>, vector<16xf32>,
      %add3A_269 = arith.addf %add3A_255, %get3A_268 : vector<16xf32>
      %mul3A_270 = arith.constant 16 : i32
      %mul3A_271 = arith.muli %add3A_49, %mul3A_270 : i32
      %add3A_272 = arith.constant 9600 : i32
      %add3A_273 = arith.addi %add3A_272, %mul3A_271 : i32
      %get3A_274 = arith.index_cast %add3A_273 : i32 to index
      %get3A_275 = tpu.vector_load %arg13[%get3A_274] {strides = array<i32>} : memref<10240xf32, #tpu.memory_space<vmem>>, vector<16xf32>,
      %add3A_276 = arith.addf %add3A_262, %get3A_275 : vector<16xf32>
      %mul3A_277 = arith.constant 16 : i32
      %mul3A_278 = arith.muli %add3A_49, %mul3A_277 : i32
      %add3A_279 = vector.broadcast %mul3A_278 : i32 to vector<16xi32>
      %add3A_280 = arith.addi %iota3A, %add3A_279 : vector<16xi32>
      %mul3A_281 = arith.constant 8 : i32
      %mul3A_282 = vector.broadcast %mul3A_281 : i32 to vector<16xi32>
      %mul3A_283 = arith.muli %add3A_280, %mul3A_282 : vector<16xi32>
      tpu.vector_store_idx %arg14[%mul3A_283], %add3A_269 : memref<5120xf32, #tpu.memory_space<vmem>>[vector<16xi32>], vector<16xf32>,
      %add3A_284 = arith.constant 1 : i32
      %add3A_285 = vector.broadcast %add3A_284 : i32 to vector<16xi32>
      %add3A_286 = arith.addi %mul3A_283, %add3A_285 : vector<16xi32>
      tpu.vector_store_idx %arg14[%add3A_286], %add3A_276 : memref<5120xf32, #tpu.memory_space<vmem>>[vector<16xi32>], vector<16xf32>,
    }
    %scan3A_37 = arith.constant 40 : i32
    %mul3A_38 = arith.constant 10240 : i32
    %mul3A_39 = arith.muli %arg0, %mul3A_38 : i32
    %mul3A_40 = arith.constant 640 : i32
    %mul3A_41 = arith.muli %arg1, %mul3A_40 : i32
    %add3A_42 = arith.addi %mul3A_39, %mul3A_41 : i32
    %mul3A_43 = arith.constant 8 : i32
    %mul3A_44 = arith.muli %add3A_42, %mul3A_43 : i32
    "tpu.region"() ({
      %run_scoped3A = tpu.sem_alloc : memref<!tpu.dma_semaphore, #tpu.memory_space<semaphore_mem>>
      %dma_start3A_45 = tpu.memref_slice %arg5[%mul3A_44] : memref<163840xf32, #tpu.memory_space<hbm>> -> memref<5120xf32, #tpu.memory_space<hbm>>
      %dma_start3A_46 = tpu.memref_slice %arg5[%mul3A_44] : memref<163840xf32, #tpu.memory_space<hbm>> -> memref<5120xf32, #tpu.memory_space<hbm>>
      tpu.enqueue_dma source(%arg14 : memref<5120xf32, #tpu.memory_space<vmem>>) target(%dma_start3A_46 : memref<5120xf32, #tpu.memory_space<hbm>>) target_semaphore(%run_scoped3A : memref<!tpu.dma_semaphore, #tpu.memory_space<semaphore_mem>>)
      %dma_wait3A_47 = tpu.memref_slice %arg5[%mul3A_44] : memref<163840xf32, #tpu.memory_space<hbm>> -> memref<5120xf32, #tpu.memory_space<hbm>>
      %dma_wait3A_48 = tpu.memref_slice %arg5[%mul3A_44] : memref<163840xf32, #tpu.memory_space<hbm>> -> memref<5120xf32, #tpu.memory_space<hbm>>
      tpu.wait_dma2 semaphore(%run_scoped3A : memref<!tpu.dma_semaphore, #tpu.memory_space<semaphore_mem>>) src(%arg14 : memref<5120xf32, #tpu.memory_space<vmem>>) dst(%dma_wait3A_48 : memref<5120xf32, #tpu.memory_space<hbm>>)
      tpu.yield
    }) : () -> ()
    return
  }
}

#map = affine_map<(d0, d1) -> (0, 0)>
#map1 = affine_map<(d0, d1) -> (0, 0, 0)>
module attributes {stable_mosaic.version = 14 : i64} {
  func.func @_scat_body(%arg0: i32, %arg1: i32, %arg2: memref<20480x128xf32, #tpu.memory_space<hbm>>, %arg3: memref<32x160x128xi32, #tpu.memory_space<hbm>>, %arg4: memref<32x160x128xi32, #tpu.memory_space<hbm>>, %arg5: memref<640x128xf32, #tpu.memory_space<hbm>>, %arg6: memref<20480x128xf32, #tpu.memory_space<hbm>>, %arg7: memref<10240x128xf32, #tpu.memory_space<vmem_shared>>, %arg8: memref<2x8x128xi32, #tpu.memory_space<vmem>>, %arg9: memref<2x8x128xi32, #tpu.memory_space<vmem>>, %arg10: memref<2x128x128xf32, #tpu.memory_space<vmem>>, %arg11: memref<!tpu.dma_semaphore, #tpu.memory_space<semaphore_mem>>, %arg12: memref<!tpu.dma_semaphore, #tpu.memory_space<semaphore_mem>>, %arg13: memref<!tpu.dma_semaphore, #tpu.memory_space<semaphore_mem>>) attributes {dimension_semantics = [#tpu.dimension_semantics<core_parallel>, #tpu.dimension_semantics<subcore_parallel>], iteration_bounds = array<i64: 2, 16>, scalar_prefetch = 0 : i64, scratch_operands = 7 : i64, tpu.core_type = #tpu.core_type<sc_vector_subcore>, window_params = [{transform_indices = #map}, {transform_indices = #map1}, {transform_indices = #map1}, {transform_indices = #map}, {transform_indices = #map}]} {
    %mul3A = arith.constant 640 : i32
    %mul3A_0 = arith.muli %arg1, %mul3A : i32
    "tpu.region"() ({
      %run_scoped3A = tpu.sem_alloc : memref<!tpu.dma_semaphore, #tpu.memory_space<semaphore_mem>>
      %dma_start3A_107 = arith.constant 0 : i32
      %dma_start3A_108 = tpu.memref_slice %arg7[%mul3A_0, %dma_start3A_107] : memref<10240x128xf32, #tpu.memory_space<vmem_shared>> -> memref<640x128xf32, #tpu.memory_space<vmem_shared>>
      tpu.enqueue_dma source(%arg5 : memref<640x128xf32, #tpu.memory_space<hbm>>) target(%dma_start3A_108 : memref<640x128xf32, #tpu.memory_space<vmem_shared>>) target_semaphore(%run_scoped3A : memref<!tpu.dma_semaphore, #tpu.memory_space<semaphore_mem>>)
      %dma_wait3A_109 = arith.constant 0 : i32
      %dma_wait3A_110 = tpu.memref_slice %arg7[%mul3A_0, %dma_wait3A_109] : memref<10240x128xf32, #tpu.memory_space<vmem_shared>> -> memref<640x128xf32, #tpu.memory_space<vmem_shared>>
      tpu.wait_dma2 semaphore(%run_scoped3A : memref<!tpu.dma_semaphore, #tpu.memory_space<semaphore_mem>>) src(%arg5 : memref<640x128xf32, #tpu.memory_space<hbm>>) dst(%dma_wait3A_110 : memref<640x128xf32, #tpu.memory_space<vmem_shared>>)
      tpu.yield
    }) : () -> ()
    %mul3A_1 = arith.constant 16 : i32
    %mul3A_2 = arith.muli %arg0, %mul3A_1 : i32
    %add3A = arith.addi %mul3A_2, %arg1 : i32
    %dma_start3A = arith.constant 0 : i32
    %dma_start3A_3 = arith.constant 0 : i32
    %dma_start3A_4 = arith.constant 0 : i32
    %dma_start3A_5 = tpu.memref_slice %arg8[%dma_start3A, %dma_start3A_3, %dma_start3A_4] : memref<2x8x128xi32, #tpu.memory_space<vmem>> -> memref<1x8x128xi32, #tpu.memory_space<vmem>>
    %dma_start3A_6 = tpu.memref_squeeze %dma_start3A_5 : memref<1x8x128xi32, #tpu.memory_space<vmem>> -> memref<8x128xi32, #tpu.memory_space<vmem>>
    %dma_start3A_7 = arith.constant 0 : i32
    %dma_start3A_8 = arith.constant 0 : i32
    %dma_start3A_9 = tpu.memref_slice %arg3[%add3A, %dma_start3A_7, %dma_start3A_8] : memref<32x160x128xi32, #tpu.memory_space<hbm>> -> memref<1x8x128xi32, #tpu.memory_space<hbm>>
    %dma_start3A_10 = tpu.memref_squeeze %dma_start3A_9 : memref<1x8x128xi32, #tpu.memory_space<hbm>> -> memref<8x128xi32, #tpu.memory_space<hbm>>
    %dma_start3A_11 = arith.constant 0 : i32
    %dma_start3A_12 = arith.constant 0 : i32
    %dma_start3A_13 = tpu.memref_slice %arg8[%dma_start3A, %dma_start3A_11, %dma_start3A_12] : memref<2x8x128xi32, #tpu.memory_space<vmem>> -> memref<1x8x128xi32, #tpu.memory_space<vmem>>
    %dma_start3A_14 = tpu.memref_squeeze %dma_start3A_13 : memref<1x8x128xi32, #tpu.memory_space<vmem>> -> memref<8x128xi32, #tpu.memory_space<vmem>>
    %dma_start3A_15 = arith.constant 0 : i32
    %dma_start3A_16 = arith.constant 0 : i32
    %dma_start3A_17 = tpu.memref_slice %arg3[%add3A, %dma_start3A_15, %dma_start3A_16] : memref<32x160x128xi32, #tpu.memory_space<hbm>> -> memref<1x8x128xi32, #tpu.memory_space<hbm>>
    %dma_start3A_18 = tpu.memref_squeeze %dma_start3A_17 : memref<1x8x128xi32, #tpu.memory_space<hbm>> -> memref<8x128xi32, #tpu.memory_space<hbm>>
    tpu.enqueue_dma source(%dma_start3A_18 : memref<8x128xi32, #tpu.memory_space<hbm>>) target(%dma_start3A_14 : memref<8x128xi32, #tpu.memory_space<vmem>>) target_semaphore(%arg13 : memref<!tpu.dma_semaphore, #tpu.memory_space<semaphore_mem>>)
    %dma_wait3A = arith.constant 0 : i32
    %dma_wait3A_19 = arith.constant 0 : i32
    %dma_wait3A_20 = arith.constant 0 : i32
    %dma_wait3A_21 = tpu.memref_slice %arg8[%dma_wait3A, %dma_wait3A_19, %dma_wait3A_20] : memref<2x8x128xi32, #tpu.memory_space<vmem>> -> memref<1x8x128xi32, #tpu.memory_space<vmem>>
    %dma_wait3A_22 = tpu.memref_squeeze %dma_wait3A_21 : memref<1x8x128xi32, #tpu.memory_space<vmem>> -> memref<8x128xi32, #tpu.memory_space<vmem>>
    %dma_wait3A_23 = arith.constant 0 : i32
    %dma_wait3A_24 = arith.constant 0 : i32
    %dma_wait3A_25 = tpu.memref_slice %arg3[%add3A, %dma_wait3A_23, %dma_wait3A_24] : memref<32x160x128xi32, #tpu.memory_space<hbm>> -> memref<1x8x128xi32, #tpu.memory_space<hbm>>
    %dma_wait3A_26 = tpu.memref_squeeze %dma_wait3A_25 : memref<1x8x128xi32, #tpu.memory_space<hbm>> -> memref<8x128xi32, #tpu.memory_space<hbm>>
    %dma_wait3A_27 = arith.constant 0 : i32
    %dma_wait3A_28 = arith.constant 0 : i32
    %dma_wait3A_29 = tpu.memref_slice %arg8[%dma_wait3A, %dma_wait3A_27, %dma_wait3A_28] : memref<2x8x128xi32, #tpu.memory_space<vmem>> -> memref<1x8x128xi32, #tpu.memory_space<vmem>>
    %dma_wait3A_30 = tpu.memref_squeeze %dma_wait3A_29 : memref<1x8x128xi32, #tpu.memory_space<vmem>> -> memref<8x128xi32, #tpu.memory_space<vmem>>
    %dma_wait3A_31 = arith.constant 0 : i32
    %dma_wait3A_32 = arith.constant 0 : i32
    %dma_wait3A_33 = tpu.memref_slice %arg3[%add3A, %dma_wait3A_31, %dma_wait3A_32] : memref<32x160x128xi32, #tpu.memory_space<hbm>> -> memref<1x8x128xi32, #tpu.memory_space<hbm>>
    %dma_wait3A_34 = tpu.memref_squeeze %dma_wait3A_33 : memref<1x8x128xi32, #tpu.memory_space<hbm>> -> memref<8x128xi32, #tpu.memory_space<hbm>>
    tpu.wait_dma2 semaphore(%arg13 : memref<!tpu.dma_semaphore, #tpu.memory_space<semaphore_mem>>) src(%dma_wait3A_34 : memref<8x128xi32, #tpu.memory_space<hbm>>) dst(%dma_wait3A_30 : memref<8x128xi32, #tpu.memory_space<vmem>>)
    %dma_start3A_35 = arith.constant 0 : i32
    %dma_start3A_36 = arith.constant 0 : i32
    %dma_start3A_37 = arith.constant 0 : i32
    %dma_start3A_38 = tpu.memref_slice %arg9[%dma_start3A_35, %dma_start3A_36, %dma_start3A_37] : memref<2x8x128xi32, #tpu.memory_space<vmem>> -> memref<1x8x128xi32, #tpu.memory_space<vmem>>
    %dma_start3A_39 = tpu.memref_squeeze %dma_start3A_38 : memref<1x8x128xi32, #tpu.memory_space<vmem>> -> memref<8x128xi32, #tpu.memory_space<vmem>>
    %dma_start3A_40 = arith.constant 0 : i32
    %dma_start3A_41 = arith.constant 0 : i32
    %dma_start3A_42 = tpu.memref_slice %arg4[%add3A, %dma_start3A_40, %dma_start3A_41] : memref<32x160x128xi32, #tpu.memory_space<hbm>> -> memref<1x8x128xi32, #tpu.memory_space<hbm>>
    %dma_start3A_43 = tpu.memref_squeeze %dma_start3A_42 : memref<1x8x128xi32, #tpu.memory_space<hbm>> -> memref<8x128xi32, #tpu.memory_space<hbm>>
    %dma_start3A_44 = arith.constant 0 : i32
    %dma_start3A_45 = arith.constant 0 : i32
    %dma_start3A_46 = tpu.memref_slice %arg9[%dma_start3A_35, %dma_start3A_44, %dma_start3A_45] : memref<2x8x128xi32, #tpu.memory_space<vmem>> -> memref<1x8x128xi32, #tpu.memory_space<vmem>>
    %dma_start3A_47 = tpu.memref_squeeze %dma_start3A_46 : memref<1x8x128xi32, #tpu.memory_space<vmem>> -> memref<8x128xi32, #tpu.memory_space<vmem>>
    %dma_start3A_48 = arith.constant 0 : i32
    %dma_start3A_49 = arith.constant 0 : i32
    %dma_start3A_50 = tpu.memref_slice %arg4[%add3A, %dma_start3A_48, %dma_start3A_49] : memref<32x160x128xi32, #tpu.memory_space<hbm>> -> memref<1x8x128xi32, #tpu.memory_space<hbm>>
    %dma_start3A_51 = tpu.memref_squeeze %dma_start3A_50 : memref<1x8x128xi32, #tpu.memory_space<hbm>> -> memref<8x128xi32, #tpu.memory_space<hbm>>
    tpu.enqueue_dma source(%dma_start3A_51 : memref<8x128xi32, #tpu.memory_space<hbm>>) target(%dma_start3A_47 : memref<8x128xi32, #tpu.memory_space<vmem>>) target_semaphore(%arg13 : memref<!tpu.dma_semaphore, #tpu.memory_space<semaphore_mem>>)
    %dma_wait3A_52 = arith.constant 0 : i32
    %dma_wait3A_53 = arith.constant 0 : i32
    %dma_wait3A_54 = arith.constant 0 : i32
    %dma_wait3A_55 = tpu.memref_slice %arg9[%dma_wait3A_52, %dma_wait3A_53, %dma_wait3A_54] : memref<2x8x128xi32, #tpu.memory_space<vmem>> -> memref<1x8x128xi32, #tpu.memory_space<vmem>>
    %dma_wait3A_56 = tpu.memref_squeeze %dma_wait3A_55 : memref<1x8x128xi32, #tpu.memory_space<vmem>> -> memref<8x128xi32, #tpu.memory_space<vmem>>
    %dma_wait3A_57 = arith.constant 0 : i32
    %dma_wait3A_58 = arith.constant 0 : i32
    %dma_wait3A_59 = tpu.memref_slice %arg4[%add3A, %dma_wait3A_57, %dma_wait3A_58] : memref<32x160x128xi32, #tpu.memory_space<hbm>> -> memref<1x8x128xi32, #tpu.memory_space<hbm>>
    %dma_wait3A_60 = tpu.memref_squeeze %dma_wait3A_59 : memref<1x8x128xi32, #tpu.memory_space<hbm>> -> memref<8x128xi32, #tpu.memory_space<hbm>>
    %dma_wait3A_61 = arith.constant 0 : i32
    %dma_wait3A_62 = arith.constant 0 : i32
    %dma_wait3A_63 = tpu.memref_slice %arg9[%dma_wait3A_52, %dma_wait3A_61, %dma_wait3A_62] : memref<2x8x128xi32, #tpu.memory_space<vmem>> -> memref<1x8x128xi32, #tpu.memory_space<vmem>>
    %dma_wait3A_64 = tpu.memref_squeeze %dma_wait3A_63 : memref<1x8x128xi32, #tpu.memory_space<vmem>> -> memref<8x128xi32, #tpu.memory_space<vmem>>
    %dma_wait3A_65 = arith.constant 0 : i32
    %dma_wait3A_66 = arith.constant 0 : i32
    %dma_wait3A_67 = tpu.memref_slice %arg4[%add3A, %dma_wait3A_65, %dma_wait3A_66] : memref<32x160x128xi32, #tpu.memory_space<hbm>> -> memref<1x8x128xi32, #tpu.memory_space<hbm>>
    %dma_wait3A_68 = tpu.memref_squeeze %dma_wait3A_67 : memref<1x8x128xi32, #tpu.memory_space<hbm>> -> memref<8x128xi32, #tpu.memory_space<hbm>>
    tpu.wait_dma2 semaphore(%arg13 : memref<!tpu.dma_semaphore, #tpu.memory_space<semaphore_mem>>) src(%dma_wait3A_68 : memref<8x128xi32, #tpu.memory_space<hbm>>) dst(%dma_wait3A_64 : memref<8x128xi32, #tpu.memory_space<vmem>>)
    %dma_start3A_69 = arith.constant 0 : i32
    %dma_start3A_70 = arith.constant 0 : i32
    %dma_start3A_71 = arith.constant 0 : i32
    %dma_start3A_72 = arith.constant 0 : i32
    %dma_start3A_73 = arith.constant 0 : i32
    %dma_start3A_74 = tpu.memref_slice %arg10[%dma_start3A_71, %dma_start3A_72, %dma_start3A_73] : memref<2x128x128xf32, #tpu.memory_space<vmem>> -> memref<1x128x128xf32, #tpu.memory_space<vmem>>
    %dma_start3A_75 = tpu.memref_squeeze %dma_start3A_74 : memref<1x128x128xf32, #tpu.memory_space<vmem>> -> memref<128x128xf32, #tpu.memory_space<vmem>>
    %dma_start3A_76 = arith.constant 0 : i32
    %dma_start3A_77 = tpu.memref_slice %arg8[%dma_start3A_69, %dma_start3A_70, %dma_start3A_76] : memref<2x8x128xi32, #tpu.memory_space<vmem>> -> memref<1x1x128xi32, #tpu.memory_space<vmem>>
    %dma_start3A_78 = tpu.memref_squeeze %dma_start3A_77 : memref<1x1x128xi32, #tpu.memory_space<vmem>> -> memref<128xi32, #tpu.memory_space<vmem>>
    %dma_start3A_79 = arith.constant 0 : i32
    %dma_start3A_80 = arith.constant 0 : i32
    %dma_start3A_81 = tpu.memref_slice %arg2[%dma_start3A_79, %dma_start3A_80] : memref<20480x128xf32, #tpu.memory_space<hbm>> -> memref<20480x128xf32, #tpu.memory_space<hbm>>
    tpu.enqueue_indirect_dma source(%dma_start3A_81 : memref<20480x128xf32, #tpu.memory_space<hbm>>) target(%dma_start3A_75 : memref<128x128xf32, #tpu.memory_space<vmem>>) offsets(%dma_start3A_78 : memref<128xi32, #tpu.memory_space<vmem>>) semaphore(%arg11 : memref<!tpu.dma_semaphore, #tpu.memory_space<semaphore_mem>>)
    %dma_start3A_82 = arith.constant 0 : i32
    %dma_start3A_83 = arith.constant 1 : i32
    %dma_start3A_84 = arith.constant 1 : i32
    %dma_start3A_85 = arith.constant 0 : i32
    %dma_start3A_86 = arith.constant 0 : i32
    %dma_start3A_87 = tpu.memref_slice %arg10[%dma_start3A_84, %dma_start3A_85, %dma_start3A_86] : memref<2x128x128xf32, #tpu.memory_space<vmem>> -> memref<1x128x128xf32, #tpu.memory_space<vmem>>
    %dma_start3A_88 = tpu.memref_squeeze %dma_start3A_87 : memref<1x128x128xf32, #tpu.memory_space<vmem>> -> memref<128x128xf32, #tpu.memory_space<vmem>>
    %dma_start3A_89 = arith.constant 0 : i32
    %dma_start3A_90 = tpu.memref_slice %arg8[%dma_start3A_82, %dma_start3A_83, %dma_start3A_89] : memref<2x8x128xi32, #tpu.memory_space<vmem>> -> memref<1x1x128xi32, #tpu.memory_space<vmem>>
    %dma_start3A_91 = tpu.memref_squeeze %dma_start3A_90 : memref<1x1x128xi32, #tpu.memory_space<vmem>> -> memref<128xi32, #tpu.memory_space<vmem>>
    %dma_start3A_92 = arith.constant 0 : i32
    %dma_start3A_93 = arith.constant 0 : i32
    %dma_start3A_94 = tpu.memref_slice %arg2[%dma_start3A_92, %dma_start3A_93] : memref<20480x128xf32, #tpu.memory_space<hbm>> -> memref<20480x128xf32, #tpu.memory_space<hbm>>
    tpu.enqueue_indirect_dma source(%dma_start3A_94 : memref<20480x128xf32, #tpu.memory_space<hbm>>) target(%dma_start3A_88 : memref<128x128xf32, #tpu.memory_space<vmem>>) offsets(%dma_start3A_91 : memref<128xi32, #tpu.memory_space<vmem>>) semaphore(%arg12 : memref<!tpu.dma_semaphore, #tpu.memory_space<semaphore_mem>>)
    %barrier3A = arith.constant 0 : index
    tpu.barrier barrier_id(%barrier3A)
    %scan3A = arith.constant 0 : i32
    %scan3A_95 = arith.constant 20 : i32
    %scan3A_96 = arith.addi %scan3A, %scan3A_95 : i32
    %scan3A_97 = arith.constant 1 : i32
    scf.for %scan3A_107 = %scan3A to %scan3A_96 step %scan3A_97  : i32 {
      %mul3A_108 = arith.constant 1 : i32
      %mul3A_109 = arith.muli %scan3A_107, %mul3A_108 : i32
      %add3A_110 = arith.constant 0 : i32
      %add3A_111 = arith.addi %add3A_110, %mul3A_109 : i32
      %rem3A = arith.constant 2 : i32
      %rem3A_112 = arith.remsi %add3A_111, %rem3A : i32
      %add3A_113 = arith.constant 1 : i32
      %add3A_114 = arith.addi %add3A_111, %add3A_113 : i32
      %rem3A_115 = arith.constant 2 : i32
      %rem3A_116 = arith.remsi %add3A_114, %rem3A_115 : i32
      %add3A_117 = arith.constant 1 : i32
      %add3A_118 = arith.addi %add3A_111, %add3A_117 : i32
      %lt3A = arith.constant 20 : i32
      %lt3A_119 = arith.cmpi slt, %add3A_118, %lt3A : i32
      %convert_element_type3A = arith.extui %lt3A_119 : i1 to i32
      %cond3A = arith.constant 0 : i32
      %cond3A_120 = arith.cmpi ne, %convert_element_type3A, %cond3A : i32
      scf.if %cond3A_120 {
        %add3A_325 = arith.constant 1 : i32
        %add3A_326 = arith.addi %add3A_111, %add3A_325 : i32
        %mul3A_327 = arith.constant 8 : i32
        %mul3A_328 = arith.muli %add3A_326, %mul3A_327 : i32
        %dma_start3A_329 = arith.constant 0 : i32
        %dma_start3A_330 = arith.constant 0 : i32
        %dma_start3A_331 = tpu.memref_slice %arg8[%rem3A_116, %dma_start3A_329, %dma_start3A_330] : memref<2x8x128xi32, #tpu.memory_space<vmem>> -> memref<1x8x128xi32, #tpu.memory_space<vmem>>
        %dma_start3A_332 = tpu.memref_squeeze %dma_start3A_331 : memref<1x8x128xi32, #tpu.memory_space<vmem>> -> memref<8x128xi32, #tpu.memory_space<vmem>>
        %dma_start3A_333 = arith.constant 0 : i32
        %dma_start3A_334 = tpu.memref_slice %arg3[%add3A, %mul3A_328, %dma_start3A_333] : memref<32x160x128xi32, #tpu.memory_space<hbm>> -> memref<1x8x128xi32, #tpu.memory_space<hbm>>
        %dma_start3A_335 = tpu.memref_squeeze %dma_start3A_334 : memref<1x8x128xi32, #tpu.memory_space<hbm>> -> memref<8x128xi32, #tpu.memory_space<hbm>>
        %dma_start3A_336 = arith.constant 0 : i32
        %dma_start3A_337 = arith.constant 0 : i32
        %dma_start3A_338 = tpu.memref_slice %arg8[%rem3A_116, %dma_start3A_336, %dma_start3A_337] : memref<2x8x128xi32, #tpu.memory_space<vmem>> -> memref<1x8x128xi32, #tpu.memory_space<vmem>>
        %dma_start3A_339 = tpu.memref_squeeze %dma_start3A_338 : memref<1x8x128xi32, #tpu.memory_space<vmem>> -> memref<8x128xi32, #tpu.memory_space<vmem>>
        %dma_start3A_340 = arith.constant 0 : i32
        %dma_start3A_341 = tpu.memref_slice %arg3[%add3A, %mul3A_328, %dma_start3A_340] : memref<32x160x128xi32, #tpu.memory_space<hbm>> -> memref<1x8x128xi32, #tpu.memory_space<hbm>>
        %dma_start3A_342 = tpu.memref_squeeze %dma_start3A_341 : memref<1x8x128xi32, #tpu.memory_space<hbm>> -> memref<8x128xi32, #tpu.memory_space<hbm>>
        tpu.enqueue_dma source(%dma_start3A_342 : memref<8x128xi32, #tpu.memory_space<hbm>>) target(%dma_start3A_339 : memref<8x128xi32, #tpu.memory_space<vmem>>) target_semaphore(%arg13 : memref<!tpu.dma_semaphore, #tpu.memory_space<semaphore_mem>>)
        %add3A_343 = arith.constant 1 : i32
        %add3A_344 = arith.addi %add3A_111, %add3A_343 : i32
        %mul3A_345 = arith.constant 8 : i32
        %mul3A_346 = arith.muli %add3A_344, %mul3A_345 : i32
        %dma_start3A_347 = arith.constant 0 : i32
        %dma_start3A_348 = arith.constant 0 : i32
        %dma_start3A_349 = tpu.memref_slice %arg9[%rem3A_116, %dma_start3A_347, %dma_start3A_348] : memref<2x8x128xi32, #tpu.memory_space<vmem>> -> memref<1x8x128xi32, #tpu.memory_space<vmem>>
        %dma_start3A_350 = tpu.memref_squeeze %dma_start3A_349 : memref<1x8x128xi32, #tpu.memory_space<vmem>> -> memref<8x128xi32, #tpu.memory_space<vmem>>
        %dma_start3A_351 = arith.constant 0 : i32
        %dma_start3A_352 = tpu.memref_slice %arg4[%add3A, %mul3A_346, %dma_start3A_351] : memref<32x160x128xi32, #tpu.memory_space<hbm>> -> memref<1x8x128xi32, #tpu.memory_space<hbm>>
        %dma_start3A_353 = tpu.memref_squeeze %dma_start3A_352 : memref<1x8x128xi32, #tpu.memory_space<hbm>> -> memref<8x128xi32, #tpu.memory_space<hbm>>
        %dma_start3A_354 = arith.constant 0 : i32
        %dma_start3A_355 = arith.constant 0 : i32
        %dma_start3A_356 = tpu.memref_slice %arg9[%rem3A_116, %dma_start3A_354, %dma_start3A_355] : memref<2x8x128xi32, #tpu.memory_space<vmem>> -> memref<1x8x128xi32, #tpu.memory_space<vmem>>
        %dma_start3A_357 = tpu.memref_squeeze %dma_start3A_356 : memref<1x8x128xi32, #tpu.memory_space<vmem>> -> memref<8x128xi32, #tpu.memory_space<vmem>>
        %dma_start3A_358 = arith.constant 0 : i32
        %dma_start3A_359 = tpu.memref_slice %arg4[%add3A, %mul3A_346, %dma_start3A_358] : memref<32x160x128xi32, #tpu.memory_space<hbm>> -> memref<1x8x128xi32, #tpu.memory_space<hbm>>
        %dma_start3A_360 = tpu.memref_squeeze %dma_start3A_359 : memref<1x8x128xi32, #tpu.memory_space<hbm>> -> memref<8x128xi32, #tpu.memory_space<hbm>>
        tpu.enqueue_dma source(%dma_start3A_360 : memref<8x128xi32, #tpu.memory_space<hbm>>) target(%dma_start3A_357 : memref<8x128xi32, #tpu.memory_space<vmem>>) target_semaphore(%arg13 : memref<!tpu.dma_semaphore, #tpu.memory_space<semaphore_mem>>)
      } else {
      }
      %dma_wait3A_121 = arith.constant 0 : i32
      %dma_wait3A_122 = arith.constant 0 : i32
      %dma_wait3A_123 = arith.constant 0 : i32
      %dma_wait3A_124 = arith.constant 0 : i32
      %dma_wait3A_125 = tpu.memref_slice %arg10[%dma_wait3A_122, %dma_wait3A_123, %dma_wait3A_124] : memref<2x128x128xf32, #tpu.memory_space<vmem>> -> memref<1x128x128xf32, #tpu.memory_space<vmem>>
      %dma_wait3A_126 = tpu.memref_squeeze %dma_wait3A_125 : memref<1x128x128xf32, #tpu.memory_space<vmem>> -> memref<128x128xf32, #tpu.memory_space<vmem>>
      %dma_wait3A_127 = arith.constant 0 : i32
      %dma_wait3A_128 = tpu.memref_slice %arg8[%rem3A_112, %dma_wait3A_121, %dma_wait3A_127] : memref<2x8x128xi32, #tpu.memory_space<vmem>> -> memref<1x1x128xi32, #tpu.memory_space<vmem>>
      %dma_wait3A_129 = tpu.memref_squeeze %dma_wait3A_128 : memref<1x1x128xi32, #tpu.memory_space<vmem>> -> memref<128xi32, #tpu.memory_space<vmem>>
      %dma_wait3A_130 = arith.constant 0 : i32
      %dma_wait3A_131 = arith.constant 0 : i32
      %dma_wait3A_132 = tpu.memref_slice %arg2[%dma_wait3A_130, %dma_wait3A_131] : memref<20480x128xf32, #tpu.memory_space<hbm>> -> memref<20480x128xf32, #tpu.memory_space<hbm>>
      tpu.wait_indirect_dma semaphore(%arg11 : memref<!tpu.dma_semaphore, #tpu.memory_space<semaphore_mem>>) src(%dma_wait3A_132 : memref<20480x128xf32, #tpu.memory_space<hbm>>) dst(%dma_wait3A_126 : memref<128x128xf32, #tpu.memory_space<vmem>>)
      %run_scoped3A = arith.constant 0 : i32
      %run_scoped3A_133 = arith.constant 0 : i32
      "tpu.region"() ({
        %run_scoped3A_325 = tpu.sem_alloc : memref<!tpu.dma_semaphore, #tpu.memory_space<semaphore_mem>>
        %dma_start3A_326 = arith.constant 0 : i32
        %dma_start3A_327 = arith.constant 0 : i32
        %dma_start3A_328 = tpu.memref_slice %arg10[%run_scoped3A, %dma_start3A_326, %dma_start3A_327] : memref<2x128x128xf32, #tpu.memory_space<vmem>> -> memref<1x128x128xf32, #tpu.memory_space<vmem>>
        %dma_start3A_329 = tpu.memref_squeeze %dma_start3A_328 : memref<1x128x128xf32, #tpu.memory_space<vmem>> -> memref<128x128xf32, #tpu.memory_space<vmem>>
        %dma_start3A_330 = arith.constant 0 : i32
        %dma_start3A_331 = tpu.memref_slice %arg9[%rem3A_112, %run_scoped3A_133, %dma_start3A_330] : memref<2x8x128xi32, #tpu.memory_space<vmem>> -> memref<1x1x128xi32, #tpu.memory_space<vmem>>
        %dma_start3A_332 = tpu.memref_squeeze %dma_start3A_331 : memref<1x1x128xi32, #tpu.memory_space<vmem>> -> memref<128xi32, #tpu.memory_space<vmem>>
        %dma_start3A_333 = arith.constant 0 : i32
        %dma_start3A_334 = arith.constant 0 : i32
        %dma_start3A_335 = tpu.memref_slice %arg7[%dma_start3A_333, %dma_start3A_334] : memref<10240x128xf32, #tpu.memory_space<vmem_shared>> -> memref<10240x128xf32, #tpu.memory_space<vmem_shared>>
        tpu.enqueue_indirect_dma source(%dma_start3A_329 : memref<128x128xf32, #tpu.memory_space<vmem>>) target(%dma_start3A_335 : memref<10240x128xf32, #tpu.memory_space<vmem_shared>>) offsets(%dma_start3A_332 : memref<128xi32, #tpu.memory_space<vmem>>) semaphore(%run_scoped3A_325 : memref<!tpu.dma_semaphore, #tpu.memory_space<semaphore_mem>>) {add = true}
        %dma_wait3A_336 = arith.constant 0 : i32
        %dma_wait3A_337 = arith.constant 0 : i32
        %dma_wait3A_338 = tpu.memref_slice %arg10[%run_scoped3A, %dma_wait3A_336, %dma_wait3A_337] : memref<2x128x128xf32, #tpu.memory_space<vmem>> -> memref<1x128x128xf32, #tpu.memory_space<vmem>>
        %dma_wait3A_339 = tpu.memref_squeeze %dma_wait3A_338 : memref<1x128x128xf32, #tpu.memory_space<vmem>> -> memref<128x128xf32, #tpu.memory_space<vmem>>
        %dma_wait3A_340 = arith.constant 0 : i32
        %dma_wait3A_341 = tpu.memref_slice %arg9[%rem3A_112, %run_scoped3A_133, %dma_wait3A_340] : memref<2x8x128xi32, #tpu.memory_space<vmem>> -> memref<1x1x128xi32, #tpu.memory_space<vmem>>
        %dma_wait3A_342 = tpu.memref_squeeze %dma_wait3A_341 : memref<1x1x128xi32, #tpu.memory_space<vmem>> -> memref<128xi32, #tpu.memory_space<vmem>>
        %dma_wait3A_343 = arith.constant 0 : i32
        %dma_wait3A_344 = arith.constant 0 : i32
        %dma_wait3A_345 = tpu.memref_slice %arg7[%dma_wait3A_343, %dma_wait3A_344] : memref<10240x128xf32, #tpu.memory_space<vmem_shared>> -> memref<10240x128xf32, #tpu.memory_space<vmem_shared>>
        tpu.wait_indirect_dma semaphore(%run_scoped3A_325 : memref<!tpu.dma_semaphore, #tpu.memory_space<semaphore_mem>>) src(%dma_wait3A_339 : memref<128x128xf32, #tpu.memory_space<vmem>>) dst(%dma_wait3A_345 : memref<10240x128xf32, #tpu.memory_space<vmem_shared>>)
        tpu.yield
      }) : () -> ()
      %dma_start3A_134 = arith.constant 2 : i32
      %dma_start3A_135 = arith.constant 0 : i32
      %dma_start3A_136 = arith.constant 0 : i32
      %dma_start3A_137 = arith.constant 0 : i32
      %dma_start3A_138 = tpu.memref_slice %arg10[%dma_start3A_135, %dma_start3A_136, %dma_start3A_137] : memref<2x128x128xf32, #tpu.memory_space<vmem>> -> memref<1x128x128xf32, #tpu.memory_space<vmem>>
      %dma_start3A_139 = tpu.memref_squeeze %dma_start3A_138 : memref<1x128x128xf32, #tpu.memory_space<vmem>> -> memref<128x128xf32, #tpu.memory_space<vmem>>
      %dma_start3A_140 = arith.constant 0 : i32
      %dma_start3A_141 = tpu.memref_slice %arg8[%rem3A_112, %dma_start3A_134, %dma_start3A_140] : memref<2x8x128xi32, #tpu.memory_space<vmem>> -> memref<1x1x128xi32, #tpu.memory_space<vmem>>
      %dma_start3A_142 = tpu.memref_squeeze %dma_start3A_141 : memref<1x1x128xi32, #tpu.memory_space<vmem>> -> memref<128xi32, #tpu.memory_space<vmem>>
      %dma_start3A_143 = arith.constant 0 : i32
      %dma_start3A_144 = arith.constant 0 : i32
      %dma_start3A_145 = tpu.memref_slice %arg2[%dma_start3A_143, %dma_start3A_144] : memref<20480x128xf32, #tpu.memory_space<hbm>> -> memref<20480x128xf32, #tpu.memory_space<hbm>>
      tpu.enqueue_indirect_dma source(%dma_start3A_145 : memref<20480x128xf32, #tpu.memory_space<hbm>>) target(%dma_start3A_139 : memref<128x128xf32, #tpu.memory_space<vmem>>) offsets(%dma_start3A_142 : memref<128xi32, #tpu.memory_space<vmem>>) semaphore(%arg11 : memref<!tpu.dma_semaphore, #tpu.memory_space<semaphore_mem>>)
      %dma_wait3A_146 = arith.constant 1 : i32
      %dma_wait3A_147 = arith.constant 1 : i32
      %dma_wait3A_148 = arith.constant 0 : i32
      %dma_wait3A_149 = arith.constant 0 : i32
      %dma_wait3A_150 = tpu.memref_slice %arg10[%dma_wait3A_147, %dma_wait3A_148, %dma_wait3A_149] : memref<2x128x128xf32, #tpu.memory_space<vmem>> -> memref<1x128x128xf32, #tpu.memory_space<vmem>>
      %dma_wait3A_151 = tpu.memref_squeeze %dma_wait3A_150 : memref<1x128x128xf32, #tpu.memory_space<vmem>> -> memref<128x128xf32, #tpu.memory_space<vmem>>
      %dma_wait3A_152 = arith.constant 0 : i32
      %dma_wait3A_153 = tpu.memref_slice %arg8[%rem3A_112, %dma_wait3A_146, %dma_wait3A_152] : memref<2x8x128xi32, #tpu.memory_space<vmem>> -> memref<1x1x128xi32, #tpu.memory_space<vmem>>
      %dma_wait3A_154 = tpu.memref_squeeze %dma_wait3A_153 : memref<1x1x128xi32, #tpu.memory_space<vmem>> -> memref<128xi32, #tpu.memory_space<vmem>>
      %dma_wait3A_155 = arith.constant 0 : i32
      %dma_wait3A_156 = arith.constant 0 : i32
      %dma_wait3A_157 = tpu.memref_slice %arg2[%dma_wait3A_155, %dma_wait3A_156] : memref<20480x128xf32, #tpu.memory_space<hbm>> -> memref<20480x128xf32, #tpu.memory_space<hbm>>
      tpu.wait_indirect_dma semaphore(%arg12 : memref<!tpu.dma_semaphore, #tpu.memory_space<semaphore_mem>>) src(%dma_wait3A_157 : memref<20480x128xf32, #tpu.memory_space<hbm>>) dst(%dma_wait3A_151 : memref<128x128xf32, #tpu.memory_space<vmem>>)
      %run_scoped3A_158 = arith.constant 1 : i32
      %run_scoped3A_159 = arith.constant 1 : i32
      "tpu.region"() ({
        %run_scoped3A_325 = tpu.sem_alloc : memref<!tpu.dma_semaphore, #tpu.memory_space<semaphore_mem>>
        %dma_start3A_326 = arith.constant 0 : i32
        %dma_start3A_327 = arith.constant 0 : i32
        %dma_start3A_328 = tpu.memref_slice %arg10[%run_scoped3A_158, %dma_start3A_326, %dma_start3A_327] : memref<2x128x128xf32, #tpu.memory_space<vmem>> -> memref<1x128x128xf32, #tpu.memory_space<vmem>>
        %dma_start3A_329 = tpu.memref_squeeze %dma_start3A_328 : memref<1x128x128xf32, #tpu.memory_space<vmem>> -> memref<128x128xf32, #tpu.memory_space<vmem>>
        %dma_start3A_330 = arith.constant 0 : i32
        %dma_start3A_331 = tpu.memref_slice %arg9[%rem3A_112, %run_scoped3A_159, %dma_start3A_330] : memref<2x8x128xi32, #tpu.memory_space<vmem>> -> memref<1x1x128xi32, #tpu.memory_space<vmem>>
        %dma_start3A_332 = tpu.memref_squeeze %dma_start3A_331 : memref<1x1x128xi32, #tpu.memory_space<vmem>> -> memref<128xi32, #tpu.memory_space<vmem>>
        %dma_start3A_333 = arith.constant 0 : i32
        %dma_start3A_334 = arith.constant 0 : i32
        %dma_start3A_335 = tpu.memref_slice %arg7[%dma_start3A_333, %dma_start3A_334] : memref<10240x128xf32, #tpu.memory_space<vmem_shared>> -> memref<10240x128xf32, #tpu.memory_space<vmem_shared>>
        tpu.enqueue_indirect_dma source(%dma_start3A_329 : memref<128x128xf32, #tpu.memory_space<vmem>>) target(%dma_start3A_335 : memref<10240x128xf32, #tpu.memory_space<vmem_shared>>) offsets(%dma_start3A_332 : memref<128xi32, #tpu.memory_space<vmem>>) semaphore(%run_scoped3A_325 : memref<!tpu.dma_semaphore, #tpu.memory_space<semaphore_mem>>) {add = true}
        %dma_wait3A_336 = arith.constant 0 : i32
        %dma_wait3A_337 = arith.constant 0 : i32
        %dma_wait3A_338 = tpu.memref_slice %arg10[%run_scoped3A_158, %dma_wait3A_336, %dma_wait3A_337] : memref<2x128x128xf32, #tpu.memory_space<vmem>> -> memref<1x128x128xf32, #tpu.memory_space<vmem>>
        %dma_wait3A_339 = tpu.memref_squeeze %dma_wait3A_338 : memref<1x128x128xf32, #tpu.memory_space<vmem>> -> memref<128x128xf32, #tpu.memory_space<vmem>>
        %dma_wait3A_340 = arith.constant 0 : i32
        %dma_wait3A_341 = tpu.memref_slice %arg9[%rem3A_112, %run_scoped3A_159, %dma_wait3A_340] : memref<2x8x128xi32, #tpu.memory_space<vmem>> -> memref<1x1x128xi32, #tpu.memory_space<vmem>>
        %dma_wait3A_342 = tpu.memref_squeeze %dma_wait3A_341 : memref<1x1x128xi32, #tpu.memory_space<vmem>> -> memref<128xi32, #tpu.memory_space<vmem>>
        %dma_wait3A_343 = arith.constant 0 : i32
        %dma_wait3A_344 = arith.constant 0 : i32
        %dma_wait3A_345 = tpu.memref_slice %arg7[%dma_wait3A_343, %dma_wait3A_344] : memref<10240x128xf32, #tpu.memory_space<vmem_shared>> -> memref<10240x128xf32, #tpu.memory_space<vmem_shared>>
        tpu.wait_indirect_dma semaphore(%run_scoped3A_325 : memref<!tpu.dma_semaphore, #tpu.memory_space<semaphore_mem>>) src(%dma_wait3A_339 : memref<128x128xf32, #tpu.memory_space<vmem>>) dst(%dma_wait3A_345 : memref<10240x128xf32, #tpu.memory_space<vmem_shared>>)
        tpu.yield
      }) : () -> ()
      %dma_start3A_160 = arith.constant 3 : i32
      %dma_start3A_161 = arith.constant 1 : i32
      %dma_start3A_162 = arith.constant 0 : i32
      %dma_start3A_163 = arith.constant 0 : i32
      %dma_start3A_164 = tpu.memref_slice %arg10[%dma_start3A_161, %dma_start3A_162, %dma_start3A_163] : memref<2x128x128xf32, #tpu.memory_space<vmem>> -> memref<1x128x128xf32, #tpu.memory_space<vmem>>
      %dma_start3A_165 = tpu.memref_squeeze %dma_start3A_164 : memref<1x128x128xf32, #tpu.memory_space<vmem>> -> memref<128x128xf32, #tpu.memory_space<vmem>>
      %dma_start3A_166 = arith.constant 0 : i32
      %dma_start3A_167 = tpu.memref_slice %arg8[%rem3A_112, %dma_start3A_160, %dma_start3A_166] : memref<2x8x128xi32, #tpu.memory_space<vmem>> -> memref<1x1x128xi32, #tpu.memory_space<vmem>>
      %dma_start3A_168 = tpu.memref_squeeze %dma_start3A_167 : memref<1x1x128xi32, #tpu.memory_space<vmem>> -> memref<128xi32, #tpu.memory_space<vmem>>
      %dma_start3A_169 = arith.constant 0 : i32
      %dma_start3A_170 = arith.constant 0 : i32
      %dma_start3A_171 = tpu.memref_slice %arg2[%dma_start3A_169, %dma_start3A_170] : memref<20480x128xf32, #tpu.memory_space<hbm>> -> memref<20480x128xf32, #tpu.memory_space<hbm>>
      tpu.enqueue_indirect_dma source(%dma_start3A_171 : memref<20480x128xf32, #tpu.memory_space<hbm>>) target(%dma_start3A_165 : memref<128x128xf32, #tpu.memory_space<vmem>>) offsets(%dma_start3A_168 : memref<128xi32, #tpu.memory_space<vmem>>) semaphore(%arg12 : memref<!tpu.dma_semaphore, #tpu.memory_space<semaphore_mem>>)
      %dma_wait3A_172 = arith.constant 2 : i32
      %dma_wait3A_173 = arith.constant 0 : i32
      %dma_wait3A_174 = arith.constant 0 : i32
      %dma_wait3A_175 = arith.constant 0 : i32
      %dma_wait3A_176 = tpu.memref_slice %arg10[%dma_wait3A_173, %dma_wait3A_174, %dma_wait3A_175] : memref<2x128x128xf32, #tpu.memory_space<vmem>> -> memref<1x128x128xf32, #tpu.memory_space<vmem>>
      %dma_wait3A_177 = tpu.memref_squeeze %dma_wait3A_176 : memref<1x128x128xf32, #tpu.memory_space<vmem>> -> memref<128x128xf32, #tpu.memory_space<vmem>>
      %dma_wait3A_178 = arith.constant 0 : i32
      %dma_wait3A_179 = tpu.memref_slice %arg8[%rem3A_112, %dma_wait3A_172, %dma_wait3A_178] : memref<2x8x128xi32, #tpu.memory_space<vmem>> -> memref<1x1x128xi32, #tpu.memory_space<vmem>>
      %dma_wait3A_180 = tpu.memref_squeeze %dma_wait3A_179 : memref<1x1x128xi32, #tpu.memory_space<vmem>> -> memref<128xi32, #tpu.memory_space<vmem>>
      %dma_wait3A_181 = arith.constant 0 : i32
      %dma_wait3A_182 = arith.constant 0 : i32
      %dma_wait3A_183 = tpu.memref_slice %arg2[%dma_wait3A_181, %dma_wait3A_182] : memref<20480x128xf32, #tpu.memory_space<hbm>> -> memref<20480x128xf32, #tpu.memory_space<hbm>>
      tpu.wait_indirect_dma semaphore(%arg11 : memref<!tpu.dma_semaphore, #tpu.memory_space<semaphore_mem>>) src(%dma_wait3A_183 : memref<20480x128xf32, #tpu.memory_space<hbm>>) dst(%dma_wait3A_177 : memref<128x128xf32, #tpu.memory_space<vmem>>)
      %run_scoped3A_184 = arith.constant 0 : i32
      %run_scoped3A_185 = arith.constant 2 : i32
      "tpu.region"() ({
        %run_scoped3A_325 = tpu.sem_alloc : memref<!tpu.dma_semaphore, #tpu.memory_space<semaphore_mem>>
        %dma_start3A_326 = arith.constant 0 : i32
        %dma_start3A_327 = arith.constant 0 : i32
        %dma_start3A_328 = tpu.memref_slice %arg10[%run_scoped3A_184, %dma_start3A_326, %dma_start3A_327] : memref<2x128x128xf32, #tpu.memory_space<vmem>> -> memref<1x128x128xf32, #tpu.memory_space<vmem>>
        %dma_start3A_329 = tpu.memref_squeeze %dma_start3A_328 : memref<1x128x128xf32, #tpu.memory_space<vmem>> -> memref<128x128xf32, #tpu.memory_space<vmem>>
        %dma_start3A_330 = arith.constant 0 : i32
        %dma_start3A_331 = tpu.memref_slice %arg9[%rem3A_112, %run_scoped3A_185, %dma_start3A_330] : memref<2x8x128xi32, #tpu.memory_space<vmem>> -> memref<1x1x128xi32, #tpu.memory_space<vmem>>
        %dma_start3A_332 = tpu.memref_squeeze %dma_start3A_331 : memref<1x1x128xi32, #tpu.memory_space<vmem>> -> memref<128xi32, #tpu.memory_space<vmem>>
        %dma_start3A_333 = arith.constant 0 : i32
        %dma_start3A_334 = arith.constant 0 : i32
        %dma_start3A_335 = tpu.memref_slice %arg7[%dma_start3A_333, %dma_start3A_334] : memref<10240x128xf32, #tpu.memory_space<vmem_shared>> -> memref<10240x128xf32, #tpu.memory_space<vmem_shared>>
        tpu.enqueue_indirect_dma source(%dma_start3A_329 : memref<128x128xf32, #tpu.memory_space<vmem>>) target(%dma_start3A_335 : memref<10240x128xf32, #tpu.memory_space<vmem_shared>>) offsets(%dma_start3A_332 : memref<128xi32, #tpu.memory_space<vmem>>) semaphore(%run_scoped3A_325 : memref<!tpu.dma_semaphore, #tpu.memory_space<semaphore_mem>>) {add = true}
        %dma_wait3A_336 = arith.constant 0 : i32
        %dma_wait3A_337 = arith.constant 0 : i32
        %dma_wait3A_338 = tpu.memref_slice %arg10[%run_scoped3A_184, %dma_wait3A_336, %dma_wait3A_337] : memref<2x128x128xf32, #tpu.memory_space<vmem>> -> memref<1x128x128xf32, #tpu.memory_space<vmem>>
        %dma_wait3A_339 = tpu.memref_squeeze %dma_wait3A_338 : memref<1x128x128xf32, #tpu.memory_space<vmem>> -> memref<128x128xf32, #tpu.memory_space<vmem>>
        %dma_wait3A_340 = arith.constant 0 : i32
        %dma_wait3A_341 = tpu.memref_slice %arg9[%rem3A_112, %run_scoped3A_185, %dma_wait3A_340] : memref<2x8x128xi32, #tpu.memory_space<vmem>> -> memref<1x1x128xi32, #tpu.memory_space<vmem>>
        %dma_wait3A_342 = tpu.memref_squeeze %dma_wait3A_341 : memref<1x1x128xi32, #tpu.memory_space<vmem>> -> memref<128xi32, #tpu.memory_space<vmem>>
        %dma_wait3A_343 = arith.constant 0 : i32
        %dma_wait3A_344 = arith.constant 0 : i32
        %dma_wait3A_345 = tpu.memref_slice %arg7[%dma_wait3A_343, %dma_wait3A_344] : memref<10240x128xf32, #tpu.memory_space<vmem_shared>> -> memref<10240x128xf32, #tpu.memory_space<vmem_shared>>
        tpu.wait_indirect_dma semaphore(%run_scoped3A_325 : memref<!tpu.dma_semaphore, #tpu.memory_space<semaphore_mem>>) src(%dma_wait3A_339 : memref<128x128xf32, #tpu.memory_space<vmem>>) dst(%dma_wait3A_345 : memref<10240x128xf32, #tpu.memory_space<vmem_shared>>)
        tpu.yield
      }) : () -> ()
      %dma_start3A_186 = arith.constant 4 : i32
      %dma_start3A_187 = arith.constant 0 : i32
      %dma_start3A_188 = arith.constant 0 : i32
      %dma_start3A_189 = arith.constant 0 : i32
      %dma_start3A_190 = tpu.memref_slice %arg10[%dma_start3A_187, %dma_start3A_188, %dma_start3A_189] : memref<2x128x128xf32, #tpu.memory_space<vmem>> -> memref<1x128x128xf32, #tpu.memory_space<vmem>>
      %dma_start3A_191 = tpu.memref_squeeze %dma_start3A_190 : memref<1x128x128xf32, #tpu.memory_space<vmem>> -> memref<128x128xf32, #tpu.memory_space<vmem>>
      %dma_start3A_192 = arith.constant 0 : i32
      %dma_start3A_193 = tpu.memref_slice %arg8[%rem3A_112, %dma_start3A_186, %dma_start3A_192] : memref<2x8x128xi32, #tpu.memory_space<vmem>> -> memref<1x1x128xi32, #tpu.memory_space<vmem>>
      %dma_start3A_194 = tpu.memref_squeeze %dma_start3A_193 : memref<1x1x128xi32, #tpu.memory_space<vmem>> -> memref<128xi32, #tpu.memory_space<vmem>>
      %dma_start3A_195 = arith.constant 0 : i32
      %dma_start3A_196 = arith.constant 0 : i32
      %dma_start3A_197 = tpu.memref_slice %arg2[%dma_start3A_195, %dma_start3A_196] : memref<20480x128xf32, #tpu.memory_space<hbm>> -> memref<20480x128xf32, #tpu.memory_space<hbm>>
      tpu.enqueue_indirect_dma source(%dma_start3A_197 : memref<20480x128xf32, #tpu.memory_space<hbm>>) target(%dma_start3A_191 : memref<128x128xf32, #tpu.memory_space<vmem>>) offsets(%dma_start3A_194 : memref<128xi32, #tpu.memory_space<vmem>>) semaphore(%arg11 : memref<!tpu.dma_semaphore, #tpu.memory_space<semaphore_mem>>)
      %dma_wait3A_198 = arith.constant 3 : i32
      %dma_wait3A_199 = arith.constant 1 : i32
      %dma_wait3A_200 = arith.constant 0 : i32
      %dma_wait3A_201 = arith.constant 0 : i32
      %dma_wait3A_202 = tpu.memref_slice %arg10[%dma_wait3A_199, %dma_wait3A_200, %dma_wait3A_201] : memref<2x128x128xf32, #tpu.memory_space<vmem>> -> memref<1x128x128xf32, #tpu.memory_space<vmem>>
      %dma_wait3A_203 = tpu.memref_squeeze %dma_wait3A_202 : memref<1x128x128xf32, #tpu.memory_space<vmem>> -> memref<128x128xf32, #tpu.memory_space<vmem>>
      %dma_wait3A_204 = arith.constant 0 : i32
      %dma_wait3A_205 = tpu.memref_slice %arg8[%rem3A_112, %dma_wait3A_198, %dma_wait3A_204] : memref<2x8x128xi32, #tpu.memory_space<vmem>> -> memref<1x1x128xi32, #tpu.memory_space<vmem>>
      %dma_wait3A_206 = tpu.memref_squeeze %dma_wait3A_205 : memref<1x1x128xi32, #tpu.memory_space<vmem>> -> memref<128xi32, #tpu.memory_space<vmem>>
      %dma_wait3A_207 = arith.constant 0 : i32
      %dma_wait3A_208 = arith.constant 0 : i32
      %dma_wait3A_209 = tpu.memref_slice %arg2[%dma_wait3A_207, %dma_wait3A_208] : memref<20480x128xf32, #tpu.memory_space<hbm>> -> memref<20480x128xf32, #tpu.memory_space<hbm>>
      tpu.wait_indirect_dma semaphore(%arg12 : memref<!tpu.dma_semaphore, #tpu.memory_space<semaphore_mem>>) src(%dma_wait3A_209 : memref<20480x128xf32, #tpu.memory_space<hbm>>) dst(%dma_wait3A_203 : memref<128x128xf32, #tpu.memory_space<vmem>>)
      %run_scoped3A_210 = arith.constant 1 : i32
      %run_scoped3A_211 = arith.constant 3 : i32
      "tpu.region"() ({
        %run_scoped3A_325 = tpu.sem_alloc : memref<!tpu.dma_semaphore, #tpu.memory_space<semaphore_mem>>
        %dma_start3A_326 = arith.constant 0 : i32
        %dma_start3A_327 = arith.constant 0 : i32
        %dma_start3A_328 = tpu.memref_slice %arg10[%run_scoped3A_210, %dma_start3A_326, %dma_start3A_327] : memref<2x128x128xf32, #tpu.memory_space<vmem>> -> memref<1x128x128xf32, #tpu.memory_space<vmem>>
        %dma_start3A_329 = tpu.memref_squeeze %dma_start3A_328 : memref<1x128x128xf32, #tpu.memory_space<vmem>> -> memref<128x128xf32, #tpu.memory_space<vmem>>
        %dma_start3A_330 = arith.constant 0 : i32
        %dma_start3A_331 = tpu.memref_slice %arg9[%rem3A_112, %run_scoped3A_211, %dma_start3A_330] : memref<2x8x128xi32, #tpu.memory_space<vmem>> -> memref<1x1x128xi32, #tpu.memory_space<vmem>>
        %dma_start3A_332 = tpu.memref_squeeze %dma_start3A_331 : memref<1x1x128xi32, #tpu.memory_space<vmem>> -> memref<128xi32, #tpu.memory_space<vmem>>
        %dma_start3A_333 = arith.constant 0 : i32
        %dma_start3A_334 = arith.constant 0 : i32
        %dma_start3A_335 = tpu.memref_slice %arg7[%dma_start3A_333, %dma_start3A_334] : memref<10240x128xf32, #tpu.memory_space<vmem_shared>> -> memref<10240x128xf32, #tpu.memory_space<vmem_shared>>
        tpu.enqueue_indirect_dma source(%dma_start3A_329 : memref<128x128xf32, #tpu.memory_space<vmem>>) target(%dma_start3A_335 : memref<10240x128xf32, #tpu.memory_space<vmem_shared>>) offsets(%dma_start3A_332 : memref<128xi32, #tpu.memory_space<vmem>>) semaphore(%run_scoped3A_325 : memref<!tpu.dma_semaphore, #tpu.memory_space<semaphore_mem>>) {add = true}
        %dma_wait3A_336 = arith.constant 0 : i32
        %dma_wait3A_337 = arith.constant 0 : i32
        %dma_wait3A_338 = tpu.memref_slice %arg10[%run_scoped3A_210, %dma_wait3A_336, %dma_wait3A_337] : memref<2x128x128xf32, #tpu.memory_space<vmem>> -> memref<1x128x128xf32, #tpu.memory_space<vmem>>
        %dma_wait3A_339 = tpu.memref_squeeze %dma_wait3A_338 : memref<1x128x128xf32, #tpu.memory_space<vmem>> -> memref<128x128xf32, #tpu.memory_space<vmem>>
        %dma_wait3A_340 = arith.constant 0 : i32
        %dma_wait3A_341 = tpu.memref_slice %arg9[%rem3A_112, %run_scoped3A_211, %dma_wait3A_340] : memref<2x8x128xi32, #tpu.memory_space<vmem>> -> memref<1x1x128xi32, #tpu.memory_space<vmem>>
        %dma_wait3A_342 = tpu.memref_squeeze %dma_wait3A_341 : memref<1x1x128xi32, #tpu.memory_space<vmem>> -> memref<128xi32, #tpu.memory_space<vmem>>
        %dma_wait3A_343 = arith.constant 0 : i32
        %dma_wait3A_344 = arith.constant 0 : i32
        %dma_wait3A_345 = tpu.memref_slice %arg7[%dma_wait3A_343, %dma_wait3A_344] : memref<10240x128xf32, #tpu.memory_space<vmem_shared>> -> memref<10240x128xf32, #tpu.memory_space<vmem_shared>>
        tpu.wait_indirect_dma semaphore(%run_scoped3A_325 : memref<!tpu.dma_semaphore, #tpu.memory_space<semaphore_mem>>) src(%dma_wait3A_339 : memref<128x128xf32, #tpu.memory_space<vmem>>) dst(%dma_wait3A_345 : memref<10240x128xf32, #tpu.memory_space<vmem_shared>>)
        tpu.yield
      }) : () -> ()
      %dma_start3A_212 = arith.constant 5 : i32
      %dma_start3A_213 = arith.constant 1 : i32
      %dma_start3A_214 = arith.constant 0 : i32
      %dma_start3A_215 = arith.constant 0 : i32
      %dma_start3A_216 = tpu.memref_slice %arg10[%dma_start3A_213, %dma_start3A_214, %dma_start3A_215] : memref<2x128x128xf32, #tpu.memory_space<vmem>> -> memref<1x128x128xf32, #tpu.memory_space<vmem>>
      %dma_start3A_217 = tpu.memref_squeeze %dma_start3A_216 : memref<1x128x128xf32, #tpu.memory_space<vmem>> -> memref<128x128xf32, #tpu.memory_space<vmem>>
      %dma_start3A_218 = arith.constant 0 : i32
      %dma_start3A_219 = tpu.memref_slice %arg8[%rem3A_112, %dma_start3A_212, %dma_start3A_218] : memref<2x8x128xi32, #tpu.memory_space<vmem>> -> memref<1x1x128xi32, #tpu.memory_space<vmem>>
      %dma_start3A_220 = tpu.memref_squeeze %dma_start3A_219 : memref<1x1x128xi32, #tpu.memory_space<vmem>> -> memref<128xi32, #tpu.memory_space<vmem>>
      %dma_start3A_221 = arith.constant 0 : i32
      %dma_start3A_222 = arith.constant 0 : i32
      %dma_start3A_223 = tpu.memref_slice %arg2[%dma_start3A_221, %dma_start3A_222] : memref<20480x128xf32, #tpu.memory_space<hbm>> -> memref<20480x128xf32, #tpu.memory_space<hbm>>
      tpu.enqueue_indirect_dma source(%dma_start3A_223 : memref<20480x128xf32, #tpu.memory_space<hbm>>) target(%dma_start3A_217 : memref<128x128xf32, #tpu.memory_space<vmem>>) offsets(%dma_start3A_220 : memref<128xi32, #tpu.memory_space<vmem>>) semaphore(%arg12 : memref<!tpu.dma_semaphore, #tpu.memory_space<semaphore_mem>>)
      %dma_wait3A_224 = arith.constant 4 : i32
      %dma_wait3A_225 = arith.constant 0 : i32
      %dma_wait3A_226 = arith.constant 0 : i32
      %dma_wait3A_227 = arith.constant 0 : i32
      %dma_wait3A_228 = tpu.memref_slice %arg10[%dma_wait3A_225, %dma_wait3A_226, %dma_wait3A_227] : memref<2x128x128xf32, #tpu.memory_space<vmem>> -> memref<1x128x128xf32, #tpu.memory_space<vmem>>
      %dma_wait3A_229 = tpu.memref_squeeze %dma_wait3A_228 : memref<1x128x128xf32, #tpu.memory_space<vmem>> -> memref<128x128xf32, #tpu.memory_space<vmem>>
      %dma_wait3A_230 = arith.constant 0 : i32
      %dma_wait3A_231 = tpu.memref_slice %arg8[%rem3A_112, %dma_wait3A_224, %dma_wait3A_230] : memref<2x8x128xi32, #tpu.memory_space<vmem>> -> memref<1x1x128xi32, #tpu.memory_space<vmem>>
      %dma_wait3A_232 = tpu.memref_squeeze %dma_wait3A_231 : memref<1x1x128xi32, #tpu.memory_space<vmem>> -> memref<128xi32, #tpu.memory_space<vmem>>
      %dma_wait3A_233 = arith.constant 0 : i32
      %dma_wait3A_234 = arith.constant 0 : i32
      %dma_wait3A_235 = tpu.memref_slice %arg2[%dma_wait3A_233, %dma_wait3A_234] : memref<20480x128xf32, #tpu.memory_space<hbm>> -> memref<20480x128xf32, #tpu.memory_space<hbm>>
      tpu.wait_indirect_dma semaphore(%arg11 : memref<!tpu.dma_semaphore, #tpu.memory_space<semaphore_mem>>) src(%dma_wait3A_235 : memref<20480x128xf32, #tpu.memory_space<hbm>>) dst(%dma_wait3A_229 : memref<128x128xf32, #tpu.memory_space<vmem>>)
      %run_scoped3A_236 = arith.constant 0 : i32
      %run_scoped3A_237 = arith.constant 4 : i32
      "tpu.region"() ({
        %run_scoped3A_325 = tpu.sem_alloc : memref<!tpu.dma_semaphore, #tpu.memory_space<semaphore_mem>>
        %dma_start3A_326 = arith.constant 0 : i32
        %dma_start3A_327 = arith.constant 0 : i32
        %dma_start3A_328 = tpu.memref_slice %arg10[%run_scoped3A_236, %dma_start3A_326, %dma_start3A_327] : memref<2x128x128xf32, #tpu.memory_space<vmem>> -> memref<1x128x128xf32, #tpu.memory_space<vmem>>
        %dma_start3A_329 = tpu.memref_squeeze %dma_start3A_328 : memref<1x128x128xf32, #tpu.memory_space<vmem>> -> memref<128x128xf32, #tpu.memory_space<vmem>>
        %dma_start3A_330 = arith.constant 0 : i32
        %dma_start3A_331 = tpu.memref_slice %arg9[%rem3A_112, %run_scoped3A_237, %dma_start3A_330] : memref<2x8x128xi32, #tpu.memory_space<vmem>> -> memref<1x1x128xi32, #tpu.memory_space<vmem>>
        %dma_start3A_332 = tpu.memref_squeeze %dma_start3A_331 : memref<1x1x128xi32, #tpu.memory_space<vmem>> -> memref<128xi32, #tpu.memory_space<vmem>>
        %dma_start3A_333 = arith.constant 0 : i32
        %dma_start3A_334 = arith.constant 0 : i32
        %dma_start3A_335 = tpu.memref_slice %arg7[%dma_start3A_333, %dma_start3A_334] : memref<10240x128xf32, #tpu.memory_space<vmem_shared>> -> memref<10240x128xf32, #tpu.memory_space<vmem_shared>>
        tpu.enqueue_indirect_dma source(%dma_start3A_329 : memref<128x128xf32, #tpu.memory_space<vmem>>) target(%dma_start3A_335 : memref<10240x128xf32, #tpu.memory_space<vmem_shared>>) offsets(%dma_start3A_332 : memref<128xi32, #tpu.memory_space<vmem>>) semaphore(%run_scoped3A_325 : memref<!tpu.dma_semaphore, #tpu.memory_space<semaphore_mem>>) {add = true}
        %dma_wait3A_336 = arith.constant 0 : i32
        %dma_wait3A_337 = arith.constant 0 : i32
        %dma_wait3A_338 = tpu.memref_slice %arg10[%run_scoped3A_236, %dma_wait3A_336, %dma_wait3A_337] : memref<2x128x128xf32, #tpu.memory_space<vmem>> -> memref<1x128x128xf32, #tpu.memory_space<vmem>>
        %dma_wait3A_339 = tpu.memref_squeeze %dma_wait3A_338 : memref<1x128x128xf32, #tpu.memory_space<vmem>> -> memref<128x128xf32, #tpu.memory_space<vmem>>
        %dma_wait3A_340 = arith.constant 0 : i32
        %dma_wait3A_341 = tpu.memref_slice %arg9[%rem3A_112, %run_scoped3A_237, %dma_wait3A_340] : memref<2x8x128xi32, #tpu.memory_space<vmem>> -> memref<1x1x128xi32, #tpu.memory_space<vmem>>
        %dma_wait3A_342 = tpu.memref_squeeze %dma_wait3A_341 : memref<1x1x128xi32, #tpu.memory_space<vmem>> -> memref<128xi32, #tpu.memory_space<vmem>>
        %dma_wait3A_343 = arith.constant 0 : i32
        %dma_wait3A_344 = arith.constant 0 : i32
        %dma_wait3A_345 = tpu.memref_slice %arg7[%dma_wait3A_343, %dma_wait3A_344] : memref<10240x128xf32, #tpu.memory_space<vmem_shared>> -> memref<10240x128xf32, #tpu.memory_space<vmem_shared>>
        tpu.wait_indirect_dma semaphore(%run_scoped3A_325 : memref<!tpu.dma_semaphore, #tpu.memory_space<semaphore_mem>>) src(%dma_wait3A_339 : memref<128x128xf32, #tpu.memory_space<vmem>>) dst(%dma_wait3A_345 : memref<10240x128xf32, #tpu.memory_space<vmem_shared>>)
        tpu.yield
      }) : () -> ()
      %dma_start3A_238 = arith.constant 6 : i32
      %dma_start3A_239 = arith.constant 0 : i32
      %dma_start3A_240 = arith.constant 0 : i32
      %dma_start3A_241 = arith.constant 0 : i32
      %dma_start3A_242 = tpu.memref_slice %arg10[%dma_start3A_239, %dma_start3A_240, %dma_start3A_241] : memref<2x128x128xf32, #tpu.memory_space<vmem>> -> memref<1x128x128xf32, #tpu.memory_space<vmem>>
      %dma_start3A_243 = tpu.memref_squeeze %dma_start3A_242 : memref<1x128x128xf32, #tpu.memory_space<vmem>> -> memref<128x128xf32, #tpu.memory_space<vmem>>
      %dma_start3A_244 = arith.constant 0 : i32
      %dma_start3A_245 = tpu.memref_slice %arg8[%rem3A_112, %dma_start3A_238, %dma_start3A_244] : memref<2x8x128xi32, #tpu.memory_space<vmem>> -> memref<1x1x128xi32, #tpu.memory_space<vmem>>
      %dma_start3A_246 = tpu.memref_squeeze %dma_start3A_245 : memref<1x1x128xi32, #tpu.memory_space<vmem>> -> memref<128xi32, #tpu.memory_space<vmem>>
      %dma_start3A_247 = arith.constant 0 : i32
      %dma_start3A_248 = arith.constant 0 : i32
      %dma_start3A_249 = tpu.memref_slice %arg2[%dma_start3A_247, %dma_start3A_248] : memref<20480x128xf32, #tpu.memory_space<hbm>> -> memref<20480x128xf32, #tpu.memory_space<hbm>>
      tpu.enqueue_indirect_dma source(%dma_start3A_249 : memref<20480x128xf32, #tpu.memory_space<hbm>>) target(%dma_start3A_243 : memref<128x128xf32, #tpu.memory_space<vmem>>) offsets(%dma_start3A_246 : memref<128xi32, #tpu.memory_space<vmem>>) semaphore(%arg11 : memref<!tpu.dma_semaphore, #tpu.memory_space<semaphore_mem>>)
      %dma_wait3A_250 = arith.constant 5 : i32
      %dma_wait3A_251 = arith.constant 1 : i32
      %dma_wait3A_252 = arith.constant 0 : i32
      %dma_wait3A_253 = arith.constant 0 : i32
      %dma_wait3A_254 = tpu.memref_slice %arg10[%dma_wait3A_251, %dma_wait3A_252, %dma_wait3A_253] : memref<2x128x128xf32, #tpu.memory_space<vmem>> -> memref<1x128x128xf32, #tpu.memory_space<vmem>>
      %dma_wait3A_255 = tpu.memref_squeeze %dma_wait3A_254 : memref<1x128x128xf32, #tpu.memory_space<vmem>> -> memref<128x128xf32, #tpu.memory_space<vmem>>
      %dma_wait3A_256 = arith.constant 0 : i32
      %dma_wait3A_257 = tpu.memref_slice %arg8[%rem3A_112, %dma_wait3A_250, %dma_wait3A_256] : memref<2x8x128xi32, #tpu.memory_space<vmem>> -> memref<1x1x128xi32, #tpu.memory_space<vmem>>
      %dma_wait3A_258 = tpu.memref_squeeze %dma_wait3A_257 : memref<1x1x128xi32, #tpu.memory_space<vmem>> -> memref<128xi32, #tpu.memory_space<vmem>>
      %dma_wait3A_259 = arith.constant 0 : i32
      %dma_wait3A_260 = arith.constant 0 : i32
      %dma_wait3A_261 = tpu.memref_slice %arg2[%dma_wait3A_259, %dma_wait3A_260] : memref<20480x128xf32, #tpu.memory_space<hbm>> -> memref<20480x128xf32, #tpu.memory_space<hbm>>
      tpu.wait_indirect_dma semaphore(%arg12 : memref<!tpu.dma_semaphore, #tpu.memory_space<semaphore_mem>>) src(%dma_wait3A_261 : memref<20480x128xf32, #tpu.memory_space<hbm>>) dst(%dma_wait3A_255 : memref<128x128xf32, #tpu.memory_space<vmem>>)
      %run_scoped3A_262 = arith.constant 1 : i32
      %run_scoped3A_263 = arith.constant 5 : i32
      "tpu.region"() ({
        %run_scoped3A_325 = tpu.sem_alloc : memref<!tpu.dma_semaphore, #tpu.memory_space<semaphore_mem>>
        %dma_start3A_326 = arith.constant 0 : i32
        %dma_start3A_327 = arith.constant 0 : i32
        %dma_start3A_328 = tpu.memref_slice %arg10[%run_scoped3A_262, %dma_start3A_326, %dma_start3A_327] : memref<2x128x128xf32, #tpu.memory_space<vmem>> -> memref<1x128x128xf32, #tpu.memory_space<vmem>>
        %dma_start3A_329 = tpu.memref_squeeze %dma_start3A_328 : memref<1x128x128xf32, #tpu.memory_space<vmem>> -> memref<128x128xf32, #tpu.memory_space<vmem>>
        %dma_start3A_330 = arith.constant 0 : i32
        %dma_start3A_331 = tpu.memref_slice %arg9[%rem3A_112, %run_scoped3A_263, %dma_start3A_330] : memref<2x8x128xi32, #tpu.memory_space<vmem>> -> memref<1x1x128xi32, #tpu.memory_space<vmem>>
        %dma_start3A_332 = tpu.memref_squeeze %dma_start3A_331 : memref<1x1x128xi32, #tpu.memory_space<vmem>> -> memref<128xi32, #tpu.memory_space<vmem>>
        %dma_start3A_333 = arith.constant 0 : i32
        %dma_start3A_334 = arith.constant 0 : i32
        %dma_start3A_335 = tpu.memref_slice %arg7[%dma_start3A_333, %dma_start3A_334] : memref<10240x128xf32, #tpu.memory_space<vmem_shared>> -> memref<10240x128xf32, #tpu.memory_space<vmem_shared>>
        tpu.enqueue_indirect_dma source(%dma_start3A_329 : memref<128x128xf32, #tpu.memory_space<vmem>>) target(%dma_start3A_335 : memref<10240x128xf32, #tpu.memory_space<vmem_shared>>) offsets(%dma_start3A_332 : memref<128xi32, #tpu.memory_space<vmem>>) semaphore(%run_scoped3A_325 : memref<!tpu.dma_semaphore, #tpu.memory_space<semaphore_mem>>) {add = true}
        %dma_wait3A_336 = arith.constant 0 : i32
        %dma_wait3A_337 = arith.constant 0 : i32
        %dma_wait3A_338 = tpu.memref_slice %arg10[%run_scoped3A_262, %dma_wait3A_336, %dma_wait3A_337] : memref<2x128x128xf32, #tpu.memory_space<vmem>> -> memref<1x128x128xf32, #tpu.memory_space<vmem>>
        %dma_wait3A_339 = tpu.memref_squeeze %dma_wait3A_338 : memref<1x128x128xf32, #tpu.memory_space<vmem>> -> memref<128x128xf32, #tpu.memory_space<vmem>>
        %dma_wait3A_340 = arith.constant 0 : i32
        %dma_wait3A_341 = tpu.memref_slice %arg9[%rem3A_112, %run_scoped3A_263, %dma_wait3A_340] : memref<2x8x128xi32, #tpu.memory_space<vmem>> -> memref<1x1x128xi32, #tpu.memory_space<vmem>>
        %dma_wait3A_342 = tpu.memref_squeeze %dma_wait3A_341 : memref<1x1x128xi32, #tpu.memory_space<vmem>> -> memref<128xi32, #tpu.memory_space<vmem>>
        %dma_wait3A_343 = arith.constant 0 : i32
        %dma_wait3A_344 = arith.constant 0 : i32
        %dma_wait3A_345 = tpu.memref_slice %arg7[%dma_wait3A_343, %dma_wait3A_344] : memref<10240x128xf32, #tpu.memory_space<vmem_shared>> -> memref<10240x128xf32, #tpu.memory_space<vmem_shared>>
        tpu.wait_indirect_dma semaphore(%run_scoped3A_325 : memref<!tpu.dma_semaphore, #tpu.memory_space<semaphore_mem>>) src(%dma_wait3A_339 : memref<128x128xf32, #tpu.memory_space<vmem>>) dst(%dma_wait3A_345 : memref<10240x128xf32, #tpu.memory_space<vmem_shared>>)
        tpu.yield
      }) : () -> ()
      %dma_start3A_264 = arith.constant 7 : i32
      %dma_start3A_265 = arith.constant 1 : i32
      %dma_start3A_266 = arith.constant 0 : i32
      %dma_start3A_267 = arith.constant 0 : i32
      %dma_start3A_268 = tpu.memref_slice %arg10[%dma_start3A_265, %dma_start3A_266, %dma_start3A_267] : memref<2x128x128xf32, #tpu.memory_space<vmem>> -> memref<1x128x128xf32, #tpu.memory_space<vmem>>
      %dma_start3A_269 = tpu.memref_squeeze %dma_start3A_268 : memref<1x128x128xf32, #tpu.memory_space<vmem>> -> memref<128x128xf32, #tpu.memory_space<vmem>>
      %dma_start3A_270 = arith.constant 0 : i32
      %dma_start3A_271 = tpu.memref_slice %arg8[%rem3A_112, %dma_start3A_264, %dma_start3A_270] : memref<2x8x128xi32, #tpu.memory_space<vmem>> -> memref<1x1x128xi32, #tpu.memory_space<vmem>>
      %dma_start3A_272 = tpu.memref_squeeze %dma_start3A_271 : memref<1x1x128xi32, #tpu.memory_space<vmem>> -> memref<128xi32, #tpu.memory_space<vmem>>
      %dma_start3A_273 = arith.constant 0 : i32
      %dma_start3A_274 = arith.constant 0 : i32
      %dma_start3A_275 = tpu.memref_slice %arg2[%dma_start3A_273, %dma_start3A_274] : memref<20480x128xf32, #tpu.memory_space<hbm>> -> memref<20480x128xf32, #tpu.memory_space<hbm>>
      tpu.enqueue_indirect_dma source(%dma_start3A_275 : memref<20480x128xf32, #tpu.memory_space<hbm>>) target(%dma_start3A_269 : memref<128x128xf32, #tpu.memory_space<vmem>>) offsets(%dma_start3A_272 : memref<128xi32, #tpu.memory_space<vmem>>) semaphore(%arg12 : memref<!tpu.dma_semaphore, #tpu.memory_space<semaphore_mem>>)
      %dma_wait3A_276 = arith.constant 6 : i32
      %dma_wait3A_277 = arith.constant 0 : i32
      %dma_wait3A_278 = arith.constant 0 : i32
      %dma_wait3A_279 = arith.constant 0 : i32
      %dma_wait3A_280 = tpu.memref_slice %arg10[%dma_wait3A_277, %dma_wait3A_278, %dma_wait3A_279] : memref<2x128x128xf32, #tpu.memory_space<vmem>> -> memref<1x128x128xf32, #tpu.memory_space<vmem>>
      %dma_wait3A_281 = tpu.memref_squeeze %dma_wait3A_280 : memref<1x128x128xf32, #tpu.memory_space<vmem>> -> memref<128x128xf32, #tpu.memory_space<vmem>>
      %dma_wait3A_282 = arith.constant 0 : i32
      %dma_wait3A_283 = tpu.memref_slice %arg8[%rem3A_112, %dma_wait3A_276, %dma_wait3A_282] : memref<2x8x128xi32, #tpu.memory_space<vmem>> -> memref<1x1x128xi32, #tpu.memory_space<vmem>>
      %dma_wait3A_284 = tpu.memref_squeeze %dma_wait3A_283 : memref<1x1x128xi32, #tpu.memory_space<vmem>> -> memref<128xi32, #tpu.memory_space<vmem>>
      %dma_wait3A_285 = arith.constant 0 : i32
      %dma_wait3A_286 = arith.constant 0 : i32
      %dma_wait3A_287 = tpu.memref_slice %arg2[%dma_wait3A_285, %dma_wait3A_286] : memref<20480x128xf32, #tpu.memory_space<hbm>> -> memref<20480x128xf32, #tpu.memory_space<hbm>>
      tpu.wait_indirect_dma semaphore(%arg11 : memref<!tpu.dma_semaphore, #tpu.memory_space<semaphore_mem>>) src(%dma_wait3A_287 : memref<20480x128xf32, #tpu.memory_space<hbm>>) dst(%dma_wait3A_281 : memref<128x128xf32, #tpu.memory_space<vmem>>)
      %add3A_288 = arith.constant 1 : i32
      %add3A_289 = arith.addi %add3A_111, %add3A_288 : i32
      %lt3A_290 = arith.constant 20 : i32
      %lt3A_291 = arith.cmpi slt, %add3A_289, %lt3A_290 : i32
      %convert_element_type3A_292 = arith.extui %lt3A_291 : i1 to i32
      %cond3A_293 = arith.constant 0 : i32
      %cond3A_294 = arith.cmpi ne, %convert_element_type3A_292, %cond3A_293 : i32
      scf.if %cond3A_294 {
        %add3A_325 = arith.constant 1 : i32
        %add3A_326 = arith.addi %add3A_111, %add3A_325 : i32
        %mul3A_327 = arith.constant 8 : i32
        %mul3A_328 = arith.muli %add3A_326, %mul3A_327 : i32
        %dma_wait3A_329 = arith.constant 0 : i32
        %dma_wait3A_330 = arith.constant 0 : i32
        %dma_wait3A_331 = tpu.memref_slice %arg8[%rem3A_116, %dma_wait3A_329, %dma_wait3A_330] : memref<2x8x128xi32, #tpu.memory_space<vmem>> -> memref<1x8x128xi32, #tpu.memory_space<vmem>>
        %dma_wait3A_332 = tpu.memref_squeeze %dma_wait3A_331 : memref<1x8x128xi32, #tpu.memory_space<vmem>> -> memref<8x128xi32, #tpu.memory_space<vmem>>
        %dma_wait3A_333 = arith.constant 0 : i32
        %dma_wait3A_334 = tpu.memref_slice %arg3[%add3A, %mul3A_328, %dma_wait3A_333] : memref<32x160x128xi32, #tpu.memory_space<hbm>> -> memref<1x8x128xi32, #tpu.memory_space<hbm>>
        %dma_wait3A_335 = tpu.memref_squeeze %dma_wait3A_334 : memref<1x8x128xi32, #tpu.memory_space<hbm>> -> memref<8x128xi32, #tpu.memory_space<hbm>>
        %dma_wait3A_336 = arith.constant 0 : i32
        %dma_wait3A_337 = arith.constant 0 : i32
        %dma_wait3A_338 = tpu.memref_slice %arg8[%rem3A_116, %dma_wait3A_336, %dma_wait3A_337] : memref<2x8x128xi32, #tpu.memory_space<vmem>> -> memref<1x8x128xi32, #tpu.memory_space<vmem>>
        %dma_wait3A_339 = tpu.memref_squeeze %dma_wait3A_338 : memref<1x8x128xi32, #tpu.memory_space<vmem>> -> memref<8x128xi32, #tpu.memory_space<vmem>>
        %dma_wait3A_340 = arith.constant 0 : i32
        %dma_wait3A_341 = tpu.memref_slice %arg3[%add3A, %mul3A_328, %dma_wait3A_340] : memref<32x160x128xi32, #tpu.memory_space<hbm>> -> memref<1x8x128xi32, #tpu.memory_space<hbm>>
        %dma_wait3A_342 = tpu.memref_squeeze %dma_wait3A_341 : memref<1x8x128xi32, #tpu.memory_space<hbm>> -> memref<8x128xi32, #tpu.memory_space<hbm>>
        tpu.wait_dma2 semaphore(%arg13 : memref<!tpu.dma_semaphore, #tpu.memory_space<semaphore_mem>>) src(%dma_wait3A_342 : memref<8x128xi32, #tpu.memory_space<hbm>>) dst(%dma_wait3A_339 : memref<8x128xi32, #tpu.memory_space<vmem>>)
        %add3A_343 = arith.constant 1 : i32
        %add3A_344 = arith.addi %add3A_111, %add3A_343 : i32
        %mul3A_345 = arith.constant 8 : i32
        %mul3A_346 = arith.muli %add3A_344, %mul3A_345 : i32
        %dma_wait3A_347 = arith.constant 0 : i32
        %dma_wait3A_348 = arith.constant 0 : i32
        %dma_wait3A_349 = tpu.memref_slice %arg9[%rem3A_116, %dma_wait3A_347, %dma_wait3A_348] : memref<2x8x128xi32, #tpu.memory_space<vmem>> -> memref<1x8x128xi32, #tpu.memory_space<vmem>>
        %dma_wait3A_350 = tpu.memref_squeeze %dma_wait3A_349 : memref<1x8x128xi32, #tpu.memory_space<vmem>> -> memref<8x128xi32, #tpu.memory_space<vmem>>
        %dma_wait3A_351 = arith.constant 0 : i32
        %dma_wait3A_352 = tpu.memref_slice %arg4[%add3A, %mul3A_346, %dma_wait3A_351] : memref<32x160x128xi32, #tpu.memory_space<hbm>> -> memref<1x8x128xi32, #tpu.memory_space<hbm>>
        %dma_wait3A_353 = tpu.memref_squeeze %dma_wait3A_352 : memref<1x8x128xi32, #tpu.memory_space<hbm>> -> memref<8x128xi32, #tpu.memory_space<hbm>>
        %dma_wait3A_354 = arith.constant 0 : i32
        %dma_wait3A_355 = arith.constant 0 : i32
        %dma_wait3A_356 = tpu.memref_slice %arg9[%rem3A_116, %dma_wait3A_354, %dma_wait3A_355] : memref<2x8x128xi32, #tpu.memory_space<vmem>> -> memref<1x8x128xi32, #tpu.memory_space<vmem>>
        %dma_wait3A_357 = tpu.memref_squeeze %dma_wait3A_356 : memref<1x8x128xi32, #tpu.memory_space<vmem>> -> memref<8x128xi32, #tpu.memory_space<vmem>>
        %dma_wait3A_358 = arith.constant 0 : i32
        %dma_wait3A_359 = tpu.memref_slice %arg4[%add3A, %mul3A_346, %dma_wait3A_358] : memref<32x160x128xi32, #tpu.memory_space<hbm>> -> memref<1x8x128xi32, #tpu.memory_space<hbm>>
        %dma_wait3A_360 = tpu.memref_squeeze %dma_wait3A_359 : memref<1x8x128xi32, #tpu.memory_space<hbm>> -> memref<8x128xi32, #tpu.memory_space<hbm>>
        tpu.wait_dma2 semaphore(%arg13 : memref<!tpu.dma_semaphore, #tpu.memory_space<semaphore_mem>>) src(%dma_wait3A_360 : memref<8x128xi32, #tpu.memory_space<hbm>>) dst(%dma_wait3A_357 : memref<8x128xi32, #tpu.memory_space<vmem>>)
      } else {
      }
      %run_scoped3A_295 = arith.constant 0 : i32
      %run_scoped3A_296 = arith.constant 6 : i32
      "tpu.region"() ({
        %run_scoped3A_325 = tpu.sem_alloc : memref<!tpu.dma_semaphore, #tpu.memory_space<semaphore_mem>>
        %dma_start3A_326 = arith.constant 0 : i32
        %dma_start3A_327 = arith.constant 0 : i32
        %dma_start3A_328 = tpu.memref_slice %arg10[%run_scoped3A_295, %dma_start3A_326, %dma_start3A_327] : memref<2x128x128xf32, #tpu.memory_space<vmem>> -> memref<1x128x128xf32, #tpu.memory_space<vmem>>
        %dma_start3A_329 = tpu.memref_squeeze %dma_start3A_328 : memref<1x128x128xf32, #tpu.memory_space<vmem>> -> memref<128x128xf32, #tpu.memory_space<vmem>>
        %dma_start3A_330 = arith.constant 0 : i32
        %dma_start3A_331 = tpu.memref_slice %arg9[%rem3A_112, %run_scoped3A_296, %dma_start3A_330] : memref<2x8x128xi32, #tpu.memory_space<vmem>> -> memref<1x1x128xi32, #tpu.memory_space<vmem>>
        %dma_start3A_332 = tpu.memref_squeeze %dma_start3A_331 : memref<1x1x128xi32, #tpu.memory_space<vmem>> -> memref<128xi32, #tpu.memory_space<vmem>>
        %dma_start3A_333 = arith.constant 0 : i32
        %dma_start3A_334 = arith.constant 0 : i32
        %dma_start3A_335 = tpu.memref_slice %arg7[%dma_start3A_333, %dma_start3A_334] : memref<10240x128xf32, #tpu.memory_space<vmem_shared>> -> memref<10240x128xf32, #tpu.memory_space<vmem_shared>>
        tpu.enqueue_indirect_dma source(%dma_start3A_329 : memref<128x128xf32, #tpu.memory_space<vmem>>) target(%dma_start3A_335 : memref<10240x128xf32, #tpu.memory_space<vmem_shared>>) offsets(%dma_start3A_332 : memref<128xi32, #tpu.memory_space<vmem>>) semaphore(%run_scoped3A_325 : memref<!tpu.dma_semaphore, #tpu.memory_space<semaphore_mem>>) {add = true}
        %dma_wait3A_336 = arith.constant 0 : i32
        %dma_wait3A_337 = arith.constant 0 : i32
        %dma_wait3A_338 = tpu.memref_slice %arg10[%run_scoped3A_295, %dma_wait3A_336, %dma_wait3A_337] : memref<2x128x128xf32, #tpu.memory_space<vmem>> -> memref<1x128x128xf32, #tpu.memory_space<vmem>>
        %dma_wait3A_339 = tpu.memref_squeeze %dma_wait3A_338 : memref<1x128x128xf32, #tpu.memory_space<vmem>> -> memref<128x128xf32, #tpu.memory_space<vmem>>
        %dma_wait3A_340 = arith.constant 0 : i32
        %dma_wait3A_341 = tpu.memref_slice %arg9[%rem3A_112, %run_scoped3A_296, %dma_wait3A_340] : memref<2x8x128xi32, #tpu.memory_space<vmem>> -> memref<1x1x128xi32, #tpu.memory_space<vmem>>
        %dma_wait3A_342 = tpu.memref_squeeze %dma_wait3A_341 : memref<1x1x128xi32, #tpu.memory_space<vmem>> -> memref<128xi32, #tpu.memory_space<vmem>>
        %dma_wait3A_343 = arith.constant 0 : i32
        %dma_wait3A_344 = arith.constant 0 : i32
        %dma_wait3A_345 = tpu.memref_slice %arg7[%dma_wait3A_343, %dma_wait3A_344] : memref<10240x128xf32, #tpu.memory_space<vmem_shared>> -> memref<10240x128xf32, #tpu.memory_space<vmem_shared>>
        tpu.wait_indirect_dma semaphore(%run_scoped3A_325 : memref<!tpu.dma_semaphore, #tpu.memory_space<semaphore_mem>>) src(%dma_wait3A_339 : memref<128x128xf32, #tpu.memory_space<vmem>>) dst(%dma_wait3A_345 : memref<10240x128xf32, #tpu.memory_space<vmem_shared>>)
        tpu.yield
      }) : () -> ()
      %add3A_297 = arith.constant 1 : i32
      %add3A_298 = arith.addi %add3A_111, %add3A_297 : i32
      %lt3A_299 = arith.constant 20 : i32
      %lt3A_300 = arith.cmpi slt, %add3A_298, %lt3A_299 : i32
      %convert_element_type3A_301 = arith.extui %lt3A_300 : i1 to i32
      %cond3A_302 = arith.constant 0 : i32
      %cond3A_303 = arith.cmpi ne, %convert_element_type3A_301, %cond3A_302 : i32
      scf.if %cond3A_303 {
        %dma_start3A_325 = arith.constant 0 : i32
        %dma_start3A_326 = arith.constant 0 : i32
        %dma_start3A_327 = arith.constant 0 : i32
        %dma_start3A_328 = arith.constant 0 : i32
        %dma_start3A_329 = tpu.memref_slice %arg10[%dma_start3A_326, %dma_start3A_327, %dma_start3A_328] : memref<2x128x128xf32, #tpu.memory_space<vmem>> -> memref<1x128x128xf32, #tpu.memory_space<vmem>>
        %dma_start3A_330 = tpu.memref_squeeze %dma_start3A_329 : memref<1x128x128xf32, #tpu.memory_space<vmem>> -> memref<128x128xf32, #tpu.memory_space<vmem>>
        %dma_start3A_331 = arith.constant 0 : i32
        %dma_start3A_332 = tpu.memref_slice %arg8[%rem3A_116, %dma_start3A_325, %dma_start3A_331] : memref<2x8x128xi32, #tpu.memory_space<vmem>> -> memref<1x1x128xi32, #tpu.memory_space<vmem>>
        %dma_start3A_333 = tpu.memref_squeeze %dma_start3A_332 : memref<1x1x128xi32, #tpu.memory_space<vmem>> -> memref<128xi32, #tpu.memory_space<vmem>>
        %dma_start3A_334 = arith.constant 0 : i32
        %dma_start3A_335 = arith.constant 0 : i32
        %dma_start3A_336 = tpu.memref_slice %arg2[%dma_start3A_334, %dma_start3A_335] : memref<20480x128xf32, #tpu.memory_space<hbm>> -> memref<20480x128xf32, #tpu.memory_space<hbm>>
        tpu.enqueue_indirect_dma source(%dma_start3A_336 : memref<20480x128xf32, #tpu.memory_space<hbm>>) target(%dma_start3A_330 : memref<128x128xf32, #tpu.memory_space<vmem>>) offsets(%dma_start3A_333 : memref<128xi32, #tpu.memory_space<vmem>>) semaphore(%arg11 : memref<!tpu.dma_semaphore, #tpu.memory_space<semaphore_mem>>)
      } else {
      }
      %dma_wait3A_304 = arith.constant 7 : i32
      %dma_wait3A_305 = arith.constant 1 : i32
      %dma_wait3A_306 = arith.constant 0 : i32
      %dma_wait3A_307 = arith.constant 0 : i32
      %dma_wait3A_308 = tpu.memref_slice %arg10[%dma_wait3A_305, %dma_wait3A_306, %dma_wait3A_307] : memref<2x128x128xf32, #tpu.memory_space<vmem>> -> memref<1x128x128xf32, #tpu.memory_space<vmem>>
      %dma_wait3A_309 = tpu.memref_squeeze %dma_wait3A_308 : memref<1x128x128xf32, #tpu.memory_space<vmem>> -> memref<128x128xf32, #tpu.memory_space<vmem>>
      %dma_wait3A_310 = arith.constant 0 : i32
      %dma_wait3A_311 = tpu.memref_slice %arg8[%rem3A_112, %dma_wait3A_304, %dma_wait3A_310] : memref<2x8x128xi32, #tpu.memory_space<vmem>> -> memref<1x1x128xi32, #tpu.memory_space<vmem>>
      %dma_wait3A_312 = tpu.memref_squeeze %dma_wait3A_311 : memref<1x1x128xi32, #tpu.memory_space<vmem>> -> memref<128xi32, #tpu.memory_space<vmem>>
      %dma_wait3A_313 = arith.constant 0 : i32
      %dma_wait3A_314 = arith.constant 0 : i32
      %dma_wait3A_315 = tpu.memref_slice %arg2[%dma_wait3A_313, %dma_wait3A_314] : memref<20480x128xf32, #tpu.memory_space<hbm>> -> memref<20480x128xf32, #tpu.memory_space<hbm>>
      tpu.wait_indirect_dma semaphore(%arg12 : memref<!tpu.dma_semaphore, #tpu.memory_space<semaphore_mem>>) src(%dma_wait3A_315 : memref<20480x128xf32, #tpu.memory_space<hbm>>) dst(%dma_wait3A_309 : memref<128x128xf32, #tpu.memory_space<vmem>>)
      %run_scoped3A_316 = arith.constant 1 : i32
      %run_scoped3A_317 = arith.constant 7 : i32
      "tpu.region"() ({
        %run_scoped3A_325 = tpu.sem_alloc : memref<!tpu.dma_semaphore, #tpu.memory_space<semaphore_mem>>
        %dma_start3A_326 = arith.constant 0 : i32
        %dma_start3A_327 = arith.constant 0 : i32
        %dma_start3A_328 = tpu.memref_slice %arg10[%run_scoped3A_316, %dma_start3A_326, %dma_start3A_327] : memref<2x128x128xf32, #tpu.memory_space<vmem>> -> memref<1x128x128xf32, #tpu.memory_space<vmem>>
        %dma_start3A_329 = tpu.memref_squeeze %dma_start3A_328 : memref<1x128x128xf32, #tpu.memory_space<vmem>> -> memref<128x128xf32, #tpu.memory_space<vmem>>
        %dma_start3A_330 = arith.constant 0 : i32
        %dma_start3A_331 = tpu.memref_slice %arg9[%rem3A_112, %run_scoped3A_317, %dma_start3A_330] : memref<2x8x128xi32, #tpu.memory_space<vmem>> -> memref<1x1x128xi32, #tpu.memory_space<vmem>>
        %dma_start3A_332 = tpu.memref_squeeze %dma_start3A_331 : memref<1x1x128xi32, #tpu.memory_space<vmem>> -> memref<128xi32, #tpu.memory_space<vmem>>
        %dma_start3A_333 = arith.constant 0 : i32
        %dma_start3A_334 = arith.constant 0 : i32
        %dma_start3A_335 = tpu.memref_slice %arg7[%dma_start3A_333, %dma_start3A_334] : memref<10240x128xf32, #tpu.memory_space<vmem_shared>> -> memref<10240x128xf32, #tpu.memory_space<vmem_shared>>
        tpu.enqueue_indirect_dma source(%dma_start3A_329 : memref<128x128xf32, #tpu.memory_space<vmem>>) target(%dma_start3A_335 : memref<10240x128xf32, #tpu.memory_space<vmem_shared>>) offsets(%dma_start3A_332 : memref<128xi32, #tpu.memory_space<vmem>>) semaphore(%run_scoped3A_325 : memref<!tpu.dma_semaphore, #tpu.memory_space<semaphore_mem>>) {add = true}
        %dma_wait3A_336 = arith.constant 0 : i32
        %dma_wait3A_337 = arith.constant 0 : i32
        %dma_wait3A_338 = tpu.memref_slice %arg10[%run_scoped3A_316, %dma_wait3A_336, %dma_wait3A_337] : memref<2x128x128xf32, #tpu.memory_space<vmem>> -> memref<1x128x128xf32, #tpu.memory_space<vmem>>
        %dma_wait3A_339 = tpu.memref_squeeze %dma_wait3A_338 : memref<1x128x128xf32, #tpu.memory_space<vmem>> -> memref<128x128xf32, #tpu.memory_space<vmem>>
        %dma_wait3A_340 = arith.constant 0 : i32
        %dma_wait3A_341 = tpu.memref_slice %arg9[%rem3A_112, %run_scoped3A_317, %dma_wait3A_340] : memref<2x8x128xi32, #tpu.memory_space<vmem>> -> memref<1x1x128xi32, #tpu.memory_space<vmem>>
        %dma_wait3A_342 = tpu.memref_squeeze %dma_wait3A_341 : memref<1x1x128xi32, #tpu.memory_space<vmem>> -> memref<128xi32, #tpu.memory_space<vmem>>
        %dma_wait3A_343 = arith.constant 0 : i32
        %dma_wait3A_344 = arith.constant 0 : i32
        %dma_wait3A_345 = tpu.memref_slice %arg7[%dma_wait3A_343, %dma_wait3A_344] : memref<10240x128xf32, #tpu.memory_space<vmem_shared>> -> memref<10240x128xf32, #tpu.memory_space<vmem_shared>>
        tpu.wait_indirect_dma semaphore(%run_scoped3A_325 : memref<!tpu.dma_semaphore, #tpu.memory_space<semaphore_mem>>) src(%dma_wait3A_339 : memref<128x128xf32, #tpu.memory_space<vmem>>) dst(%dma_wait3A_345 : memref<10240x128xf32, #tpu.memory_space<vmem_shared>>)
        tpu.yield
      }) : () -> ()
      %add3A_318 = arith.constant 1 : i32
      %add3A_319 = arith.addi %add3A_111, %add3A_318 : i32
      %lt3A_320 = arith.constant 20 : i32
      %lt3A_321 = arith.cmpi slt, %add3A_319, %lt3A_320 : i32
      %convert_element_type3A_322 = arith.extui %lt3A_321 : i1 to i32
      %cond3A_323 = arith.constant 0 : i32
      %cond3A_324 = arith.cmpi ne, %convert_element_type3A_322, %cond3A_323 : i32
      scf.if %cond3A_324 {
        %dma_start3A_325 = arith.constant 1 : i32
        %dma_start3A_326 = arith.constant 1 : i32
        %dma_start3A_327 = arith.constant 0 : i32
        %dma_start3A_328 = arith.constant 0 : i32
        %dma_start3A_329 = tpu.memref_slice %arg10[%dma_start3A_326, %dma_start3A_327, %dma_start3A_328] : memref<2x128x128xf32, #tpu.memory_space<vmem>> -> memref<1x128x128xf32, #tpu.memory_space<vmem>>
        %dma_start3A_330 = tpu.memref_squeeze %dma_start3A_329 : memref<1x128x128xf32, #tpu.memory_space<vmem>> -> memref<128x128xf32, #tpu.memory_space<vmem>>
        %dma_start3A_331 = arith.constant 0 : i32
        %dma_start3A_332 = tpu.memref_slice %arg8[%rem3A_116, %dma_start3A_325, %dma_start3A_331] : memref<2x8x128xi32, #tpu.memory_space<vmem>> -> memref<1x1x128xi32, #tpu.memory_space<vmem>>
        %dma_start3A_333 = tpu.memref_squeeze %dma_start3A_332 : memref<1x1x128xi32, #tpu.memory_space<vmem>> -> memref<128xi32, #tpu.memory_space<vmem>>
        %dma_start3A_334 = arith.constant 0 : i32
        %dma_start3A_335 = arith.constant 0 : i32
        %dma_start3A_336 = tpu.memref_slice %arg2[%dma_start3A_334, %dma_start3A_335] : memref<20480x128xf32, #tpu.memory_space<hbm>> -> memref<20480x128xf32, #tpu.memory_space<hbm>>
        tpu.enqueue_indirect_dma source(%dma_start3A_336 : memref<20480x128xf32, #tpu.memory_space<hbm>>) target(%dma_start3A_330 : memref<128x128xf32, #tpu.memory_space<vmem>>) offsets(%dma_start3A_333 : memref<128xi32, #tpu.memory_space<vmem>>) semaphore(%arg12 : memref<!tpu.dma_semaphore, #tpu.memory_space<semaphore_mem>>)
      } else {
      }
    }
    %scan3A_98 = arith.constant 20 : i32
    %barrier3A_99 = arith.constant 0 : index
    tpu.barrier barrier_id(%barrier3A_99)
    %mul3A_100 = arith.constant 640 : i32
    %mul3A_101 = arith.muli %arg1, %mul3A_100 : i32
    %mul3A_102 = arith.constant 10240 : i32
    %mul3A_103 = arith.muli %arg0, %mul3A_102 : i32
    %mul3A_104 = arith.constant 640 : i32
    %mul3A_105 = arith.muli %arg1, %mul3A_104 : i32
    %add3A_106 = arith.addi %mul3A_103, %mul3A_105 : i32
    "tpu.region"() ({
      %run_scoped3A = tpu.sem_alloc : memref<!tpu.dma_semaphore, #tpu.memory_space<semaphore_mem>>
      %dma_start3A_107 = arith.constant 0 : i32
      %dma_start3A_108 = tpu.memref_slice %arg6[%add3A_106, %dma_start3A_107] : memref<20480x128xf32, #tpu.memory_space<hbm>> -> memref<640x128xf32, #tpu.memory_space<hbm>>
      %dma_start3A_109 = arith.constant 0 : i32
      %dma_start3A_110 = tpu.memref_slice %arg7[%mul3A_101, %dma_start3A_109] : memref<10240x128xf32, #tpu.memory_space<vmem_shared>> -> memref<640x128xf32, #tpu.memory_space<vmem_shared>>
      tpu.enqueue_dma source(%dma_start3A_110 : memref<640x128xf32, #tpu.memory_space<vmem_shared>>) target(%dma_start3A_108 : memref<640x128xf32, #tpu.memory_space<hbm>>) target_semaphore(%run_scoped3A : memref<!tpu.dma_semaphore, #tpu.memory_space<semaphore_mem>>)
      %dma_wait3A_111 = arith.constant 0 : i32
      %dma_wait3A_112 = tpu.memref_slice %arg6[%add3A_106, %dma_wait3A_111] : memref<20480x128xf32, #tpu.memory_space<hbm>> -> memref<640x128xf32, #tpu.memory_space<hbm>>
      %dma_wait3A_113 = arith.constant 0 : i32
      %dma_wait3A_114 = tpu.memref_slice %arg7[%mul3A_101, %dma_wait3A_113] : memref<10240x128xf32, #tpu.memory_space<vmem_shared>> -> memref<640x128xf32, #tpu.memory_space<vmem_shared>>
      tpu.wait_dma2 semaphore(%run_scoped3A : memref<!tpu.dma_semaphore, #tpu.memory_space<semaphore_mem>>) src(%dma_wait3A_114 : memref<640x128xf32, #tpu.memory_space<vmem_shared>>) dst(%dma_wait3A_112 : memref<640x128xf32, #tpu.memory_space<hbm>>)
      tpu.yield
    }) : () -> ()
    return
  }
}

module attributes {stable_mosaic.version = 14 : i64} {
  func.func @_tc1_body(%arg0: i32, %arg1: memref<2560x8xf32, #tpu.memory_space<vmem>>, %arg2: memref<2560x128xf32, #tpu.memory_space<vmem>>, %arg3: memref<128x128xf32, #tpu.memory_space<vmem>>, %arg4: memref<1x128xf32, #tpu.memory_space<vmem>>, %arg5: memref<2560x128xf32, #tpu.memory_space<vmem>>) attributes {dimension_semantics = [#tpu.dimension_semantics<arbitrary>], iteration_bounds = array<i64: 8>, scalar_prefetch = 0 : i64, scratch_operands = 0 : i64, tpu.core_type = #tpu.core_type<tc>, window_params = [{transform_indices = @transform_0, window_bounds = array<i64: 2560, 8>}, {transform_indices = @transform_1, window_bounds = array<i64: 2560, 128>}, {pipeline_mode = #tpu.pipeline_mode<synchronous>, transform_indices = @transform_2, window_bounds = array<i64: 128, 128>}, {pipeline_mode = #tpu.pipeline_mode<synchronous>, transform_indices = @transform_3, window_bounds = array<i64: 1, 128>}, {transform_indices = @transform_4, window_bounds = array<i64: 2560, 128>}]} {
    %get3A = arith.constant 0 : index
    %get3A_0 = arith.constant 0 : index
    %get3A_1 = vector.load %arg1[%get3A, %get3A_0] : memref<2560x8xf32, #tpu.memory_space<vmem>>, vector<2560x1xf32>
    %max3A = arith.constant 1.000000e+00 : f32
    %max3A_2 = vector.broadcast %max3A : f32 to vector<2560x1xf32>
    %max3A_3 = arith.maximumf %get3A_1, %max3A_2 : vector<2560x1xf32>
    %rsqrt3A = math.rsqrt %max3A_3 : vector<2560x1xf32>
    %get3A_4 = arith.constant 0 : index
    %get3A_5 = arith.constant 0 : index
    %get3A_6 = vector.load %arg2[%get3A_4, %get3A_5] : memref<2560x128xf32, #tpu.memory_space<vmem>>, vector<2560x128xf32>
    %get3A_7 = arith.constant 0 : index
    %get3A_8 = arith.constant 0 : index
    %get3A_9 = vector.load %arg3[%get3A_7, %get3A_8] : memref<128x128xf32, #tpu.memory_space<vmem>>, vector<128x128xf32>
    %dot_general3A = arith.constant dense<0.000000e+00> : vector<2560x128xf32>
    %dot_general3A_10 = tpu.matmul %get3A_6, %get3A_9, %dot_general3A {dimension_numbers = #tpu.dot_dimension_numbers<[1], [0], [0], [1], [0, 0, 1, 1], [], []>, transpose_lhs_hint = false} : vector<2560x128xf32>, vector<128x128xf32>, vector<2560x128xf32> -> vector<2560x128xf32>
    %get3A_11 = arith.constant 0 : index
    %get3A_12 = arith.constant 0 : index
    %get3A_13 = vector.load %arg4[%get3A_11, %get3A_12] : memref<1x128xf32, #tpu.memory_space<vmem>>, vector<1x128xf32>
    %add3A = vector.broadcast %get3A_13 : vector<1x128xf32> to vector<2560x128xf32>
    %add3A_14 = arith.addf %dot_general3A_10, %add3A : vector<2560x128xf32>
    %mul3A = vector.broadcast %rsqrt3A : vector<2560x1xf32> to vector<2560x128xf32>
    %mul3A_15 = arith.mulf %add3A_14, %mul3A : vector<2560x128xf32>
    %swap3A = arith.constant 0 : index
    %swap3A_16 = arith.constant 0 : index
    %swap3A_17 = vector.load %arg5[%swap3A, %swap3A_16] : memref<2560x128xf32, #tpu.memory_space<vmem>>, vector<2560x128xf32>
    tpu.vector_store %arg5[%swap3A, %swap3A_16], %mul3A_15 {strides = array<i32>} : memref<2560x128xf32, #tpu.memory_space<vmem>>, vector<2560x128xf32>,
    return
  }
  func.func @transform_0(%arg0: i32) -> (i32, i32) {
    %c0_i32 = arith.constant 0 : i32
    %c0_i32_0 = arith.constant 0 : i32
    return %arg0, %c0_i32 : i32, i32
  }
  func.func @transform_1(%arg0: i32) -> (i32, i32) {
    %c0_i32 = arith.constant 0 : i32
    %c0_i32_0 = arith.constant 0 : i32
    return %arg0, %c0_i32 : i32, i32
  }
  func.func @transform_2(%arg0: i32) -> (i32, i32) {
    %c0_i32 = arith.constant 0 : i32
    %c0_i32_0 = arith.constant 0 : i32
    %c0_i32_1 = arith.constant 0 : i32
    return %c0_i32, %c0_i32_0 : i32, i32
  }
  func.func @transform_3(%arg0: i32) -> (i32, i32) {
    %c0_i32 = arith.constant 0 : i32
    %c0_i32_0 = arith.constant 0 : i32
    %c0_i32_1 = arith.constant 0 : i32
    return %c0_i32, %c0_i32_0 : i32, i32
  }
  func.func @transform_4(%arg0: i32) -> (i32, i32) {
    %c0_i32 = arith.constant 0 : i32
    %c0_i32_0 = arith.constant 0 : i32
    return %arg0, %c0_i32 : i32, i32
  }
}

module attributes {stable_mosaic.version = 14 : i64} {
  func.func @_tc2_body(%arg0: i32, %arg1: memref<2560x128xf32, #tpu.memory_space<vmem>>, %arg2: memref<2560x8xf32, #tpu.memory_space<vmem>>, %arg3: memref<128x128xf32, #tpu.memory_space<vmem>>, %arg4: memref<1x128xf32, #tpu.memory_space<vmem>>, %arg5: memref<2560x128xf32, #tpu.memory_space<vmem>>, %arg6: memref<2560x128xf32, #tpu.memory_space<vmem>>) attributes {dimension_semantics = [#tpu.dimension_semantics<arbitrary>], iteration_bounds = array<i64: 8>, scalar_prefetch = 0 : i64, scratch_operands = 0 : i64, tpu.core_type = #tpu.core_type<tc>, window_params = [{transform_indices = @transform_0, window_bounds = array<i64: 2560, 128>}, {transform_indices = @transform_1, window_bounds = array<i64: 2560, 8>}, {pipeline_mode = #tpu.pipeline_mode<synchronous>, transform_indices = @transform_2, window_bounds = array<i64: 128, 128>}, {pipeline_mode = #tpu.pipeline_mode<synchronous>, transform_indices = @transform_3, window_bounds = array<i64: 1, 128>}, {transform_indices = @transform_4, window_bounds = array<i64: 2560, 128>}, {transform_indices = @transform_5, window_bounds = array<i64: 2560, 128>}]} {
    %get3A = arith.constant 0 : index
    %get3A_0 = arith.constant 0 : index
    %get3A_1 = vector.load %arg2[%get3A, %get3A_0] : memref<2560x8xf32, #tpu.memory_space<vmem>>, vector<2560x1xf32>
    %max3A = arith.constant 1.000000e+00 : f32
    %max3A_2 = vector.broadcast %max3A : f32 to vector<2560x1xf32>
    %max3A_3 = arith.maximumf %get3A_1, %max3A_2 : vector<2560x1xf32>
    %rsqrt3A = math.rsqrt %max3A_3 : vector<2560x1xf32>
    %get3A_4 = arith.constant 0 : index
    %get3A_5 = arith.constant 1 : index
    %get3A_6 = vector.load %arg2[%get3A_4, %get3A_5] : memref<2560x8xf32, #tpu.memory_space<vmem>>, vector<2560x1xf32>
    %max3A_7 = arith.constant 1.000000e+00 : f32
    %max3A_8 = vector.broadcast %max3A_7 : f32 to vector<2560x1xf32>
    %max3A_9 = arith.maximumf %get3A_6, %max3A_8 : vector<2560x1xf32>
    %rsqrt3A_10 = math.rsqrt %max3A_9 : vector<2560x1xf32>
    %get3A_11 = arith.constant 0 : index
    %get3A_12 = arith.constant 0 : index
    %get3A_13 = vector.load %arg1[%get3A_11, %get3A_12] : memref<2560x128xf32, #tpu.memory_space<vmem>>, vector<2560x128xf32>
    %mul3A = vector.broadcast %rsqrt3A_10 : vector<2560x1xf32> to vector<2560x128xf32>
    %mul3A_14 = arith.mulf %get3A_13, %mul3A : vector<2560x128xf32>
    %max3A_15 = arith.constant 0.000000e+00 : f32
    %max3A_16 = vector.broadcast %max3A_15 : f32 to vector<2560x128xf32>
    %max3A_17 = arith.maximumf %mul3A_14, %max3A_16 : vector<2560x128xf32>
    %swap3A = arith.constant 0 : index
    %swap3A_18 = arith.constant 0 : index
    %swap3A_19 = vector.load %arg6[%swap3A, %swap3A_18] : memref<2560x128xf32, #tpu.memory_space<vmem>>, vector<2560x128xf32>
    tpu.vector_store %arg6[%swap3A, %swap3A_18], %max3A_17 {strides = array<i32>} : memref<2560x128xf32, #tpu.memory_space<vmem>>, vector<2560x128xf32>,
    %get3A_20 = arith.constant 0 : index
    %get3A_21 = arith.constant 0 : index
    %get3A_22 = vector.load %arg3[%get3A_20, %get3A_21] : memref<128x128xf32, #tpu.memory_space<vmem>>, vector<128x128xf32>
    %dot_general3A = arith.constant dense<0.000000e+00> : vector<2560x128xf32>
    %dot_general3A_23 = tpu.matmul %max3A_17, %get3A_22, %dot_general3A {dimension_numbers = #tpu.dot_dimension_numbers<[1], [0], [0], [1], [0, 0, 1, 1], [], []>, transpose_lhs_hint = false} : vector<2560x128xf32>, vector<128x128xf32>, vector<2560x128xf32> -> vector<2560x128xf32>
    %get3A_24 = arith.constant 0 : index
    %get3A_25 = arith.constant 0 : index
    %get3A_26 = vector.load %arg4[%get3A_24, %get3A_25] : memref<1x128xf32, #tpu.memory_space<vmem>>, vector<1x128xf32>
    %add3A = vector.broadcast %get3A_26 : vector<1x128xf32> to vector<2560x128xf32>
    %add3A_27 = arith.addf %dot_general3A_23, %add3A : vector<2560x128xf32>
    %mul3A_28 = vector.broadcast %rsqrt3A : vector<2560x1xf32> to vector<2560x128xf32>
    %mul3A_29 = arith.mulf %add3A_27, %mul3A_28 : vector<2560x128xf32>
    %swap3A_30 = arith.constant 0 : index
    %swap3A_31 = arith.constant 0 : index
    %swap3A_32 = vector.load %arg5[%swap3A_30, %swap3A_31] : memref<2560x128xf32, #tpu.memory_space<vmem>>, vector<2560x128xf32>
    tpu.vector_store %arg5[%swap3A_30, %swap3A_31], %mul3A_29 {strides = array<i32>} : memref<2560x128xf32, #tpu.memory_space<vmem>>, vector<2560x128xf32>,
    return
  }
  func.func @transform_0(%arg0: i32) -> (i32, i32) {
    %c0_i32 = arith.constant 0 : i32
    %c0_i32_0 = arith.constant 0 : i32
    return %arg0, %c0_i32 : i32, i32
  }
  func.func @transform_1(%arg0: i32) -> (i32, i32) {
    %c0_i32 = arith.constant 0 : i32
    %c0_i32_0 = arith.constant 0 : i32
    return %arg0, %c0_i32 : i32, i32
  }
  func.func @transform_2(%arg0: i32) -> (i32, i32) {
    %c0_i32 = arith.constant 0 : i32
    %c0_i32_0 = arith.constant 0 : i32
    %c0_i32_1 = arith.constant 0 : i32
    return %c0_i32, %c0_i32_0 : i32, i32
  }
  func.func @transform_3(%arg0: i32) -> (i32, i32) {
    %c0_i32 = arith.constant 0 : i32
    %c0_i32_0 = arith.constant 0 : i32
    %c0_i32_1 = arith.constant 0 : i32
    return %c0_i32, %c0_i32_0 : i32, i32
  }
  func.func @transform_4(%arg0: i32) -> (i32, i32) {
    %c0_i32 = arith.constant 0 : i32
    %c0_i32_0 = arith.constant 0 : i32
    return %arg0, %c0_i32 : i32, i32
  }
  func.func @transform_5(%arg0: i32) -> (i32, i32) {
    %c0_i32 = arith.constant 0 : i32
    %c0_i32_0 = arith.constant 0 : i32
    return %arg0, %c0_i32 : i32, i32
  }
}

module attributes {stable_mosaic.version = 14 : i64} {
  func.func @_tc3_body(%arg0: i32, %arg1: memref<2560x128xf32, #tpu.memory_space<vmem>>, %arg2: memref<2560x8xf32, #tpu.memory_space<vmem>>, %arg3: memref<2560x128xf32, #tpu.memory_space<vmem>>, %arg4: memref<128x128xf32, #tpu.memory_space<vmem>>, %arg5: memref<128x128xf32, #tpu.memory_space<vmem>>, %arg6: memref<2560x128xf32, #tpu.memory_space<vmem>>) attributes {dimension_semantics = [#tpu.dimension_semantics<arbitrary>], iteration_bounds = array<i64: 8>, scalar_prefetch = 0 : i64, scratch_operands = 0 : i64, tpu.core_type = #tpu.core_type<tc>, window_params = [{transform_indices = @transform_0, window_bounds = array<i64: 2560, 128>}, {transform_indices = @transform_1, window_bounds = array<i64: 2560, 8>}, {transform_indices = @transform_2, window_bounds = array<i64: 2560, 128>}, {pipeline_mode = #tpu.pipeline_mode<synchronous>, transform_indices = @transform_3, window_bounds = array<i64: 128, 128>}, {pipeline_mode = #tpu.pipeline_mode<synchronous>, transform_indices = @transform_4, window_bounds = array<i64: 128, 128>}, {transform_indices = @transform_5, window_bounds = array<i64: 2560, 128>}]} {
    %get3A = arith.constant 0 : index
    %get3A_0 = arith.constant 1 : index
    %get3A_1 = vector.load %arg2[%get3A, %get3A_0] : memref<2560x8xf32, #tpu.memory_space<vmem>>, vector<2560x1xf32>
    %max3A = arith.constant 1.000000e+00 : f32
    %max3A_2 = vector.broadcast %max3A : f32 to vector<2560x1xf32>
    %max3A_3 = arith.maximumf %get3A_1, %max3A_2 : vector<2560x1xf32>
    %rsqrt3A = math.rsqrt %max3A_3 : vector<2560x1xf32>
    %get3A_4 = arith.constant 0 : index
    %get3A_5 = arith.constant 0 : index
    %get3A_6 = vector.load %arg1[%get3A_4, %get3A_5] : memref<2560x128xf32, #tpu.memory_space<vmem>>, vector<2560x128xf32>
    %mul3A = vector.broadcast %rsqrt3A : vector<2560x1xf32> to vector<2560x128xf32>
    %mul3A_7 = arith.mulf %get3A_6, %mul3A : vector<2560x128xf32>
    %max3A_8 = arith.constant 0.000000e+00 : f32
    %max3A_9 = vector.broadcast %max3A_8 : f32 to vector<2560x128xf32>
    %max3A_10 = arith.maximumf %mul3A_7, %max3A_9 : vector<2560x128xf32>
    %get3A_11 = arith.constant 0 : index
    %get3A_12 = arith.constant 0 : index
    %get3A_13 = vector.load %arg3[%get3A_11, %get3A_12] : memref<2560x128xf32, #tpu.memory_space<vmem>>, vector<2560x128xf32>
    %get3A_14 = arith.constant 0 : index
    %get3A_15 = arith.constant 0 : index
    %get3A_16 = vector.load %arg4[%get3A_14, %get3A_15] : memref<128x128xf32, #tpu.memory_space<vmem>>, vector<128x128xf32>
    %dot_general3A = arith.constant dense<0.000000e+00> : vector<2560x128xf32>
    %dot_general3A_17 = tpu.matmul %get3A_13, %get3A_16, %dot_general3A {dimension_numbers = #tpu.dot_dimension_numbers<[1], [0], [0], [1], [0, 0, 1, 1], [], []>, transpose_lhs_hint = false} : vector<2560x128xf32>, vector<128x128xf32>, vector<2560x128xf32> -> vector<2560x128xf32>
    %get3A_18 = arith.constant 0 : index
    %get3A_19 = arith.constant 0 : index
    %get3A_20 = vector.load %arg5[%get3A_18, %get3A_19] : memref<128x128xf32, #tpu.memory_space<vmem>>, vector<128x128xf32>
    %dot_general3A_21 = arith.constant dense<0.000000e+00> : vector<2560x128xf32>
    %dot_general3A_22 = tpu.matmul %max3A_10, %get3A_20, %dot_general3A_21 {dimension_numbers = #tpu.dot_dimension_numbers<[1], [0], [0], [1], [0, 0, 1, 1], [], []>, transpose_lhs_hint = false} : vector<2560x128xf32>, vector<128x128xf32>, vector<2560x128xf32> -> vector<2560x128xf32>
    %add3A = arith.addf %dot_general3A_17, %dot_general3A_22 : vector<2560x128xf32>
    %swap3A = arith.constant 0 : index
    %swap3A_23 = arith.constant 0 : index
    %swap3A_24 = vector.load %arg6[%swap3A, %swap3A_23] : memref<2560x128xf32, #tpu.memory_space<vmem>>, vector<2560x128xf32>
    tpu.vector_store %arg6[%swap3A, %swap3A_23], %add3A {strides = array<i32>} : memref<2560x128xf32, #tpu.memory_space<vmem>>, vector<2560x128xf32>,
    return
  }
  func.func @transform_0(%arg0: i32) -> (i32, i32) {
    %c0_i32 = arith.constant 0 : i32
    %c0_i32_0 = arith.constant 0 : i32
    return %arg0, %c0_i32 : i32, i32
  }
  func.func @transform_1(%arg0: i32) -> (i32, i32) {
    %c0_i32 = arith.constant 0 : i32
    %c0_i32_0 = arith.constant 0 : i32
    return %arg0, %c0_i32 : i32, i32
  }
  func.func @transform_2(%arg0: i32) -> (i32, i32) {
    %c0_i32 = arith.constant 0 : i32
    %c0_i32_0 = arith.constant 0 : i32
    return %arg0, %c0_i32 : i32, i32
  }
  func.func @transform_3(%arg0: i32) -> (i32, i32) {
    %c0_i32 = arith.constant 0 : i32
    %c0_i32_0 = arith.constant 0 : i32
    %c0_i32_1 = arith.constant 0 : i32
    return %c0_i32, %c0_i32_0 : i32, i32
  }
  func.func @transform_4(%arg0: i32) -> (i32, i32) {
    %c0_i32 = arith.constant 0 : i32
    %c0_i32_0 = arith.constant 0 : i32
    %c0_i32_1 = arith.constant 0 : i32
    return %c0_i32, %c0_i32_0 : i32, i32
  }
  func.func @transform_5(%arg0: i32) -> (i32, i32) {
    %c0_i32 = arith.constant 0 : i32
    %c0_i32_0 = arith.constant 0 : i32
    return %arg0, %c0_i32 : i32, i32
  }
}

module attributes {stable_mosaic.version = 14 : i64} {
  func.func @_tc4_body(%arg0: memref<2x4096xf32, #tpu.memory_space<vmem>>, %arg1: memref<2x4096xf32, #tpu.memory_space<vmem>>, %arg2: memref<2x4096xf32, #tpu.memory_space<vmem>>, %arg3: memref<2x4096xf32, #tpu.memory_space<vmem>>, %arg4: memref<1x1xf32, #tpu.memory_space<vmem>>, %arg5: memref<1x1xf32, #tpu.memory_space<vmem>>, %arg6: memref<1x1xf32, #tpu.memory_space<vmem>>) attributes {dimension_semantics = [], scalar_prefetch = 0 : i64, scratch_operands = 0 : i64, tpu.core_type = #tpu.core_type<tc>} {
    %get3A = arith.constant 0 : index
    %get3A_0 = arith.constant 0 : index
    %get3A_1 = vector.load %arg4[%get3A, %get3A_0] : memref<1x1xf32, #tpu.memory_space<vmem>>, vector<1x1xf32>
    %get3A_2 = vector.extract %get3A_1[0, 0] : f32 from vector<1x1xf32>
    %get3A_3 = arith.constant 0 : index
    %get3A_4 = arith.constant 0 : index
    %get3A_5 = vector.load %arg5[%get3A_3, %get3A_4] : memref<1x1xf32, #tpu.memory_space<vmem>>, vector<1x1xf32>
    %get3A_6 = vector.extract %get3A_5[0, 0] : f32 from vector<1x1xf32>
    %get3A_7 = arith.constant 0 : index
    %get3A_8 = arith.constant 0 : index
    %get3A_9 = vector.load %arg0[%get3A_7, %get3A_8] : memref<2x4096xf32, #tpu.memory_space<vmem>>, vector<2x4096xf32>
    %add3A = vector.broadcast %get3A_2 : f32 to vector<2x4096xf32>
    %add3A_10 = arith.addf %get3A_9, %add3A : vector<2x4096xf32>
    %neg3A = arith.constant 0.000000e+00 : f32
    %neg3A_11 = vector.broadcast %neg3A : f32 to vector<2x4096xf32>
    %neg3A_12 = arith.subf %neg3A_11, %add3A_10 : vector<2x4096xf32>
    %exp3A = math.exp %neg3A_12 : vector<2x4096xf32>
    %add3A_13 = arith.constant 1.000000e+00 : f32
    %add3A_14 = vector.broadcast %add3A_13 : f32 to vector<2x4096xf32>
    %add3A_15 = arith.addf %add3A_14, %exp3A : vector<2x4096xf32>
    %div3A = arith.constant 1.000000e+00 : f32
    %div3A_16 = vector.broadcast %div3A : f32 to vector<2x4096xf32>
    %div3A_17 = arith.divf %div3A_16, %add3A_15 : vector<2x4096xf32>
    %jit3A = arith.constant 1.000000e-07 : f32
    %jit3A_18 = arith.constant 0.99999988 : f32
    %max3A = vector.broadcast %jit3A : f32 to vector<2x4096xf32>
    %max3A_19 = arith.maximumf %max3A, %div3A_17 : vector<2x4096xf32>
    %min3A = vector.broadcast %jit3A_18 : f32 to vector<2x4096xf32>
    %min3A_20 = arith.minimumf %min3A, %max3A_19 : vector<2x4096xf32>
    %get3A_21 = arith.constant 0 : index
    %get3A_22 = arith.constant 0 : index
    %get3A_23 = vector.load %arg3[%get3A_21, %get3A_22] : memref<2x4096xf32, #tpu.memory_space<vmem>>, vector<2x4096xf32>
    %log3A = math.log %min3A_20 : vector<2x4096xf32>
    %mul3A = arith.mulf %get3A_23, %log3A : vector<2x4096xf32>
    %sub3A = arith.constant 1.000000e+00 : f32
    %sub3A_24 = vector.broadcast %sub3A : f32 to vector<2x4096xf32>
    %sub3A_25 = arith.subf %sub3A_24, %get3A_23 : vector<2x4096xf32>
    %sub3A_26 = arith.constant 1.000000e+00 : f32
    %sub3A_27 = vector.broadcast %sub3A_26 : f32 to vector<2x4096xf32>
    %sub3A_28 = arith.subf %sub3A_27, %min3A_20 : vector<2x4096xf32>
    %log3A_29 = math.log %sub3A_28 : vector<2x4096xf32>
    %mul3A_30 = arith.mulf %sub3A_25, %log3A_29 : vector<2x4096xf32>
    %add3A_31 = arith.addf %mul3A, %mul3A_30 : vector<2x4096xf32>
    %reduce_sum3A = arith.constant dense<0.000000e+00> : vector<2xf32>
    %reduce_sum3A_32 = vector.multi_reduction <add>, %add3A_31, %reduce_sum3A [1] : vector<2x4096xf32> to vector<2xf32>
    %div3A_33 = arith.constant 4.096000e+03 : f32
    %div3A_34 = vector.broadcast %div3A_33 : f32 to vector<2xf32>
    %div3A_35 = arith.divf %reduce_sum3A_32, %div3A_34 : vector<2xf32>
    %neg3A_36 = arith.constant 0.000000e+00 : f32
    %neg3A_37 = vector.broadcast %neg3A_36 : f32 to vector<2xf32>
    %neg3A_38 = arith.subf %neg3A_37, %div3A_35 : vector<2xf32>
    %slice3A = vector.extract_strided_slice %neg3A_38 {offsets = [0], sizes = [1], strides = [1]} : vector<2xf32> to vector<1xf32>
    %squeeze3A = vector.extract %slice3A[0] : f32 from vector<1xf32>
    %slice3A_39 = vector.extract_strided_slice %neg3A_38 {offsets = [1], sizes = [1], strides = [1]} : vector<2xf32> to vector<1xf32>
    %squeeze3A_40 = vector.extract %slice3A_39[0] : f32 from vector<1xf32>
    %add3A_41 = arith.addf %squeeze3A, %squeeze3A_40 : f32
    %get3A_42 = arith.constant 0 : index
    %get3A_43 = arith.constant 0 : index
    %get3A_44 = vector.load %arg1[%get3A_42, %get3A_43] : memref<2x4096xf32, #tpu.memory_space<vmem>>, vector<2x4096xf32>
    %add3A_45 = vector.broadcast %get3A_6 : f32 to vector<2x4096xf32>
    %add3A_46 = arith.addf %get3A_44, %add3A_45 : vector<2x4096xf32>
    %neg3A_47 = arith.constant 0.000000e+00 : f32
    %neg3A_48 = vector.broadcast %neg3A_47 : f32 to vector<2x4096xf32>
    %neg3A_49 = arith.subf %neg3A_48, %add3A_46 : vector<2x4096xf32>
    %exp3A_50 = math.exp %neg3A_49 : vector<2x4096xf32>
    %add3A_51 = arith.constant 1.000000e+00 : f32
    %add3A_52 = vector.broadcast %add3A_51 : f32 to vector<2x4096xf32>
    %add3A_53 = arith.addf %add3A_52, %exp3A_50 : vector<2x4096xf32>
    %div3A_54 = arith.constant 1.000000e+00 : f32
    %div3A_55 = vector.broadcast %div3A_54 : f32 to vector<2x4096xf32>
    %div3A_56 = arith.divf %div3A_55, %add3A_53 : vector<2x4096xf32>
    %jit3A_57 = arith.constant 1.000000e-07 : f32
    %jit3A_58 = arith.constant 0.99999988 : f32
    %max3A_59 = vector.broadcast %jit3A_57 : f32 to vector<2x4096xf32>
    %max3A_60 = arith.maximumf %max3A_59, %div3A_56 : vector<2x4096xf32>
    %min3A_61 = vector.broadcast %jit3A_58 : f32 to vector<2x4096xf32>
    %min3A_62 = arith.minimumf %min3A_61, %max3A_60 : vector<2x4096xf32>
    %get3A_63 = arith.constant 0 : index
    %get3A_64 = arith.constant 0 : index
    %get3A_65 = vector.load %arg2[%get3A_63, %get3A_64] : memref<2x4096xf32, #tpu.memory_space<vmem>>, vector<2x4096xf32>
    %add3A_66 = vector.broadcast %get3A_6 : f32 to vector<2x4096xf32>
    %add3A_67 = arith.addf %get3A_65, %add3A_66 : vector<2x4096xf32>
    %neg3A_68 = arith.constant 0.000000e+00 : f32
    %neg3A_69 = vector.broadcast %neg3A_68 : f32 to vector<2x4096xf32>
    %neg3A_70 = arith.subf %neg3A_69, %add3A_67 : vector<2x4096xf32>
    %exp3A_71 = math.exp %neg3A_70 : vector<2x4096xf32>
    %add3A_72 = arith.constant 1.000000e+00 : f32
    %add3A_73 = vector.broadcast %add3A_72 : f32 to vector<2x4096xf32>
    %add3A_74 = arith.addf %add3A_73, %exp3A_71 : vector<2x4096xf32>
    %div3A_75 = arith.constant 1.000000e+00 : f32
    %div3A_76 = vector.broadcast %div3A_75 : f32 to vector<2x4096xf32>
    %div3A_77 = arith.divf %div3A_76, %add3A_74 : vector<2x4096xf32>
    %jit3A_78 = arith.constant 1.000000e-07 : f32
    %jit3A_79 = arith.constant 0.99999988 : f32
    %max3A_80 = vector.broadcast %jit3A_78 : f32 to vector<2x4096xf32>
    %max3A_81 = arith.maximumf %max3A_80, %div3A_77 : vector<2x4096xf32>
    %min3A_82 = vector.broadcast %jit3A_79 : f32 to vector<2x4096xf32>
    %min3A_83 = arith.minimumf %min3A_82, %max3A_81 : vector<2x4096xf32>
    %slice3A_84 = vector.extract_strided_slice %min3A_62 {offsets = [0, 0], sizes = [1, 4096], strides = [1, 1]} : vector<2x4096xf32> to vector<1x4096xf32>
    %squeeze3A_85 = vector.shape_cast %slice3A_84 : vector<1x4096xf32> to vector<4096xf32>
    %sub3A_86 = arith.constant 1.000000e+00 : f32
    %sub3A_87 = vector.broadcast %sub3A_86 : f32 to vector<4096xf32>
    %sub3A_88 = arith.subf %sub3A_87, %squeeze3A_85 : vector<4096xf32>
    %log3A_89 = math.log %sub3A_88 : vector<4096xf32>
    %reduce_sum3A_90 = vector.shape_cast %log3A_89 : vector<4096xf32> to vector<1x4096xf32>
    %reduce_sum3A_91 = arith.constant dense<0.000000e+00> : vector<1xf32>
    %reduce_sum3A_92 = vector.multi_reduction <add>, %reduce_sum3A_90, %reduce_sum3A_91 [1] : vector<1x4096xf32> to vector<1xf32>
    %reduce_sum3A_93 = vector.shape_cast %reduce_sum3A_92 : vector<1xf32> to vector<1x1xf32>
    %reduce_sum3A_94 = vector.extract %reduce_sum3A_93[0, 0] : f32 from vector<1x1xf32>
    %div3A_95 = arith.constant 4.096000e+03 : f32
    %div3A_96 = arith.divf %reduce_sum3A_94, %div3A_95 : f32
    %slice3A_97 = vector.extract_strided_slice %min3A_83 {offsets = [0, 0], sizes = [1, 4096], strides = [1, 1]} : vector<2x4096xf32> to vector<1x4096xf32>
    %squeeze3A_98 = vector.shape_cast %slice3A_97 : vector<1x4096xf32> to vector<4096xf32>
    %sub3A_99 = arith.constant 1.000000e+00 : f32
    %sub3A_100 = vector.broadcast %sub3A_99 : f32 to vector<4096xf32>
    %sub3A_101 = arith.subf %sub3A_100, %squeeze3A_98 : vector<4096xf32>
    %log3A_102 = math.log %sub3A_101 : vector<4096xf32>
    %reduce_sum3A_103 = vector.shape_cast %log3A_102 : vector<4096xf32> to vector<1x4096xf32>
    %reduce_sum3A_104 = arith.constant dense<0.000000e+00> : vector<1xf32>
    %reduce_sum3A_105 = vector.multi_reduction <add>, %reduce_sum3A_103, %reduce_sum3A_104 [1] : vector<1x4096xf32> to vector<1xf32>
    %reduce_sum3A_106 = vector.shape_cast %reduce_sum3A_105 : vector<1xf32> to vector<1x1xf32>
    %reduce_sum3A_107 = vector.extract %reduce_sum3A_106[0, 0] : f32 from vector<1x1xf32>
    %div3A_108 = arith.constant 4.096000e+03 : f32
    %div3A_109 = arith.divf %reduce_sum3A_107, %div3A_108 : f32
    %add3A_110 = arith.addf %div3A_96, %div3A_109 : f32
    %mul3A_111 = arith.constant -5.000000e-01 : f32
    %mul3A_112 = arith.mulf %mul3A_111, %add3A_110 : f32
    %slice3A_113 = vector.extract_strided_slice %min3A_62 {offsets = [1, 0], sizes = [1, 4096], strides = [1, 1]} : vector<2x4096xf32> to vector<1x4096xf32>
    %squeeze3A_114 = vector.shape_cast %slice3A_113 : vector<1x4096xf32> to vector<4096xf32>
    %log3A_115 = math.log %squeeze3A_114 : vector<4096xf32>
    %reduce_sum3A_116 = vector.shape_cast %log3A_115 : vector<4096xf32> to vector<1x4096xf32>
    %reduce_sum3A_117 = arith.constant dense<0.000000e+00> : vector<1xf32>
    %reduce_sum3A_118 = vector.multi_reduction <add>, %reduce_sum3A_116, %reduce_sum3A_117 [1] : vector<1x4096xf32> to vector<1xf32>
    %reduce_sum3A_119 = vector.shape_cast %reduce_sum3A_118 : vector<1xf32> to vector<1x1xf32>
    %reduce_sum3A_120 = vector.extract %reduce_sum3A_119[0, 0] : f32 from vector<1x1xf32>
    %div3A_121 = arith.constant 4.096000e+03 : f32
    %div3A_122 = arith.divf %reduce_sum3A_120, %div3A_121 : f32
    %slice3A_123 = vector.extract_strided_slice %min3A_83 {offsets = [1, 0], sizes = [1, 4096], strides = [1, 1]} : vector<2x4096xf32> to vector<1x4096xf32>
    %squeeze3A_124 = vector.shape_cast %slice3A_123 : vector<1x4096xf32> to vector<4096xf32>
    %log3A_125 = math.log %squeeze3A_124 : vector<4096xf32>
    %reduce_sum3A_126 = vector.shape_cast %log3A_125 : vector<4096xf32> to vector<1x4096xf32>
    %reduce_sum3A_127 = arith.constant dense<0.000000e+00> : vector<1xf32>
    %reduce_sum3A_128 = vector.multi_reduction <add>, %reduce_sum3A_126, %reduce_sum3A_127 [1] : vector<1x4096xf32> to vector<1xf32>
    %reduce_sum3A_129 = vector.shape_cast %reduce_sum3A_128 : vector<1xf32> to vector<1x1xf32>
    %reduce_sum3A_130 = vector.extract %reduce_sum3A_129[0, 0] : f32 from vector<1x1xf32>
    %div3A_131 = arith.constant 4.096000e+03 : f32
    %div3A_132 = arith.divf %reduce_sum3A_130, %div3A_131 : f32
    %add3A_133 = arith.addf %div3A_122, %div3A_132 : f32
    %mul3A_134 = arith.constant -5.000000e-01 : f32
    %mul3A_135 = arith.mulf %mul3A_134, %add3A_133 : f32
    %add3A_136 = arith.addf %mul3A_112, %mul3A_135 : f32
    %mul3A_137 = arith.constant 1.000000e-01 : f32
    %mul3A_138 = arith.mulf %mul3A_137, %add3A_136 : f32
    %add3A_139 = arith.addf %add3A_41, %mul3A_138 : f32
    %broadcast_in_dim3A = vector.broadcast %add3A_139 : f32 to vector<1x1xf32>
    %swap3A = arith.constant 0 : index
    %swap3A_140 = arith.constant 0 : index
    %swap3A_141 = vector.load %arg6[%swap3A, %swap3A_140] : memref<1x1xf32, #tpu.memory_space<vmem>>, vector<1x1xf32>
    tpu.vector_store %arg6[%swap3A, %swap3A_140], %broadcast_in_dim3A {strides = array<i32>} : memref<1x1xf32, #tpu.memory_space<vmem>>, vector<1x1xf32>,
    return
  }
}

</mosaic_0001>

<sc_bundles>
// kernel: kernel.10.cloned.1.call-start
scs
__scs_entry_jumppad:
0x0: {  	(pc) =	sbr.rel $0x88, $3  }
0x1: {  	(tag) =	ssettag $0x0;
	lr =	simm.s32 $0x1  }
0x2: {  	[smem:$0x3F93] =	sst lr;
	_ =	strace $0xD0000000  }
0x3: {  	_ = 	snop  }
0x4: {  	_ = 	snop  }
0x5: {  	_ = 	snop  }
0x6: {  	_ = 	snop  }
0x7: {  	_ = 	snop  }
__scs_overlays_trampoline_lowered:
0x8: {  	[smem:$0x3FA2] =	sst s0  }
0x9: {  	[smem:$0x3FA3] =	sst s1  }
0xa: {  	[smem:$0x3FA4] =	sst s2  }
0xb: {  	[smem:$0x3FA5] =	sst s3  }
0xc: {  	[smem:$0x3FA6] =	sst s4  }
0xd: {  	[smem:$0x3FA7] =	sst s5  }
0xe: {  	[smem:$0x3FA8] =	sst s6  }
0xf: {  	[smem:$0x3FA9] =	sst s7  }
0x10: {  	[smem:$0x3FAA] =	sst s8  }
0x11: {  	[smem:$0x3FAB] =	sst s9;
	s0 =	simm.s32 @!p0 $0x0  }
0x12: {  	s1 =	sld [smem:$0x3F91];
	s0 =	simm.s32 @p0 $0x1  }
0x13: {  	[smem:$0x3FAC] =	sst s0;
	s0 =	simm.s32 @!p1 $0x0  }
0x14: {  	s2 =	sld [smem:$0x3F90];
	s0 =	simm.s32 @p1 $0x1  }
0x15: {  	[smem:$0x3FAD] =	sst s0;
	s0 =	simm.s32 @!p2 $0x0  }
0x16: {  	s3 =	sld [smem:$0x3FDB];
	s0 =	simm.s32 @p2 $0x1  }
0x17: {  	s4 =	simm.s32 $0x1BF5;
	[smem:$0x3FAF] =	sst s0  }
0x18: {  	s0 =	sld [smem:$0x3F92];
	_ =	swait.ge [sflag:s4], $0x0  }
0x19: {  	s7 =	sld [smem:$0x3F93]  }
0x1a: {  	s8 =	sadd.s32 $0xFFFFE003, lr  }
0x1b: {  	s9 =	sadd.s32 $0xFFFFFEF7, lr;
	s5 =	simm.s32 $0xFFFFFFFF;
	p2 =	slt.u32 s8, $0xFFFFF086  }
0x1c: {  	p1 =	slt.u32 s9, $0xF7A;
	s5 =	simm.s32 @!p2 $0x0  }
0x1d: {  	s5 =	simm.s32 @p1 $0x1;
	p0 =	seq.s32 s7, s2  }
0x1e: {  	s7 =	smul.u32 @!p0 $0xF7A, s2;
	p2 =	seq.s32 @!p0 s5, $0x0  }
0x1f: {  	s9 =	smul.u32 $0xF7A, s1;
	s8 =	simm.s32 @!p0 $0x1BF5;
	p2 =	por !p2, p0  }
0x20: {  	[sflag:s8] =	ssyncset.s32 @!p0 $0xFFFFF086;
	s6 =	sadd.s32 @!p0 s3, s7;
	s7 =	simm.s32 @!p0 $0x108  }
0x21: {  	s3 =	sadd.s32 s3, s9;
	s6 =	sadd.s32 @!p0 $0x88, s6;
	s7 =	simm.s32 @p2 $0x1082  }
0x22: {  	[simem:s7], [sflag:s8] =	dma.local @!p0 [hbm:s6], $0xF7A  }
0x23: {  	s9 =	sor.u32 $0xD0000000, s2;
	s6 =	simm.s32 $0x108;
	_ =	swait.ge @!p0 [sflag:s8], $0x0  }
0x24: {  	s3 =	sadd.s32 $0x88, s3;
	s6 =	simm.s32 @!p1 $0x1082;
	[sflag:s4] =	ssyncset.s32 $0xFFFFF086  }
0x25: {  	[simem:s6], [sflag:s4] =	dma.local [hbm:s3], $0xF7A  }
0x26: {  	[smem:$0x3F93] =	sst s1;
	(tag) =	ssettag s2;
	_ =	strace s9  }
0x27: {  	s1 =	sld [smem:$0x3FA3]  }
0x28: {  	s2 =	sld [smem:$0x3FA4]  }
0x29: {  	s4 =	sld [smem:$0x3FA6]  }
0x2a: {  	p0 =	seq.s32 s5, $0x0;
	s5 =	sld [smem:$0x3FA7]  }
0x2b: {  	s6 =	sld [smem:$0x3FA8]  }
0x2c: {  	s7 =	sld [smem:$0x3FA9]  }
0x2d: {  	s3 =	simm.s32 $0x108;
	s8 =	sld [smem:$0x3FAA]  }
0x2e: {  	s3 =	simm.s32 @!p0 $0x1082;
	s9 =	sld [smem:$0x3FAB]  }
0x2f: {  	lr =	sadd.s32 s0, s3;
	s0 =	sld [smem:$0x3FA2]  }
0x30: {  	s3 =	sld [smem:$0x3FA5]  }
0x31: {  	[smem:$0x3FAE] =	sst s10  }
0x32: {  	s10 =	sld [smem:$0x3FAC];
	_ =	sdelay $0x3  }
0x33: {  	p0 =	seq.s32 s10, $0x1;
	s10 =	sld [smem:$0x3FAE];
	_ =	sdelay $0x3  }
0x34: {  	[smem:$0x3FAE] =	sst s10  }
0x35: {  	s10 =	sld [smem:$0x3FAD];
	_ =	sdelay $0x3  }
0x36: {  	p1 =	seq.s32 s10, $0x1;
	s10 =	sld [smem:$0x3FAE];
	_ =	sdelay $0x3  }
0x37: {  	[smem:$0x3FAE] =	sst s10  }
0x38: {  	s10 =	sld [smem:$0x3FAF]  }
0x39: {  	_ = 	snop;
	(pc) =	sbr.ind lr, $3  }
0x3a: {  	_ = 	snop  }
0x3b: {  	_ = 	snop  }
0x3c: {  	p2 =	seq.s32 s10, $0x1;
	s10 =	sld [smem:$0x3FAE]  }
0x3d: {  	_ =	shalt  }
0x3e: {  	_ =	shalt  }
0x3f: {  	_ =	shalt  }
0x40: {  	_ =	shalt  }
0x41: {  	_ =	shalt  }
0x42: {  	_ =	shalt  }
0x43: {  	_ =	shalt  }
0x44: {  	_ =	shalt  }
0x45: {  	_ =	shalt  }
0x46: {  	_ =	shalt  }
0x47: {  	_ =	shalt  }
0x48: {  	_ =	shalt  }
0x49: {  	_ =	shalt  }
0x4a: {  	_ =	shalt  }
0x4b: {  	_ =	shalt  }
0x4c: {  	_ =	shalt  }
0x4d: {  	_ =	shalt  }
0x4e: {  	_ =	shalt  }
0x4f: {  	_ =	shalt  }
0x50: {  	_ =	shalt  }
0x51: {  	_ =	shalt  }
0x52: {  	_ =	shalt  }
0x53: {  	_ =	shalt  }
0x54: {  	_ =	shalt  }
0x55: {  	_ =	shalt  }
0x56: {  	_ =	shalt  }
0x57: {  	_ =	shalt  }
0x58: {  	_ =	shalt  }
0x59: {  	_ =	shalt  }
0x5a: {  	_ =	shalt  }
0x5b: {  	_ =	shalt  }
0x5c: {  	_ =	shalt  }
0x5d: {  	_ =	shalt  }
0x5e: {  	_ =	shalt  }
0x5f: {  	_ =	shalt  }
0x60: {  	_ =	shalt  }
0x61: {  	_ =	shalt  }
0x62: {  	_ =	shalt  }
0x63: {  	_ =	shalt  }
0x64: {  	_ =	shalt  }
0x65: {  	_ =	shalt  }
0x66: {  	_ =	shalt  }
0x67: {  	_ =	shalt  }
0x68: {  	_ =	shalt  }
0x69: {  	_ =	shalt  }
0x6a: {  	_ =	shalt  }
0x6b: {  	_ =	shalt  }
0x6c: {  	_ =	shalt  }
0x6d: {  	_ =	shalt  }
0x6e: {  	_ =	shalt  }
0x6f: {  	_ =	shalt  }
0x70: {  	_ =	shalt  }
0x71: {  	_ =	shalt  }
0x72: {  	_ =	shalt  }
0x73: {  	_ =	shalt  }
0x74: {  	_ =	shalt  }
0x75: {  	_ =	shalt  }
0x76: {  	_ =	shalt  }
0x77: {  	_ =	shalt  }
0x78: {  	_ =	shalt  }
0x79: {  	_ =	shalt  }
0x7a: {  	_ =	shalt  }
0x7b: {  	_ =	shalt  }
0x7c: {  	_ =	shalt  }
0x7d: {  	_ =	shalt  }
0x7e: {  	_ =	shalt  }
0x7f: {  	_ =	shalt  }
0x80: {  	_ =	shalt  }
0x81: {  	_ =	shalt  }
0x82: {  	_ =	shalt  }
0x83: {  	_ =	shalt  }
0x84: {  	_ =	shalt  }
0x85: {  	_ =	shalt  }
0x86: {  	_ =	shalt  }
0x87: {  	_ =	shalt  }
.Lfunc_end0:
.L_simem_size_0:
called_computation_lowered:
.L_overlay_start_0:
0x88: {  	s2 =	sld [smem:$0x3FD9]  }
0x89: {  	s3 =	sld [smem:$0x3FFE];
	_ =	sdelay $0x1  }
0x8a: {  	s1 =	srdreg.scid  }
0x8b: {  	s0 =	sand.u32 $0x1, s1  }
0x8c: {  	s16 =	sshll.u32 s0, $0xA;
	s2 =	sadd.s32 s3, s2  }
0x8d: {  	s2 =	sadd.s32 s2, s16  }
0x8e: {  	[smem:$0x3FBA] =	sst s2  }
0x8f: {  	_ = 	snop  }
0x90: {  	(tm) =	ssettm $0x1  }
0x91: {  	s17 =	sld [smem:$0x3FFB];
	_ =	sdelay $0x3  }
0x92: {  	_ =	strace s17  }
0x93: {  	s2 =	sld [smem:$0x3FFC];
	_ =	sdelay $0x3  }
0x94: {  	_ =	strace s2  }
0x95: {  	s2 =	sld [smem:$0x3FFD];
	_ =	sdelay $0x3  }
0x96: {  	_ =	strace s2  }
0x97: {  	_ =	strace $0x8FFFFFFF  }
0x98: {  	s18 =	sld [smem:$0x3FDB];
	_ =	sdelay $0x1  }
0x99: {  	s19 =	simm.s32 $_scs_section_size  }
0x9a: {  	s4 =	simm.s32 $_size__tile_overlayer_lowered;
	s5 =	simm.s32 $_tile_overlayer_lowered  }
0x9b: {  	s22 =	simm.s32 $0x1BFF;
	s21 =	sshll.u32 s5, $0x1;
	s2 =	sadd.s32 s19, s18  }
0x9c: {  	s6 =	simm.s32 $0x0;
	s20 =	sshll.u32 s4, $0x1;
	s4 =	sadd.s32 s21, s2  }
0x9d: {  	[timem:s6], [sflag:s22] =	dma.local [hbm:s4], s20  }
0x9e: {  	_ =	swait.ge [sflag:s22], s20  }
0x9f: {  	s3 =	ssub.s32 $0x0, s20;
	[sflag:s22] =	ssyncset.done $0x0  }
0xa0: {  	[sflag:s22] =	ssyncadd.s32 s3;
	_ =	sdelay $0x1  }
0xa1: {  	s23 =	simm.s32 $0x1B8B  }
0xa2: {  	_ =	swait.ge [sflag:s23], $0x1  }
0xa3: {  	[sflag:s23] =	ssyncset.done $0x0  }
0xa4: {  	s25 =	simm.s32 $0x1B8E;
	s24 =	sld [smem:$0x3FFE];
	[sflag:s23] =	ssyncadd.s32 $0xFFFFFFFF  }
0xa5: {  	s26 =	simm.s32 $execute0_lowered;
	[smem:$0x3FD2] =	sst s25  }
0xa6: {  	s4 =	sshll.u32 s26, $0x1;
	_ =	strace $0x80000046;
	[dreg:$0x1] =	wrdreg $0xFFFFFFFF  }
0xa7: {  	s28 =	simm.s32 $_size_execute0_lowered;
	s2 =	sadd.s32 s2, s4;
	[dreg:$0x0] =	wrdreg $0x0  }
0xa8: {  	s4 =	sshll.u32 s28, $0x1;
	[dreg:$0x2] =	wrdreg s2  }
0xa9: {  	[dreg:$0x3] =	wrdreg s4  }
0xaa: {  	[dreg:$0x4] =	wrdreg $0xC0  }
0xab: {  	_ =	task [dreg:s6], $0x5FFFF  }
0xac: {  	[dreg:$0x1] =	wrdreg $0xFFFFFFFF  }
0xad: {  	[dreg:$0x0] =	wrdreg $0x60  }
0xae: {  	[dreg:$0x2] =	wrdreg s24  }
0xaf: {  	[dreg:$0x3] =	wrdreg $0x0  }
0xb0: {  	[dreg:$0x4] =	wrdreg $0x28000  }
0xb1: {  	[dreg:$0x5] =	wrdreg $0x9  }
0xb2: {  	_ =	task.clear_ibuf [dreg:s6], $0x6FFFF;
	_ =	strace $0x90000046  }
0xb3: {  	s29 =	simm.s32 $0x9;
	_ =	strace $0x80000048  }
0xb4: {  	_ =	swait.ge [sflag:s29], $0x1  }
0xb5: {  	[sflag:s29] =	ssyncadd.s32 $0xFFFFFFFF  }
0xb6: {  	_ =	strace $0x90000048  }
0xb7: {  	_ =	sfence  }
0xb8: {  	s30 =	sld [smem:$0x0];
	_ =	sdelay $0x2  }
0xb9: {  	s31 =	sshll.u32 s1, $0xD;
	s1 =	sshrl.u32 s1, $0x2  }
0xba: {  	s3 =	sand.u32 $0x4000, s31;
	s1 =	sadd.s32 s1, s30  }
0xbb: {  	s0 =	sor.u32 s3, s0;
	s1 =	sshll.u32 s1, $0x11  }
0xbc: {  	s0 =	sor.u32 s1, s0  }
0xbd: {  	s0 =	sadd.s32 $0x8F2B, s0  }
0xbe: {  	[sflag:s0] =	ssyncadd.remote.s32 $0x1  }
0xbf: {  	_ =	sfence.sel $0xFFFF  }
0xc0: {  	[dreg:$0x0] =	wrdreg $0xFFFFFFFF;
	(pc) =	sbr.abs _section_cstart, $3  }
0xc1: {  	[dreg:$0x1] =	wrdreg $0xFFFFFFFF  }
0xc2: {  	_ =	task.clear_ibuf [dreg:s6], $0x2FFFF;
	_ =	strace $0x9FFFFFFF  }
0xc3: {  	(tm) =	ssettm $0x7FFFFFFF  }
tec
execute0_lowered:
.L_overlay_start_1:
0x0: {  	(tag) =	ssettag $0x1  }
0x1: {  	s6 =	rddreg [dreg:$0x0]  }
0x2: {  	s2 =	rddreg [dreg:$0x1]  }
0x3: {  	s0 =	srdreg.scid;
	s3 =	rddreg [dreg:$0x2]  }
0x4: {  	s15 =	simm.s32 $0x5000;
	s16 =	simm.s32 $0x1;
	s17 =	simm.s32 $0xA000  }
0x5: {  	s18 =	simm.s32 $0xF000;
	s19 =	simm.s32 $0x2;
	s20 =	simm.s32 $0x11800  }
0x6: {  	s21 =	simm.s32 $0x19000;
	s7 =	sand.u32 $0x1, s0;
	s0 =	stileid.u32  }
0x7: {  	s22 =	simm.s32 $0x0;
	s1 =	sshll.u32 s7, $0x4;
	s8 =	sshll.u32 s0, $0x7  }
0x8: {  	s9 =	smul.u32 $0x280, s0;
	s10 =	sshrl.u32 s0, $0x3;
	s12 =	ssub.s32 $0x2, s7  }
0x9: {  	s14 =	smul.u32 $0x2800, s7;
	s4 =	sor.u32 s0, s1;
	s8 =	sand.u32 $0x380, s8  }
0xa: {  	s10 =	smul.u32 $0x14000, s10;
	s29 =	sshrl.u32 s12, $0x1;
	s5 =	sshrl.u32 s4, $0x3  }
0xb: {  	s4 =	simm.s32 $0x0;
	s13 =	sadd.s32 s9, s6;
	s12 =	ssub.s32 s12, s29  }
0xc: {  	s5 =	smul.u32 $0x28000, s5;
	[smem:$0x7FF] =	sst s4;
	s30 =	sor.u32 s8, s10  }
0xd: {  	s10 =	smul.u32 $0x1400, s0;
	s31 =	sadd.s32 s14, s13;
	s12 =	smax.u32 s12, $0x1  }
0xe: {  	s13 =	simm.s32 $0x80;
	s14 =	simm.s32 $0x400;
	s5 =	sor.u32 s8, s5  }
0xf: {  	_ =	strace $0x80000047;
	s9 =	sadd.s32 s30, s3;
	s5 =	sshrl.u32 s5, $0x3  }
0x10: {  	v1 =	vlaneseq.u32;
	s8 =	sadd.s32 s30, s2;
	s11 =	sadd.s32 s5, s6;
	s5 =	sadd.s32 $0x2A000, s6  }
0x11: {  	v0 =	vimm.f32 $1.000000000e+00;
	v1 =	vmul.u32 $0x8, v1;
	s6 =	sadd.s32 $0x2000, s11;
	s7 =	sadd.s32 $0x16000, s11;
	s11 =	sadd.s32 $0x2A600, s31  }
.LBB2_1:
0x12: {  	[tilespmem:s15], [sflag:$0x1] =	stream.strided.gather [hbm4b:s6+s13], $0x5000, s14, s13, $0x38;
	[tilespmem:$0x1A400] =	vst v63  }
0x13: {  	_ =	swait.ge [sflag:s16], $0x5000  }
0x14: {  	[sflag:s16] =	ssyncset.done $0x0  }
0x15: {  	[sflag:s16] =	ssyncadd.s32 $0xFFFFB000  }
0x16: {  	[tilespmem:s17], [sflag:$0x1] =	stream.strided.gather [hbm4b:s7+s13], $0x5000, s14, s13, $0x38;
	[tilespmem:$0x1A400] =	vst v63  }
0x17: {  	_ =	swait.ge [sflag:s16], $0x5000  }
0x18: {  	[sflag:s16] =	ssyncset.done $0x0  }
0x19: {  	[sflag:s16] =	ssyncadd.s32 $0xFFFFB000  }
0x1a: {  	[tilespmem:s18], [sflag:$0x2] =	stream.linear.gather [hbm4b:s5+s4], $0x2800, $0x38;
	[tilespmem:$0x1A400] =	vst v63  }
0x1b: {  	_ =	swait.ge [sflag:s19], $0x2800  }
0x1c: {  	[sflag:s19] =	ssyncset.done $0x0  }
0x1d: {  	[sflag:s19] =	ssyncadd.s32 $0xFFFFD800  }
0x1e: {  	[tilespmem:s20], [sflag:$0x2] =	stream.linear.gather [hbm4b:s5+s4], $0x2800, $0x38;
	[tilespmem:$0x1A400] =	vst v63  }
0x1f: {  	_ =	swait.ge [sflag:s19], $0x2800  }
0x20: {  	[sflag:s19] =	ssyncset.done $0x0  }
0x21: {  	s23 =	simm.s32 $0x0;
	[sflag:s19] =	ssyncadd.s32 $0xFFFFD800  }
.LBB2_2:
0x22: {  	s24 =	sshra.s32 s23, $0x2  }
0x23: {  	v2 =	vld [tilespmem:s24+$0x5000];
	_ =	sdelay $0x7  }
0x24: {  	[tilespmem:v2+s18+$0x0] =	vst.idx.add.f32.msk $0xffff, v0  }
0x25: {  	v2 =	vld [tilespmem:s24+$0xA000];
	_ =	sdelay $0x7  }
0x26: {  	[tilespmem:v2+s20+$0x0] =	vst.idx.add.f32.msk $0xffff, v0  }
0x27: {  	v2 =	vld [tilespmem:s24+$0x5010];
	_ =	sdelay $0x7  }
0x28: {  	[tilespmem:v2+s18+$0x0] =	vst.idx.add.f32.msk $0xffff, v0  }
0x29: {  	v2 =	vld [tilespmem:s24+$0xA010];
	_ =	sdelay $0x7  }
0x2a: {  	[tilespmem:v2+s20+$0x0] =	vst.idx.add.f32.msk $0xffff, v0  }
0x2b: {  	v2 =	vld [tilespmem:s24+$0x5020];
	_ =	sdelay $0x7  }
0x2c: {  	[tilespmem:v2+s18+$0x0] =	vst.idx.add.f32.msk $0xffff, v0  }
0x2d: {  	v2 =	vld [tilespmem:s24+$0xA020];
	_ =	sdelay $0x7  }
0x2e: {  	[tilespmem:v2+s20+$0x0] =	vst.idx.add.f32.msk $0xffff, v0  }
0x2f: {  	v2 =	vld [tilespmem:s24+$0x5030];
	_ =	sdelay $0x7  }
0x30: {  	[tilespmem:v2+s18+$0x0] =	vst.idx.add.f32.msk $0xffff, v0  }
0x31: {  	v2 =	vld [tilespmem:s24+$0xA030];
	_ =	sdelay $0x2  }
0x32: {  	p0 =	sne.s32 s23, $0x13F00  }
.Ltmp0:
0x33: {  	_ = 	snop;
	(pc) =	sbr.rel @p0 .LBB2_2-.Ltmp0, $2  }
0x34: {  	_ =	sdelay $0x2  }
0x35: {  	s23 =	sadd.s32 $0x100, s23;
	[tilespmem:v2+s20+$0x0] =	vst.idx.add.f32.msk $0xffff, v0  }
0x36: {  	[spmem:s8] =	stream.strided.scatter [tilespmem:s18], [sflag:$0x2], $0x2800, s14, s13, $0x38;
	[tilespmem:$0x1A400] =	vst v63  }
0x37: {  	_ =	swait.ge [sflag:s19], $0x2800  }
0x38: {  	s23 =	simm.s32 $0x0;
	[sflag:s19] =	ssyncset.done $0x0  }
0x39: {  	s24 =	smul.u32 $0x14000, s23;
	[sflag:s19] =	ssyncadd.s32 $0xFFFFD800  }
0x3a: {  	[spmem:s9] =	stream.strided.scatter [tilespmem:s20], [sflag:$0x2], $0x2800, s14, s13, $0x38;
	[tilespmem:$0x1A400] =	vst v63  }
0x3b: {  	s31 =	simm.s32 $0x14000;
	s23 =	simm.s32 $0x0;
	_ =	swait.ge [sflag:s19], $0x2800  }
0x3c: {  	s25 =	sand.u32 $0x380, s23;
	s24 =	sadd.s32 s10, s24;
	[sflag:s19] =	ssyncset.done $0x0  }
0x3d: {  	s1 =	simm.s32 $0x16800;
	s24 =	sor.u32 s25, s24;
	[sflag:s19] =	ssyncadd.s32 $0xFFFFD800  }
0x3e: {  	s28 =	simm.s32 $0x2;
	s26 =	sadd.s32 s24, s2;
	[bflag:$0x0] =	sbarrier.arrive $0xFFFF  }
0x3f: {  	[tilespmem:s31], [sflag:$0x2] =	stream.strided.gather [spmem:s26], $0x280, s14, s13, $0x38;
	[tilespmem:$0x1A400] =	vst v63  }
0x40: {  	s25 =	simm.s32 $0x14280;
	s24 =	sadd.s32 s24, s3;
	_ =	swait.ge [sflag:s19], $0x280  }
0x41: {  	s31 =	simm.s32 $0x0;
	s26 =	simm.s32 $0x80;
	[sflag:s19] =	ssyncset.done $0x0  }
0x42: {  	s29 =	smul.u32 $0x14000, s31;
	s30 =	sand.u32 $0x380, s26;
	[sflag:s19] =	ssyncadd.s32 $0xFFFFFD80  }
0x43: {  	[tilespmem:s1], [sflag:$0x2] =	stream.strided.gather [spmem:s24], $0x280, s14, s13, $0x38;
	[tilespmem:$0x1A400] =	vst v63  }
0x44: {  	s29 =	sadd.s32 s10, s29;
	s24 =	simm.s32 $0x16A80;
	_ =	swait.ge [sflag:s19], $0x280  }
.LBB2_4:
0x45: {  	s29 =	sor.u32 s30, s29;
	[sflag:s19] =	ssyncset.done $0x0  }
0x46: {  	s30 =	smov.u32 s28;
	s31 =	sadd.s32 $0x1, s28;
	s1 =	smov.u32 s24  }
0x47: {  	p0 =	sne.s32 s28, $0xF;
	s28 =	sadd.s32 s29, s2;
	[sflag:s19] =	ssyncadd.s32 $0xFFFFFD80  }
0x48: {  	[tilespmem:s25], [sflag:$0x2] =	stream.strided.gather [spmem:s28], $0x280, s14, s13, $0x38;
	[tilespmem:$0x1A400] =	vst v63  }
0x49: {  	s24 =	sadd.s32 $0x280, s24;
	_ =	swait.ge [sflag:s19], $0x280  }
.Ltmp1:
0x4a: {  	s26 =	sadd.s32 $0x80, s26;
	[sflag:s19] =	ssyncset.done $0x0;
	(pc) =	sbr.rel @p0 .LBB2_4-.Ltmp1, $4  }
0x4b: {  	s29 =	sadd.s32 s29, s3;
	s28 =	sshrl.u32 s30, $0x3;
	[sflag:s19] =	ssyncadd.s32 $0xFFFFFD80  }
0x4c: {  	s25 =	sadd.s32 $0x280, s25;
	s30 =	sand.u32 $0x380, s26;
	s28 =	smul.u32 $0x14000, s28  }
0x4d: {  	[tilespmem:s1], [sflag:$0x2] =	stream.strided.gather [spmem:s29], $0x280, s14, s13, $0x38;
	[tilespmem:$0x1A400] =	vst v63  }
0x4e: {  	s29 =	sadd.s32 s10, s28;
	s28 =	smov.u32 s31;
	_ =	swait.ge [sflag:s19], $0x280  }
0x4f: {  	s1 =	sor.u32 s30, s29;
	[sflag:s19] =	ssyncset.done $0x0  }
0x50: {  	s26 =	sadd.s32 s1, s2;
	[sflag:s19] =	ssyncadd.s32 $0xFFFFFD80  }
0x51: {  	[tilespmem:s25], [sflag:$0x2] =	stream.strided.gather [spmem:s26], $0x280, s14, s13, $0x38;
	[tilespmem:$0x1A400] =	vst v63  }
0x52: {  	_ =	swait.ge [sflag:s19], $0x280  }
0x53: {  	[sflag:s19] =	ssyncset.done $0x0  }
0x54: {  	s1 =	sadd.s32 s1, s3;
	[sflag:s19] =	ssyncadd.s32 $0xFFFFFD80  }
0x55: {  	[tilespmem:s24], [sflag:$0x2] =	stream.strided.gather [spmem:s1], $0x280, s14, s13, $0x38;
	[tilespmem:$0x1A400] =	vst v63  }
0x56: {  	_ =	swait.ge [sflag:s19], $0x280  }
0x57: {  	[sflag:s19] =	ssyncset.done $0x0  }
0x58: {  	s26 =	simm.s32 $0x15400;
	[sflag:s19] =	ssyncadd.s32 $0xFFFFFD80  }
0x59: {  	s25 =	simm.s32 $0x17C00;
	v3 =	vld [tilespmem:s26+$0xFFFFEC00]  }
0x5a: {  	s28 =	simm.s32 $0x10;
	s24 =	sand.u32 $0x3F0, s23;
	v2 =	vld [tilespmem:s25+$0xFFFFEC00]  }
.LBB2_6:
0x5b: {  	p0 =	sne.s32 s28, $0x270;
	v4 =	vld [tilespmem:s24+$0x14280]  }
0x5c: {  	v5 =	vld [tilespmem:s24+$0x16A80]  }
0x5d: {  	v6 =	vld [tilespmem:s24+$0x14500]  }
0x5e: {  	v3 =	vadd.f32 $0.0e+00, v3;
	v7 =	vld [tilespmem:s24+$0x16D00]  }
0x5f: {  	v2 =	vadd.f32 $0.0e+00, v2;
	v8 =	vld [tilespmem:s24+$0x14780]  }
0x60: {  	v3 =	vadd.f32 v4, v3;
	v4 =	vld [tilespmem:s24+$0x16F80]  }
0x61: {  	v2 =	vadd.f32 v5, v2;
	v5 =	vld [tilespmem:s24+$0x14A00]  }
0x62: {  	v3 =	vadd.f32 v6, v3;
	v6 =	vld [tilespmem:s24+$0x17200]  }
0x63: {  	v2 =	vadd.f32 v7, v2;
	v7 =	vld [tilespmem:s24+$0x14C80]  }
0x64: {  	v3 =	vadd.f32 v8, v3;
	v8 =	vld [tilespmem:s24+$0x17480]  }
0x65: {  	v2 =	vadd.f32 v4, v2;
	v4 =	vld [tilespmem:s24+$0x14F00]  }
0x66: {  	v3 =	vadd.f32 v5, v3;
	v5 =	vld [tilespmem:s24+$0x17700]  }
0x67: {  	v2 =	vadd.f32 v6, v2;
	v6 =	vld [tilespmem:s24+$0x15180]  }
0x68: {  	v3 =	vadd.f32 v7, v3;
	v7 =	vld [tilespmem:s24+$0x17980]  }
0x69: {  	v2 =	vadd.f32 v8, v2;
	v8 =	vld [tilespmem:s26+$0x0]  }
0x6a: {  	v3 =	vadd.f32 v4, v3;
	v4 =	vld [tilespmem:s25+$0x0]  }
0x6b: {  	v2 =	vadd.f32 v5, v2;
	v5 =	vld [tilespmem:s24+$0x15680]  }
0x6c: {  	v3 =	vadd.f32 v6, v3;
	v6 =	vld [tilespmem:s24+$0x17E80]  }
0x6d: {  	v2 =	vadd.f32 v7, v2;
	v7 =	vld [tilespmem:s24+$0x15900]  }
0x6e: {  	v3 =	vadd.f32 v8, v3;
	v8 =	vld [tilespmem:s24+$0x18100]  }
0x6f: {  	v2 =	vadd.f32 v4, v2;
	v4 =	vld [tilespmem:s24+$0x15B80]  }
0x70: {  	v3 =	vadd.f32 v5, v3;
	v5 =	vld [tilespmem:s24+$0x18380]  }
0x71: {  	v2 =	vadd.f32 v6, v2;
	v6 =	vld [tilespmem:s24+$0x15E00]  }
0x72: {  	v3 =	vadd.f32 v7, v3;
	v7 =	vld [tilespmem:s24+$0x18600]  }
0x73: {  	v2 =	vadd.f32 v8, v2;
	v8 =	vld [tilespmem:s24+$0x16080]  }
0x74: {  	v3 =	vadd.f32 v4, v3;
	v4 =	vld [tilespmem:s24+$0x18880]  }
0x75: {  	v2 =	vadd.f32 v5, v2;
	v5 =	vld [tilespmem:s24+$0x16300]  }
0x76: {  	v3 =	vadd.f32 v6, v3;
	v6 =	vld [tilespmem:s24+$0x18B00]  }
0x77: {  	v9 =	vmov s23;
	s23 =	smov.u32 s28;
	v2 =	vadd.f32 v7, v2;
	v7 =	vld [tilespmem:s24+$0x16580]  }
0x78: {  	v9 =	vshll.u32 v9, $0x3;
	v3 =	vadd.f32 v8, v3;
	v8 =	vld [tilespmem:s24+$0x18D80]  }
0x79: {  	v2 =	vadd.f32 v4, v2;
	v4 =	vor.u32 v1, v9  }
0x7a: {  	v3 =	vadd.f32 v5, v3;
	v5 =	vor.u32 $0x1, v4  }
0x7b: {  	v2 =	vadd.f32 v6, v2  }
0x7c: {  	v3 =	vadd.f32 v7, v3  }
.Ltmp2:
0x7d: {  	v2 =	vadd.f32 v8, v2;
	(pc) =	sbr.rel @p0 .LBB2_6-.Ltmp2, $4  }
0x7e: {  	[tilespmem:v4+s21+$0x0] =	vst.idx.msk $0xffff, v3  }
0x7f: {  	s26 =	sadd.s32 $0x10, s26;
	[tilespmem:v5+s21+$0x0] =	vst.idx.msk $0xffff, v2  }
0x80: {  	s25 =	sadd.s32 $0x10, s25;
	v3 =	vld [tilespmem:s26+$0xFFFFEC00]  }
0x81: {  	s28 =	sadd.s32 $0x10, s28;
	s24 =	sand.u32 $0x3F0, s23;
	v2 =	vld [tilespmem:s25+$0xFFFFEC00]  }
0x82: {  	v4 =	vld [tilespmem:s24+$0x14280]  }
0x83: {  	v5 =	vld [tilespmem:s24+$0x16A80]  }
0x84: {  	v6 =	vld [tilespmem:s24+$0x14500]  }
0x85: {  	v7 =	vld [tilespmem:s24+$0x16D00];
	v3 =	vadd.f32 $0.0e+00, v3  }
0x86: {  	v8 =	vld [tilespmem:s24+$0x14780];
	v2 =	vadd.f32 $0.0e+00, v2  }
0x87: {  	v37 =	vld [tilespmem:s24+$0x16F80];
	v3 =	vadd.f32 v4, v3  }
0x88: {  	v38 =	vld [tilespmem:s24+$0x14A00];
	v2 =	vadd.f32 v5, v2  }
0x89: {  	v39 =	vld [tilespmem:s24+$0x17200];
	v3 =	vadd.f32 v6, v3  }
0x8a: {  	v40 =	vld [tilespmem:s24+$0x14C80];
	v2 =	vadd.f32 v7, v2  }
0x8b: {  	v41 =	vld [tilespmem:s24+$0x17480];
	v3 =	vadd.f32 v8, v3  }
0x8c: {  	v42 =	vld [tilespmem:s24+$0x14F00];
	v2 =	vadd.f32 v37, v2  }
0x8d: {  	v43 =	vld [tilespmem:s24+$0x17700];
	v3 =	vadd.f32 v38, v3  }
0x8e: {  	v44 =	vld [tilespmem:s24+$0x15180];
	v2 =	vadd.f32 v39, v2  }
0x8f: {  	v45 =	vld [tilespmem:s24+$0x17980];
	v3 =	vadd.f32 v40, v3  }
0x90: {  	v46 =	vld [tilespmem:s26+$0x0];
	v2 =	vadd.f32 v41, v2  }
0x91: {  	v47 =	vld [tilespmem:s25+$0x0];
	v3 =	vadd.f32 v42, v3  }
0x92: {  	v48 =	vld [tilespmem:s24+$0x15680];
	v2 =	vadd.f32 v43, v2  }
0x93: {  	v49 =	vld [tilespmem:s24+$0x17E80];
	v3 =	vadd.f32 v44, v3  }
0x94: {  	v50 =	vld [tilespmem:s24+$0x15900];
	v2 =	vadd.f32 v45, v2  }
0x95: {  	v51 =	vld [tilespmem:s24+$0x18100];
	v3 =	vadd.f32 v46, v3  }
0x96: {  	v52 =	vld [tilespmem:s24+$0x15B80];
	v2 =	vadd.f32 v47, v2  }
0x97: {  	v53 =	vld [tilespmem:s24+$0x18380];
	v3 =	vadd.f32 v48, v3  }
0x98: {  	v54 =	vld [tilespmem:s24+$0x15E00];
	v2 =	vadd.f32 v49, v2  }
0x99: {  	v55 =	vld [tilespmem:s24+$0x18600];
	v3 =	vadd.f32 v50, v3  }
0x9a: {  	v56 =	vld [tilespmem:s24+$0x16080];
	v2 =	vadd.f32 v51, v2  }
0x9b: {  	v57 =	vld [tilespmem:s24+$0x18880];
	v3 =	vadd.f32 v52, v3  }
0x9c: {  	v58 =	vld [tilespmem:s24+$0x16300];
	v2 =	vadd.f32 v53, v2  }
0x9d: {  	v59 =	vld [tilespmem:s24+$0x18B00];
	v3 =	vadd.f32 v54, v3  }
0x9e: {  	v60 =	vld [tilespmem:s24+$0x16580];
	v9 =	vmov s23;
	v2 =	vadd.f32 v55, v2  }
0x9f: {  	v61 =	vld [tilespmem:s24+$0x18D80];
	v9 =	vshll.u32 v9, $0x3;
	v3 =	vadd.f32 v56, v3  }
0xa0: {  	v62 =	vor.u32 v1, v9;
	v2 =	vadd.f32 v57, v2  }
0xa1: {  	v63 =	vor.u32 $0x1, v62;
	v3 =	vadd.f32 v58, v3  }
0xa2: {  	v2 =	vadd.f32 v59, v2  }
0xa3: {  	v3 =	vadd.f32 v60, v3  }
0xa4: {  	s22 =	sadd.s32 $0x1, s22;
	v2 =	vadd.f32 v61, v2  }
0xa5: {  	p0 =	sne.s32 s22, s12;
	[tilespmem:v62+s21+$0x0] =	vst.idx.msk $0xffff, v3  }
.Ltmp3:
0xa6: {  	[tilespmem:v63+s21+$0x0] =	vst.idx.msk $0xffff, v2;
	(pc) =	sbr.rel @p0 .LBB2_1-.Ltmp3, $4  }
0xa7: {  	[hbm4b:s11+s4] =	stream.linear.scatter [tilespmem:s21], [sflag:$0x2], $0x1400, $0x38;
	[tilespmem:$0x1A400] =	vst v63  }
0xa8: {  	_ =	swait.ge [sflag:s19], $0x1400  }
0xa9: {  	[sflag:s19] =	ssyncset.done $0x0  }
0xaa: {  	[sflag:s19] =	ssyncadd.s32 $0xFFFFEC00  }
0xab: {  	_ =	sfence.sel $0x180000  }
0xac: {  	[bflag:$0x0] =	sbarrier.arrive $0xFFFF  }
0xad: {  	_ =	strace $0x90000047  }
0xae: {  	[bflag:$0x2] =	sbarrier.arrive $0xFFFF  }
0xaf: {  	p0 =	sne.s32 s0, $0x0;
	s0 =	rddreg [dreg:$0x3]  }
0xb0: {  	s0 =	sadd.s32 @!p0 $0x100000, s0  }
0xb1: {  	[sflag:s0] =	ssyncadd.tile.s32 @!p0 $0x1;
	_ =	shalt  }
.Lfunc_end2:
_tile_overlayer_lowered:
.L_overlay_start_2:
0xb2: {  	(tag) =	ssettag $0x2  }
0xb3: {  	s0 =	rddreg [dreg:$0x0];
	s2 =	stileid.u32  }
0xb4: {  	s1 =	rddreg [dreg:$0x1];
	p0 =	sne.s32 s2, $0x0  }
0xb5: {  	s3 =	rddreg [dreg:$0x2];
	[bflag:$0x3] =	sbarrier.arrive $0xFFFF;
	s2 =	simm.s32 @!p0 $0x1C02  }
0xb6: {  	[timem:s3], [sflag:s2] =	dma.local @!p0 [hbm:s0], s1  }
0xb7: {  	s0 =	simm.s32 @!p0 $0x2  }
0xb8: {  	_ =	swait.ge @!p0 [sflag:s0], s1  }
0xb9: {  	s1 =	ssub.s32 @!p0 $0x0, s1;
	[sflag:s0] =	ssyncset.done @!p0 $0x0  }
0xba: {  	[sflag:s0] =	ssyncadd.s32 @!p0 s1  }
0xbb: {  	[bflag:$0x3] =	sbarrier.arrive $0xFFFF  }
0xbc: {  	_ =	shalt  }

// kernel: kernel.13.cloned.1.call-start
scs
__scs_entry_jumppad:
0x0: {  	(pc) =	sbr.rel $0x88, $3  }
0x1: {  	(tag) =	ssettag $0x0;
	lr =	simm.s32 $0x1  }
0x2: {  	[smem:$0x3F93] =	sst lr;
	_ =	strace $0xD0000000  }
0x3: {  	_ = 	snop  }
0x4: {  	_ = 	snop  }
0x5: {  	_ = 	snop  }
0x6: {  	_ = 	snop  }
0x7: {  	_ = 	snop  }
__scs_overlays_trampoline_lowered:
0x8: {  	[smem:$0x3FA2] =	sst s0  }
0x9: {  	[smem:$0x3FA3] =	sst s1  }
0xa: {  	[smem:$0x3FA4] =	sst s2  }
0xb: {  	[smem:$0x3FA5] =	sst s3  }
0xc: {  	[smem:$0x3FA6] =	sst s4  }
0xd: {  	[smem:$0x3FA7] =	sst s5  }
0xe: {  	[smem:$0x3FA8] =	sst s6  }
0xf: {  	[smem:$0x3FA9] =	sst s7  }
0x10: {  	[smem:$0x3FAA] =	sst s8  }
0x11: {  	[smem:$0x3FAB] =	sst s9;
	s0 =	simm.s32 @!p0 $0x0  }
0x12: {  	s1 =	sld [smem:$0x3F91];
	s0 =	simm.s32 @p0 $0x1  }
0x13: {  	[smem:$0x3FAC] =	sst s0;
	s0 =	simm.s32 @!p1 $0x0  }
0x14: {  	s2 =	sld [smem:$0x3F90];
	s0 =	simm.s32 @p1 $0x1  }
0x15: {  	[smem:$0x3FAD] =	sst s0;
	s0 =	simm.s32 @!p2 $0x0  }
0x16: {  	s3 =	sld [smem:$0x3FDB];
	s0 =	simm.s32 @p2 $0x1  }
0x17: {  	s4 =	simm.s32 $0x1BF5;
	[smem:$0x3FAF] =	sst s0  }
0x18: {  	s0 =	sld [smem:$0x3F92];
	_ =	swait.ge [sflag:s4], $0x0  }
0x19: {  	s7 =	sld [smem:$0x3F93]  }
0x1a: {  	s8 =	sadd.s32 $0xFFFFE003, lr  }
0x1b: {  	s9 =	sadd.s32 $0xFFFFFEF7, lr;
	s5 =	simm.s32 $0xFFFFFFFF;
	p2 =	slt.u32 s8, $0xFFFFF086  }
0x1c: {  	p1 =	slt.u32 s9, $0xF7A;
	s5 =	simm.s32 @!p2 $0x0  }
0x1d: {  	s5 =	simm.s32 @p1 $0x1;
	p0 =	seq.s32 s7, s2  }
0x1e: {  	s7 =	smul.u32 @!p0 $0xF7A, s2;
	p2 =	seq.s32 @!p0 s5, $0x0  }
0x1f: {  	s9 =	smul.u32 $0xF7A, s1;
	s8 =	simm.s32 @!p0 $0x1BF5;
	p2 =	por !p2, p0  }
0x20: {  	[sflag:s8] =	ssyncset.s32 @!p0 $0xFFFFF086;
	s6 =	sadd.s32 @!p0 s3, s7;
	s7 =	simm.s32 @!p0 $0x108  }
0x21: {  	s3 =	sadd.s32 s3, s9;
	s6 =	sadd.s32 @!p0 $0x88, s6;
	s7 =	simm.s32 @p2 $0x1082  }
0x22: {  	[simem:s7], [sflag:s8] =	dma.local @!p0 [hbm:s6], $0xF7A  }
0x23: {  	s9 =	sor.u32 $0xD0000000, s2;
	s6 =	simm.s32 $0x108;
	_ =	swait.ge @!p0 [sflag:s8], $0x0  }
0x24: {  	s3 =	sadd.s32 $0x88, s3;
	s6 =	simm.s32 @!p1 $0x1082;
	[sflag:s4] =	ssyncset.s32 $0xFFFFF086  }
0x25: {  	[simem:s6], [sflag:s4] =	dma.local [hbm:s3], $0xF7A  }
0x26: {  	[smem:$0x3F93] =	sst s1;
	(tag) =	ssettag s2;
	_ =	strace s9  }
0x27: {  	s1 =	sld [smem:$0x3FA3]  }
0x28: {  	s2 =	sld [smem:$0x3FA4]  }
0x29: {  	s4 =	sld [smem:$0x3FA6]  }
0x2a: {  	p0 =	seq.s32 s5, $0x0;
	s5 =	sld [smem:$0x3FA7]  }
0x2b: {  	s6 =	sld [smem:$0x3FA8]  }
0x2c: {  	s7 =	sld [smem:$0x3FA9]  }
0x2d: {  	s3 =	simm.s32 $0x108;
	s8 =	sld [smem:$0x3FAA]  }
0x2e: {  	s3 =	simm.s32 @!p0 $0x1082;
	s9 =	sld [smem:$0x3FAB]  }
0x2f: {  	lr =	sadd.s32 s0, s3;
	s0 =	sld [smem:$0x3FA2]  }
0x30: {  	s3 =	sld [smem:$0x3FA5]  }
0x31: {  	[smem:$0x3FAE] =	sst s10  }
0x32: {  	s10 =	sld [smem:$0x3FAC];
	_ =	sdelay $0x3  }
0x33: {  	p0 =	seq.s32 s10, $0x1;
	s10 =	sld [smem:$0x3FAE];
	_ =	sdelay $0x3  }
0x34: {  	[smem:$0x3FAE] =	sst s10  }
0x35: {  	s10 =	sld [smem:$0x3FAD];
	_ =	sdelay $0x3  }
0x36: {  	p1 =	seq.s32 s10, $0x1;
	s10 =	sld [smem:$0x3FAE];
	_ =	sdelay $0x3  }
0x37: {  	[smem:$0x3FAE] =	sst s10  }
0x38: {  	s10 =	sld [smem:$0x3FAF]  }
0x39: {  	_ = 	snop;
	(pc) =	sbr.ind lr, $3  }
0x3a: {  	_ = 	snop  }
0x3b: {  	_ = 	snop  }
0x3c: {  	p2 =	seq.s32 s10, $0x1;
	s10 =	sld [smem:$0x3FAE]  }
0x3d: {  	_ =	shalt  }
0x3e: {  	_ =	shalt  }
0x3f: {  	_ =	shalt  }
0x40: {  	_ =	shalt  }
0x41: {  	_ =	shalt  }
0x42: {  	_ =	shalt  }
0x43: {  	_ =	shalt  }
0x44: {  	_ =	shalt  }
0x45: {  	_ =	shalt  }
0x46: {  	_ =	shalt  }
0x47: {  	_ =	shalt  }
0x48: {  	_ =	shalt  }
0x49: {  	_ =	shalt  }
0x4a: {  	_ =	shalt  }
0x4b: {  	_ =	shalt  }
0x4c: {  	_ =	shalt  }
0x4d: {  	_ =	shalt  }
0x4e: {  	_ =	shalt  }
0x4f: {  	_ =	shalt  }
0x50: {  	_ =	shalt  }
0x51: {  	_ =	shalt  }
0x52: {  	_ =	shalt  }
0x53: {  	_ =	shalt  }
0x54: {  	_ =	shalt  }
0x55: {  	_ =	shalt  }
0x56: {  	_ =	shalt  }
0x57: {  	_ =	shalt  }
0x58: {  	_ =	shalt  }
0x59: {  	_ =	shalt  }
0x5a: {  	_ =	shalt  }
0x5b: {  	_ =	shalt  }
0x5c: {  	_ =	shalt  }
0x5d: {  	_ =	shalt  }
0x5e: {  	_ =	shalt  }
0x5f: {  	_ =	shalt  }
0x60: {  	_ =	shalt  }
0x61: {  	_ =	shalt  }
0x62: {  	_ =	shalt  }
0x63: {  	_ =	shalt  }
0x64: {  	_ =	shalt  }
0x65: {  	_ =	shalt  }
0x66: {  	_ =	shalt  }
0x67: {  	_ =	shalt  }
0x68: {  	_ =	shalt  }
0x69: {  	_ =	shalt  }
0x6a: {  	_ =	shalt  }
0x6b: {  	_ =	shalt  }
0x6c: {  	_ =	shalt  }
0x6d: {  	_ =	shalt  }
0x6e: {  	_ =	shalt  }
0x6f: {  	_ =	shalt  }
0x70: {  	_ =	shalt  }
0x71: {  	_ =	shalt  }
0x72: {  	_ =	shalt  }
0x73: {  	_ =	shalt  }
0x74: {  	_ =	shalt  }
0x75: {  	_ =	shalt  }
0x76: {  	_ =	shalt  }
0x77: {  	_ =	shalt  }
0x78: {  	_ =	shalt  }
0x79: {  	_ =	shalt  }
0x7a: {  	_ =	shalt  }
0x7b: {  	_ =	shalt  }
0x7c: {  	_ =	shalt  }
0x7d: {  	_ =	shalt  }
0x7e: {  	_ =	shalt  }
0x7f: {  	_ =	shalt  }
0x80: {  	_ =	shalt  }
0x81: {  	_ =	shalt  }
0x82: {  	_ =	shalt  }
0x83: {  	_ =	shalt  }
0x84: {  	_ =	shalt  }
0x85: {  	_ =	shalt  }
0x86: {  	_ =	shalt  }
0x87: {  	_ =	shalt  }
.Lfunc_end0:
.L_simem_size_0:
called_computation.1_lowered:
.L_overlay_start_0:
0x88: {  	s2 =	sld [smem:$0x3FD9]  }
0x89: {  	s3 =	sld [smem:$0x3FFE];
	_ =	sdelay $0x1  }
0x8a: {  	s1 =	srdreg.scid  }
0x8b: {  	s0 =	sand.u32 $0x1, s1  }
0x8c: {  	s16 =	sshll.u32 s0, $0xA;
	s2 =	sadd.s32 s3, s2  }
0x8d: {  	s2 =	sadd.s32 s2, s16  }
0x8e: {  	[smem:$0x3FBA] =	sst s2  }
0x8f: {  	_ = 	snop  }
0x90: {  	(tm) =	ssettm $0x1  }
0x91: {  	s17 =	sld [smem:$0x3FFB];
	_ =	sdelay $0x3  }
0x92: {  	_ =	strace s17  }
0x93: {  	s2 =	sld [smem:$0x3FFC];
	_ =	sdelay $0x3  }
0x94: {  	_ =	strace s2  }
0x95: {  	s2 =	sld [smem:$0x3FFD];
	_ =	sdelay $0x3  }
0x96: {  	_ =	strace s2  }
0x97: {  	_ =	strace $0x8FFFFFFF  }
0x98: {  	s18 =	sld [smem:$0x3FDB];
	_ =	sdelay $0x1  }
0x99: {  	s19 =	simm.s32 $_scs_section_size  }
0x9a: {  	s4 =	simm.s32 $_size__tile_overlayer_lowered;
	s5 =	simm.s32 $_tile_overlayer_lowered  }
0x9b: {  	s22 =	simm.s32 $0x1BFF;
	s21 =	sshll.u32 s5, $0x1;
	s2 =	sadd.s32 s19, s18  }
0x9c: {  	s6 =	simm.s32 $0x0;
	s20 =	sshll.u32 s4, $0x1;
	s4 =	sadd.s32 s21, s2  }
0x9d: {  	[timem:s6], [sflag:s22] =	dma.local [hbm:s4], s20  }
0x9e: {  	_ =	swait.ge [sflag:s22], s20  }
0x9f: {  	s3 =	ssub.s32 $0x0, s20;
	[sflag:s22] =	ssyncset.done $0x0  }
0xa0: {  	[sflag:s22] =	ssyncadd.s32 s3;
	_ =	sdelay $0x1  }
0xa1: {  	s23 =	simm.s32 $0x1B8B  }
0xa2: {  	_ =	swait.ge [sflag:s23], $0x1  }
0xa3: {  	[sflag:s23] =	ssyncset.done $0x0  }
0xa4: {  	s25 =	simm.s32 $0x1B8E;
	s24 =	sld [smem:$0x3FFE];
	[sflag:s23] =	ssyncadd.s32 $0xFFFFFFFF  }
0xa5: {  	s26 =	simm.s32 $execute0_lowered;
	[smem:$0x3FD2] =	sst s25  }
0xa6: {  	s4 =	sshll.u32 s26, $0x1;
	_ =	strace $0x80000049;
	[dreg:$0x1] =	wrdreg $0xFFFFFFFF  }
0xa7: {  	s28 =	simm.s32 $_size_execute0_lowered;
	s2 =	sadd.s32 s2, s4;
	[dreg:$0x0] =	wrdreg $0x0  }
0xa8: {  	s4 =	sshll.u32 s28, $0x1;
	[dreg:$0x2] =	wrdreg s2  }
0xa9: {  	[dreg:$0x3] =	wrdreg s4  }
0xaa: {  	[dreg:$0x4] =	wrdreg $0xC0  }
0xab: {  	_ =	task [dreg:s6], $0x5FFFF  }
0xac: {  	[dreg:$0x1] =	wrdreg $0xFFFFFFFF  }
0xad: {  	[dreg:$0x0] =	wrdreg $0x60  }
0xae: {  	[dreg:$0x2] =	wrdreg s24  }
0xaf: {  	[dreg:$0x3] =	wrdreg $0x0  }
0xb0: {  	[dreg:$0x4] =	wrdreg $0x9  }
0xb1: {  	_ =	task.clear_ibuf [dreg:s6], $0x5FFFF;
	_ =	strace $0x90000049  }
0xb2: {  	s29 =	simm.s32 $0x9;
	_ =	strace $0x8000004B  }
0xb3: {  	_ =	swait.ge [sflag:s29], $0x1  }
0xb4: {  	[sflag:s29] =	ssyncadd.s32 $0xFFFFFFFF  }
0xb5: {  	_ =	strace $0x9000004B  }
0xb6: {  	_ =	sfence  }
0xb7: {  	s30 =	sld [smem:$0x0];
	_ =	sdelay $0x2  }
0xb8: {  	s31 =	sshll.u32 s1, $0xD;
	s1 =	sshrl.u32 s1, $0x2  }
0xb9: {  	s3 =	sand.u32 $0x4000, s31;
	s1 =	sadd.s32 s1, s30  }
0xba: {  	s0 =	sor.u32 s3, s0;
	s1 =	sshll.u32 s1, $0x11  }
0xbb: {  	s0 =	sor.u32 s1, s0  }
0xbc: {  	s0 =	sadd.s32 $0x8F2B, s0  }
0xbd: {  	[sflag:s0] =	ssyncadd.remote.s32 $0x1  }
0xbe: {  	_ =	sfence.sel $0xFFFF  }
0xbf: {  	[dreg:$0x0] =	wrdreg $0xFFFFFFFF;
	(pc) =	sbr.abs _section_cstart, $3  }
0xc0: {  	[dreg:$0x1] =	wrdreg $0xFFFFFFFF  }
0xc1: {  	_ =	task.clear_ibuf [dreg:s6], $0x2FFFF;
	_ =	strace $0x9FFFFFFF  }
0xc2: {  	(tm) =	ssettm $0x7FFFFFFF  }
0xc3: {  	_ =	shalt  }
tec
execute0_lowered:
.L_overlay_start_1:
0x0: {  	(tag) =	ssettag $0x1  }
0x1: {  	s6 =	rddreg [dreg:$0x0]  }
0x2: {  	s1 =	rddreg [dreg:$0x1];
	s3 =	simm.s32 $0x0;
	s4 =	srdreg.scid  }
0x3: {  	s0 =	stileid.u32;
	s18 =	simm.s32 $0x80;
	s19 =	simm.s32 $0x15000  }
0x4: {  	s21 =	simm.s32 $0x19000;
	s22 =	simm.s32 $0x1;
	s23 =	simm.s32 $0x2  }
0x5: {  	s24 =	simm.s32 $0x0;
	[smem:$0x7FF] =	sst s3;
	s8 =	smul.u32 $0x2800, s0  }
0x6: {  	s7 =	sand.u32 $0x1, s4;
	s4 =	sadd.s32 $0x57600, s6;
	s10 =	smul.u32 $0x50000, s0  }
0x7: {  	s12 =	sadd.s32 $0x43600, s6;
	s13 =	sadd.s32 $0x2F600, s6;
	s15 =	smul.u32 $0x5000, s0  }
0x8: {  	s26 =	sshll.u32 s0, $0x6;
	_ =	strace $0x8000004A;
	s9 =	smul.u32 $0x28000, s7  }
0x9: {  	s5 =	sshll.u32 s7, $0x4;
	s25 =	ssub.s32 $0x2, s7;
	s7 =	smul.u32 $0x50000, s7  }
0xa: {  	s11 =	sor.u32 s0, s5;
	s5 =	sadd.s32 $0x2000, s6;
	s14 =	sshrl.u32 s25, $0x1  }
0xb: {  	s10 =	sshrl.u32 s10, $0x2;
	s11 =	smul.u32 $0x5000, s11;
	s8 =	sadd.s32 s8, s9  }
0xc: {  	s14 =	ssub.s32 s25, s14;
	s17 =	sadd.s32 s10, s1;
	s29 =	sadd.s32 s15, s7  }
0xd: {  	s15 =	simm.s32 $0x14000;
	s16 =	sadd.s32 s8, s6;
	s6 =	sor.u32 $0x1C04, s26  }
0xe: {  	s30 =	sor.u32 $0x400, s29;
	s10 =	smax.u32 s14, $0x1;
	s14 =	simm.s32 $0x4  }
0xf: {  	s28 =	sshrl.u32 s11, $0x3;
	s9 =	sadd.s32 $0xF7600, s16;
	s31 =	sshrl.u32 s30, $0x3  }
0x10: {  	s16 =	simm.s32 $0x3;
	s7 =	sadd.s32 s12, s28;
	s8 =	sadd.s32 s13, s28  }
0x11: {  	s11 =	sadd.s32 s31, s13;
	s12 =	sadd.s32 s31, s12;
	s13 =	sshrl.u32 s17, $0x3  }
.LBB2_1:
0x12: {  	[spmem:s13], [sflag:s6] =	dma.local [hbm:s5], $0x2800  }
0x13: {  	_ =	swait.ge [sflag:s14], $0x2800  }
0x14: {  	[sflag:s14] =	ssyncset.done $0x0  }
0x15: {  	[sflag:s14] =	ssyncadd.s32 $0xFFFFD800  }
0x16: {  	[tilespmem:s15], [sflag:$0x3] =	stream.linear.gather [hbm4b:s7+s3], $0x400, $0x38;
	[tilespmem:$0x1D000] =	vst v63  }
0x17: {  	_ =	swait.ge [sflag:s16], $0x400  }
0x18: {  	[sflag:s16] =	ssyncset.done $0x0  }
0x19: {  	s0 =	simm.s32 $0x14800;
	[sflag:s16] =	ssyncadd.s32 $0xFFFFFC00  }
0x1a: {  	[tilespmem:s0], [sflag:$0x3] =	stream.linear.gather [hbm4b:s8+s3], $0x400, $0x38;
	[tilespmem:$0x1D000] =	vst v63  }
0x1b: {  	_ =	swait.ge [sflag:s16], $0x400  }
0x1c: {  	[sflag:s16] =	ssyncset.done $0x0  }
0x1d: {  	[sflag:s16] =	ssyncadd.s32 $0xFFFFFC00  }
0x1e: {  	[tilespmem:s19], [sflag:$0x1] =	stream.indirect.gather [hbm4b:s4+s18], $0x80, s15, s18, $0xb8;
	[tilespmem:$0x1D000] =	vst v63  }
0x1f: {  	s31 =	simm.s32 $0x14080;
	s25 =	simm.s32 $0x0  }
0x20: {  	[tilespmem:s21], [sflag:$0x2] =	stream.indirect.gather [hbm4b:s4+s18], $0x80, s31, s18, $0xb8;
	[tilespmem:$0x1D000] =	vst v63  }
0x21: {  	s26 =	simm.s32 $0x1;
	s28 =	simm.s32 $0x0;
	[bflag:$0x0] =	sbarrier.arrive $0xFFFF  }
.LBB2_2:
0x22: {  	s29 =	sand.u32 $0x1, s26;
	p0 =	seq.s32 s28, $0x980  }
0x23: {  	s29 =	sshll.u32 @!p0 s29, $0xA  }
0x24: {  	s31 =	sadd.s32 @!p0 s28, s12;
	s0 =	simm.s32 @!p0 $0x0;
	s30 =	sor.u32 @!p0 $0x14000, s29  }
0x25: {  	[tilespmem:s30], [sflag:$0x3] =	stream.linear.gather @!p0 [hbm4b:s31+s0], $0x400, $0x38;
	[tilespmem:$0x1D000] =	vst v63  }
0x26: {  	s2 =	sadd.s32 @!p0 s28, s11;
	s31 =	sor.u32 @!p0 $0x14800, s29  }
0x27: {  	[tilespmem:s31], [sflag:$0x3] =	stream.linear.gather @!p0 [hbm4b:s2+s0], $0x400, $0x38;
	[tilespmem:$0x1D000] =	vst v63  }
0x28: {  	_ =	swait.ge [sflag:s22], $0x4000  }
0x29: {  	s31 =	sand.u32 $0x400, s25;
	[sflag:s22] =	ssyncset.done $0x0  }
0x2a: {  	s2 =	sor.u32 $0x14800, s31;
	[sflag:s22] =	ssyncadd.s32 $0xFFFFC000  }
0x2b: {  	[spmem:s1] =	stream.indirect.scatter.add.f32 [tilespmem:s19], [sflag:$0x4], $0x80, s2, s18, $0xb8;
	[tilespmem:$0x1D000] =	vst v63  }
0x2c: {  	_ =	swait.ge [sflag:s14], $0x4000  }
0x2d: {  	[sflag:s14] =	ssyncset.done $0x0  }
0x2e: {  	s17 =	sor.u32 $0x14100, s31;
	[sflag:s14] =	ssyncadd.s32 $0xFFFFC000  }
0x2f: {  	[tilespmem:s19], [sflag:$0x1] =	stream.indirect.gather [hbm4b:s4+s18], $0x80, s17, s18, $0xb8;
	[tilespmem:$0x1D000] =	vst v63  }
0x30: {  	_ =	swait.ge [sflag:s23], $0x4000  }
0x31: {  	[sflag:s23] =	ssyncset.done $0x0  }
0x32: {  	s20 =	sor.u32 $0x14880, s31;
	[sflag:s23] =	ssyncadd.s32 $0xFFFFC000  }
0x33: {  	[spmem:s1] =	stream.indirect.scatter.add.f32 [tilespmem:s21], [sflag:$0x4], $0x80, s20, s18, $0xb8;
	[tilespmem:$0x1D000] =	vst v63  }
0x34: {  	_ =	swait.ge [sflag:s14], $0x4000  }
0x35: {  	[sflag:s14] =	ssyncset.done $0x0  }
0x36: {  	s2 =	sor.u32 $0x14180, s31;
	[sflag:s14] =	ssyncadd.s32 $0xFFFFC000  }
0x37: {  	[tilespmem:s21], [sflag:$0x2] =	stream.indirect.gather [hbm4b:s4+s18], $0x80, s2, s18, $0xb8;
	[tilespmem:$0x1D000] =	vst v63  }
0x38: {  	_ =	swait.ge [sflag:s22], $0x4000  }
0x39: {  	[sflag:s22] =	ssyncset.done $0x0  }
0x3a: {  	s17 =	sor.u32 $0x14900, s31;
	[sflag:s22] =	ssyncadd.s32 $0xFFFFC000  }
0x3b: {  	[spmem:s1] =	stream.indirect.scatter.add.f32 [tilespmem:s19], [sflag:$0x4], $0x80, s17, s18, $0xb8;
	[tilespmem:$0x1D000] =	vst v63  }
0x3c: {  	_ =	swait.ge [sflag:s14], $0x4000  }
0x3d: {  	[sflag:s14] =	ssyncset.done $0x0  }
0x3e: {  	s20 =	sor.u32 $0x14200, s31;
	[sflag:s14] =	ssyncadd.s32 $0xFFFFC000  }
0x3f: {  	[tilespmem:s19], [sflag:$0x1] =	stream.indirect.gather [hbm4b:s4+s18], $0x80, s20, s18, $0xb8;
	[tilespmem:$0x1D000] =	vst v63  }
0x40: {  	_ =	swait.ge [sflag:s23], $0x4000  }
0x41: {  	[sflag:s23] =	ssyncset.done $0x0  }
0x42: {  	s2 =	sor.u32 $0x14980, s31;
	[sflag:s23] =	ssyncadd.s32 $0xFFFFC000  }
0x43: {  	[spmem:s1] =	stream.indirect.scatter.add.f32 [tilespmem:s21], [sflag:$0x4], $0x80, s2, s18, $0xb8;
	[tilespmem:$0x1D000] =	vst v63  }
0x44: {  	_ =	swait.ge [sflag:s14], $0x4000  }
0x45: {  	[sflag:s14] =	ssyncset.done $0x0  }
0x46: {  	s17 =	sor.u32 $0x14280, s31;
	[sflag:s14] =	ssyncadd.s32 $0xFFFFC000  }
0x47: {  	[tilespmem:s21], [sflag:$0x2] =	stream.indirect.gather [hbm4b:s4+s18], $0x80, s17, s18, $0xb8;
	[tilespmem:$0x1D000] =	vst v63  }
0x48: {  	_ =	swait.ge [sflag:s22], $0x4000  }
0x49: {  	[sflag:s22] =	ssyncset.done $0x0  }
0x4a: {  	s20 =	sor.u32 $0x14A00, s31;
	[sflag:s22] =	ssyncadd.s32 $0xFFFFC000  }
0x4b: {  	[spmem:s1] =	stream.indirect.scatter.add.f32 [tilespmem:s19], [sflag:$0x4], $0x80, s20, s18, $0xb8;
	[tilespmem:$0x1D000] =	vst v63  }
0x4c: {  	_ =	swait.ge [sflag:s14], $0x4000  }
0x4d: {  	[sflag:s14] =	ssyncset.done $0x0  }
0x4e: {  	s2 =	sor.u32 $0x14300, s31;
	[sflag:s14] =	ssyncadd.s32 $0xFFFFC000  }
0x4f: {  	[tilespmem:s19], [sflag:$0x1] =	stream.indirect.gather [hbm4b:s4+s18], $0x80, s2, s18, $0xb8;
	[tilespmem:$0x1D000] =	vst v63  }
0x50: {  	_ =	swait.ge [sflag:s23], $0x4000  }
0x51: {  	[sflag:s23] =	ssyncset.done $0x0  }
0x52: {  	s17 =	sor.u32 $0x14A80, s31;
	[sflag:s23] =	ssyncadd.s32 $0xFFFFC000  }
0x53: {  	[spmem:s1] =	stream.indirect.scatter.add.f32 [tilespmem:s21], [sflag:$0x4], $0x80, s17, s18, $0xb8;
	[tilespmem:$0x1D000] =	vst v63  }
0x54: {  	_ =	swait.ge [sflag:s14], $0x4000  }
0x55: {  	[sflag:s14] =	ssyncset.done $0x0  }
0x56: {  	s20 =	sor.u32 $0x14380, s31;
	[sflag:s14] =	ssyncadd.s32 $0xFFFFC000  }
0x57: {  	[tilespmem:s21], [sflag:$0x2] =	stream.indirect.gather [hbm4b:s4+s18], $0x80, s20, s18, $0xb8;
	[tilespmem:$0x1D000] =	vst v63  }
0x58: {  	s0 =	sor.u32 $0x300, s31;
	_ =	swait.ge [sflag:s22], $0x4000  }
0x59: {  	s2 =	sor.u32 @p0 $0x14800, s0;
	[sflag:s22] =	ssyncset.done $0x0  }
0x5a: {  	s17 =	simm.s32 @p0 $0x80;
	s20 =	simm.s32 @p0 $0x15000;
	[sflag:s22] =	ssyncadd.s32 $0xFFFFC000  }
0x5b: {  	[spmem:s1] =	stream.indirect.scatter.add.f32 @p0 [tilespmem:s20], [sflag:$0x4], $0x80, s2, s17, $0xb8;
	[tilespmem:$0x1D000] =	vst v63  }
0x5c: {  	s2 =	simm.s32 @p0 $0x4  }
0x5d: {  	_ =	swait.ge @p0 [sflag:s2], $0x4000  }
0x5e: {  	[sflag:s2] =	ssyncset.done @p0 $0x0  }
0x5f: {  	[sflag:s2] =	ssyncadd.s32 @p0 $0xFFFFC000;
	s2 =	simm.s32 @!p0 $0x3  }
0x60: {  	_ =	swait.ge @!p0 [sflag:s2], $0x400  }
0x61: {  	[sflag:s2] =	ssyncset.done @!p0 $0x0  }
0x62: {  	[sflag:s2] =	ssyncadd.s32 @!p0 $0xFFFFFC00  }
0x63: {  	_ =	swait.ge @!p0 [sflag:s2], $0x400  }
0x64: {  	s0 =	sor.u32 @!p0 $0x14800, s0;
	[sflag:s2] =	ssyncset.done @!p0 $0x0  }
0x65: {  	s17 =	simm.s32 @!p0 $0x15000;
	[sflag:s2] =	ssyncadd.s32 @!p0 $0xFFFFFC00;
	s2 =	simm.s32 @!p0 $0x80  }
0x66: {  	[spmem:s1] =	stream.indirect.scatter.add.f32 @!p0 [tilespmem:s17], [sflag:$0x4], $0x80, s0, s2, $0xb8;
	[tilespmem:$0x1D000] =	vst v63  }
0x67: {  	s0 =	simm.s32 @!p0 $0x4  }
0x68: {  	_ =	swait.ge @!p0 [sflag:s0], $0x4000  }
0x69: {  	[sflag:s0] =	ssyncset.done @!p0 $0x0  }
0x6a: {  	[sflag:s0] =	ssyncadd.s32 @!p0 $0xFFFFC000  }
0x6b: {  	[tilespmem:s17], [sflag:$0x1] =	stream.indirect.gather @!p0 [hbm4b:s4+s2], $0x80, s30, s2, $0xb8;
	[tilespmem:$0x1D000] =	vst v63  }
0x6c: {  	s28 =	sadd.s32 @!p0 $0x80, s28;
	_ =	swait.ge [sflag:s23], $0x4000  }
0x6d: {  	p1 =	sne.s32 @!p0 s28, $0xA00;
	s31 =	sor.u32 $0x380, s31;
	[sflag:s23] =	ssyncset.done $0x0  }
0x6e: {  	p1 =	por p0, !p1;
	s0 =	sor.u32 $0x14800, s31;
	[sflag:s23] =	ssyncadd.s32 $0xFFFFC000  }
0x6f: {  	[spmem:s1] =	stream.indirect.scatter.add.f32 [tilespmem:s21], [sflag:$0x4], $0x80, s0, s18, $0xb8;
	[tilespmem:$0x1D000] =	vst v63  }
.Ltmp0:
0x70: {  	_ = 	snop;
	(pc) =	sbr.rel @!p1 .LBB2_2-.Ltmp0, $4  }
0x71: {  	_ =	swait.ge [sflag:s14], $0x4000  }
0x72: {  	s26 =	sadd.s32 @!p0 $0x1, s26;
	s25 =	sadd.s32 @!p0 $0x400, s25;
	[sflag:s14] =	ssyncset.done $0x0  }
0x73: {  	s17 =	simm.s32 @!p0 $0x19000;
	s0 =	sor.u32 @!p0 $0x14080, s29;
	[sflag:s14] =	ssyncadd.s32 $0xFFFFC000  }
0x74: {  	[tilespmem:s17], [sflag:$0x2] =	stream.indirect.gather @!p0 [hbm4b:s4+s2], $0x80, s0, s2, $0xb8;
	[tilespmem:$0x1D000] =	vst v63  }
0x75: {  	s24 =	sadd.s32 $0x1, s24  }
0x76: {  	p0 =	sne.s32 s24, s10  }
.Ltmp1:
0x77: {  	[bflag:$0x0] =	sbarrier.arrive $0xFFFF;
	(pc) =	sbr.rel @p0 .LBB2_1-.Ltmp1, $4  }
0x78: {  	[hbm:s9], [sflag:s6] =	dma.local [spmem:s13], $0x2800  }
0x79: {  	_ =	swait.ge [sflag:s14], $0x2800  }
0x7a: {  	[sflag:s14] =	ssyncset.done $0x0  }
0x7b: {  	[sflag:s14] =	ssyncadd.s32 $0xFFFFD800  }
0x7c: {  	_ =	sfence.sel $0x180000  }
0x7d: {  	[bflag:$0x0] =	sbarrier.arrive $0xFFFF  }
0x7e: {  	_ =	strace $0x9000004A  }
0x7f: {  	s0 =	stileid.u32;
	[bflag:$0x2] =	sbarrier.arrive $0xFFFF  }
0x80: {  	p0 =	sne.s32 s0, $0x0;
	s0 =	rddreg [dreg:$0x2]  }
0x81: {  	s0 =	sadd.s32 @!p0 $0x100000, s0  }
0x82: {  	[sflag:s0] =	ssyncadd.tile.s32 @!p0 $0x1;
	_ =	shalt  }
.Lfunc_end2:
_tile_overlayer_lowered:
.L_overlay_start_2:
0x83: {  	(tag) =	ssettag $0x2  }
0x84: {  	s0 =	rddreg [dreg:$0x0];
	s2 =	stileid.u32  }
0x85: {  	s1 =	rddreg [dreg:$0x1];
	p0 =	sne.s32 s2, $0x0  }
0x86: {  	s3 =	rddreg [dreg:$0x2];
	[bflag:$0x3] =	sbarrier.arrive $0xFFFF;
	s2 =	simm.s32 @!p0 $0x1C04  }
0x87: {  	[timem:s3], [sflag:s2] =	dma.local @!p0 [hbm:s0], s1  }
0x88: {  	s0 =	simm.s32 @!p0 $0x4  }
0x89: {  	_ =	swait.ge @!p0 [sflag:s0], s1  }
0x8a: {  	s1 =	ssub.s32 @!p0 $0x0, s1;
	[sflag:s0] =	ssyncset.done @!p0 $0x0  }
0x8b: {  	[sflag:s0] =	ssyncadd.s32 @!p0 s1  }
0x8c: {  	[bflag:$0x3] =	sbarrier.arrive $0xFFFF  }
0x8d: {  	_ =	shalt  }

// kernel: kernel.16.cloned.1.call-start
scs
__scs_entry_jumppad:
0x0: {  	(pc) =	sbr.rel $0x88, $3  }
0x1: {  	(tag) =	ssettag $0x0;
	lr =	simm.s32 $0x1  }
0x2: {  	[smem:$0x3F93] =	sst lr;
	_ =	strace $0xD0000000  }
0x3: {  	_ = 	snop  }
0x4: {  	_ = 	snop  }
0x5: {  	_ = 	snop  }
0x6: {  	_ = 	snop  }
0x7: {  	_ = 	snop  }
__scs_overlays_trampoline_lowered:
0x8: {  	[smem:$0x3FA2] =	sst s0  }
0x9: {  	[smem:$0x3FA3] =	sst s1  }
0xa: {  	[smem:$0x3FA4] =	sst s2  }
0xb: {  	[smem:$0x3FA5] =	sst s3  }
0xc: {  	[smem:$0x3FA6] =	sst s4  }
0xd: {  	[smem:$0x3FA7] =	sst s5  }
0xe: {  	[smem:$0x3FA8] =	sst s6  }
0xf: {  	[smem:$0x3FA9] =	sst s7  }
0x10: {  	[smem:$0x3FAA] =	sst s8  }
0x11: {  	[smem:$0x3FAB] =	sst s9;
	s0 =	simm.s32 @!p0 $0x0  }
0x12: {  	s1 =	sld [smem:$0x3F91];
	s0 =	simm.s32 @p0 $0x1  }
0x13: {  	[smem:$0x3FAC] =	sst s0;
	s0 =	simm.s32 @!p1 $0x0  }
0x14: {  	s2 =	sld [smem:$0x3F90];
	s0 =	simm.s32 @p1 $0x1  }
0x15: {  	[smem:$0x3FAD] =	sst s0;
	s0 =	simm.s32 @!p2 $0x0  }
0x16: {  	s3 =	sld [smem:$0x3FDB];
	s0 =	simm.s32 @p2 $0x1  }
0x17: {  	s4 =	simm.s32 $0x1BF5;
	[smem:$0x3FAF] =	sst s0  }
0x18: {  	s0 =	sld [smem:$0x3F92];
	_ =	swait.ge [sflag:s4], $0x0  }
0x19: {  	s7 =	sld [smem:$0x3F93]  }
0x1a: {  	s8 =	sadd.s32 $0xFFFFE003, lr  }
0x1b: {  	s9 =	sadd.s32 $0xFFFFFEF7, lr;
	s5 =	simm.s32 $0xFFFFFFFF;
	p2 =	slt.u32 s8, $0xFFFFF086  }
0x1c: {  	p1 =	slt.u32 s9, $0xF7A;
	s5 =	simm.s32 @!p2 $0x0  }
0x1d: {  	s5 =	simm.s32 @p1 $0x1;
	p0 =	seq.s32 s7, s2  }
0x1e: {  	s7 =	smul.u32 @!p0 $0xF7A, s2;
	p2 =	seq.s32 @!p0 s5, $0x0  }
0x1f: {  	s9 =	smul.u32 $0xF7A, s1;
	s8 =	simm.s32 @!p0 $0x1BF5;
	p2 =	por !p2, p0  }
0x20: {  	[sflag:s8] =	ssyncset.s32 @!p0 $0xFFFFF086;
	s6 =	sadd.s32 @!p0 s3, s7;
	s7 =	simm.s32 @!p0 $0x108  }
0x21: {  	s3 =	sadd.s32 s3, s9;
	s6 =	sadd.s32 @!p0 $0x88, s6;
	s7 =	simm.s32 @p2 $0x1082  }
0x22: {  	[simem:s7], [sflag:s8] =	dma.local @!p0 [hbm:s6], $0xF7A  }
0x23: {  	s9 =	sor.u32 $0xD0000000, s2;
	s6 =	simm.s32 $0x108;
	_ =	swait.ge @!p0 [sflag:s8], $0x0  }
0x24: {  	s3 =	sadd.s32 $0x88, s3;
	s6 =	simm.s32 @!p1 $0x1082;
	[sflag:s4] =	ssyncset.s32 $0xFFFFF086  }
0x25: {  	[simem:s6], [sflag:s4] =	dma.local [hbm:s3], $0xF7A  }
0x26: {  	[smem:$0x3F93] =	sst s1;
	(tag) =	ssettag s2;
	_ =	strace s9  }
0x27: {  	s1 =	sld [smem:$0x3FA3]  }
0x28: {  	s2 =	sld [smem:$0x3FA4]  }
0x29: {  	s4 =	sld [smem:$0x3FA6]  }
0x2a: {  	p0 =	seq.s32 s5, $0x0;
	s5 =	sld [smem:$0x3FA7]  }
0x2b: {  	s6 =	sld [smem:$0x3FA8]  }
0x2c: {  	s7 =	sld [smem:$0x3FA9]  }
0x2d: {  	s3 =	simm.s32 $0x108;
	s8 =	sld [smem:$0x3FAA]  }
0x2e: {  	s3 =	simm.s32 @!p0 $0x1082;
	s9 =	sld [smem:$0x3FAB]  }
0x2f: {  	lr =	sadd.s32 s0, s3;
	s0 =	sld [smem:$0x3FA2]  }
0x30: {  	s3 =	sld [smem:$0x3FA5]  }
0x31: {  	[smem:$0x3FAE] =	sst s10  }
0x32: {  	s10 =	sld [smem:$0x3FAC];
	_ =	sdelay $0x3  }
0x33: {  	p0 =	seq.s32 s10, $0x1;
	s10 =	sld [smem:$0x3FAE];
	_ =	sdelay $0x3  }
0x34: {  	[smem:$0x3FAE] =	sst s10  }
0x35: {  	s10 =	sld [smem:$0x3FAD];
	_ =	sdelay $0x3  }
0x36: {  	p1 =	seq.s32 s10, $0x1;
	s10 =	sld [smem:$0x3FAE];
	_ =	sdelay $0x3  }
0x37: {  	[smem:$0x3FAE] =	sst s10  }
0x38: {  	s10 =	sld [smem:$0x3FAF]  }
0x39: {  	_ = 	snop;
	(pc) =	sbr.ind lr, $3  }
0x3a: {  	_ = 	snop  }
0x3b: {  	_ = 	snop  }
0x3c: {  	p2 =	seq.s32 s10, $0x1;
	s10 =	sld [smem:$0x3FAE]  }
0x3d: {  	_ =	shalt  }
0x3e: {  	_ =	shalt  }
0x3f: {  	_ =	shalt  }
0x40: {  	_ =	shalt  }
0x41: {  	_ =	shalt  }
0x42: {  	_ =	shalt  }
0x43: {  	_ =	shalt  }
0x44: {  	_ =	shalt  }
0x45: {  	_ =	shalt  }
0x46: {  	_ =	shalt  }
0x47: {  	_ =	shalt  }
0x48: {  	_ =	shalt  }
0x49: {  	_ =	shalt  }
0x4a: {  	_ =	shalt  }
0x4b: {  	_ =	shalt  }
0x4c: {  	_ =	shalt  }
0x4d: {  	_ =	shalt  }
0x4e: {  	_ =	shalt  }
0x4f: {  	_ =	shalt  }
0x50: {  	_ =	shalt  }
0x51: {  	_ =	shalt  }
0x52: {  	_ =	shalt  }
0x53: {  	_ =	shalt  }
0x54: {  	_ =	shalt  }
0x55: {  	_ =	shalt  }
0x56: {  	_ =	shalt  }
0x57: {  	_ =	shalt  }
0x58: {  	_ =	shalt  }
0x59: {  	_ =	shalt  }
0x5a: {  	_ =	shalt  }
0x5b: {  	_ =	shalt  }
0x5c: {  	_ =	shalt  }
0x5d: {  	_ =	shalt  }
0x5e: {  	_ =	shalt  }
0x5f: {  	_ =	shalt  }
0x60: {  	_ =	shalt  }
0x61: {  	_ =	shalt  }
0x62: {  	_ =	shalt  }
0x63: {  	_ =	shalt  }
0x64: {  	_ =	shalt  }
0x65: {  	_ =	shalt  }
0x66: {  	_ =	shalt  }
0x67: {  	_ =	shalt  }
0x68: {  	_ =	shalt  }
0x69: {  	_ =	shalt  }
0x6a: {  	_ =	shalt  }
0x6b: {  	_ =	shalt  }
0x6c: {  	_ =	shalt  }
0x6d: {  	_ =	shalt  }
0x6e: {  	_ =	shalt  }
0x6f: {  	_ =	shalt  }
0x70: {  	_ =	shalt  }
0x71: {  	_ =	shalt  }
0x72: {  	_ =	shalt  }
0x73: {  	_ =	shalt  }
0x74: {  	_ =	shalt  }
0x75: {  	_ =	shalt  }
0x76: {  	_ =	shalt  }
0x77: {  	_ =	shalt  }
0x78: {  	_ =	shalt  }
0x79: {  	_ =	shalt  }
0x7a: {  	_ =	shalt  }
0x7b: {  	_ =	shalt  }
0x7c: {  	_ =	shalt  }
0x7d: {  	_ =	shalt  }
0x7e: {  	_ =	shalt  }
0x7f: {  	_ =	shalt  }
0x80: {  	_ =	shalt  }
0x81: {  	_ =	shalt  }
0x82: {  	_ =	shalt  }
0x83: {  	_ =	shalt  }
0x84: {  	_ =	shalt  }
0x85: {  	_ =	shalt  }
0x86: {  	_ =	shalt  }
0x87: {  	_ =	shalt  }
.Lfunc_end0:
.L_simem_size_0:
called_computation.2_lowered:
.L_overlay_start_0:
0x88: {  	s2 =	sld [smem:$0x3FD9]  }
0x89: {  	s3 =	sld [smem:$0x3FFE];
	_ =	sdelay $0x1  }
0x8a: {  	s1 =	srdreg.scid  }
0x8b: {  	s0 =	sand.u32 $0x1, s1  }
0x8c: {  	s16 =	sshll.u32 s0, $0xA;
	s2 =	sadd.s32 s3, s2  }
0x8d: {  	s2 =	sadd.s32 s2, s16  }
0x8e: {  	[smem:$0x3FBA] =	sst s2  }
0x8f: {  	_ = 	snop  }
0x90: {  	(tm) =	ssettm $0x1  }
0x91: {  	s17 =	sld [smem:$0x3FFB];
	_ =	sdelay $0x3  }
0x92: {  	_ =	strace s17  }
0x93: {  	s2 =	sld [smem:$0x3FFC];
	_ =	sdelay $0x3  }
0x94: {  	_ =	strace s2  }
0x95: {  	s2 =	sld [smem:$0x3FFD];
	_ =	sdelay $0x3  }
0x96: {  	_ =	strace s2  }
0x97: {  	_ =	strace $0x8FFFFFFF  }
0x98: {  	s18 =	sld [smem:$0x3FDB];
	_ =	sdelay $0x1  }
0x99: {  	s19 =	simm.s32 $_scs_section_size  }
0x9a: {  	s4 =	simm.s32 $_size__tile_overlayer_lowered;
	s5 =	simm.s32 $_tile_overlayer_lowered  }
0x9b: {  	s22 =	simm.s32 $0x1BFF;
	s21 =	sshll.u32 s5, $0x1;
	s2 =	sadd.s32 s19, s18  }
0x9c: {  	s6 =	simm.s32 $0x0;
	s20 =	sshll.u32 s4, $0x1;
	s4 =	sadd.s32 s21, s2  }
0x9d: {  	[timem:s6], [sflag:s22] =	dma.local [hbm:s4], s20  }
0x9e: {  	_ =	swait.ge [sflag:s22], s20  }
0x9f: {  	s3 =	ssub.s32 $0x0, s20;
	[sflag:s22] =	ssyncset.done $0x0  }
0xa0: {  	[sflag:s22] =	ssyncadd.s32 s3;
	_ =	sdelay $0x1  }
0xa1: {  	s23 =	simm.s32 $0x1B8B  }
0xa2: {  	_ =	swait.ge [sflag:s23], $0x1  }
0xa3: {  	[sflag:s23] =	ssyncset.done $0x0  }
0xa4: {  	s25 =	simm.s32 $0x1B8E;
	s24 =	sld [smem:$0x3FFE];
	[sflag:s23] =	ssyncadd.s32 $0xFFFFFFFF  }
0xa5: {  	s26 =	simm.s32 $execute0_lowered;
	[smem:$0x3FD2] =	sst s25  }
0xa6: {  	s4 =	sshll.u32 s26, $0x1;
	_ =	strace $0x8000004C;
	[dreg:$0x1] =	wrdreg $0xFFFFFFFF  }
0xa7: {  	s28 =	simm.s32 $_size_execute0_lowered;
	s2 =	sadd.s32 s2, s4;
	[dreg:$0x0] =	wrdreg $0x0  }
0xa8: {  	s4 =	sshll.u32 s28, $0x1;
	[dreg:$0x2] =	wrdreg s2  }
0xa9: {  	[dreg:$0x3] =	wrdreg s4  }
0xaa: {  	[dreg:$0x4] =	wrdreg $0xC0  }
0xab: {  	_ =	task [dreg:s6], $0x5FFFF  }
0xac: {  	[dreg:$0x1] =	wrdreg $0xFFFFFFFF  }
0xad: {  	[dreg:$0x0] =	wrdreg $0x60  }
0xae: {  	[dreg:$0x2] =	wrdreg s24  }
0xaf: {  	[dreg:$0x3] =	wrdreg $0x0  }
0xb0: {  	[dreg:$0x4] =	wrdreg $0x9  }
0xb1: {  	_ =	task.clear_ibuf [dreg:s6], $0x5FFFF;
	_ =	strace $0x9000004C  }
0xb2: {  	s29 =	simm.s32 $0x9;
	_ =	strace $0x8000004E  }
0xb3: {  	_ =	swait.ge [sflag:s29], $0x1  }
0xb4: {  	[sflag:s29] =	ssyncadd.s32 $0xFFFFFFFF  }
0xb5: {  	_ =	strace $0x9000004E  }
0xb6: {  	_ =	sfence  }
0xb7: {  	s30 =	sld [smem:$0x0];
	_ =	sdelay $0x2  }
0xb8: {  	s31 =	sshll.u32 s1, $0xD;
	s1 =	sshrl.u32 s1, $0x2  }
0xb9: {  	s3 =	sand.u32 $0x4000, s31;
	s1 =	sadd.s32 s1, s30  }
0xba: {  	s0 =	sor.u32 s3, s0;
	s1 =	sshll.u32 s1, $0x11  }
0xbb: {  	s0 =	sor.u32 s1, s0  }
0xbc: {  	s0 =	sadd.s32 $0x8F2B, s0  }
0xbd: {  	[sflag:s0] =	ssyncadd.remote.s32 $0x1  }
0xbe: {  	_ =	sfence.sel $0xFFFF  }
0xbf: {  	[dreg:$0x0] =	wrdreg $0xFFFFFFFF;
	(pc) =	sbr.abs _section_cstart, $3  }
0xc0: {  	[dreg:$0x1] =	wrdreg $0xFFFFFFFF  }
0xc1: {  	_ =	task.clear_ibuf [dreg:s6], $0x2FFFF;
	_ =	strace $0x9FFFFFFF  }
0xc2: {  	(tm) =	ssettm $0x7FFFFFFF  }
0xc3: {  	_ =	shalt  }
tec
execute0_lowered:
.L_overlay_start_1:
0x0: {  	(tag) =	ssettag $0x1  }
0x1: {  	s6 =	rddreg [dreg:$0x0]  }
0x2: {  	s1 =	rddreg [dreg:$0x1];
	s3 =	simm.s32 $0x0;
	s4 =	srdreg.scid  }
0x3: {  	s0 =	stileid.u32;
	s18 =	simm.s32 $0x80;
	s19 =	simm.s32 $0x15000  }
0x4: {  	s21 =	simm.s32 $0x19000;
	s22 =	simm.s32 $0x1;
	s23 =	simm.s32 $0x2  }
0x5: {  	s24 =	simm.s32 $0x0;
	[smem:$0x7FF] =	sst s3;
	s8 =	smul.u32 $0x2800, s0  }
0x6: {  	s7 =	sand.u32 $0x1, s4;
	s4 =	sadd.s32 $0x57600, s6;
	s10 =	smul.u32 $0x50000, s0  }
0x7: {  	s12 =	sadd.s32 $0x43600, s6;
	s13 =	sadd.s32 $0x2F600, s6;
	s15 =	smul.u32 $0x5000, s0  }
0x8: {  	s26 =	sshll.u32 s0, $0x6;
	_ =	strace $0x8000004D;
	s9 =	smul.u32 $0x28000, s7  }
0x9: {  	s5 =	sshll.u32 s7, $0x4;
	s25 =	ssub.s32 $0x2, s7;
	s7 =	smul.u32 $0x50000, s7  }
0xa: {  	s11 =	sor.u32 s0, s5;
	s5 =	sadd.s32 $0x2000, s6;
	s14 =	sshrl.u32 s25, $0x1  }
0xb: {  	s10 =	sshrl.u32 s10, $0x2;
	s11 =	smul.u32 $0x5000, s11;
	s8 =	sadd.s32 s8, s9  }
0xc: {  	s14 =	ssub.s32 s25, s14;
	s17 =	sadd.s32 s10, s1;
	s29 =	sadd.s32 s15, s7  }
0xd: {  	s15 =	simm.s32 $0x14000;
	s16 =	sadd.s32 s8, s6;
	s6 =	sor.u32 $0x1C04, s26  }
0xe: {  	s30 =	sor.u32 $0x400, s29;
	s10 =	smax.u32 s14, $0x1;
	s14 =	simm.s32 $0x4  }
0xf: {  	s28 =	sshrl.u32 s11, $0x3;
	s9 =	sadd.s32 $0x147600, s16;
	s31 =	sshrl.u32 s30, $0x3  }
0x10: {  	s16 =	simm.s32 $0x3;
	s7 =	sadd.s32 s12, s28;
	s8 =	sadd.s32 s13, s28  }
0x11: {  	s11 =	sadd.s32 s31, s13;
	s12 =	sadd.s32 s31, s12;
	s13 =	sshrl.u32 s17, $0x3  }
.LBB2_1:
0x12: {  	[spmem:s13], [sflag:s6] =	dma.local [hbm:s5], $0x2800  }
0x13: {  	_ =	swait.ge [sflag:s14], $0x2800  }
0x14: {  	[sflag:s14] =	ssyncset.done $0x0  }
0x15: {  	[sflag:s14] =	ssyncadd.s32 $0xFFFFD800  }
0x16: {  	[tilespmem:s15], [sflag:$0x3] =	stream.linear.gather [hbm4b:s7+s3], $0x400, $0x38;
	[tilespmem:$0x1D000] =	vst v63  }
0x17: {  	_ =	swait.ge [sflag:s16], $0x400  }
0x18: {  	[sflag:s16] =	ssyncset.done $0x0  }
0x19: {  	s0 =	simm.s32 $0x14800;
	[sflag:s16] =	ssyncadd.s32 $0xFFFFFC00  }
0x1a: {  	[tilespmem:s0], [sflag:$0x3] =	stream.linear.gather [hbm4b:s8+s3], $0x400, $0x38;
	[tilespmem:$0x1D000] =	vst v63  }
0x1b: {  	_ =	swait.ge [sflag:s16], $0x400  }
0x1c: {  	[sflag:s16] =	ssyncset.done $0x0  }
0x1d: {  	[sflag:s16] =	ssyncadd.s32 $0xFFFFFC00  }
0x1e: {  	[tilespmem:s19], [sflag:$0x1] =	stream.indirect.gather [hbm4b:s4+s18], $0x80, s15, s18, $0xb8;
	[tilespmem:$0x1D000] =	vst v63  }
0x1f: {  	s31 =	simm.s32 $0x14080;
	s25 =	simm.s32 $0x0  }
0x20: {  	[tilespmem:s21], [sflag:$0x2] =	stream.indirect.gather [hbm4b:s4+s18], $0x80, s31, s18, $0xb8;
	[tilespmem:$0x1D000] =	vst v63  }
0x21: {  	s26 =	simm.s32 $0x1;
	s28 =	simm.s32 $0x0;
	[bflag:$0x0] =	sbarrier.arrive $0xFFFF  }
.LBB2_2:
0x22: {  	s29 =	sand.u32 $0x1, s26;
	p0 =	seq.s32 s28, $0x980  }
0x23: {  	s29 =	sshll.u32 @!p0 s29, $0xA  }
0x24: {  	s31 =	sadd.s32 @!p0 s28, s12;
	s0 =	simm.s32 @!p0 $0x0;
	s30 =	sor.u32 @!p0 $0x14000, s29  }
0x25: {  	[tilespmem:s30], [sflag:$0x3] =	stream.linear.gather @!p0 [hbm4b:s31+s0], $0x400, $0x38;
	[tilespmem:$0x1D000] =	vst v63  }
0x26: {  	s2 =	sadd.s32 @!p0 s28, s11;
	s31 =	sor.u32 @!p0 $0x14800, s29  }
0x27: {  	[tilespmem:s31], [sflag:$0x3] =	stream.linear.gather @!p0 [hbm4b:s2+s0], $0x400, $0x38;
	[tilespmem:$0x1D000] =	vst v63  }
0x28: {  	_ =	swait.ge [sflag:s22], $0x4000  }
0x29: {  	s31 =	sand.u32 $0x400, s25;
	[sflag:s22] =	ssyncset.done $0x0  }
0x2a: {  	s2 =	sor.u32 $0x14800, s31;
	[sflag:s22] =	ssyncadd.s32 $0xFFFFC000  }
0x2b: {  	[spmem:s1] =	stream.indirect.scatter.add.f32 [tilespmem:s19], [sflag:$0x4], $0x80, s2, s18, $0xb8;
	[tilespmem:$0x1D000] =	vst v63  }
0x2c: {  	_ =	swait.ge [sflag:s14], $0x4000  }
0x2d: {  	[sflag:s14] =	ssyncset.done $0x0  }
0x2e: {  	s17 =	sor.u32 $0x14100, s31;
	[sflag:s14] =	ssyncadd.s32 $0xFFFFC000  }
0x2f: {  	[tilespmem:s19], [sflag:$0x1] =	stream.indirect.gather [hbm4b:s4+s18], $0x80, s17, s18, $0xb8;
	[tilespmem:$0x1D000] =	vst v63  }
0x30: {  	_ =	swait.ge [sflag:s23], $0x4000  }
0x31: {  	[sflag:s23] =	ssyncset.done $0x0  }
0x32: {  	s20 =	sor.u32 $0x14880, s31;
	[sflag:s23] =	ssyncadd.s32 $0xFFFFC000  }
0x33: {  	[spmem:s1] =	stream.indirect.scatter.add.f32 [tilespmem:s21], [sflag:$0x4], $0x80, s20, s18, $0xb8;
	[tilespmem:$0x1D000] =	vst v63  }
0x34: {  	_ =	swait.ge [sflag:s14], $0x4000  }
0x35: {  	[sflag:s14] =	ssyncset.done $0x0  }
0x36: {  	s2 =	sor.u32 $0x14180, s31;
	[sflag:s14] =	ssyncadd.s32 $0xFFFFC000  }
0x37: {  	[tilespmem:s21], [sflag:$0x2] =	stream.indirect.gather [hbm4b:s4+s18], $0x80, s2, s18, $0xb8;
	[tilespmem:$0x1D000] =	vst v63  }
0x38: {  	_ =	swait.ge [sflag:s22], $0x4000  }
0x39: {  	[sflag:s22] =	ssyncset.done $0x0  }
0x3a: {  	s17 =	sor.u32 $0x14900, s31;
	[sflag:s22] =	ssyncadd.s32 $0xFFFFC000  }
0x3b: {  	[spmem:s1] =	stream.indirect.scatter.add.f32 [tilespmem:s19], [sflag:$0x4], $0x80, s17, s18, $0xb8;
	[tilespmem:$0x1D000] =	vst v63  }
0x3c: {  	_ =	swait.ge [sflag:s14], $0x4000  }
0x3d: {  	[sflag:s14] =	ssyncset.done $0x0  }
0x3e: {  	s20 =	sor.u32 $0x14200, s31;
	[sflag:s14] =	ssyncadd.s32 $0xFFFFC000  }
0x3f: {  	[tilespmem:s19], [sflag:$0x1] =	stream.indirect.gather [hbm4b:s4+s18], $0x80, s20, s18, $0xb8;
	[tilespmem:$0x1D000] =	vst v63  }
0x40: {  	_ =	swait.ge [sflag:s23], $0x4000  }
0x41: {  	[sflag:s23] =	ssyncset.done $0x0  }
0x42: {  	s2 =	sor.u32 $0x14980, s31;
	[sflag:s23] =	ssyncadd.s32 $0xFFFFC000  }
0x43: {  	[spmem:s1] =	stream.indirect.scatter.add.f32 [tilespmem:s21], [sflag:$0x4], $0x80, s2, s18, $0xb8;
	[tilespmem:$0x1D000] =	vst v63  }
0x44: {  	_ =	swait.ge [sflag:s14], $0x4000  }
0x45: {  	[sflag:s14] =	ssyncset.done $0x0  }
0x46: {  	s17 =	sor.u32 $0x14280, s31;
	[sflag:s14] =	ssyncadd.s32 $0xFFFFC000  }
0x47: {  	[tilespmem:s21], [sflag:$0x2] =	stream.indirect.gather [hbm4b:s4+s18], $0x80, s17, s18, $0xb8;
	[tilespmem:$0x1D000] =	vst v63  }
0x48: {  	_ =	swait.ge [sflag:s22], $0x4000  }
0x49: {  	[sflag:s22] =	ssyncset.done $0x0  }
0x4a: {  	s20 =	sor.u32 $0x14A00, s31;
	[sflag:s22] =	ssyncadd.s32 $0xFFFFC000  }
0x4b: {  	[spmem:s1] =	stream.indirect.scatter.add.f32 [tilespmem:s19], [sflag:$0x4], $0x80, s20, s18, $0xb8;
	[tilespmem:$0x1D000] =	vst v63  }
0x4c: {  	_ =	swait.ge [sflag:s14], $0x4000  }
0x4d: {  	[sflag:s14] =	ssyncset.done $0x0  }
0x4e: {  	s2 =	sor.u32 $0x14300, s31;
	[sflag:s14] =	ssyncadd.s32 $0xFFFFC000  }
0x4f: {  	[tilespmem:s19], [sflag:$0x1] =	stream.indirect.gather [hbm4b:s4+s18], $0x80, s2, s18, $0xb8;
	[tilespmem:$0x1D000] =	vst v63  }
0x50: {  	_ =	swait.ge [sflag:s23], $0x4000  }
0x51: {  	[sflag:s23] =	ssyncset.done $0x0  }
0x52: {  	s17 =	sor.u32 $0x14A80, s31;
	[sflag:s23] =	ssyncadd.s32 $0xFFFFC000  }
0x53: {  	[spmem:s1] =	stream.indirect.scatter.add.f32 [tilespmem:s21], [sflag:$0x4], $0x80, s17, s18, $0xb8;
	[tilespmem:$0x1D000] =	vst v63  }
0x54: {  	_ =	swait.ge [sflag:s14], $0x4000  }
0x55: {  	[sflag:s14] =	ssyncset.done $0x0  }
0x56: {  	s20 =	sor.u32 $0x14380, s31;
	[sflag:s14] =	ssyncadd.s32 $0xFFFFC000  }
0x57: {  	[tilespmem:s21], [sflag:$0x2] =	stream.indirect.gather [hbm4b:s4+s18], $0x80, s20, s18, $0xb8;
	[tilespmem:$0x1D000] =	vst v63  }
0x58: {  	s0 =	sor.u32 $0x300, s31;
	_ =	swait.ge [sflag:s22], $0x4000  }
0x59: {  	s2 =	sor.u32 @p0 $0x14800, s0;
	[sflag:s22] =	ssyncset.done $0x0  }
0x5a: {  	s17 =	simm.s32 @p0 $0x80;
	s20 =	simm.s32 @p0 $0x15000;
	[sflag:s22] =	ssyncadd.s32 $0xFFFFC000  }
0x5b: {  	[spmem:s1] =	stream.indirect.scatter.add.f32 @p0 [tilespmem:s20], [sflag:$0x4], $0x80, s2, s17, $0xb8;
	[tilespmem:$0x1D000] =	vst v63  }
0x5c: {  	s2 =	simm.s32 @p0 $0x4  }
0x5d: {  	_ =	swait.ge @p0 [sflag:s2], $0x4000  }
0x5e: {  	[sflag:s2] =	ssyncset.done @p0 $0x0  }
0x5f: {  	[sflag:s2] =	ssyncadd.s32 @p0 $0xFFFFC000;
	s2 =	simm.s32 @!p0 $0x3  }
0x60: {  	_ =	swait.ge @!p0 [sflag:s2], $0x400  }
0x61: {  	[sflag:s2] =	ssyncset.done @!p0 $0x0  }
0x62: {  	[sflag:s2] =	ssyncadd.s32 @!p0 $0xFFFFFC00  }
0x63: {  	_ =	swait.ge @!p0 [sflag:s2], $0x400  }
0x64: {  	s0 =	sor.u32 @!p0 $0x14800, s0;
	[sflag:s2] =	ssyncset.done @!p0 $0x0  }
0x65: {  	s17 =	simm.s32 @!p0 $0x15000;
	[sflag:s2] =	ssyncadd.s32 @!p0 $0xFFFFFC00;
	s2 =	simm.s32 @!p0 $0x80  }
0x66: {  	[spmem:s1] =	stream.indirect.scatter.add.f32 @!p0 [tilespmem:s17], [sflag:$0x4], $0x80, s0, s2, $0xb8;
	[tilespmem:$0x1D000] =	vst v63  }
0x67: {  	s0 =	simm.s32 @!p0 $0x4  }
0x68: {  	_ =	swait.ge @!p0 [sflag:s0], $0x4000  }
0x69: {  	[sflag:s0] =	ssyncset.done @!p0 $0x0  }
0x6a: {  	[sflag:s0] =	ssyncadd.s32 @!p0 $0xFFFFC000  }
0x6b: {  	[tilespmem:s17], [sflag:$0x1] =	stream.indirect.gather @!p0 [hbm4b:s4+s2], $0x80, s30, s2, $0xb8;
	[tilespmem:$0x1D000] =	vst v63  }
0x6c: {  	s28 =	sadd.s32 @!p0 $0x80, s28;
	_ =	swait.ge [sflag:s23], $0x4000  }
0x6d: {  	p1 =	sne.s32 @!p0 s28, $0xA00;
	s31 =	sor.u32 $0x380, s31;
	[sflag:s23] =	ssyncset.done $0x0  }
0x6e: {  	p1 =	por p0, !p1;
	s0 =	sor.u32 $0x14800, s31;
	[sflag:s23] =	ssyncadd.s32 $0xFFFFC000  }
0x6f: {  	[spmem:s1] =	stream.indirect.scatter.add.f32 [tilespmem:s21], [sflag:$0x4], $0x80, s0, s18, $0xb8;
	[tilespmem:$0x1D000] =	vst v63  }
.Ltmp0:
0x70: {  	_ = 	snop;
	(pc) =	sbr.rel @!p1 .LBB2_2-.Ltmp0, $4  }
0x71: {  	_ =	swait.ge [sflag:s14], $0x4000  }
0x72: {  	s26 =	sadd.s32 @!p0 $0x1, s26;
	s25 =	sadd.s32 @!p0 $0x400, s25;
	[sflag:s14] =	ssyncset.done $0x0  }
0x73: {  	s17 =	simm.s32 @!p0 $0x19000;
	s0 =	sor.u32 @!p0 $0x14080, s29;
	[sflag:s14] =	ssyncadd.s32 $0xFFFFC000  }
0x74: {  	[tilespmem:s17], [sflag:$0x2] =	stream.indirect.gather @!p0 [hbm4b:s4+s2], $0x80, s0, s2, $0xb8;
	[tilespmem:$0x1D000] =	vst v63  }
0x75: {  	s24 =	sadd.s32 $0x1, s24  }
0x76: {  	p0 =	sne.s32 s24, s10  }
.Ltmp1:
0x77: {  	[bflag:$0x0] =	sbarrier.arrive $0xFFFF;
	(pc) =	sbr.rel @p0 .LBB2_1-.Ltmp1, $4  }
0x78: {  	[hbm:s9], [sflag:s6] =	dma.local [spmem:s13], $0x2800  }
0x79: {  	_ =	swait.ge [sflag:s14], $0x2800  }
0x7a: {  	[sflag:s14] =	ssyncset.done $0x0  }
0x7b: {  	[sflag:s14] =	ssyncadd.s32 $0xFFFFD800  }
0x7c: {  	_ =	sfence.sel $0x180000  }
0x7d: {  	[bflag:$0x0] =	sbarrier.arrive $0xFFFF  }
0x7e: {  	_ =	strace $0x9000004D  }
0x7f: {  	s0 =	stileid.u32;
	[bflag:$0x2] =	sbarrier.arrive $0xFFFF  }
0x80: {  	p0 =	sne.s32 s0, $0x0;
	s0 =	rddreg [dreg:$0x2]  }
0x81: {  	s0 =	sadd.s32 @!p0 $0x100000, s0  }
0x82: {  	[sflag:s0] =	ssyncadd.tile.s32 @!p0 $0x1;
	_ =	shalt  }
.Lfunc_end2:
_tile_overlayer_lowered:
.L_overlay_start_2:
0x83: {  	(tag) =	ssettag $0x2  }
0x84: {  	s0 =	rddreg [dreg:$0x0];
	s2 =	stileid.u32  }
0x85: {  	s1 =	rddreg [dreg:$0x1];
	p0 =	sne.s32 s2, $0x0  }
0x86: {  	s3 =	rddreg [dreg:$0x2];
	[bflag:$0x3] =	sbarrier.arrive $0xFFFF;
	s2 =	simm.s32 @!p0 $0x1C04  }
0x87: {  	[timem:s3], [sflag:s2] =	dma.local @!p0 [hbm:s0], s1  }
0x88: {  	s0 =	simm.s32 @!p0 $0x4  }
0x89: {  	_ =	swait.ge @!p0 [sflag:s0], s1  }
0x8a: {  	s1 =	ssub.s32 @!p0 $0x0, s1;
	[sflag:s0] =	ssyncset.done @!p0 $0x0  }
0x8b: {  	[sflag:s0] =	ssyncadd.s32 @!p0 s1  }
0x8c: {  	[bflag:$0x3] =	sbarrier.arrive $0xFFFF  }
0x8d: {  	_ =	shalt  }

// kernel: kernel.19.cloned.1.call-start
scs
__scs_entry_jumppad:
0x0: {  	(pc) =	sbr.rel $0x88, $3  }
0x1: {  	(tag) =	ssettag $0x0;
	lr =	simm.s32 $0x1  }
0x2: {  	[smem:$0x3F93] =	sst lr;
	_ =	strace $0xD0000000  }
0x3: {  	_ = 	snop  }
0x4: {  	_ = 	snop  }
0x5: {  	_ = 	snop  }
0x6: {  	_ = 	snop  }
0x7: {  	_ = 	snop  }
__scs_overlays_trampoline_lowered:
0x8: {  	[smem:$0x3FA2] =	sst s0  }
0x9: {  	[smem:$0x3FA3] =	sst s1  }
0xa: {  	[smem:$0x3FA4] =	sst s2  }
0xb: {  	[smem:$0x3FA5] =	sst s3  }
0xc: {  	[smem:$0x3FA6] =	sst s4  }
0xd: {  	[smem:$0x3FA7] =	sst s5  }
0xe: {  	[smem:$0x3FA8] =	sst s6  }
0xf: {  	[smem:$0x3FA9] =	sst s7  }
0x10: {  	[smem:$0x3FAA] =	sst s8  }
0x11: {  	[smem:$0x3FAB] =	sst s9;
	s0 =	simm.s32 @!p0 $0x0  }
0x12: {  	s1 =	sld [smem:$0x3F91];
	s0 =	simm.s32 @p0 $0x1  }
0x13: {  	[smem:$0x3FAC] =	sst s0;
	s0 =	simm.s32 @!p1 $0x0  }
0x14: {  	s2 =	sld [smem:$0x3F90];
	s0 =	simm.s32 @p1 $0x1  }
0x15: {  	[smem:$0x3FAD] =	sst s0;
	s0 =	simm.s32 @!p2 $0x0  }
0x16: {  	s3 =	sld [smem:$0x3FDB];
	s0 =	simm.s32 @p2 $0x1  }
0x17: {  	s4 =	simm.s32 $0x1BF5;
	[smem:$0x3FAF] =	sst s0  }
0x18: {  	s0 =	sld [smem:$0x3F92];
	_ =	swait.ge [sflag:s4], $0x0  }
0x19: {  	s7 =	sld [smem:$0x3F93]  }
0x1a: {  	s8 =	sadd.s32 $0xFFFFE003, lr  }
0x1b: {  	s9 =	sadd.s32 $0xFFFFFEF7, lr;
	s5 =	simm.s32 $0xFFFFFFFF;
	p2 =	slt.u32 s8, $0xFFFFF086  }
0x1c: {  	p1 =	slt.u32 s9, $0xF7A;
	s5 =	simm.s32 @!p2 $0x0  }
0x1d: {  	s5 =	simm.s32 @p1 $0x1;
	p0 =	seq.s32 s7, s2  }
0x1e: {  	s7 =	smul.u32 @!p0 $0xF7A, s2;
	p2 =	seq.s32 @!p0 s5, $0x0  }
0x1f: {  	s9 =	smul.u32 $0xF7A, s1;
	s8 =	simm.s32 @!p0 $0x1BF5;
	p2 =	por !p2, p0  }
0x20: {  	[sflag:s8] =	ssyncset.s32 @!p0 $0xFFFFF086;
	s6 =	sadd.s32 @!p0 s3, s7;
	s7 =	simm.s32 @!p0 $0x108  }
0x21: {  	s3 =	sadd.s32 s3, s9;
	s6 =	sadd.s32 @!p0 $0x88, s6;
	s7 =	simm.s32 @p2 $0x1082  }
0x22: {  	[simem:s7], [sflag:s8] =	dma.local @!p0 [hbm:s6], $0xF7A  }
0x23: {  	s9 =	sor.u32 $0xD0000000, s2;
	s6 =	simm.s32 $0x108;
	_ =	swait.ge @!p0 [sflag:s8], $0x0  }
0x24: {  	s3 =	sadd.s32 $0x88, s3;
	s6 =	simm.s32 @!p1 $0x1082;
	[sflag:s4] =	ssyncset.s32 $0xFFFFF086  }
0x25: {  	[simem:s6], [sflag:s4] =	dma.local [hbm:s3], $0xF7A  }
0x26: {  	[smem:$0x3F93] =	sst s1;
	(tag) =	ssettag s2;
	_ =	strace s9  }
0x27: {  	s1 =	sld [smem:$0x3FA3]  }
0x28: {  	s2 =	sld [smem:$0x3FA4]  }
0x29: {  	s4 =	sld [smem:$0x3FA6]  }
0x2a: {  	p0 =	seq.s32 s5, $0x0;
	s5 =	sld [smem:$0x3FA7]  }
0x2b: {  	s6 =	sld [smem:$0x3FA8]  }
0x2c: {  	s7 =	sld [smem:$0x3FA9]  }
0x2d: {  	s3 =	simm.s32 $0x108;
	s8 =	sld [smem:$0x3FAA]  }
0x2e: {  	s3 =	simm.s32 @!p0 $0x1082;
	s9 =	sld [smem:$0x3FAB]  }
0x2f: {  	lr =	sadd.s32 s0, s3;
	s0 =	sld [smem:$0x3FA2]  }
0x30: {  	s3 =	sld [smem:$0x3FA5]  }
0x31: {  	[smem:$0x3FAE] =	sst s10  }
0x32: {  	s10 =	sld [smem:$0x3FAC];
	_ =	sdelay $0x3  }
0x33: {  	p0 =	seq.s32 s10, $0x1;
	s10 =	sld [smem:$0x3FAE];
	_ =	sdelay $0x3  }
0x34: {  	[smem:$0x3FAE] =	sst s10  }
0x35: {  	s10 =	sld [smem:$0x3FAD];
	_ =	sdelay $0x3  }
0x36: {  	p1 =	seq.s32 s10, $0x1;
	s10 =	sld [smem:$0x3FAE];
	_ =	sdelay $0x3  }
0x37: {  	[smem:$0x3FAE] =	sst s10  }
0x38: {  	s10 =	sld [smem:$0x3FAF]  }
0x39: {  	_ = 	snop;
	(pc) =	sbr.ind lr, $3  }
0x3a: {  	_ = 	snop  }
0x3b: {  	_ = 	snop  }
0x3c: {  	p2 =	seq.s32 s10, $0x1;
	s10 =	sld [smem:$0x3FAE]  }
0x3d: {  	_ =	shalt  }
0x3e: {  	_ =	shalt  }
0x3f: {  	_ =	shalt  }
0x40: {  	_ =	shalt  }
0x41: {  	_ =	shalt  }
0x42: {  	_ =	shalt  }
0x43: {  	_ =	shalt  }
0x44: {  	_ =	shalt  }
0x45: {  	_ =	shalt  }
0x46: {  	_ =	shalt  }
0x47: {  	_ =	shalt  }
0x48: {  	_ =	shalt  }
0x49: {  	_ =	shalt  }
0x4a: {  	_ =	shalt  }
0x4b: {  	_ =	shalt  }
0x4c: {  	_ =	shalt  }
0x4d: {  	_ =	shalt  }
0x4e: {  	_ =	shalt  }
0x4f: {  	_ =	shalt  }
0x50: {  	_ =	shalt  }
0x51: {  	_ =	shalt  }
0x52: {  	_ =	shalt  }
0x53: {  	_ =	shalt  }
0x54: {  	_ =	shalt  }
0x55: {  	_ =	shalt  }
0x56: {  	_ =	shalt  }
0x57: {  	_ =	shalt  }
0x58: {  	_ =	shalt  }
0x59: {  	_ =	shalt  }
0x5a: {  	_ =	shalt  }
0x5b: {  	_ =	shalt  }
0x5c: {  	_ =	shalt  }
0x5d: {  	_ =	shalt  }
0x5e: {  	_ =	shalt  }
0x5f: {  	_ =	shalt  }
0x60: {  	_ =	shalt  }
0x61: {  	_ =	shalt  }
0x62: {  	_ =	shalt  }
0x63: {  	_ =	shalt  }
0x64: {  	_ =	shalt  }
0x65: {  	_ =	shalt  }
0x66: {  	_ =	shalt  }
0x67: {  	_ =	shalt  }
0x68: {  	_ =	shalt  }
0x69: {  	_ =	shalt  }
0x6a: {  	_ =	shalt  }
0x6b: {  	_ =	shalt  }
0x6c: {  	_ =	shalt  }
0x6d: {  	_ =	shalt  }
0x6e: {  	_ =	shalt  }
0x6f: {  	_ =	shalt  }
0x70: {  	_ =	shalt  }
0x71: {  	_ =	shalt  }
0x72: {  	_ =	shalt  }
0x73: {  	_ =	shalt  }
0x74: {  	_ =	shalt  }
0x75: {  	_ =	shalt  }
0x76: {  	_ =	shalt  }
0x77: {  	_ =	shalt  }
0x78: {  	_ =	shalt  }
0x79: {  	_ =	shalt  }
0x7a: {  	_ =	shalt  }
0x7b: {  	_ =	shalt  }
0x7c: {  	_ =	shalt  }
0x7d: {  	_ =	shalt  }
0x7e: {  	_ =	shalt  }
0x7f: {  	_ =	shalt  }
0x80: {  	_ =	shalt  }
0x81: {  	_ =	shalt  }
0x82: {  	_ =	shalt  }
0x83: {  	_ =	shalt  }
0x84: {  	_ =	shalt  }
0x85: {  	_ =	shalt  }
0x86: {  	_ =	shalt  }
0x87: {  	_ =	shalt  }
.Lfunc_end0:
.L_simem_size_0:
called_computation.3_lowered:
.L_overlay_start_0:
0x88: {  	s2 =	sld [smem:$0x3FD9]  }
0x89: {  	s3 =	sld [smem:$0x3FFE];
	_ =	sdelay $0x1  }
0x8a: {  	s1 =	srdreg.scid  }
0x8b: {  	s0 =	sand.u32 $0x1, s1  }
0x8c: {  	s16 =	sshll.u32 s0, $0xA;
	s2 =	sadd.s32 s3, s2  }
0x8d: {  	s2 =	sadd.s32 s2, s16  }
0x8e: {  	[smem:$0x3FBA] =	sst s2  }
0x8f: {  	_ = 	snop  }
0x90: {  	(tm) =	ssettm $0x1  }
0x91: {  	s17 =	sld [smem:$0x3FFB];
	_ =	sdelay $0x3  }
0x92: {  	_ =	strace s17  }
0x93: {  	s2 =	sld [smem:$0x3FFC];
	_ =	sdelay $0x3  }
0x94: {  	_ =	strace s2  }
0x95: {  	s2 =	sld [smem:$0x3FFD];
	_ =	sdelay $0x3  }
0x96: {  	_ =	strace s2  }
0x97: {  	_ =	strace $0x8FFFFFFF  }
0x98: {  	s18 =	sld [smem:$0x3FDB];
	_ =	sdelay $0x1  }
0x99: {  	s19 =	simm.s32 $_scs_section_size  }
0x9a: {  	s4 =	simm.s32 $_size__tile_overlayer_lowered;
	s5 =	simm.s32 $_tile_overlayer_lowered  }
0x9b: {  	s22 =	simm.s32 $0x1BFF;
	s21 =	sshll.u32 s5, $0x1;
	s2 =	sadd.s32 s19, s18  }
0x9c: {  	s6 =	simm.s32 $0x0;
	s20 =	sshll.u32 s4, $0x1;
	s4 =	sadd.s32 s21, s2  }
0x9d: {  	[timem:s6], [sflag:s22] =	dma.local [hbm:s4], s20  }
0x9e: {  	_ =	swait.ge [sflag:s22], s20  }
0x9f: {  	s3 =	ssub.s32 $0x0, s20;
	[sflag:s22] =	ssyncset.done $0x0  }
0xa0: {  	[sflag:s22] =	ssyncadd.s32 s3;
	_ =	sdelay $0x1  }
0xa1: {  	s23 =	simm.s32 $0x1B8B  }
0xa2: {  	_ =	swait.ge [sflag:s23], $0x1  }
0xa3: {  	[sflag:s23] =	ssyncset.done $0x0  }
0xa4: {  	s25 =	simm.s32 $0x1B8E;
	s24 =	sld [smem:$0x3FFE];
	[sflag:s23] =	ssyncadd.s32 $0xFFFFFFFF  }
0xa5: {  	s26 =	simm.s32 $execute0_lowered;
	[smem:$0x3FD2] =	sst s25  }
0xa6: {  	s4 =	sshll.u32 s26, $0x1;
	_ =	strace $0x8000004F;
	[dreg:$0x1] =	wrdreg $0xFFFFFFFF  }
0xa7: {  	s28 =	simm.s32 $_size_execute0_lowered;
	s2 =	sadd.s32 s2, s4;
	[dreg:$0x0] =	wrdreg $0x0  }
0xa8: {  	s4 =	sshll.u32 s28, $0x1;
	[dreg:$0x2] =	wrdreg s2  }
0xa9: {  	[dreg:$0x3] =	wrdreg s4  }
0xaa: {  	[dreg:$0x4] =	wrdreg $0xC0  }
0xab: {  	_ =	task [dreg:s6], $0x5FFFF  }
0xac: {  	[dreg:$0x1] =	wrdreg $0xFFFFFFFF  }
0xad: {  	[dreg:$0x0] =	wrdreg $0x60  }
0xae: {  	[dreg:$0x2] =	wrdreg s24  }
0xaf: {  	[dreg:$0x3] =	wrdreg $0x9  }
0xb0: {  	_ =	task.clear_ibuf [dreg:s6], $0x4FFFF;
	_ =	strace $0x9000004F  }
0xb1: {  	s29 =	simm.s32 $0x9;
	_ =	strace $0x80000051  }
0xb2: {  	_ =	swait.ge [sflag:s29], $0x1  }
0xb3: {  	[sflag:s29] =	ssyncadd.s32 $0xFFFFFFFF  }
0xb4: {  	_ =	strace $0x90000051  }
0xb5: {  	_ =	sfence  }
0xb6: {  	s30 =	sld [smem:$0x0];
	_ =	sdelay $0x2  }
0xb7: {  	s31 =	sshll.u32 s1, $0xD;
	s1 =	sshrl.u32 s1, $0x2  }
0xb8: {  	s3 =	sand.u32 $0x4000, s31;
	s1 =	sadd.s32 s1, s30  }
0xb9: {  	s0 =	sor.u32 s3, s0;
	s1 =	sshll.u32 s1, $0x11  }
0xba: {  	s0 =	sor.u32 s1, s0  }
0xbb: {  	s0 =	sadd.s32 $0x8F2B, s0  }
0xbc: {  	[sflag:s0] =	ssyncadd.remote.s32 $0x1  }
0xbd: {  	_ =	sfence.sel $0xFFFF  }
0xbe: {  	[dreg:$0x0] =	wrdreg $0xFFFFFFFF;
	(pc) =	sbr.abs _section_cstart, $3  }
0xbf: {  	[dreg:$0x1] =	wrdreg $0xFFFFFFFF  }
0xc0: {  	_ =	task.clear_ibuf [dreg:s6], $0x2FFFF;
	_ =	strace $0x9FFFFFFF  }
0xc1: {  	(tm) =	ssettm $0x7FFFFFFF  }
tec
execute0_lowered:
.L_overlay_start_1:
0x0: {  	(tag) =	ssettag $0x1  }
0x1: {  	s3 =	rddreg [dreg:$0x0]  }
0x2: {  	s0 =	rddreg [dreg:$0x1];
	s1 =	simm.s32 $0x0  }
0x3: {  	s2 =	srdreg.scid;
	s12 =	simm.s32 $0x1;
	s13 =	simm.s32 $0x2800  }
0x4: {  	s14 =	simm.s32 $0x5000;
	s15 =	simm.s32 $0x7800;
	s16 =	simm.s32 $0x7900  }
0x5: {  	s17 =	simm.s32 $0x7A00;
	s18 =	simm.s32 $0x2;
	s19 =	simm.s32 $0x7B00  }
0x6: {  	s20 =	simm.s32 $0x7C00;
	[smem:$0x7FF] =	sst s1;
	s4 =	sand.u32 $0x1, s2  }
0x7: {  	s21 =	simm.s32 $0x0;
	s2 =	stileid.u32;
	s5 =	smul.u32 $0x500, s4  }
0x8: {  	s6 =	sshll.u32 s4, $0x9;
	s7 =	sshll.u32 s2, $0x5;
	s4 =	ssub.s32 $0x2, s4  }
0x9: {  	_ =	strace $0x80000050;
	s6 =	sor.u32 s7, s6;
	s31 =	sshrl.u32 s4, $0x1  }
0xa: {  	s5 =	sadd.s32 s5, s3;
	s10 =	sadd.s32 s6, s3;
	s11 =	ssub.s32 s4, s31  }
0xb: {  	s3 =	sadd.s32 $0x3400, s5;
	s4 =	sadd.s32 $0x2A00, s5;
	s5 =	sadd.s32 $0x2000, s5  }
0xc: {  	s6 =	sadd.s32 $0x4800, s10;
	s7 =	sadd.s32 $0x4C00, s10;
	s8 =	sadd.s32 $0x3E00, s10  }
0xd: {  	s9 =	sadd.s32 $0x4200, s10;
	s10 =	sadd.s32 $0x5000, s10;
	s11 =	smax.u32 s11, $0x1  }
.LBB2_1:
0xe: {  	[tilespmem:s1], [sflag:$0x1] =	stream.linear.gather [hbm4b:s3+s1], $0x2800, $0x38;
	[tilespmem:$0x7D00] =	vst v63  }
0xf: {  	_ =	swait.ge [sflag:s12], $0x2800  }
0x10: {  	[sflag:s12] =	ssyncset.done $0x0  }
0x11: {  	[sflag:s12] =	ssyncadd.s32 $0xFFFFD800  }
0x12: {  	[tilespmem:s13], [sflag:$0x1] =	stream.linear.gather [hbm4b:s4+s1], $0x2800, $0x38;
	[tilespmem:$0x7D00] =	vst v63  }
0x13: {  	_ =	swait.ge [sflag:s12], $0x2800  }
0x14: {  	[sflag:s12] =	ssyncset.done $0x0  }
0x15: {  	[sflag:s12] =	ssyncadd.s32 $0xFFFFD800  }
0x16: {  	[tilespmem:s14], [sflag:$0x1] =	stream.linear.gather [hbm4b:s5+s1], $0x2800, $0x38;
	[tilespmem:$0x7D00] =	vst v63  }
0x17: {  	_ =	swait.ge [sflag:s12], $0x2800  }
0x18: {  	[sflag:s12] =	ssyncset.done $0x0  }
0x19: {  	[sflag:s12] =	ssyncadd.s32 $0xFFFFD800  }
0x1a: {  	[tilespmem:s15], [sflag:$0x1] =	stream.linear.gather [hbm4b:s6+s1], $0x100, $0x38;
	[tilespmem:$0x7D00] =	vst v63  }
0x1b: {  	_ =	swait.ge [sflag:s12], $0x100  }
0x1c: {  	[sflag:s12] =	ssyncset.done $0x0  }
0x1d: {  	[sflag:s12] =	ssyncadd.s32 $0xFFFFFF00  }
0x1e: {  	[tilespmem:s16], [sflag:$0x1] =	stream.linear.gather [hbm4b:s7+s1], $0x100, $0x38;
	[tilespmem:$0x7D00] =	vst v63  }
0x1f: {  	_ =	swait.ge [sflag:s12], $0x100  }
0x20: {  	[sflag:s12] =	ssyncset.done $0x0  }
0x21: {  	s23 =	simm.s32 $0x0;
	[sflag:s12] =	ssyncadd.s32 $0xFFFFFF00  }
0x22: {  	v1 =	vld [tilespmem:s23+$0x7900]  }
0x23: {  	v5 =	vld [tilespmem:s23+$0x7800];
	_ =	sdelay $0x4  }
0x24: {  	s22 =	simm.s32 $0x10  }
0x25: {  	v0 =	vld [tilespmem:s22+$0x7900]  }
0x26: {  	v2 =	vld.idx.msk [tilespmem:v1+s13+$0x0], $0xffff  }
0x27: {  	v3 =	vld.idx.msk [tilespmem:v5+s1+$0x0], $0xffff  }
0x28: {  	v4 =	vld.idx.msk [tilespmem:v1+s14+$0x0], $0xffff  }
0x29: {  	s24 =	simm.s32 $0x80;
	v1 =	vld.idx.msk [tilespmem:v5+s14+$0x0], $0xffff  }
.LBB2_2:
0x2a: {  	p0 =	sne.s32 s24, $0x3C0;
	v5 =	vld [tilespmem:s22+$0x7800];
	v6 =	vmov v0;
	s25 =	smov.u32 s24;
	s24 =	sadd.s32 $0x40, s24  }
0x2b: {  	_ =	sdelay $0x1  }
0x2c: {  	v0 =	vadd.f32 v2, v3  }
0x2d: {  	[tilespmem:s23+$0x7C00] =	vst v4  }
0x2e: {  	s25 =	sshra.s32 s25, $0x2;
	[tilespmem:s23+$0x7A00] =	vst v0  }
.Ltmp0:
0x2f: {  	v0 =	vld [tilespmem:s25+$0x7900];
	[tilespmem:s23+$0x7B00] =	vst v1;
	s23 =	smov.u32 s22;
	s22 =	smov.u32 s25;
	(pc) =	sbr.rel @p0 .LBB2_2-.Ltmp0, $4  }
0x30: {  	v2 =	vld.idx.msk [tilespmem:v6+s13+$0x0], $0xffff  }
0x31: {  	v3 =	vld.idx.msk [tilespmem:v5+s1+$0x0], $0xffff  }
0x32: {  	v4 =	vld.idx.msk [tilespmem:v6+s14+$0x0], $0xffff  }
0x33: {  	v1 =	vld.idx.msk [tilespmem:v5+s14+$0x0], $0xffff  }
0x34: {  	v5 =	vld [tilespmem:s22+$0x7800];
	_ =	sdelay $0x1  }
0x35: {  	v2 =	vadd.f32 v2, v3  }
0x36: {  	[tilespmem:s23+$0x7C00] =	vst v4  }
0x37: {  	[tilespmem:s23+$0x7A00] =	vst v2  }
0x38: {  	[tilespmem:s23+$0x7B00] =	vst v1  }
0x39: {  	v1 =	vld.idx.msk [tilespmem:v0+s13+$0x0], $0xffff  }
0x3a: {  	v62 =	vld.idx.msk [tilespmem:v0+s14+$0x0], $0xffff  }
0x3b: {  	v2 =	vld.idx.msk [tilespmem:v5+s1+$0x0], $0xffff  }
0x3c: {  	v63 =	vld.idx.msk [tilespmem:v5+s14+$0x0], $0xffff;
	_ =	sdelay $0x3  }
0x3d: {  	[tilespmem:s22+$0x7C00] =	vst v62;
	v1 =	vadd.f32 v1, v2  }
0x3e: {  	[tilespmem:s22+$0x7B00] =	vst v63  }
0x3f: {  	[tilespmem:s22+$0x7A00] =	vst v1  }
0x40: {  	[hbm4b:s8+s1] =	stream.linear.scatter [tilespmem:s17], [sflag:$0x2], $0x100, $0x38;
	[tilespmem:$0x7D00] =	vst v63  }
0x41: {  	_ =	swait.ge [sflag:s18], $0x100  }
0x42: {  	[sflag:s18] =	ssyncset.done $0x0  }
0x43: {  	[sflag:s18] =	ssyncadd.s32 $0xFFFFFF00  }
0x44: {  	[hbm4b:s9+s1] =	stream.linear.scatter [tilespmem:s19], [sflag:$0x2], $0x100, $0x38;
	[tilespmem:$0x7D00] =	vst v63  }
0x45: {  	s21 =	sadd.s32 $0x1, s21;
	_ =	swait.ge [sflag:s18], $0x100  }
0x46: {  	p0 =	sne.s32 s21, s11;
	[sflag:s18] =	ssyncset.done $0x0  }
.Ltmp1:
0x47: {  	[sflag:s18] =	ssyncadd.s32 $0xFFFFFF00;
	(pc) =	sbr.rel @p0 .LBB2_1-.Ltmp1, $4  }
0x48: {  	[hbm4b:s10+s1] =	stream.linear.scatter [tilespmem:s20], [sflag:$0x2], $0x100, $0x38;
	[tilespmem:$0x7D00] =	vst v63  }
0x49: {  	_ =	swait.ge [sflag:s18], $0x100  }
0x4a: {  	[sflag:s18] =	ssyncset.done $0x0  }
0x4b: {  	[sflag:s18] =	ssyncadd.s32 $0xFFFFFF00  }
0x4c: {  	_ =	sfence.sel $0x180000  }
0x4d: {  	[bflag:$0x0] =	sbarrier.arrive $0xFFFF  }
0x4e: {  	p0 =	sne.s32 s2, $0x0;
	_ =	strace $0x90000050  }
0x4f: {  	s0 =	sadd.s32 @!p0 $0x100000, s0;
	[bflag:$0x2] =	sbarrier.arrive $0xFFFF  }
0x50: {  	[sflag:s0] =	ssyncadd.tile.s32 @!p0 $0x1;
	_ =	shalt  }
.Lfunc_end2:
_tile_overlayer_lowered:
.L_overlay_start_2:
0x51: {  	(tag) =	ssettag $0x2  }
0x52: {  	s0 =	rddreg [dreg:$0x0];
	s2 =	stileid.u32  }
0x53: {  	s1 =	rddreg [dreg:$0x1];
	p0 =	sne.s32 s2, $0x0  }
0x54: {  	s3 =	rddreg [dreg:$0x2];
	[bflag:$0x3] =	sbarrier.arrive $0xFFFF;
	s2 =	simm.s32 @!p0 $0x1C02  }
0x55: {  	[timem:s3], [sflag:s2] =	dma.local @!p0 [hbm:s0], s1  }
0x56: {  	s0 =	simm.s32 @!p0 $0x2  }
0x57: {  	_ =	swait.ge @!p0 [sflag:s0], s1  }
0x58: {  	s1 =	ssub.s32 @!p0 $0x0, s1;
	[sflag:s0] =	ssyncset.done @!p0 $0x0  }
0x59: {  	[sflag:s0] =	ssyncadd.s32 @!p0 s1  }
0x5a: {  	[bflag:$0x3] =	sbarrier.arrive $0xFFFF  }
0x5b: {  	_ =	shalt  }

</sc_bundles>
